<compile_context>
chip_gen: v7x
topology: tpu7x:2x2x1
jax: 0.10.2.dev20260603
libtpu: 0.0.44.dev20260713+nightly
codegen_flags: <defaults>
</compile_context>

<pallas_src>
import functools

import jax
import jax.numpy as jnp
from jax import lax
from jax.experimental import pallas as pl
from jax.experimental.pallas import tpu as pltpu
from jax.experimental.pallas import tpu_sc as plsc

F32 = jnp.float32
N = 50000
E = 800000
BATCH = 4096
NCOL = 4
H = 16
EDIM = NCOL * H
NCLASS = 2
E_MP = E - BATCH
BE = 4096
BN = 2000
CH = 128
EP = 798720
NCHW = 195
RING = 5
NIT = NCHW // RING
NROW_S = N // 16
ZROW = 625
NZIT = NROW_S // ZROW
W_IDX = NCHW * CH
assert EP == 32 * W_IDX and NIT * RING == NCHW

_vmesh = plsc.VectorSubcoreMesh(core_axis_name="c", subcore_axis_name="s")
_sc_params = pltpu.CompilerParams(use_tc_tiling_on_sc=False)



def _dma_wait(dummy_src, dst, sem):
    pltpu.make_async_copy(dummy_src, dst, sem).wait()


def _sc_gather(table, idx_flats):
    ns = len(idx_flats)
    outs = [jax.ShapeDtypeStruct((EP, H), F32) for _ in range(ns)]
    scratch = []
    for _ in range(ns):
        scratch.append(pltpu.VMEM((W_IDX,), jnp.int32))
        scratch.append(pltpu.VMEM((RING, CH, H), F32))
        scratch.append(pltpu.SemaphoreType.DMA((RING,)))
        scratch.append(pltpu.SemaphoreType.DMA((RING,)))

    @functools.partial(
        pl.kernel, mesh=_vmesh, compiler_params=_sc_params,
        out_type=outs if ns > 1 else outs[0],
        scratch_types=scratch)
    def k(tab_hbm, *refs):
        idx_hbm = refs[:ns]
        out_hbm = refs[ns:2 * ns]
        rest = refs[2 * ns:]
        idxv = [rest[4 * i] for i in range(ns)]
        bufs = [rest[4 * i + 1] for i in range(ns)]
        gsem = [rest[4 * i + 2] for i in range(ns)]
        ssem = [rest[4 * i + 3] for i in range(ns)]
        w = lax.axis_index("c") * 16 + lax.axis_index("s")
        c0 = w * NCHW

        for t in range(ns):
            pltpu.sync_copy(idx_hbm[t].at[0, pl.ds(w * W_IDX, W_IDX)],
                            idxv[t])
        dummy = tab_hbm.at[pl.ds(0, CH)]
        for t in range(ns):
            for kk in range(RING):
                pltpu.async_copy(
                    tab_hbm.at[idxv[t].at[pl.ds(kk * CH, CH)]],
                    bufs[t].at[kk], gsem[t].at[kk])

        @pl.loop(0, NIT)
        def _(i):
            j0 = i * RING
            for kk in range(RING):
                row = (c0 + j0 + kk) * CH
                for t in range(ns):
                    pltpu.make_async_copy(
                        tab_hbm.at[idxv[t].at[pl.ds(kk * CH, CH)]],
                        bufs[t].at[kk], gsem[t].at[kk]).wait()
                    pltpu.async_copy(bufs[t].at[kk],
                                     out_hbm[t].at[pl.ds(row, CH)],
                                     ssem[t].at[kk])
            for kk in range(RING):
                for t in range(ns):
                    _dma_wait(dummy, bufs[t].at[kk], ssem[t].at[kk])

                    @pl.when(i < NIT - 1)
                    def _():
                        off = (j0 + RING + kk) * CH
                        pltpu.async_copy(
                            tab_hbm.at[idxv[t].at[pl.ds(off, CH)]],
                            bufs[t].at[kk], gsem[t].at[kk])
    res = k(table, *idx_flats)
    return res if ns > 1 else [res]


def _sc_scatter_add(msg, dst2d):
    @functools.partial(
        pl.kernel, mesh=_vmesh, compiler_params=_sc_params,
        out_type=jax.ShapeDtypeStruct((2 * N, H), F32),
        scratch_types=[pltpu.VMEM((ZROW, H), F32),
                       pltpu.VMEM((NCHW, CH), jnp.int32),
                       pltpu.VMEM((RING, CH, H), F32),
                       pltpu.SemaphoreType.DMA((RING,)),
                       pltpu.SemaphoreType.DMA((RING,)),
                       pltpu.VMEM_SHARED((N, H), F32)])
    def k(msg_hbm, dst_hbm, p_hbm, zb, dstv, bufs, msem, scsem, shared):
        c = lax.axis_index("c")
        s = lax.axis_index("s")
        c0 = (c * 16 + s) * NCHW
        r0 = s * NROW_S

        @pl.loop(0, ZROW)
        def _(r):
            zb[r, :] = jnp.zeros((H,), F32)

        pltpu.sync_copy(dst_hbm.at[pl.ds(c0, NCHW)], dstv)

        @pl.loop(0, NZIT)
        def _(z):
            pltpu.sync_copy(zb, shared.at[pl.ds(r0 + z * ZROW, ZROW)])
        plsc.subcore_barrier()

        dummy = msg_hbm.at[pl.ds(0, CH)]
        for kk in range(RING):
            pltpu.async_copy(msg_hbm.at[pl.ds((c0 + kk) * CH, CH)],
                             bufs.at[kk], msem.at[kk])

        @pl.loop(0, NIT)
        def _(i):
            j0 = i * RING
            for kk in range(RING):
                _dma_wait(dummy, bufs.at[kk], msem.at[kk])
                pltpu.async_copy(bufs.at[kk],
                                 shared.at[dstv.at[j0 + kk]],
                                 scsem.at[kk], add=True)
            for kk in range(RING):
                pltpu.make_async_copy(bufs.at[kk],
                                      shared.at[dstv.at[j0 + kk]],
                                      scsem.at[kk]).wait()

                @pl.when(i < NIT - 1)
                def _():
                    row = (c0 + j0 + RING + kk) * CH
                    pltpu.async_copy(msg_hbm.at[pl.ds(row, CH)],
                                     bufs.at[kk], msem.at[kk])

        plsc.subcore_barrier()
        pltpu.sync_copy(shared.at[pl.ds(r0, NROW_S)],
                        p_hbm.at[pl.ds(c * N + r0, NROW_S)])
    return k(msg, dst2d)



def _full(shape):
    return pl.BlockSpec(shape, lambda *_: tuple(0 for _ in shape))


def _rows(bshape, off=0):
    return pl.BlockSpec(bshape, lambda i: (i + off,) + (0,) * (len(bshape) - 1))


def _node_prep_body(x_ref, wn_ref, bn_ref, wm0_ref, h0_ref, hm0_ref):
    h0 = jnp.maximum(x_ref[...] * wn_ref[...] + bn_ref[...], 0.0)
    h0_ref[...] = h0
    hm0_ref[...] = jnp.dot(h0, wm0_ref[...], preferred_element_type=F32)


def _attr_fma(ea, m):
    return jnp.dot(ea, m, preferred_element_type=F32)


def _pad_mask(m):
    row = (pl.program_id(0) * BE
           + jax.lax.broadcasted_iota(jnp.int32, m.shape, 0))
    return jnp.where(row < E_MP, m, 0.0)


def _msg0_body(g_ref, ea_ref, m0_ref, c0_ref, msg_ref):
    msg_ref[...] = _pad_mask(jnp.maximum(
        g_ref[...] + _attr_fma(ea_ref[...], m0_ref[...]) + c0_ref[...], 0.0))


def _hupd_body(h_ref, pa_ref, pb_ref, wu_ref, bu_ref, o_ref):
    agg = pa_ref[...] + pb_ref[...]
    o_ref[...] = jnp.maximum(
        h_ref[...]
        + jnp.dot(agg, wu_ref[...], preferred_element_type=F32)
        + bu_ref[...], 0.0)


def _msg1_body(hs_ref, hd_ref, ea_ref, wnx_ref, m2_ref, cT_ref, wm1_ref,
               m1_ref, we1_ref, cM_ref, msg_ref):
    hs = hs_ref[...]
    ea = ea_ref[...]
    t = (jnp.dot(hs + hd_ref[...], wnx_ref[...], preferred_element_type=F32)
         + _attr_fma(ea, m2_ref[...]) + cT_ref[...])
    t = jnp.maximum(t, 0.0)
    m = (jnp.dot(hs, wm1_ref[...], preferred_element_type=F32)
         + _attr_fma(ea, m1_ref[...])
         + jnp.dot(t, we1_ref[...], preferred_element_type=F32)
         + cM_ref[...])
    msg_ref[...] = _pad_mask(jnp.maximum(m, 0.0))


def _tail_body(h1s_ref, h1d_ref, h2s_ref, h2d_ref, ea_ref, wenc_ref, benc_ref,
               wnx0_ref, wee0_ref, be0_ref, wnx1_ref, wee1_ref, be1_ref,
               wc1a_ref, wc1b_ref, wc1c_ref, bc1_ref, wc2_ref, bc2_ref,
               out_ref):
    ea = ea_ref[...]
    wenc = wenc_ref[...]
    benc = benc_ref[...]
    e0 = jnp.concatenate(
        [ea[:, c:c + 1] * wenc[c:c + 1, :] + benc[c:c + 1, :]
         for c in range(NCOL)], axis=1)
    u1 = jnp.maximum(
        jnp.dot(h1s_ref[...] + h1d_ref[...], wnx0_ref[...],
                preferred_element_type=F32)
        + jnp.dot(e0, wee0_ref[...], preferred_element_type=F32)
        + be0_ref[...], 0.0)
    e1 = e0 + u1
    h2s = h2s_ref[...]
    h2d = h2d_ref[...]
    u2 = jnp.maximum(
        jnp.dot(h2s + h2d, wnx1_ref[...], preferred_element_type=F32)
        + jnp.dot(e1, wee1_ref[...], preferred_element_type=F32)
        + be1_ref[...], 0.0)
    e2 = e1 + u2
    z = (jnp.dot(h2s, wc1a_ref[...], preferred_element_type=F32)
         + jnp.dot(h2d, wc1b_ref[...], preferred_element_type=F32)
         + jnp.dot(e2, wc1c_ref[...], preferred_element_type=F32)
         + bc1_ref[...])
    z = jnp.maximum(z, 0.0)
    out_ref[...] = (jnp.dot(z, wc2_ref[...], preferred_element_type=F32)
                    + bc2_ref[...])


def _h_update(h, p, Wu, bu):
    pmap1 = pl.BlockSpec((BN, H), lambda i: (i + N // BN, 0))
    return pl.pallas_call(
        _hupd_body,
        grid=(N // BN,),
        in_specs=[_rows((BN, H)), _rows((BN, H)), pmap1, _full((H, H)),
                  _full((1, H))],
        out_specs=_rows((BN, H)),
        out_shape=jax.ShapeDtypeStruct((N, H), F32),
    )(h, p, p, Wu, bu)


def kernel(x, edge_index, edge_attr, W_enc, b_enc, W_node, b_node,
           W_msg_0, W_edge_0, b_msg_0, W_upd_0, b_upd_0, W_enx_0, W_ee_0, b_e_0,
           W_msg_1, W_edge_1, b_msg_1, W_upd_1, b_upd_1, W_enx_1, W_ee_1, b_e_1,
           W_c1, b_c1, W_c2, b_c2):
    we0r = W_edge_0.reshape(NCOL, H, H)
    we1r = W_edge_1.reshape(NCOL, H, H)
    wee0r = W_ee_0.reshape(NCOL, H, EDIM)
    M0 = jnp.einsum('ch,chk->ck', W_enc, we0r)
    c0 = jnp.einsum('ch,chk->k', b_enc, we0r)
    M1 = jnp.einsum('ch,chk->ck', W_enc, we1r)
    c1 = jnp.einsum('ch,chk->k', b_enc, we1r)
    M2 = jnp.einsum('ch,chk->ck', W_enc, wee0r)
    c2 = jnp.einsum('ch,chk->k', b_enc, wee0r)
    cA = (c0 + b_msg_0).reshape(1, H)
    cT = (c2 + b_e_0).reshape(1, EDIM)
    cM = (c1 + b_msg_1).reshape(1, H)
    bn2 = b_node.reshape(1, H)
    bu0 = b_upd_0.reshape(1, H)
    bu1 = b_upd_1.reshape(1, H)
    be0 = b_e_0.reshape(1, EDIM)
    be1 = b_e_1.reshape(1, EDIM)
    bc1 = b_c1.reshape(1, H)
    bc2 = b_c2.reshape(1, NCLASS)
    Wc1a = W_c1[0:H, :]
    Wc1b = W_c1[H:2 * H, :]
    Wc1c = W_c1[2 * H:, :]

    tsrc = edge_index[0, :BATCH]
    tdst = edge_index[1, :BATCH]
    pad = EP - E_MP
    src_pad = jnp.concatenate(
        [edge_index[0, BATCH:], jnp.zeros((pad,), jnp.int32)]).reshape(1, EP)
    dst_pad = jnp.concatenate(
        [edge_index[1, BATCH:], jnp.zeros((pad,), jnp.int32)]).reshape(1, EP)
    dst2d = dst_pad.reshape(EP // CH, CH)
    ea_tgt = edge_attr[:BATCH]

    h0, hm0 = pl.pallas_call(
        _node_prep_body,
        grid=(N // BN,),
        in_specs=[_rows((BN, 1)), _full((1, H)), _full((1, H)),
                  _full((H, H))],
        out_specs=[_rows((BN, H)), _rows((BN, H))],
        out_shape=[jax.ShapeDtypeStruct((N, H), F32),
                   jax.ShapeDtypeStruct((N, H), F32)],
    )(x, W_node, bn2, W_msg_0)

    g0, = _sc_gather(hm0, [src_pad])
    nblk = EP // BE
    msg0 = pl.pallas_call(
        _msg0_body,
        grid=(nblk,),
        in_specs=[_rows((BE, H)), _rows((BE, NCOL), off=1), _full((NCOL, H)),
                  _full((1, H))],
        out_specs=_rows((BE, H)),
        out_shape=jax.ShapeDtypeStruct((EP, H), F32),
    )(g0, edge_attr, M0, cA)
    p0 = _sc_scatter_add(msg0, dst2d)

    h1 = _h_update(h0, p0, W_upd_0, bu0)

    hs1, hd1 = _sc_gather(h1, [src_pad, dst_pad])
    msg1 = pl.pallas_call(
        _msg1_body,
        grid=(nblk,),
        in_specs=[_rows((BE, H)), _rows((BE, H)), _rows((BE, NCOL), off=1),
                  _full((H, EDIM)), _full((NCOL, EDIM)), _full((1, EDIM)),
                  _full((H, H)), _full((NCOL, H)), _full((EDIM, H)),
                  _full((1, H))],
        out_specs=_rows((BE, H)),
        out_shape=jax.ShapeDtypeStruct((EP, H), F32),
    )(hs1, hd1, edge_attr, W_enx_0, M2, cT, W_msg_1, M1, W_edge_1, cM)
    p1 = _sc_scatter_add(msg1, dst2d)

    h2 = _h_update(h1, p1, W_upd_1, bu1)

    h1s = jnp.take(h1, tsrc, axis=0)
    h1d = jnp.take(h1, tdst, axis=0)
    h2s = jnp.take(h2, tsrc, axis=0)
    h2d = jnp.take(h2, tdst, axis=0)
    out = pl.pallas_call(
        _tail_body,
        grid=(1,),
        in_specs=[_full((BATCH, H)), _full((BATCH, H)), _full((BATCH, H)),
                  _full((BATCH, H)), _full((BATCH, NCOL)), _full((NCOL, H)),
                  _full((NCOL, H)), _full((H, EDIM)), _full((EDIM, EDIM)),
                  _full((1, EDIM)), _full((H, EDIM)), _full((EDIM, EDIM)),
                  _full((1, EDIM)), _full((H, H)), _full((H, H)),
                  _full((EDIM, H)), _full((1, H)), _full((H, NCLASS)),
                  _full((1, NCLASS))],
        out_specs=_full((BATCH, NCLASS)),
        out_shape=jax.ShapeDtypeStruct((BATCH, NCLASS), F32),
    )(h1s, h1d, h2s, h2d, ea_tgt, W_enc, b_enc, W_enx_0, W_ee_0, be0,
      W_enx_1, W_ee_1, be1, Wc1a, Wc1b, Wc1c, bc1, W_c2, bc2)
    return out

# --- scband reference (transcript-rebuilt; emitter-appended) ---
"""Pipeline reference for scband-tabgnns-23983097381170 (READ-ONLY COPY).

The authoritative reference and input builder live on the scoring server;
editing this copy changes nothing except your own understanding.
"""

import jax, jax.numpy as jnp
import numpy as np

N = 50000
E = 800000
BATCH = 4096
NCOL = 4
H = 16
EDIM = NCOL * H
NCLASS = 2


def _p(k, shape):
    return jax.random.normal(k, shape, dtype=jnp.float32) * 0.1


def setup_inputs(seed: int = 0):
    key = jax.random.key(seed)
    ks = jax.random.split(key, 32)
    inp = {}
    inp['x'] = jax.random.normal(ks[0], (N, 1), dtype=jnp.float32)
    inp['edge_index'] = jax.random.randint(ks[1], (2, E), 0, N, dtype=jnp.int32)
    inp['edge_attr'] = jax.random.normal(ks[2], (E, NCOL), dtype=jnp.float32)
    inp['W_enc'] = _p(ks[3], (NCOL, H))
    inp['b_enc'] = jnp.zeros((NCOL, H), dtype=jnp.float32)
    inp['W_node'] = _p(ks[4], (1, H))
    inp['b_node'] = jnp.zeros((H,), dtype=jnp.float32)
    i = 5
    for l in range(2):
        inp['W_msg_%d' % l] = _p(ks[i], (H, H)); i += 1
        inp['W_edge_%d' % l] = _p(ks[i], (EDIM, H)); i += 1
        inp['b_msg_%d' % l] = jnp.zeros((H,), dtype=jnp.float32)
        inp['W_upd_%d' % l] = _p(ks[i], (H, H)); i += 1
        inp['b_upd_%d' % l] = jnp.zeros((H,), dtype=jnp.float32)
        inp['W_enx_%d' % l] = _p(ks[i], (H, EDIM)); i += 1
        inp['W_ee_%d' % l] = _p(ks[i], (EDIM, EDIM)); i += 1
        inp['b_e_%d' % l] = jnp.zeros((EDIM,), dtype=jnp.float32)
    inp['W_c1'] = _p(ks[i], (2 * H + EDIM, H)); i += 1
    inp['b_c1'] = jnp.zeros((H,), dtype=jnp.float32)
    inp['W_c2'] = _p(ks[i], (H, NCLASS)); i += 1
    inp['b_c2'] = jnp.zeros((NCLASS,), dtype=jnp.float32)
    return inp


def reference(x, edge_index, edge_attr, W_enc, b_enc, W_node, b_node,
              W_msg_0, W_edge_0, b_msg_0, W_upd_0, b_upd_0, W_enx_0, W_ee_0, b_e_0,
              W_msg_1, W_edge_1, b_msg_1, W_upd_1, b_upd_1, W_enx_1, W_ee_1, b_e_1,
              W_c1, b_c1, W_c2, b_c2):
    # StypeWiseFeatureEncoder: per-column linear embedding -> [E, NCOL, H] -> flatten to [E, NCOL*H]
    e_all = (edge_attr[:, :, None] * W_enc[None, :, :] + b_enc[None, :, :]).reshape(E, EDIM)
    # split target edges (first batch_size) from message-passing edges
    e_tgt = e_all[:BATCH]
    e_mp = e_all[BATCH:]
    ei_tgt = edge_index[:, :BATCH]
    ei_mp = edge_index[:, BATCH:]
    src, dst = ei_mp[0], ei_mp[1]
    tsrc, tdst = ei_tgt[0], ei_tgt[1]
    # node embedding
    h = jax.nn.relu(x @ W_node + b_node)
    layers = [
        (W_msg_0, W_edge_0, b_msg_0, W_upd_0, b_upd_0, W_enx_0, W_ee_0, b_e_0),
        (W_msg_1, W_edge_1, b_msg_1, W_upd_1, b_upd_1, W_enx_1, W_ee_1, b_e_1),
    ]
    for (Wm, We, bm, Wu, bu, Wnx, Wee, be) in layers:
        # gather src node states + edge features, message MLP
        msg = jax.nn.relu(h[src] @ Wm + e_mp @ We + bm)
        # scatter-add aggregation to dst nodes
        agg = jax.ops.segment_sum(msg, dst, num_segments=N)
        # residual node update
        h = jax.nn.relu(h + agg @ Wu + bu)
        # residual edge updates (both mp edges and target edges, shared weights)
        e_mp = e_mp + jax.nn.relu((h[src] + h[dst]) @ Wnx + e_mp @ Wee + be)
        e_tgt = e_tgt + jax.nn.relu((h[tsrc] + h[tdst]) @ Wnx + e_tgt @ Wee + be)
    # ClassifierHead on target edges
    z = jnp.concatenate([h[tsrc], h[tdst], e_tgt], axis=1)
    z = jax.nn.relu(z @ W_c1 + b_c1)
    out = z @ W_c2 + b_c2
    return out

if __name__ == "__main__":
    import jax
    _d = setup_inputs()
    print(jax.jit(kernel)(*tuple(_d.values())))

</pallas_src>

<mosaic_0001>
#map = affine_map<(d0, d1) -> (0, 0)>
module attributes {stable_mosaic.version = 14 : i64} {
  func.func @k(%arg0: i32, %arg1: i32, %arg2: memref<798720x16xf32, #tpu.memory_space<hbm>>, %arg3: memref<6240x128xi32, #tpu.memory_space<hbm>>, %arg4: memref<100000x16xf32, #tpu.memory_space<hbm>>, %arg5: memref<625x16xf32, #tpu.memory_space<vmem>>, %arg6: memref<195x128xi32, #tpu.memory_space<vmem>>, %arg7: memref<5x128x16xf32, #tpu.memory_space<vmem>>, %arg8: memref<5x!tpu.dma_semaphore, #tpu.memory_space<semaphore_mem>>, %arg9: memref<5x!tpu.dma_semaphore, #tpu.memory_space<semaphore_mem>>, %arg10: memref<50000x16xf32, #tpu.memory_space<vmem_shared>>) attributes {dimension_semantics = [#tpu.dimension_semantics<core_parallel>, #tpu.dimension_semantics<subcore_parallel>], iteration_bounds = array<i64: 2, 16>, scalar_prefetch = 0 : i64, scratch_operands = 6 : i64, tpu.core_type = #tpu.core_type<sc_vector_subcore>, window_params = [{transform_indices = #map}, {transform_indices = #map}, {transform_indices = #map}]} {
    %mul3A = arith.constant 16 : i32
    %mul3A_0 = arith.muli %arg0, %mul3A : i32
    %add3A = arith.addi %mul3A_0, %arg1 : i32
    %mul3A_1 = arith.constant 195 : i32
    %mul3A_2 = arith.muli %add3A, %mul3A_1 : i32
    %mul3A_3 = arith.constant 3125 : i32
    %mul3A_4 = arith.muli %arg1, %mul3A_3 : i32
    %scan3A = arith.constant 0 : i32
    %scan3A_5 = arith.constant 625 : i32
    %scan3A_6 = arith.addi %scan3A, %scan3A_5 : i32
    %scan3A_7 = arith.constant 1 : i32
    scf.for %scan3A_122 = %scan3A to %scan3A_6 step %scan3A_7  : i32 {
      %mul3A_123 = arith.constant 1 : i32
      %mul3A_124 = arith.muli %scan3A_122, %mul3A_123 : i32
      %add3A_125 = arith.constant 0 : i32
      %add3A_126 = arith.addi %add3A_125, %mul3A_124 : i32
      %broadcast_in_dim3A = arith.constant 0.000000e+00 : f32
      %broadcast_in_dim3A_127 = vector.broadcast %broadcast_in_dim3A : f32 to vector<16xf32>
      %swap3A = arith.index_cast %add3A_126 : i32 to index
      %swap3A_128 = arith.constant 0 : index
      %swap3A_129 = tpu.vector_load %arg5[%swap3A, %swap3A_128] {strides = array<i32>} : memref<625x16xf32, #tpu.memory_space<vmem>>, vector<1x16xf32>,
      %swap3A_130 = vector.shape_cast %swap3A_129 : vector<1x16xf32> to vector<16xf32>
      %swap3A_131 = vector.shape_cast %broadcast_in_dim3A_127 : vector<16xf32> to vector<1x16xf32>
      tpu.vector_store %arg5[%swap3A, %swap3A_128], %swap3A_131 {strides = array<i32>} : memref<625x16xf32, #tpu.memory_space<vmem>>, vector<1x16xf32>,
    }
    %scan3A_8 = arith.constant 625 : i32
    "tpu.region"() ({
      %run_scoped3A = tpu.sem_alloc : memref<!tpu.dma_semaphore, #tpu.memory_space<semaphore_mem>>
      %dma_start3A_122 = arith.constant 0 : i32
      %dma_start3A_123 = tpu.memref_slice %arg3[%mul3A_2, %dma_start3A_122] : memref<6240x128xi32, #tpu.memory_space<hbm>> -> memref<195x128xi32, #tpu.memory_space<hbm>>
      %dma_start3A_124 = arith.constant 0 : i32
      %dma_start3A_125 = tpu.memref_slice %arg3[%mul3A_2, %dma_start3A_124] : memref<6240x128xi32, #tpu.memory_space<hbm>> -> memref<195x128xi32, #tpu.memory_space<hbm>>
      tpu.enqueue_dma source(%dma_start3A_125 : memref<195x128xi32, #tpu.memory_space<hbm>>) target(%arg6 : memref<195x128xi32, #tpu.memory_space<vmem>>) target_semaphore(%run_scoped3A : memref<!tpu.dma_semaphore, #tpu.memory_space<semaphore_mem>>)
      %dma_wait3A = arith.constant 0 : i32
      %dma_wait3A_126 = tpu.memref_slice %arg3[%mul3A_2, %dma_wait3A] : memref<6240x128xi32, #tpu.memory_space<hbm>> -> memref<195x128xi32, #tpu.memory_space<hbm>>
      %dma_wait3A_127 = arith.constant 0 : i32
      %dma_wait3A_128 = tpu.memref_slice %arg3[%mul3A_2, %dma_wait3A_127] : memref<6240x128xi32, #tpu.memory_space<hbm>> -> memref<195x128xi32, #tpu.memory_space<hbm>>
      tpu.wait_dma2 semaphore(%run_scoped3A : memref<!tpu.dma_semaphore, #tpu.memory_space<semaphore_mem>>) src(%dma_wait3A_128 : memref<195x128xi32, #tpu.memory_space<hbm>>) dst(%arg6 : memref<195x128xi32, #tpu.memory_space<vmem>>)
      tpu.yield
    }) : () -> ()
    %scan3A_9 = arith.constant 0 : i32
    %scan3A_10 = arith.constant 5 : i32
    %scan3A_11 = arith.addi %scan3A_9, %scan3A_10 : i32
    %scan3A_12 = arith.constant 1 : i32
    scf.for %scan3A_122 = %scan3A_9 to %scan3A_11 step %scan3A_12  : i32 {
      %mul3A_123 = arith.constant 1 : i32
      %mul3A_124 = arith.muli %scan3A_122, %mul3A_123 : i32
      %add3A_125 = arith.constant 0 : i32
      %add3A_126 = arith.addi %add3A_125, %mul3A_124 : i32
      %mul3A_127 = arith.constant 625 : i32
      %mul3A_128 = arith.muli %add3A_126, %mul3A_127 : i32
      %add3A_129 = arith.addi %mul3A_4, %mul3A_128 : i32
      "tpu.region"() ({
        %run_scoped3A = tpu.sem_alloc : memref<!tpu.dma_semaphore, #tpu.memory_space<semaphore_mem>>
        %dma_start3A_130 = arith.constant 0 : i32
        %dma_start3A_131 = tpu.memref_slice %arg10[%add3A_129, %dma_start3A_130] : memref<50000x16xf32, #tpu.memory_space<vmem_shared>> -> memref<625x16xf32, #tpu.memory_space<vmem_shared>>
        %dma_start3A_132 = arith.constant 0 : i32
        %dma_start3A_133 = tpu.memref_slice %arg10[%add3A_129, %dma_start3A_132] : memref<50000x16xf32, #tpu.memory_space<vmem_shared>> -> memref<625x16xf32, #tpu.memory_space<vmem_shared>>
        tpu.enqueue_dma source(%arg5 : memref<625x16xf32, #tpu.memory_space<vmem>>) target(%dma_start3A_133 : memref<625x16xf32, #tpu.memory_space<vmem_shared>>) target_semaphore(%run_scoped3A : memref<!tpu.dma_semaphore, #tpu.memory_space<semaphore_mem>>)
        %dma_wait3A = arith.constant 0 : i32
        %dma_wait3A_134 = tpu.memref_slice %arg10[%add3A_129, %dma_wait3A] : memref<50000x16xf32, #tpu.memory_space<vmem_shared>> -> memref<625x16xf32, #tpu.memory_space<vmem_shared>>
        %dma_wait3A_135 = arith.constant 0 : i32
        %dma_wait3A_136 = tpu.memref_slice %arg10[%add3A_129, %dma_wait3A_135] : memref<50000x16xf32, #tpu.memory_space<vmem_shared>> -> memref<625x16xf32, #tpu.memory_space<vmem_shared>>
        tpu.wait_dma2 semaphore(%run_scoped3A : memref<!tpu.dma_semaphore, #tpu.memory_space<semaphore_mem>>) src(%arg5 : memref<625x16xf32, #tpu.memory_space<vmem>>) dst(%dma_wait3A_136 : memref<625x16xf32, #tpu.memory_space<vmem_shared>>)
        tpu.yield
      }) : () -> ()
    }
    %scan3A_13 = arith.constant 5 : i32
    %barrier3A = arith.constant 0 : index
    tpu.barrier barrier_id(%barrier3A)
    %add3A_14 = arith.constant 0 : i32
    %add3A_15 = arith.addi %mul3A_2, %add3A_14 : i32
    %mul3A_16 = arith.constant 128 : i32
    %mul3A_17 = arith.muli %add3A_15, %mul3A_16 : i32
    %dma_start3A = arith.constant 0 : i32
    %dma_start3A_18 = arith.constant 0 : i32
    %dma_start3A_19 = arith.constant 0 : i32
    %dma_start3A_20 = arith.constant 0 : i32
    %dma_start3A_21 = tpu.memref_slice %arg7[%dma_start3A, %dma_start3A_19, %dma_start3A_20] : memref<5x128x16xf32, #tpu.memory_space<vmem>> -> memref<1x128x16xf32, #tpu.memory_space<vmem>>
    %dma_start3A_22 = tpu.memref_squeeze %dma_start3A_21 : memref<1x128x16xf32, #tpu.memory_space<vmem>> -> memref<128x16xf32, #tpu.memory_space<vmem>>
    %dma_start3A_23 = arith.constant 0 : i32
    %dma_start3A_24 = tpu.memref_slice %arg2[%mul3A_17, %dma_start3A_23] : memref<798720x16xf32, #tpu.memory_space<hbm>> -> memref<128x16xf32, #tpu.memory_space<hbm>>
    %dma_start3A_25 = tpu.memref_slice %arg8[%dma_start3A_18] : memref<5x!tpu.dma_semaphore, #tpu.memory_space<semaphore_mem>> -> memref<1x!tpu.dma_semaphore, #tpu.memory_space<semaphore_mem>>
    %dma_start3A_26 = tpu.memref_squeeze %dma_start3A_25 : memref<1x!tpu.dma_semaphore, #tpu.memory_space<semaphore_mem>> -> memref<!tpu.dma_semaphore, #tpu.memory_space<semaphore_mem>>
    %dma_start3A_27 = arith.constant 0 : i32
    %dma_start3A_28 = arith.constant 0 : i32
    %dma_start3A_29 = tpu.memref_slice %arg7[%dma_start3A, %dma_start3A_27, %dma_start3A_28] : memref<5x128x16xf32, #tpu.memory_space<vmem>> -> memref<1x128x16xf32, #tpu.memory_space<vmem>>
    %dma_start3A_30 = tpu.memref_squeeze %dma_start3A_29 : memref<1x128x16xf32, #tpu.memory_space<vmem>> -> memref<128x16xf32, #tpu.memory_space<vmem>>
    %dma_start3A_31 = arith.constant 0 : i32
    %dma_start3A_32 = tpu.memref_slice %arg2[%mul3A_17, %dma_start3A_31] : memref<798720x16xf32, #tpu.memory_space<hbm>> -> memref<128x16xf32, #tpu.memory_space<hbm>>
    tpu.enqueue_dma source(%dma_start3A_32 : memref<128x16xf32, #tpu.memory_space<hbm>>) target(%dma_start3A_30 : memref<128x16xf32, #tpu.memory_space<vmem>>) target_semaphore(%dma_start3A_26 : memref<!tpu.dma_semaphore, #tpu.memory_space<semaphore_mem>>)
    %add3A_33 = arith.constant 1 : i32
    %add3A_34 = arith.addi %mul3A_2, %add3A_33 : i32
    %mul3A_35 = arith.constant 128 : i32
    %mul3A_36 = arith.muli %add3A_34, %mul3A_35 : i32
    %dma_start3A_37 = arith.constant 1 : i32
    %dma_start3A_38 = arith.constant 1 : i32
    %dma_start3A_39 = arith.constant 0 : i32
    %dma_start3A_40 = arith.constant 0 : i32
    %dma_start3A_41 = tpu.memref_slice %arg7[%dma_start3A_37, %dma_start3A_39, %dma_start3A_40] : memref<5x128x16xf32, #tpu.memory_space<vmem>> -> memref<1x128x16xf32, #tpu.memory_space<vmem>>
    %dma_start3A_42 = tpu.memref_squeeze %dma_start3A_41 : memref<1x128x16xf32, #tpu.memory_space<vmem>> -> memref<128x16xf32, #tpu.memory_space<vmem>>
    %dma_start3A_43 = arith.constant 0 : i32
    %dma_start3A_44 = tpu.memref_slice %arg2[%mul3A_36, %dma_start3A_43] : memref<798720x16xf32, #tpu.memory_space<hbm>> -> memref<128x16xf32, #tpu.memory_space<hbm>>
    %dma_start3A_45 = tpu.memref_slice %arg8[%dma_start3A_38] : memref<5x!tpu.dma_semaphore, #tpu.memory_space<semaphore_mem>> -> memref<1x!tpu.dma_semaphore, #tpu.memory_space<semaphore_mem>>
    %dma_start3A_46 = tpu.memref_squeeze %dma_start3A_45 : memref<1x!tpu.dma_semaphore, #tpu.memory_space<semaphore_mem>> -> memref<!tpu.dma_semaphore, #tpu.memory_space<semaphore_mem>>
    %dma_start3A_47 = arith.constant 0 : i32
    %dma_start3A_48 = arith.constant 0 : i32
    %dma_start3A_49 = tpu.memref_slice %arg7[%dma_start3A_37, %dma_start3A_47, %dma_start3A_48] : memref<5x128x16xf32, #tpu.memory_space<vmem>> -> memref<1x128x16xf32, #tpu.memory_space<vmem>>
    %dma_start3A_50 = tpu.memref_squeeze %dma_start3A_49 : memref<1x128x16xf32, #tpu.memory_space<vmem>> -> memref<128x16xf32, #tpu.memory_space<vmem>>
    %dma_start3A_51 = arith.constant 0 : i32
    %dma_start3A_52 = tpu.memref_slice %arg2[%mul3A_36, %dma_start3A_51] : memref<798720x16xf32, #tpu.memory_space<hbm>> -> memref<128x16xf32, #tpu.memory_space<hbm>>
    tpu.enqueue_dma source(%dma_start3A_52 : memref<128x16xf32, #tpu.memory_space<hbm>>) target(%dma_start3A_50 : memref<128x16xf32, #tpu.memory_space<vmem>>) target_semaphore(%dma_start3A_46 : memref<!tpu.dma_semaphore, #tpu.memory_space<semaphore_mem>>)
    %add3A_53 = arith.constant 2 : i32
    %add3A_54 = arith.addi %mul3A_2, %add3A_53 : i32
    %mul3A_55 = arith.constant 128 : i32
    %mul3A_56 = arith.muli %add3A_54, %mul3A_55 : i32
    %dma_start3A_57 = arith.constant 2 : i32
    %dma_start3A_58 = arith.constant 2 : i32
    %dma_start3A_59 = arith.constant 0 : i32
    %dma_start3A_60 = arith.constant 0 : i32
    %dma_start3A_61 = tpu.memref_slice %arg7[%dma_start3A_57, %dma_start3A_59, %dma_start3A_60] : memref<5x128x16xf32, #tpu.memory_space<vmem>> -> memref<1x128x16xf32, #tpu.memory_space<vmem>>
    %dma_start3A_62 = tpu.memref_squeeze %dma_start3A_61 : memref<1x128x16xf32, #tpu.memory_space<vmem>> -> memref<128x16xf32, #tpu.memory_space<vmem>>
    %dma_start3A_63 = arith.constant 0 : i32
    %dma_start3A_64 = tpu.memref_slice %arg2[%mul3A_56, %dma_start3A_63] : memref<798720x16xf32, #tpu.memory_space<hbm>> -> memref<128x16xf32, #tpu.memory_space<hbm>>
    %dma_start3A_65 = tpu.memref_slice %arg8[%dma_start3A_58] : memref<5x!tpu.dma_semaphore, #tpu.memory_space<semaphore_mem>> -> memref<1x!tpu.dma_semaphore, #tpu.memory_space<semaphore_mem>>
    %dma_start3A_66 = tpu.memref_squeeze %dma_start3A_65 : memref<1x!tpu.dma_semaphore, #tpu.memory_space<semaphore_mem>> -> memref<!tpu.dma_semaphore, #tpu.memory_space<semaphore_mem>>
    %dma_start3A_67 = arith.constant 0 : i32
    %dma_start3A_68 = arith.constant 0 : i32
    %dma_start3A_69 = tpu.memref_slice %arg7[%dma_start3A_57, %dma_start3A_67, %dma_start3A_68] : memref<5x128x16xf32, #tpu.memory_space<vmem>> -> memref<1x128x16xf32, #tpu.memory_space<vmem>>
    %dma_start3A_70 = tpu.memref_squeeze %dma_start3A_69 : memref<1x128x16xf32, #tpu.memory_space<vmem>> -> memref<128x16xf32, #tpu.memory_space<vmem>>
    %dma_start3A_71 = arith.constant 0 : i32
    %dma_start3A_72 = tpu.memref_slice %arg2[%mul3A_56, %dma_start3A_71] : memref<798720x16xf32, #tpu.memory_space<hbm>> -> memref<128x16xf32, #tpu.memory_space<hbm>>
    tpu.enqueue_dma source(%dma_start3A_72 : memref<128x16xf32, #tpu.memory_space<hbm>>) target(%dma_start3A_70 : memref<128x16xf32, #tpu.memory_space<vmem>>) target_semaphore(%dma_start3A_66 : memref<!tpu.dma_semaphore, #tpu.memory_space<semaphore_mem>>)
    %add3A_73 = arith.constant 3 : i32
    %add3A_74 = arith.addi %mul3A_2, %add3A_73 : i32
    %mul3A_75 = arith.constant 128 : i32
    %mul3A_76 = arith.muli %add3A_74, %mul3A_75 : i32
    %dma_start3A_77 = arith.constant 3 : i32
    %dma_start3A_78 = arith.constant 3 : i32
    %dma_start3A_79 = arith.constant 0 : i32
    %dma_start3A_80 = arith.constant 0 : i32
    %dma_start3A_81 = tpu.memref_slice %arg7[%dma_start3A_77, %dma_start3A_79, %dma_start3A_80] : memref<5x128x16xf32, #tpu.memory_space<vmem>> -> memref<1x128x16xf32, #tpu.memory_space<vmem>>
    %dma_start3A_82 = tpu.memref_squeeze %dma_start3A_81 : memref<1x128x16xf32, #tpu.memory_space<vmem>> -> memref<128x16xf32, #tpu.memory_space<vmem>>
    %dma_start3A_83 = arith.constant 0 : i32
    %dma_start3A_84 = tpu.memref_slice %arg2[%mul3A_76, %dma_start3A_83] : memref<798720x16xf32, #tpu.memory_space<hbm>> -> memref<128x16xf32, #tpu.memory_space<hbm>>
    %dma_start3A_85 = tpu.memref_slice %arg8[%dma_start3A_78] : memref<5x!tpu.dma_semaphore, #tpu.memory_space<semaphore_mem>> -> memref<1x!tpu.dma_semaphore, #tpu.memory_space<semaphore_mem>>
    %dma_start3A_86 = tpu.memref_squeeze %dma_start3A_85 : memref<1x!tpu.dma_semaphore, #tpu.memory_space<semaphore_mem>> -> memref<!tpu.dma_semaphore, #tpu.memory_space<semaphore_mem>>
    %dma_start3A_87 = arith.constant 0 : i32
    %dma_start3A_88 = arith.constant 0 : i32
    %dma_start3A_89 = tpu.memref_slice %arg7[%dma_start3A_77, %dma_start3A_87, %dma_start3A_88] : memref<5x128x16xf32, #tpu.memory_space<vmem>> -> memref<1x128x16xf32, #tpu.memory_space<vmem>>
    %dma_start3A_90 = tpu.memref_squeeze %dma_start3A_89 : memref<1x128x16xf32, #tpu.memory_space<vmem>> -> memref<128x16xf32, #tpu.memory_space<vmem>>
    %dma_start3A_91 = arith.constant 0 : i32
    %dma_start3A_92 = tpu.memref_slice %arg2[%mul3A_76, %dma_start3A_91] : memref<798720x16xf32, #tpu.memory_space<hbm>> -> memref<128x16xf32, #tpu.memory_space<hbm>>
    tpu.enqueue_dma source(%dma_start3A_92 : memref<128x16xf32, #tpu.memory_space<hbm>>) target(%dma_start3A_90 : memref<128x16xf32, #tpu.memory_space<vmem>>) target_semaphore(%dma_start3A_86 : memref<!tpu.dma_semaphore, #tpu.memory_space<semaphore_mem>>)
    %add3A_93 = arith.constant 4 : i32
    %add3A_94 = arith.addi %mul3A_2, %add3A_93 : i32
    %mul3A_95 = arith.constant 128 : i32
    %mul3A_96 = arith.muli %add3A_94, %mul3A_95 : i32
    %dma_start3A_97 = arith.constant 4 : i32
    %dma_start3A_98 = arith.constant 4 : i32
    %dma_start3A_99 = arith.constant 0 : i32
    %dma_start3A_100 = arith.constant 0 : i32
    %dma_start3A_101 = tpu.memref_slice %arg7[%dma_start3A_97, %dma_start3A_99, %dma_start3A_100] : memref<5x128x16xf32, #tpu.memory_space<vmem>> -> memref<1x128x16xf32, #tpu.memory_space<vmem>>
    %dma_start3A_102 = tpu.memref_squeeze %dma_start3A_101 : memref<1x128x16xf32, #tpu.memory_space<vmem>> -> memref<128x16xf32, #tpu.memory_space<vmem>>
    %dma_start3A_103 = arith.constant 0 : i32
    %dma_start3A_104 = tpu.memref_slice %arg2[%mul3A_96, %dma_start3A_103] : memref<798720x16xf32, #tpu.memory_space<hbm>> -> memref<128x16xf32, #tpu.memory_space<hbm>>
    %dma_start3A_105 = tpu.memref_slice %arg8[%dma_start3A_98] : memref<5x!tpu.dma_semaphore, #tpu.memory_space<semaphore_mem>> -> memref<1x!tpu.dma_semaphore, #tpu.memory_space<semaphore_mem>>
    %dma_start3A_106 = tpu.memref_squeeze %dma_start3A_105 : memref<1x!tpu.dma_semaphore, #tpu.memory_space<semaphore_mem>> -> memref<!tpu.dma_semaphore, #tpu.memory_space<semaphore_mem>>
    %dma_start3A_107 = arith.constant 0 : i32
    %dma_start3A_108 = arith.constant 0 : i32
    %dma_start3A_109 = tpu.memref_slice %arg7[%dma_start3A_97, %dma_start3A_107, %dma_start3A_108] : memref<5x128x16xf32, #tpu.memory_space<vmem>> -> memref<1x128x16xf32, #tpu.memory_space<vmem>>
    %dma_start3A_110 = tpu.memref_squeeze %dma_start3A_109 : memref<1x128x16xf32, #tpu.memory_space<vmem>> -> memref<128x16xf32, #tpu.memory_space<vmem>>
    %dma_start3A_111 = arith.constant 0 : i32
    %dma_start3A_112 = tpu.memref_slice %arg2[%mul3A_96, %dma_start3A_111] : memref<798720x16xf32, #tpu.memory_space<hbm>> -> memref<128x16xf32, #tpu.memory_space<hbm>>
    tpu.enqueue_dma source(%dma_start3A_112 : memref<128x16xf32, #tpu.memory_space<hbm>>) target(%dma_start3A_110 : memref<128x16xf32, #tpu.memory_space<vmem>>) target_semaphore(%dma_start3A_106 : memref<!tpu.dma_semaphore, #tpu.memory_space<semaphore_mem>>)
    %scan3A_113 = arith.constant 0 : i32
    %scan3A_114 = arith.constant 39 : i32
    %scan3A_115 = arith.addi %scan3A_113, %scan3A_114 : i32
    %scan3A_116 = arith.constant 1 : i32
    scf.for %scan3A_122 = %scan3A_113 to %scan3A_115 step %scan3A_116  : i32 {
      %mul3A_123 = arith.constant 1 : i32
      %mul3A_124 = arith.muli %scan3A_122, %mul3A_123 : i32
      %add3A_125 = arith.constant 0 : i32
      %add3A_126 = arith.addi %add3A_125, %mul3A_124 : i32
      %mul3A_127 = arith.constant 5 : i32
      %mul3A_128 = arith.muli %add3A_126, %mul3A_127 : i32
      %dma_wait3A = arith.constant 0 : i32
      %dma_wait3A_129 = arith.constant 0 : i32
      %dma_wait3A_130 = arith.constant 0 : i32
      %dma_wait3A_131 = arith.constant 0 : i32
      %dma_wait3A_132 = tpu.memref_slice %arg7[%dma_wait3A, %dma_wait3A_130, %dma_wait3A_131] : memref<5x128x16xf32, #tpu.memory_space<vmem>> -> memref<1x128x16xf32, #tpu.memory_space<vmem>>
      %dma_wait3A_133 = tpu.memref_squeeze %dma_wait3A_132 : memref<1x128x16xf32, #tpu.memory_space<vmem>> -> memref<128x16xf32, #tpu.memory_space<vmem>>
      %dma_wait3A_134 = arith.constant 0 : i32
      %dma_wait3A_135 = arith.constant 0 : i32
      %dma_wait3A_136 = tpu.memref_slice %arg2[%dma_wait3A_134, %dma_wait3A_135] : memref<798720x16xf32, #tpu.memory_space<hbm>> -> memref<128x16xf32, #tpu.memory_space<hbm>>
      %dma_wait3A_137 = tpu.memref_slice %arg8[%dma_wait3A_129] : memref<5x!tpu.dma_semaphore, #tpu.memory_space<semaphore_mem>> -> memref<1x!tpu.dma_semaphore, #tpu.memory_space<semaphore_mem>>
      %dma_wait3A_138 = tpu.memref_squeeze %dma_wait3A_137 : memref<1x!tpu.dma_semaphore, #tpu.memory_space<semaphore_mem>> -> memref<!tpu.dma_semaphore, #tpu.memory_space<semaphore_mem>>
      %dma_wait3A_139 = arith.constant 0 : i32
      %dma_wait3A_140 = arith.constant 0 : i32
      %dma_wait3A_141 = tpu.memref_slice %arg7[%dma_wait3A, %dma_wait3A_139, %dma_wait3A_140] : memref<5x128x16xf32, #tpu.memory_space<vmem>> -> memref<1x128x16xf32, #tpu.memory_space<vmem>>
      %dma_wait3A_142 = tpu.memref_squeeze %dma_wait3A_141 : memref<1x128x16xf32, #tpu.memory_space<vmem>> -> memref<128x16xf32, #tpu.memory_space<vmem>>
      %dma_wait3A_143 = arith.constant 0 : i32
      %dma_wait3A_144 = arith.constant 0 : i32
      %dma_wait3A_145 = tpu.memref_slice %arg2[%dma_wait3A_143, %dma_wait3A_144] : memref<798720x16xf32, #tpu.memory_space<hbm>> -> memref<128x16xf32, #tpu.memory_space<hbm>>
      tpu.wait_dma2 semaphore(%dma_wait3A_138 : memref<!tpu.dma_semaphore, #tpu.memory_space<semaphore_mem>>) src(%dma_wait3A_145 : memref<128x16xf32, #tpu.memory_space<hbm>>) dst(%dma_wait3A_142 : memref<128x16xf32, #tpu.memory_space<vmem>>)
      %add3A_146 = arith.constant 0 : i32
      %add3A_147 = arith.addi %mul3A_128, %add3A_146 : i32
      %dma_start3A_148 = arith.constant 0 : i32
      %dma_start3A_149 = arith.constant 0 : i32
      %dma_start3A_150 = arith.constant 0 : i32
      %dma_start3A_151 = arith.constant 0 : i32
      %dma_start3A_152 = tpu.memref_slice %arg7[%dma_start3A_148, %dma_start3A_150, %dma_start3A_151] : memref<5x128x16xf32, #tpu.memory_space<vmem>> -> memref<1x128x16xf32, #tpu.memory_space<vmem>>
      %dma_start3A_153 = tpu.memref_squeeze %dma_start3A_152 : memref<1x128x16xf32, #tpu.memory_space<vmem>> -> memref<128x16xf32, #tpu.memory_space<vmem>>
      %dma_start3A_154 = arith.constant 0 : i32
      %dma_start3A_155 = tpu.memref_slice %arg6[%add3A_147, %dma_start3A_154] : memref<195x128xi32, #tpu.memory_space<vmem>> -> memref<1x128xi32, #tpu.memory_space<vmem>>
      %dma_start3A_156 = tpu.memref_squeeze %dma_start3A_155 : memref<1x128xi32, #tpu.memory_space<vmem>> -> memref<128xi32, #tpu.memory_space<vmem>>
      %dma_start3A_157 = arith.constant 0 : i32
      %dma_start3A_158 = arith.constant 0 : i32
      %dma_start3A_159 = tpu.memref_slice %arg10[%dma_start3A_157, %dma_start3A_158] : memref<50000x16xf32, #tpu.memory_space<vmem_shared>> -> memref<50000x16xf32, #tpu.memory_space<vmem_shared>>
      %dma_start3A_160 = tpu.memref_slice %arg9[%dma_start3A_149] : memref<5x!tpu.dma_semaphore, #tpu.memory_space<semaphore_mem>> -> memref<1x!tpu.dma_semaphore, #tpu.memory_space<semaphore_mem>>
      %dma_start3A_161 = tpu.memref_squeeze %dma_start3A_160 : memref<1x!tpu.dma_semaphore, #tpu.memory_space<semaphore_mem>> -> memref<!tpu.dma_semaphore, #tpu.memory_space<semaphore_mem>>
      tpu.enqueue_indirect_dma source(%dma_start3A_153 : memref<128x16xf32, #tpu.memory_space<vmem>>) target(%dma_start3A_159 : memref<50000x16xf32, #tpu.memory_space<vmem_shared>>) offsets(%dma_start3A_156 : memref<128xi32, #tpu.memory_space<vmem>>) semaphore(%dma_start3A_161 : memref<!tpu.dma_semaphore, #tpu.memory_space<semaphore_mem>>) {add = true}
      %dma_wait3A_162 = arith.constant 1 : i32
      %dma_wait3A_163 = arith.constant 1 : i32
      %dma_wait3A_164 = arith.constant 0 : i32
      %dma_wait3A_165 = arith.constant 0 : i32
      %dma_wait3A_166 = tpu.memref_slice %arg7[%dma_wait3A_162, %dma_wait3A_164, %dma_wait3A_165] : memref<5x128x16xf32, #tpu.memory_space<vmem>> -> memref<1x128x16xf32, #tpu.memory_space<vmem>>
      %dma_wait3A_167 = tpu.memref_squeeze %dma_wait3A_166 : memref<1x128x16xf32, #tpu.memory_space<vmem>> -> memref<128x16xf32, #tpu.memory_space<vmem>>
      %dma_wait3A_168 = arith.constant 0 : i32
      %dma_wait3A_169 = arith.constant 0 : i32
      %dma_wait3A_170 = tpu.memref_slice %arg2[%dma_wait3A_168, %dma_wait3A_169] : memref<798720x16xf32, #tpu.memory_space<hbm>> -> memref<128x16xf32, #tpu.memory_space<hbm>>
      %dma_wait3A_171 = tpu.memref_slice %arg8[%dma_wait3A_163] : memref<5x!tpu.dma_semaphore, #tpu.memory_space<semaphore_mem>> -> memref<1x!tpu.dma_semaphore, #tpu.memory_space<semaphore_mem>>
      %dma_wait3A_172 = tpu.memref_squeeze %dma_wait3A_171 : memref<1x!tpu.dma_semaphore, #tpu.memory_space<semaphore_mem>> -> memref<!tpu.dma_semaphore, #tpu.memory_space<semaphore_mem>>
      %dma_wait3A_173 = arith.constant 0 : i32
      %dma_wait3A_174 = arith.constant 0 : i32
      %dma_wait3A_175 = tpu.memref_slice %arg7[%dma_wait3A_162, %dma_wait3A_173, %dma_wait3A_174] : memref<5x128x16xf32, #tpu.memory_space<vmem>> -> memref<1x128x16xf32, #tpu.memory_space<vmem>>
      %dma_wait3A_176 = tpu.memref_squeeze %dma_wait3A_175 : memref<1x128x16xf32, #tpu.memory_space<vmem>> -> memref<128x16xf32, #tpu.memory_space<vmem>>
      %dma_wait3A_177 = arith.constant 0 : i32
      %dma_wait3A_178 = arith.constant 0 : i32
      %dma_wait3A_179 = tpu.memref_slice %arg2[%dma_wait3A_177, %dma_wait3A_178] : memref<798720x16xf32, #tpu.memory_space<hbm>> -> memref<128x16xf32, #tpu.memory_space<hbm>>
      tpu.wait_dma2 semaphore(%dma_wait3A_172 : memref<!tpu.dma_semaphore, #tpu.memory_space<semaphore_mem>>) src(%dma_wait3A_179 : memref<128x16xf32, #tpu.memory_space<hbm>>) dst(%dma_wait3A_176 : memref<128x16xf32, #tpu.memory_space<vmem>>)
      %add3A_180 = arith.constant 1 : i32
      %add3A_181 = arith.addi %mul3A_128, %add3A_180 : i32
      %dma_start3A_182 = arith.constant 1 : i32
      %dma_start3A_183 = arith.constant 1 : i32
      %dma_start3A_184 = arith.constant 0 : i32
      %dma_start3A_185 = arith.constant 0 : i32
      %dma_start3A_186 = tpu.memref_slice %arg7[%dma_start3A_182, %dma_start3A_184, %dma_start3A_185] : memref<5x128x16xf32, #tpu.memory_space<vmem>> -> memref<1x128x16xf32, #tpu.memory_space<vmem>>
      %dma_start3A_187 = tpu.memref_squeeze %dma_start3A_186 : memref<1x128x16xf32, #tpu.memory_space<vmem>> -> memref<128x16xf32, #tpu.memory_space<vmem>>
      %dma_start3A_188 = arith.constant 0 : i32
      %dma_start3A_189 = tpu.memref_slice %arg6[%add3A_181, %dma_start3A_188] : memref<195x128xi32, #tpu.memory_space<vmem>> -> memref<1x128xi32, #tpu.memory_space<vmem>>
      %dma_start3A_190 = tpu.memref_squeeze %dma_start3A_189 : memref<1x128xi32, #tpu.memory_space<vmem>> -> memref<128xi32, #tpu.memory_space<vmem>>
      %dma_start3A_191 = arith.constant 0 : i32
      %dma_start3A_192 = arith.constant 0 : i32
      %dma_start3A_193 = tpu.memref_slice %arg10[%dma_start3A_191, %dma_start3A_192] : memref<50000x16xf32, #tpu.memory_space<vmem_shared>> -> memref<50000x16xf32, #tpu.memory_space<vmem_shared>>
      %dma_start3A_194 = tpu.memref_slice %arg9[%dma_start3A_183] : memref<5x!tpu.dma_semaphore, #tpu.memory_space<semaphore_mem>> -> memref<1x!tpu.dma_semaphore, #tpu.memory_space<semaphore_mem>>
      %dma_start3A_195 = tpu.memref_squeeze %dma_start3A_194 : memref<1x!tpu.dma_semaphore, #tpu.memory_space<semaphore_mem>> -> memref<!tpu.dma_semaphore, #tpu.memory_space<semaphore_mem>>
      tpu.enqueue_indirect_dma source(%dma_start3A_187 : memref<128x16xf32, #tpu.memory_space<vmem>>) target(%dma_start3A_193 : memref<50000x16xf32, #tpu.memory_space<vmem_shared>>) offsets(%dma_start3A_190 : memref<128xi32, #tpu.memory_space<vmem>>) semaphore(%dma_start3A_195 : memref<!tpu.dma_semaphore, #tpu.memory_space<semaphore_mem>>) {add = true}
      %dma_wait3A_196 = arith.constant 2 : i32
      %dma_wait3A_197 = arith.constant 2 : i32
      %dma_wait3A_198 = arith.constant 0 : i32
      %dma_wait3A_199 = arith.constant 0 : i32
      %dma_wait3A_200 = tpu.memref_slice %arg7[%dma_wait3A_196, %dma_wait3A_198, %dma_wait3A_199] : memref<5x128x16xf32, #tpu.memory_space<vmem>> -> memref<1x128x16xf32, #tpu.memory_space<vmem>>
      %dma_wait3A_201 = tpu.memref_squeeze %dma_wait3A_200 : memref<1x128x16xf32, #tpu.memory_space<vmem>> -> memref<128x16xf32, #tpu.memory_space<vmem>>
      %dma_wait3A_202 = arith.constant 0 : i32
      %dma_wait3A_203 = arith.constant 0 : i32
      %dma_wait3A_204 = tpu.memref_slice %arg2[%dma_wait3A_202, %dma_wait3A_203] : memref<798720x16xf32, #tpu.memory_space<hbm>> -> memref<128x16xf32, #tpu.memory_space<hbm>>
      %dma_wait3A_205 = tpu.memref_slice %arg8[%dma_wait3A_197] : memref<5x!tpu.dma_semaphore, #tpu.memory_space<semaphore_mem>> -> memref<1x!tpu.dma_semaphore, #tpu.memory_space<semaphore_mem>>
      %dma_wait3A_206 = tpu.memref_squeeze %dma_wait3A_205 : memref<1x!tpu.dma_semaphore, #tpu.memory_space<semaphore_mem>> -> memref<!tpu.dma_semaphore, #tpu.memory_space<semaphore_mem>>
      %dma_wait3A_207 = arith.constant 0 : i32
      %dma_wait3A_208 = arith.constant 0 : i32
      %dma_wait3A_209 = tpu.memref_slice %arg7[%dma_wait3A_196, %dma_wait3A_207, %dma_wait3A_208] : memref<5x128x16xf32, #tpu.memory_space<vmem>> -> memref<1x128x16xf32, #tpu.memory_space<vmem>>
      %dma_wait3A_210 = tpu.memref_squeeze %dma_wait3A_209 : memref<1x128x16xf32, #tpu.memory_space<vmem>> -> memref<128x16xf32, #tpu.memory_space<vmem>>
      %dma_wait3A_211 = arith.constant 0 : i32
      %dma_wait3A_212 = arith.constant 0 : i32
      %dma_wait3A_213 = tpu.memref_slice %arg2[%dma_wait3A_211, %dma_wait3A_212] : memref<798720x16xf32, #tpu.memory_space<hbm>> -> memref<128x16xf32, #tpu.memory_space<hbm>>
      tpu.wait_dma2 semaphore(%dma_wait3A_206 : memref<!tpu.dma_semaphore, #tpu.memory_space<semaphore_mem>>) src(%dma_wait3A_213 : memref<128x16xf32, #tpu.memory_space<hbm>>) dst(%dma_wait3A_210 : memref<128x16xf32, #tpu.memory_space<vmem>>)
      %add3A_214 = arith.constant 2 : i32
      %add3A_215 = arith.addi %mul3A_128, %add3A_214 : i32
      %dma_start3A_216 = arith.constant 2 : i32
      %dma_start3A_217 = arith.constant 2 : i32
      %dma_start3A_218 = arith.constant 0 : i32
      %dma_start3A_219 = arith.constant 0 : i32
      %dma_start3A_220 = tpu.memref_slice %arg7[%dma_start3A_216, %dma_start3A_218, %dma_start3A_219] : memref<5x128x16xf32, #tpu.memory_space<vmem>> -> memref<1x128x16xf32, #tpu.memory_space<vmem>>
      %dma_start3A_221 = tpu.memref_squeeze %dma_start3A_220 : memref<1x128x16xf32, #tpu.memory_space<vmem>> -> memref<128x16xf32, #tpu.memory_space<vmem>>
      %dma_start3A_222 = arith.constant 0 : i32
      %dma_start3A_223 = tpu.memref_slice %arg6[%add3A_215, %dma_start3A_222] : memref<195x128xi32, #tpu.memory_space<vmem>> -> memref<1x128xi32, #tpu.memory_space<vmem>>
      %dma_start3A_224 = tpu.memref_squeeze %dma_start3A_223 : memref<1x128xi32, #tpu.memory_space<vmem>> -> memref<128xi32, #tpu.memory_space<vmem>>
      %dma_start3A_225 = arith.constant 0 : i32
      %dma_start3A_226 = arith.constant 0 : i32
      %dma_start3A_227 = tpu.memref_slice %arg10[%dma_start3A_225, %dma_start3A_226] : memref<50000x16xf32, #tpu.memory_space<vmem_shared>> -> memref<50000x16xf32, #tpu.memory_space<vmem_shared>>
      %dma_start3A_228 = tpu.memref_slice %arg9[%dma_start3A_217] : memref<5x!tpu.dma_semaphore, #tpu.memory_space<semaphore_mem>> -> memref<1x!tpu.dma_semaphore, #tpu.memory_space<semaphore_mem>>
      %dma_start3A_229 = tpu.memref_squeeze %dma_start3A_228 : memref<1x!tpu.dma_semaphore, #tpu.memory_space<semaphore_mem>> -> memref<!tpu.dma_semaphore, #tpu.memory_space<semaphore_mem>>
      tpu.enqueue_indirect_dma source(%dma_start3A_221 : memref<128x16xf32, #tpu.memory_space<vmem>>) target(%dma_start3A_227 : memref<50000x16xf32, #tpu.memory_space<vmem_shared>>) offsets(%dma_start3A_224 : memref<128xi32, #tpu.memory_space<vmem>>) semaphore(%dma_start3A_229 : memref<!tpu.dma_semaphore, #tpu.memory_space<semaphore_mem>>) {add = true}
      %dma_wait3A_230 = arith.constant 3 : i32
      %dma_wait3A_231 = arith.constant 3 : i32
      %dma_wait3A_232 = arith.constant 0 : i32
      %dma_wait3A_233 = arith.constant 0 : i32
      %dma_wait3A_234 = tpu.memref_slice %arg7[%dma_wait3A_230, %dma_wait3A_232, %dma_wait3A_233] : memref<5x128x16xf32, #tpu.memory_space<vmem>> -> memref<1x128x16xf32, #tpu.memory_space<vmem>>
      %dma_wait3A_235 = tpu.memref_squeeze %dma_wait3A_234 : memref<1x128x16xf32, #tpu.memory_space<vmem>> -> memref<128x16xf32, #tpu.memory_space<vmem>>
      %dma_wait3A_236 = arith.constant 0 : i32
      %dma_wait3A_237 = arith.constant 0 : i32
      %dma_wait3A_238 = tpu.memref_slice %arg2[%dma_wait3A_236, %dma_wait3A_237] : memref<798720x16xf32, #tpu.memory_space<hbm>> -> memref<128x16xf32, #tpu.memory_space<hbm>>
      %dma_wait3A_239 = tpu.memref_slice %arg8[%dma_wait3A_231] : memref<5x!tpu.dma_semaphore, #tpu.memory_space<semaphore_mem>> -> memref<1x!tpu.dma_semaphore, #tpu.memory_space<semaphore_mem>>
      %dma_wait3A_240 = tpu.memref_squeeze %dma_wait3A_239 : memref<1x!tpu.dma_semaphore, #tpu.memory_space<semaphore_mem>> -> memref<!tpu.dma_semaphore, #tpu.memory_space<semaphore_mem>>
      %dma_wait3A_241 = arith.constant 0 : i32
      %dma_wait3A_242 = arith.constant 0 : i32
      %dma_wait3A_243 = tpu.memref_slice %arg7[%dma_wait3A_230, %dma_wait3A_241, %dma_wait3A_242] : memref<5x128x16xf32, #tpu.memory_space<vmem>> -> memref<1x128x16xf32, #tpu.memory_space<vmem>>
      %dma_wait3A_244 = tpu.memref_squeeze %dma_wait3A_243 : memref<1x128x16xf32, #tpu.memory_space<vmem>> -> memref<128x16xf32, #tpu.memory_space<vmem>>
      %dma_wait3A_245 = arith.constant 0 : i32
      %dma_wait3A_246 = arith.constant 0 : i32
      %dma_wait3A_247 = tpu.memref_slice %arg2[%dma_wait3A_245, %dma_wait3A_246] : memref<798720x16xf32, #tpu.memory_space<hbm>> -> memref<128x16xf32, #tpu.memory_space<hbm>>
      tpu.wait_dma2 semaphore(%dma_wait3A_240 : memref<!tpu.dma_semaphore, #tpu.memory_space<semaphore_mem>>) src(%dma_wait3A_247 : memref<128x16xf32, #tpu.memory_space<hbm>>) dst(%dma_wait3A_244 : memref<128x16xf32, #tpu.memory_space<vmem>>)
      %add3A_248 = arith.constant 3 : i32
      %add3A_249 = arith.addi %mul3A_128, %add3A_248 : i32
      %dma_start3A_250 = arith.constant 3 : i32
      %dma_start3A_251 = arith.constant 3 : i32
      %dma_start3A_252 = arith.constant 0 : i32
      %dma_start3A_253 = arith.constant 0 : i32
      %dma_start3A_254 = tpu.memref_slice %arg7[%dma_start3A_250, %dma_start3A_252, %dma_start3A_253] : memref<5x128x16xf32, #tpu.memory_space<vmem>> -> memref<1x128x16xf32, #tpu.memory_space<vmem>>
      %dma_start3A_255 = tpu.memref_squeeze %dma_start3A_254 : memref<1x128x16xf32, #tpu.memory_space<vmem>> -> memref<128x16xf32, #tpu.memory_space<vmem>>
      %dma_start3A_256 = arith.constant 0 : i32
      %dma_start3A_257 = tpu.memref_slice %arg6[%add3A_249, %dma_start3A_256] : memref<195x128xi32, #tpu.memory_space<vmem>> -> memref<1x128xi32, #tpu.memory_space<vmem>>
      %dma_start3A_258 = tpu.memref_squeeze %dma_start3A_257 : memref<1x128xi32, #tpu.memory_space<vmem>> -> memref<128xi32, #tpu.memory_space<vmem>>
      %dma_start3A_259 = arith.constant 0 : i32
      %dma_start3A_260 = arith.constant 0 : i32
      %dma_start3A_261 = tpu.memref_slice %arg10[%dma_start3A_259, %dma_start3A_260] : memref<50000x16xf32, #tpu.memory_space<vmem_shared>> -> memref<50000x16xf32, #tpu.memory_space<vmem_shared>>
      %dma_start3A_262 = tpu.memref_slice %arg9[%dma_start3A_251] : memref<5x!tpu.dma_semaphore, #tpu.memory_space<semaphore_mem>> -> memref<1x!tpu.dma_semaphore, #tpu.memory_space<semaphore_mem>>
      %dma_start3A_263 = tpu.memref_squeeze %dma_start3A_262 : memref<1x!tpu.dma_semaphore, #tpu.memory_space<semaphore_mem>> -> memref<!tpu.dma_semaphore, #tpu.memory_space<semaphore_mem>>
      tpu.enqueue_indirect_dma source(%dma_start3A_255 : memref<128x16xf32, #tpu.memory_space<vmem>>) target(%dma_start3A_261 : memref<50000x16xf32, #tpu.memory_space<vmem_shared>>) offsets(%dma_start3A_258 : memref<128xi32, #tpu.memory_space<vmem>>) semaphore(%dma_start3A_263 : memref<!tpu.dma_semaphore, #tpu.memory_space<semaphore_mem>>) {add = true}
      %dma_wait3A_264 = arith.constant 4 : i32
      %dma_wait3A_265 = arith.constant 4 : i32
      %dma_wait3A_266 = arith.constant 0 : i32
      %dma_wait3A_267 = arith.constant 0 : i32
      %dma_wait3A_268 = tpu.memref_slice %arg7[%dma_wait3A_264, %dma_wait3A_266, %dma_wait3A_267] : memref<5x128x16xf32, #tpu.memory_space<vmem>> -> memref<1x128x16xf32, #tpu.memory_space<vmem>>
      %dma_wait3A_269 = tpu.memref_squeeze %dma_wait3A_268 : memref<1x128x16xf32, #tpu.memory_space<vmem>> -> memref<128x16xf32, #tpu.memory_space<vmem>>
      %dma_wait3A_270 = arith.constant 0 : i32
      %dma_wait3A_271 = arith.constant 0 : i32
      %dma_wait3A_272 = tpu.memref_slice %arg2[%dma_wait3A_270, %dma_wait3A_271] : memref<798720x16xf32, #tpu.memory_space<hbm>> -> memref<128x16xf32, #tpu.memory_space<hbm>>
      %dma_wait3A_273 = tpu.memref_slice %arg8[%dma_wait3A_265] : memref<5x!tpu.dma_semaphore, #tpu.memory_space<semaphore_mem>> -> memref<1x!tpu.dma_semaphore, #tpu.memory_space<semaphore_mem>>
      %dma_wait3A_274 = tpu.memref_squeeze %dma_wait3A_273 : memref<1x!tpu.dma_semaphore, #tpu.memory_space<semaphore_mem>> -> memref<!tpu.dma_semaphore, #tpu.memory_space<semaphore_mem>>
      %dma_wait3A_275 = arith.constant 0 : i32
      %dma_wait3A_276 = arith.constant 0 : i32
      %dma_wait3A_277 = tpu.memref_slice %arg7[%dma_wait3A_264, %dma_wait3A_275, %dma_wait3A_276] : memref<5x128x16xf32, #tpu.memory_space<vmem>> -> memref<1x128x16xf32, #tpu.memory_space<vmem>>
      %dma_wait3A_278 = tpu.memref_squeeze %dma_wait3A_277 : memref<1x128x16xf32, #tpu.memory_space<vmem>> -> memref<128x16xf32, #tpu.memory_space<vmem>>
      %dma_wait3A_279 = arith.constant 0 : i32
      %dma_wait3A_280 = arith.constant 0 : i32
      %dma_wait3A_281 = tpu.memref_slice %arg2[%dma_wait3A_279, %dma_wait3A_280] : memref<798720x16xf32, #tpu.memory_space<hbm>> -> memref<128x16xf32, #tpu.memory_space<hbm>>
      tpu.wait_dma2 semaphore(%dma_wait3A_274 : memref<!tpu.dma_semaphore, #tpu.memory_space<semaphore_mem>>) src(%dma_wait3A_281 : memref<128x16xf32, #tpu.memory_space<hbm>>) dst(%dma_wait3A_278 : memref<128x16xf32, #tpu.memory_space<vmem>>)
      %add3A_282 = arith.constant 4 : i32
      %add3A_283 = arith.addi %mul3A_128, %add3A_282 : i32
      %dma_start3A_284 = arith.constant 4 : i32
      %dma_start3A_285 = arith.constant 4 : i32
      %dma_start3A_286 = arith.constant 0 : i32
      %dma_start3A_287 = arith.constant 0 : i32
      %dma_start3A_288 = tpu.memref_slice %arg7[%dma_start3A_284, %dma_start3A_286, %dma_start3A_287] : memref<5x128x16xf32, #tpu.memory_space<vmem>> -> memref<1x128x16xf32, #tpu.memory_space<vmem>>
      %dma_start3A_289 = tpu.memref_squeeze %dma_start3A_288 : memref<1x128x16xf32, #tpu.memory_space<vmem>> -> memref<128x16xf32, #tpu.memory_space<vmem>>
      %dma_start3A_290 = arith.constant 0 : i32
      %dma_start3A_291 = tpu.memref_slice %arg6[%add3A_283, %dma_start3A_290] : memref<195x128xi32, #tpu.memory_space<vmem>> -> memref<1x128xi32, #tpu.memory_space<vmem>>
      %dma_start3A_292 = tpu.memref_squeeze %dma_start3A_291 : memref<1x128xi32, #tpu.memory_space<vmem>> -> memref<128xi32, #tpu.memory_space<vmem>>
      %dma_start3A_293 = arith.constant 0 : i32
      %dma_start3A_294 = arith.constant 0 : i32
      %dma_start3A_295 = tpu.memref_slice %arg10[%dma_start3A_293, %dma_start3A_294] : memref<50000x16xf32, #tpu.memory_space<vmem_shared>> -> memref<50000x16xf32, #tpu.memory_space<vmem_shared>>
      %dma_start3A_296 = tpu.memref_slice %arg9[%dma_start3A_285] : memref<5x!tpu.dma_semaphore, #tpu.memory_space<semaphore_mem>> -> memref<1x!tpu.dma_semaphore, #tpu.memory_space<semaphore_mem>>
      %dma_start3A_297 = tpu.memref_squeeze %dma_start3A_296 : memref<1x!tpu.dma_semaphore, #tpu.memory_space<semaphore_mem>> -> memref<!tpu.dma_semaphore, #tpu.memory_space<semaphore_mem>>
      tpu.enqueue_indirect_dma source(%dma_start3A_289 : memref<128x16xf32, #tpu.memory_space<vmem>>) target(%dma_start3A_295 : memref<50000x16xf32, #tpu.memory_space<vmem_shared>>) offsets(%dma_start3A_292 : memref<128xi32, #tpu.memory_space<vmem>>) semaphore(%dma_start3A_297 : memref<!tpu.dma_semaphore, #tpu.memory_space<semaphore_mem>>) {add = true}
      %add3A_298 = arith.constant 0 : i32
      %add3A_299 = arith.addi %mul3A_128, %add3A_298 : i32
      %dma_wait3A_300 = arith.constant 0 : i32
      %dma_wait3A_301 = arith.constant 0 : i32
      %dma_wait3A_302 = arith.constant 0 : i32
      %dma_wait3A_303 = arith.constant 0 : i32
      %dma_wait3A_304 = tpu.memref_slice %arg7[%dma_wait3A_300, %dma_wait3A_302, %dma_wait3A_303] : memref<5x128x16xf32, #tpu.memory_space<vmem>> -> memref<1x128x16xf32, #tpu.memory_space<vmem>>
      %dma_wait3A_305 = tpu.memref_squeeze %dma_wait3A_304 : memref<1x128x16xf32, #tpu.memory_space<vmem>> -> memref<128x16xf32, #tpu.memory_space<vmem>>
      %dma_wait3A_306 = arith.constant 0 : i32
      %dma_wait3A_307 = tpu.memref_slice %arg6[%add3A_299, %dma_wait3A_306] : memref<195x128xi32, #tpu.memory_space<vmem>> -> memref<1x128xi32, #tpu.memory_space<vmem>>
      %dma_wait3A_308 = tpu.memref_squeeze %dma_wait3A_307 : memref<1x128xi32, #tpu.memory_space<vmem>> -> memref<128xi32, #tpu.memory_space<vmem>>
      %dma_wait3A_309 = arith.constant 0 : i32
      %dma_wait3A_310 = arith.constant 0 : i32
      %dma_wait3A_311 = tpu.memref_slice %arg10[%dma_wait3A_309, %dma_wait3A_310] : memref<50000x16xf32, #tpu.memory_space<vmem_shared>> -> memref<50000x16xf32, #tpu.memory_space<vmem_shared>>
      %dma_wait3A_312 = tpu.memref_slice %arg9[%dma_wait3A_301] : memref<5x!tpu.dma_semaphore, #tpu.memory_space<semaphore_mem>> -> memref<1x!tpu.dma_semaphore, #tpu.memory_space<semaphore_mem>>
      %dma_wait3A_313 = tpu.memref_squeeze %dma_wait3A_312 : memref<1x!tpu.dma_semaphore, #tpu.memory_space<semaphore_mem>> -> memref<!tpu.dma_semaphore, #tpu.memory_space<semaphore_mem>>
      tpu.wait_indirect_dma semaphore(%dma_wait3A_313 : memref<!tpu.dma_semaphore, #tpu.memory_space<semaphore_mem>>) src(%dma_wait3A_305 : memref<128x16xf32, #tpu.memory_space<vmem>>) dst(%dma_wait3A_311 : memref<50000x16xf32, #tpu.memory_space<vmem_shared>>)
      %lt3A = arith.constant 38 : i32
      %lt3A_314 = arith.cmpi slt, %add3A_126, %lt3A : i32
      %convert_element_type3A = arith.extui %lt3A_314 : i1 to i32
      %cond3A = arith.constant 0 : i32
      %cond3A_315 = arith.cmpi ne, %convert_element_type3A, %cond3A : i32
      scf.if %cond3A_315 {
        %add3A_400 = arith.addi %mul3A_2, %mul3A_128 : i32
        %add3A_401 = arith.constant 5 : i32
        %add3A_402 = arith.addi %add3A_400, %add3A_401 : i32
        %add3A_403 = arith.constant 0 : i32
        %add3A_404 = arith.addi %add3A_402, %add3A_403 : i32
        %mul3A_405 = arith.constant 128 : i32
        %mul3A_406 = arith.muli %add3A_404, %mul3A_405 : i32
        %dma_start3A_407 = arith.constant 0 : i32
        %dma_start3A_408 = arith.constant 0 : i32
        %dma_start3A_409 = arith.constant 0 : i32
        %dma_start3A_410 = arith.constant 0 : i32
        %dma_start3A_411 = tpu.memref_slice %arg7[%dma_start3A_407, %dma_start3A_409, %dma_start3A_410] : memref<5x128x16xf32, #tpu.memory_space<vmem>> -> memref<1x128x16xf32, #tpu.memory_space<vmem>>
        %dma_start3A_412 = tpu.memref_squeeze %dma_start3A_411 : memref<1x128x16xf32, #tpu.memory_space<vmem>> -> memref<128x16xf32, #tpu.memory_space<vmem>>
        %dma_start3A_413 = arith.constant 0 : i32
        %dma_start3A_414 = tpu.memref_slice %arg2[%mul3A_406, %dma_start3A_413] : memref<798720x16xf32, #tpu.memory_space<hbm>> -> memref<128x16xf32, #tpu.memory_space<hbm>>
        %dma_start3A_415 = tpu.memref_slice %arg8[%dma_start3A_408] : memref<5x!tpu.dma_semaphore, #tpu.memory_space<semaphore_mem>> -> memref<1x!tpu.dma_semaphore, #tpu.memory_space<semaphore_mem>>
        %dma_start3A_416 = tpu.memref_squeeze %dma_start3A_415 : memref<1x!tpu.dma_semaphore, #tpu.memory_space<semaphore_mem>> -> memref<!tpu.dma_semaphore, #tpu.memory_space<semaphore_mem>>
        %dma_start3A_417 = arith.constant 0 : i32
        %dma_start3A_418 = arith.constant 0 : i32
        %dma_start3A_419 = tpu.memref_slice %arg7[%dma_start3A_407, %dma_start3A_417, %dma_start3A_418] : memref<5x128x16xf32, #tpu.memory_space<vmem>> -> memref<1x128x16xf32, #tpu.memory_space<vmem>>
        %dma_start3A_420 = tpu.memref_squeeze %dma_start3A_419 : memref<1x128x16xf32, #tpu.memory_space<vmem>> -> memref<128x16xf32, #tpu.memory_space<vmem>>
        %dma_start3A_421 = arith.constant 0 : i32
        %dma_start3A_422 = tpu.memref_slice %arg2[%mul3A_406, %dma_start3A_421] : memref<798720x16xf32, #tpu.memory_space<hbm>> -> memref<128x16xf32, #tpu.memory_space<hbm>>
        tpu.enqueue_dma source(%dma_start3A_422 : memref<128x16xf32, #tpu.memory_space<hbm>>) target(%dma_start3A_420 : memref<128x16xf32, #tpu.memory_space<vmem>>) target_semaphore(%dma_start3A_416 : memref<!tpu.dma_semaphore, #tpu.memory_space<semaphore_mem>>)
      } else {
      }
      %add3A_316 = arith.constant 1 : i32
      %add3A_317 = arith.addi %mul3A_128, %add3A_316 : i32
      %dma_wait3A_318 = arith.constant 1 : i32
      %dma_wait3A_319 = arith.constant 1 : i32
      %dma_wait3A_320 = arith.constant 0 : i32
      %dma_wait3A_321 = arith.constant 0 : i32
      %dma_wait3A_322 = tpu.memref_slice %arg7[%dma_wait3A_318, %dma_wait3A_320, %dma_wait3A_321] : memref<5x128x16xf32, #tpu.memory_space<vmem>> -> memref<1x128x16xf32, #tpu.memory_space<vmem>>
      %dma_wait3A_323 = tpu.memref_squeeze %dma_wait3A_322 : memref<1x128x16xf32, #tpu.memory_space<vmem>> -> memref<128x16xf32, #tpu.memory_space<vmem>>
      %dma_wait3A_324 = arith.constant 0 : i32
      %dma_wait3A_325 = tpu.memref_slice %arg6[%add3A_317, %dma_wait3A_324] : memref<195x128xi32, #tpu.memory_space<vmem>> -> memref<1x128xi32, #tpu.memory_space<vmem>>
      %dma_wait3A_326 = tpu.memref_squeeze %dma_wait3A_325 : memref<1x128xi32, #tpu.memory_space<vmem>> -> memref<128xi32, #tpu.memory_space<vmem>>
      %dma_wait3A_327 = arith.constant 0 : i32
      %dma_wait3A_328 = arith.constant 0 : i32
      %dma_wait3A_329 = tpu.memref_slice %arg10[%dma_wait3A_327, %dma_wait3A_328] : memref<50000x16xf32, #tpu.memory_space<vmem_shared>> -> memref<50000x16xf32, #tpu.memory_space<vmem_shared>>
      %dma_wait3A_330 = tpu.memref_slice %arg9[%dma_wait3A_319] : memref<5x!tpu.dma_semaphore, #tpu.memory_space<semaphore_mem>> -> memref<1x!tpu.dma_semaphore, #tpu.memory_space<semaphore_mem>>
      %dma_wait3A_331 = tpu.memref_squeeze %dma_wait3A_330 : memref<1x!tpu.dma_semaphore, #tpu.memory_space<semaphore_mem>> -> memref<!tpu.dma_semaphore, #tpu.memory_space<semaphore_mem>>
      tpu.wait_indirect_dma semaphore(%dma_wait3A_331 : memref<!tpu.dma_semaphore, #tpu.memory_space<semaphore_mem>>) src(%dma_wait3A_323 : memref<128x16xf32, #tpu.memory_space<vmem>>) dst(%dma_wait3A_329 : memref<50000x16xf32, #tpu.memory_space<vmem_shared>>)
      %lt3A_332 = arith.constant 38 : i32
      %lt3A_333 = arith.cmpi slt, %add3A_126, %lt3A_332 : i32
      %convert_element_type3A_334 = arith.extui %lt3A_333 : i1 to i32
      %cond3A_335 = arith.constant 0 : i32
      %cond3A_336 = arith.cmpi ne, %convert_element_type3A_334, %cond3A_335 : i32
      scf.if %cond3A_336 {
        %add3A_400 = arith.addi %mul3A_2, %mul3A_128 : i32
        %add3A_401 = arith.constant 5 : i32
        %add3A_402 = arith.addi %add3A_400, %add3A_401 : i32
        %add3A_403 = arith.constant 1 : i32
        %add3A_404 = arith.addi %add3A_402, %add3A_403 : i32
        %mul3A_405 = arith.constant 128 : i32
        %mul3A_406 = arith.muli %add3A_404, %mul3A_405 : i32
        %dma_start3A_407 = arith.constant 1 : i32
        %dma_start3A_408 = arith.constant 1 : i32
        %dma_start3A_409 = arith.constant 0 : i32
        %dma_start3A_410 = arith.constant 0 : i32
        %dma_start3A_411 = tpu.memref_slice %arg7[%dma_start3A_407, %dma_start3A_409, %dma_start3A_410] : memref<5x128x16xf32, #tpu.memory_space<vmem>> -> memref<1x128x16xf32, #tpu.memory_space<vmem>>
        %dma_start3A_412 = tpu.memref_squeeze %dma_start3A_411 : memref<1x128x16xf32, #tpu.memory_space<vmem>> -> memref<128x16xf32, #tpu.memory_space<vmem>>
        %dma_start3A_413 = arith.constant 0 : i32
        %dma_start3A_414 = tpu.memref_slice %arg2[%mul3A_406, %dma_start3A_413] : memref<798720x16xf32, #tpu.memory_space<hbm>> -> memref<128x16xf32, #tpu.memory_space<hbm>>
        %dma_start3A_415 = tpu.memref_slice %arg8[%dma_start3A_408] : memref<5x!tpu.dma_semaphore, #tpu.memory_space<semaphore_mem>> -> memref<1x!tpu.dma_semaphore, #tpu.memory_space<semaphore_mem>>
        %dma_start3A_416 = tpu.memref_squeeze %dma_start3A_415 : memref<1x!tpu.dma_semaphore, #tpu.memory_space<semaphore_mem>> -> memref<!tpu.dma_semaphore, #tpu.memory_space<semaphore_mem>>
        %dma_start3A_417 = arith.constant 0 : i32
        %dma_start3A_418 = arith.constant 0 : i32
        %dma_start3A_419 = tpu.memref_slice %arg7[%dma_start3A_407, %dma_start3A_417, %dma_start3A_418] : memref<5x128x16xf32, #tpu.memory_space<vmem>> -> memref<1x128x16xf32, #tpu.memory_space<vmem>>
        %dma_start3A_420 = tpu.memref_squeeze %dma_start3A_419 : memref<1x128x16xf32, #tpu.memory_space<vmem>> -> memref<128x16xf32, #tpu.memory_space<vmem>>
        %dma_start3A_421 = arith.constant 0 : i32
        %dma_start3A_422 = tpu.memref_slice %arg2[%mul3A_406, %dma_start3A_421] : memref<798720x16xf32, #tpu.memory_space<hbm>> -> memref<128x16xf32, #tpu.memory_space<hbm>>
        tpu.enqueue_dma source(%dma_start3A_422 : memref<128x16xf32, #tpu.memory_space<hbm>>) target(%dma_start3A_420 : memref<128x16xf32, #tpu.memory_space<vmem>>) target_semaphore(%dma_start3A_416 : memref<!tpu.dma_semaphore, #tpu.memory_space<semaphore_mem>>)
      } else {
      }
      %add3A_337 = arith.constant 2 : i32
      %add3A_338 = arith.addi %mul3A_128, %add3A_337 : i32
      %dma_wait3A_339 = arith.constant 2 : i32
      %dma_wait3A_340 = arith.constant 2 : i32
      %dma_wait3A_341 = arith.constant 0 : i32
      %dma_wait3A_342 = arith.constant 0 : i32
      %dma_wait3A_343 = tpu.memref_slice %arg7[%dma_wait3A_339, %dma_wait3A_341, %dma_wait3A_342] : memref<5x128x16xf32, #tpu.memory_space<vmem>> -> memref<1x128x16xf32, #tpu.memory_space<vmem>>
      %dma_wait3A_344 = tpu.memref_squeeze %dma_wait3A_343 : memref<1x128x16xf32, #tpu.memory_space<vmem>> -> memref<128x16xf32, #tpu.memory_space<vmem>>
      %dma_wait3A_345 = arith.constant 0 : i32
      %dma_wait3A_346 = tpu.memref_slice %arg6[%add3A_338, %dma_wait3A_345] : memref<195x128xi32, #tpu.memory_space<vmem>> -> memref<1x128xi32, #tpu.memory_space<vmem>>
      %dma_wait3A_347 = tpu.memref_squeeze %dma_wait3A_346 : memref<1x128xi32, #tpu.memory_space<vmem>> -> memref<128xi32, #tpu.memory_space<vmem>>
      %dma_wait3A_348 = arith.constant 0 : i32
      %dma_wait3A_349 = arith.constant 0 : i32
      %dma_wait3A_350 = tpu.memref_slice %arg10[%dma_wait3A_348, %dma_wait3A_349] : memref<50000x16xf32, #tpu.memory_space<vmem_shared>> -> memref<50000x16xf32, #tpu.memory_space<vmem_shared>>
      %dma_wait3A_351 = tpu.memref_slice %arg9[%dma_wait3A_340] : memref<5x!tpu.dma_semaphore, #tpu.memory_space<semaphore_mem>> -> memref<1x!tpu.dma_semaphore, #tpu.memory_space<semaphore_mem>>
      %dma_wait3A_352 = tpu.memref_squeeze %dma_wait3A_351 : memref<1x!tpu.dma_semaphore, #tpu.memory_space<semaphore_mem>> -> memref<!tpu.dma_semaphore, #tpu.memory_space<semaphore_mem>>
      tpu.wait_indirect_dma semaphore(%dma_wait3A_352 : memref<!tpu.dma_semaphore, #tpu.memory_space<semaphore_mem>>) src(%dma_wait3A_344 : memref<128x16xf32, #tpu.memory_space<vmem>>) dst(%dma_wait3A_350 : memref<50000x16xf32, #tpu.memory_space<vmem_shared>>)
      %lt3A_353 = arith.constant 38 : i32
      %lt3A_354 = arith.cmpi slt, %add3A_126, %lt3A_353 : i32
      %convert_element_type3A_355 = arith.extui %lt3A_354 : i1 to i32
      %cond3A_356 = arith.constant 0 : i32
      %cond3A_357 = arith.cmpi ne, %convert_element_type3A_355, %cond3A_356 : i32
      scf.if %cond3A_357 {
        %add3A_400 = arith.addi %mul3A_2, %mul3A_128 : i32
        %add3A_401 = arith.constant 5 : i32
        %add3A_402 = arith.addi %add3A_400, %add3A_401 : i32
        %add3A_403 = arith.constant 2 : i32
        %add3A_404 = arith.addi %add3A_402, %add3A_403 : i32
        %mul3A_405 = arith.constant 128 : i32
        %mul3A_406 = arith.muli %add3A_404, %mul3A_405 : i32
        %dma_start3A_407 = arith.constant 2 : i32
        %dma_start3A_408 = arith.constant 2 : i32
        %dma_start3A_409 = arith.constant 0 : i32
        %dma_start3A_410 = arith.constant 0 : i32
        %dma_start3A_411 = tpu.memref_slice %arg7[%dma_start3A_407, %dma_start3A_409, %dma_start3A_410] : memref<5x128x16xf32, #tpu.memory_space<vmem>> -> memref<1x128x16xf32, #tpu.memory_space<vmem>>
        %dma_start3A_412 = tpu.memref_squeeze %dma_start3A_411 : memref<1x128x16xf32, #tpu.memory_space<vmem>> -> memref<128x16xf32, #tpu.memory_space<vmem>>
        %dma_start3A_413 = arith.constant 0 : i32
        %dma_start3A_414 = tpu.memref_slice %arg2[%mul3A_406, %dma_start3A_413] : memref<798720x16xf32, #tpu.memory_space<hbm>> -> memref<128x16xf32, #tpu.memory_space<hbm>>
        %dma_start3A_415 = tpu.memref_slice %arg8[%dma_start3A_408] : memref<5x!tpu.dma_semaphore, #tpu.memory_space<semaphore_mem>> -> memref<1x!tpu.dma_semaphore, #tpu.memory_space<semaphore_mem>>
        %dma_start3A_416 = tpu.memref_squeeze %dma_start3A_415 : memref<1x!tpu.dma_semaphore, #tpu.memory_space<semaphore_mem>> -> memref<!tpu.dma_semaphore, #tpu.memory_space<semaphore_mem>>
        %dma_start3A_417 = arith.constant 0 : i32
        %dma_start3A_418 = arith.constant 0 : i32
        %dma_start3A_419 = tpu.memref_slice %arg7[%dma_start3A_407, %dma_start3A_417, %dma_start3A_418] : memref<5x128x16xf32, #tpu.memory_space<vmem>> -> memref<1x128x16xf32, #tpu.memory_space<vmem>>
        %dma_start3A_420 = tpu.memref_squeeze %dma_start3A_419 : memref<1x128x16xf32, #tpu.memory_space<vmem>> -> memref<128x16xf32, #tpu.memory_space<vmem>>
        %dma_start3A_421 = arith.constant 0 : i32
        %dma_start3A_422 = tpu.memref_slice %arg2[%mul3A_406, %dma_start3A_421] : memref<798720x16xf32, #tpu.memory_space<hbm>> -> memref<128x16xf32, #tpu.memory_space<hbm>>
        tpu.enqueue_dma source(%dma_start3A_422 : memref<128x16xf32, #tpu.memory_space<hbm>>) target(%dma_start3A_420 : memref<128x16xf32, #tpu.memory_space<vmem>>) target_semaphore(%dma_start3A_416 : memref<!tpu.dma_semaphore, #tpu.memory_space<semaphore_mem>>)
      } else {
      }
      %add3A_358 = arith.constant 3 : i32
      %add3A_359 = arith.addi %mul3A_128, %add3A_358 : i32
      %dma_wait3A_360 = arith.constant 3 : i32
      %dma_wait3A_361 = arith.constant 3 : i32
      %dma_wait3A_362 = arith.constant 0 : i32
      %dma_wait3A_363 = arith.constant 0 : i32
      %dma_wait3A_364 = tpu.memref_slice %arg7[%dma_wait3A_360, %dma_wait3A_362, %dma_wait3A_363] : memref<5x128x16xf32, #tpu.memory_space<vmem>> -> memref<1x128x16xf32, #tpu.memory_space<vmem>>
      %dma_wait3A_365 = tpu.memref_squeeze %dma_wait3A_364 : memref<1x128x16xf32, #tpu.memory_space<vmem>> -> memref<128x16xf32, #tpu.memory_space<vmem>>
      %dma_wait3A_366 = arith.constant 0 : i32
      %dma_wait3A_367 = tpu.memref_slice %arg6[%add3A_359, %dma_wait3A_366] : memref<195x128xi32, #tpu.memory_space<vmem>> -> memref<1x128xi32, #tpu.memory_space<vmem>>
      %dma_wait3A_368 = tpu.memref_squeeze %dma_wait3A_367 : memref<1x128xi32, #tpu.memory_space<vmem>> -> memref<128xi32, #tpu.memory_space<vmem>>
      %dma_wait3A_369 = arith.constant 0 : i32
      %dma_wait3A_370 = arith.constant 0 : i32
      %dma_wait3A_371 = tpu.memref_slice %arg10[%dma_wait3A_369, %dma_wait3A_370] : memref<50000x16xf32, #tpu.memory_space<vmem_shared>> -> memref<50000x16xf32, #tpu.memory_space<vmem_shared>>
      %dma_wait3A_372 = tpu.memref_slice %arg9[%dma_wait3A_361] : memref<5x!tpu.dma_semaphore, #tpu.memory_space<semaphore_mem>> -> memref<1x!tpu.dma_semaphore, #tpu.memory_space<semaphore_mem>>
      %dma_wait3A_373 = tpu.memref_squeeze %dma_wait3A_372 : memref<1x!tpu.dma_semaphore, #tpu.memory_space<semaphore_mem>> -> memref<!tpu.dma_semaphore, #tpu.memory_space<semaphore_mem>>
      tpu.wait_indirect_dma semaphore(%dma_wait3A_373 : memref<!tpu.dma_semaphore, #tpu.memory_space<semaphore_mem>>) src(%dma_wait3A_365 : memref<128x16xf32, #tpu.memory_space<vmem>>) dst(%dma_wait3A_371 : memref<50000x16xf32, #tpu.memory_space<vmem_shared>>)
      %lt3A_374 = arith.constant 38 : i32
      %lt3A_375 = arith.cmpi slt, %add3A_126, %lt3A_374 : i32
      %convert_element_type3A_376 = arith.extui %lt3A_375 : i1 to i32
      %cond3A_377 = arith.constant 0 : i32
      %cond3A_378 = arith.cmpi ne, %convert_element_type3A_376, %cond3A_377 : i32
      scf.if %cond3A_378 {
        %add3A_400 = arith.addi %mul3A_2, %mul3A_128 : i32
        %add3A_401 = arith.constant 5 : i32
        %add3A_402 = arith.addi %add3A_400, %add3A_401 : i32
        %add3A_403 = arith.constant 3 : i32
        %add3A_404 = arith.addi %add3A_402, %add3A_403 : i32
        %mul3A_405 = arith.constant 128 : i32
        %mul3A_406 = arith.muli %add3A_404, %mul3A_405 : i32
        %dma_start3A_407 = arith.constant 3 : i32
        %dma_start3A_408 = arith.constant 3 : i32
        %dma_start3A_409 = arith.constant 0 : i32
        %dma_start3A_410 = arith.constant 0 : i32
        %dma_start3A_411 = tpu.memref_slice %arg7[%dma_start3A_407, %dma_start3A_409, %dma_start3A_410] : memref<5x128x16xf32, #tpu.memory_space<vmem>> -> memref<1x128x16xf32, #tpu.memory_space<vmem>>
        %dma_start3A_412 = tpu.memref_squeeze %dma_start3A_411 : memref<1x128x16xf32, #tpu.memory_space<vmem>> -> memref<128x16xf32, #tpu.memory_space<vmem>>
        %dma_start3A_413 = arith.constant 0 : i32
        %dma_start3A_414 = tpu.memref_slice %arg2[%mul3A_406, %dma_start3A_413] : memref<798720x16xf32, #tpu.memory_space<hbm>> -> memref<128x16xf32, #tpu.memory_space<hbm>>
        %dma_start3A_415 = tpu.memref_slice %arg8[%dma_start3A_408] : memref<5x!tpu.dma_semaphore, #tpu.memory_space<semaphore_mem>> -> memref<1x!tpu.dma_semaphore, #tpu.memory_space<semaphore_mem>>
        %dma_start3A_416 = tpu.memref_squeeze %dma_start3A_415 : memref<1x!tpu.dma_semaphore, #tpu.memory_space<semaphore_mem>> -> memref<!tpu.dma_semaphore, #tpu.memory_space<semaphore_mem>>
        %dma_start3A_417 = arith.constant 0 : i32
        %dma_start3A_418 = arith.constant 0 : i32
        %dma_start3A_419 = tpu.memref_slice %arg7[%dma_start3A_407, %dma_start3A_417, %dma_start3A_418] : memref<5x128x16xf32, #tpu.memory_space<vmem>> -> memref<1x128x16xf32, #tpu.memory_space<vmem>>
        %dma_start3A_420 = tpu.memref_squeeze %dma_start3A_419 : memref<1x128x16xf32, #tpu.memory_space<vmem>> -> memref<128x16xf32, #tpu.memory_space<vmem>>
        %dma_start3A_421 = arith.constant 0 : i32
        %dma_start3A_422 = tpu.memref_slice %arg2[%mul3A_406, %dma_start3A_421] : memref<798720x16xf32, #tpu.memory_space<hbm>> -> memref<128x16xf32, #tpu.memory_space<hbm>>
        tpu.enqueue_dma source(%dma_start3A_422 : memref<128x16xf32, #tpu.memory_space<hbm>>) target(%dma_start3A_420 : memref<128x16xf32, #tpu.memory_space<vmem>>) target_semaphore(%dma_start3A_416 : memref<!tpu.dma_semaphore, #tpu.memory_space<semaphore_mem>>)
      } else {
      }
      %add3A_379 = arith.constant 4 : i32
      %add3A_380 = arith.addi %mul3A_128, %add3A_379 : i32
      %dma_wait3A_381 = arith.constant 4 : i32
      %dma_wait3A_382 = arith.constant 4 : i32
      %dma_wait3A_383 = arith.constant 0 : i32
      %dma_wait3A_384 = arith.constant 0 : i32
      %dma_wait3A_385 = tpu.memref_slice %arg7[%dma_wait3A_381, %dma_wait3A_383, %dma_wait3A_384] : memref<5x128x16xf32, #tpu.memory_space<vmem>> -> memref<1x128x16xf32, #tpu.memory_space<vmem>>
      %dma_wait3A_386 = tpu.memref_squeeze %dma_wait3A_385 : memref<1x128x16xf32, #tpu.memory_space<vmem>> -> memref<128x16xf32, #tpu.memory_space<vmem>>
      %dma_wait3A_387 = arith.constant 0 : i32
      %dma_wait3A_388 = tpu.memref_slice %arg6[%add3A_380, %dma_wait3A_387] : memref<195x128xi32, #tpu.memory_space<vmem>> -> memref<1x128xi32, #tpu.memory_space<vmem>>
      %dma_wait3A_389 = tpu.memref_squeeze %dma_wait3A_388 : memref<1x128xi32, #tpu.memory_space<vmem>> -> memref<128xi32, #tpu.memory_space<vmem>>
      %dma_wait3A_390 = arith.constant 0 : i32
      %dma_wait3A_391 = arith.constant 0 : i32
      %dma_wait3A_392 = tpu.memref_slice %arg10[%dma_wait3A_390, %dma_wait3A_391] : memref<50000x16xf32, #tpu.memory_space<vmem_shared>> -> memref<50000x16xf32, #tpu.memory_space<vmem_shared>>
      %dma_wait3A_393 = tpu.memref_slice %arg9[%dma_wait3A_382] : memref<5x!tpu.dma_semaphore, #tpu.memory_space<semaphore_mem>> -> memref<1x!tpu.dma_semaphore, #tpu.memory_space<semaphore_mem>>
      %dma_wait3A_394 = tpu.memref_squeeze %dma_wait3A_393 : memref<1x!tpu.dma_semaphore, #tpu.memory_space<semaphore_mem>> -> memref<!tpu.dma_semaphore, #tpu.memory_space<semaphore_mem>>
      tpu.wait_indirect_dma semaphore(%dma_wait3A_394 : memref<!tpu.dma_semaphore, #tpu.memory_space<semaphore_mem>>) src(%dma_wait3A_386 : memref<128x16xf32, #tpu.memory_space<vmem>>) dst(%dma_wait3A_392 : memref<50000x16xf32, #tpu.memory_space<vmem_shared>>)
      %lt3A_395 = arith.constant 38 : i32
      %lt3A_396 = arith.cmpi slt, %add3A_126, %lt3A_395 : i32
      %convert_element_type3A_397 = arith.extui %lt3A_396 : i1 to i32
      %cond3A_398 = arith.constant 0 : i32
      %cond3A_399 = arith.cmpi ne, %convert_element_type3A_397, %cond3A_398 : i32
      scf.if %cond3A_399 {
        %add3A_400 = arith.addi %mul3A_2, %mul3A_128 : i32
        %add3A_401 = arith.constant 5 : i32
        %add3A_402 = arith.addi %add3A_400, %add3A_401 : i32
        %add3A_403 = arith.constant 4 : i32
        %add3A_404 = arith.addi %add3A_402, %add3A_403 : i32
        %mul3A_405 = arith.constant 128 : i32
        %mul3A_406 = arith.muli %add3A_404, %mul3A_405 : i32
        %dma_start3A_407 = arith.constant 4 : i32
        %dma_start3A_408 = arith.constant 4 : i32
        %dma_start3A_409 = arith.constant 0 : i32
        %dma_start3A_410 = arith.constant 0 : i32
        %dma_start3A_411 = tpu.memref_slice %arg7[%dma_start3A_407, %dma_start3A_409, %dma_start3A_410] : memref<5x128x16xf32, #tpu.memory_space<vmem>> -> memref<1x128x16xf32, #tpu.memory_space<vmem>>
        %dma_start3A_412 = tpu.memref_squeeze %dma_start3A_411 : memref<1x128x16xf32, #tpu.memory_space<vmem>> -> memref<128x16xf32, #tpu.memory_space<vmem>>
        %dma_start3A_413 = arith.constant 0 : i32
        %dma_start3A_414 = tpu.memref_slice %arg2[%mul3A_406, %dma_start3A_413] : memref<798720x16xf32, #tpu.memory_space<hbm>> -> memref<128x16xf32, #tpu.memory_space<hbm>>
        %dma_start3A_415 = tpu.memref_slice %arg8[%dma_start3A_408] : memref<5x!tpu.dma_semaphore, #tpu.memory_space<semaphore_mem>> -> memref<1x!tpu.dma_semaphore, #tpu.memory_space<semaphore_mem>>
        %dma_start3A_416 = tpu.memref_squeeze %dma_start3A_415 : memref<1x!tpu.dma_semaphore, #tpu.memory_space<semaphore_mem>> -> memref<!tpu.dma_semaphore, #tpu.memory_space<semaphore_mem>>
        %dma_start3A_417 = arith.constant 0 : i32
        %dma_start3A_418 = arith.constant 0 : i32
        %dma_start3A_419 = tpu.memref_slice %arg7[%dma_start3A_407, %dma_start3A_417, %dma_start3A_418] : memref<5x128x16xf32, #tpu.memory_space<vmem>> -> memref<1x128x16xf32, #tpu.memory_space<vmem>>
        %dma_start3A_420 = tpu.memref_squeeze %dma_start3A_419 : memref<1x128x16xf32, #tpu.memory_space<vmem>> -> memref<128x16xf32, #tpu.memory_space<vmem>>
        %dma_start3A_421 = arith.constant 0 : i32
        %dma_start3A_422 = tpu.memref_slice %arg2[%mul3A_406, %dma_start3A_421] : memref<798720x16xf32, #tpu.memory_space<hbm>> -> memref<128x16xf32, #tpu.memory_space<hbm>>
        tpu.enqueue_dma source(%dma_start3A_422 : memref<128x16xf32, #tpu.memory_space<hbm>>) target(%dma_start3A_420 : memref<128x16xf32, #tpu.memory_space<vmem>>) target_semaphore(%dma_start3A_416 : memref<!tpu.dma_semaphore, #tpu.memory_space<semaphore_mem>>)
      } else {
      }
    }
    %scan3A_117 = arith.constant 39 : i32
    %barrier3A_118 = arith.constant 0 : index
    tpu.barrier barrier_id(%barrier3A_118)
    %mul3A_119 = arith.constant 50000 : i32
    %mul3A_120 = arith.muli %arg0, %mul3A_119 : i32
    %add3A_121 = arith.addi %mul3A_120, %mul3A_4 : i32
    "tpu.region"() ({
      %run_scoped3A = tpu.sem_alloc : memref<!tpu.dma_semaphore, #tpu.memory_space<semaphore_mem>>
      %dma_start3A_122 = arith.constant 0 : i32
      %dma_start3A_123 = tpu.memref_slice %arg4[%add3A_121, %dma_start3A_122] : memref<100000x16xf32, #tpu.memory_space<hbm>> -> memref<3125x16xf32, #tpu.memory_space<hbm>>
      %dma_start3A_124 = arith.constant 0 : i32
      %dma_start3A_125 = tpu.memref_slice %arg10[%mul3A_4, %dma_start3A_124] : memref<50000x16xf32, #tpu.memory_space<vmem_shared>> -> memref<3125x16xf32, #tpu.memory_space<vmem_shared>>
      tpu.enqueue_dma source(%dma_start3A_125 : memref<3125x16xf32, #tpu.memory_space<vmem_shared>>) target(%dma_start3A_123 : memref<3125x16xf32, #tpu.memory_space<hbm>>) target_semaphore(%run_scoped3A : memref<!tpu.dma_semaphore, #tpu.memory_space<semaphore_mem>>)
      %dma_wait3A = arith.constant 0 : i32
      %dma_wait3A_126 = tpu.memref_slice %arg4[%add3A_121, %dma_wait3A] : memref<100000x16xf32, #tpu.memory_space<hbm>> -> memref<3125x16xf32, #tpu.memory_space<hbm>>
      %dma_wait3A_127 = arith.constant 0 : i32
      %dma_wait3A_128 = tpu.memref_slice %arg10[%mul3A_4, %dma_wait3A_127] : memref<50000x16xf32, #tpu.memory_space<vmem_shared>> -> memref<3125x16xf32, #tpu.memory_space<vmem_shared>>
      tpu.wait_dma2 semaphore(%run_scoped3A : memref<!tpu.dma_semaphore, #tpu.memory_space<semaphore_mem>>) src(%dma_wait3A_128 : memref<3125x16xf32, #tpu.memory_space<vmem_shared>>) dst(%dma_wait3A_126 : memref<3125x16xf32, #tpu.memory_space<hbm>>)
      tpu.yield
    }) : () -> ()
    return
  }
}

#map = affine_map<(d0, d1) -> (0, 0)>
module attributes {stable_mosaic.version = 14 : i64} {
  func.func @k(%arg0: i32, %arg1: i32, %arg2: memref<50000x16xf32, #tpu.memory_space<hbm>>, %arg3: memref<1x798720xi32, #tpu.memory_space<hbm>>, %arg4: memref<798720x16xf32, #tpu.memory_space<hbm>>, %arg5: memref<24960xi32, #tpu.memory_space<vmem>>, %arg6: memref<5x128x16xf32, #tpu.memory_space<vmem>>, %arg7: memref<5x!tpu.dma_semaphore, #tpu.memory_space<semaphore_mem>>, %arg8: memref<5x!tpu.dma_semaphore, #tpu.memory_space<semaphore_mem>>) attributes {dimension_semantics = [#tpu.dimension_semantics<core_parallel>, #tpu.dimension_semantics<subcore_parallel>], iteration_bounds = array<i64: 2, 16>, scalar_prefetch = 0 : i64, scratch_operands = 4 : i64, tpu.core_type = #tpu.core_type<sc_vector_subcore>, window_params = [{transform_indices = #map}, {transform_indices = #map}, {transform_indices = #map}]} {
    %mul3A = arith.constant 16 : i32
    %mul3A_0 = arith.muli %arg0, %mul3A : i32
    %add3A = arith.addi %mul3A_0, %arg1 : i32
    %mul3A_1 = arith.constant 195 : i32
    %mul3A_2 = arith.muli %add3A, %mul3A_1 : i32
    %mul3A_3 = arith.constant 24960 : i32
    %mul3A_4 = arith.muli %add3A, %mul3A_3 : i32
    %run_scoped3A = arith.constant 0 : i32
    "tpu.region"() ({
      %run_scoped3A_73 = tpu.sem_alloc : memref<!tpu.dma_semaphore, #tpu.memory_space<semaphore_mem>>
      %dma_start3A_74 = tpu.memref_slice %arg3[%run_scoped3A, %mul3A_4] : memref<1x798720xi32, #tpu.memory_space<hbm>> -> memref<1x24960xi32, #tpu.memory_space<hbm>>
      %dma_start3A_75 = tpu.memref_squeeze %dma_start3A_74 : memref<1x24960xi32, #tpu.memory_space<hbm>> -> memref<24960xi32, #tpu.memory_space<hbm>>
      %dma_start3A_76 = tpu.memref_slice %arg3[%run_scoped3A, %mul3A_4] : memref<1x798720xi32, #tpu.memory_space<hbm>> -> memref<1x24960xi32, #tpu.memory_space<hbm>>
      %dma_start3A_77 = tpu.memref_squeeze %dma_start3A_76 : memref<1x24960xi32, #tpu.memory_space<hbm>> -> memref<24960xi32, #tpu.memory_space<hbm>>
      tpu.enqueue_dma source(%dma_start3A_77 : memref<24960xi32, #tpu.memory_space<hbm>>) target(%arg5 : memref<24960xi32, #tpu.memory_space<vmem>>) target_semaphore(%run_scoped3A_73 : memref<!tpu.dma_semaphore, #tpu.memory_space<semaphore_mem>>)
      %dma_wait3A = tpu.memref_slice %arg3[%run_scoped3A, %mul3A_4] : memref<1x798720xi32, #tpu.memory_space<hbm>> -> memref<1x24960xi32, #tpu.memory_space<hbm>>
      %dma_wait3A_78 = tpu.memref_squeeze %dma_wait3A : memref<1x24960xi32, #tpu.memory_space<hbm>> -> memref<24960xi32, #tpu.memory_space<hbm>>
      %dma_wait3A_79 = tpu.memref_slice %arg3[%run_scoped3A, %mul3A_4] : memref<1x798720xi32, #tpu.memory_space<hbm>> -> memref<1x24960xi32, #tpu.memory_space<hbm>>
      %dma_wait3A_80 = tpu.memref_squeeze %dma_wait3A_79 : memref<1x24960xi32, #tpu.memory_space<hbm>> -> memref<24960xi32, #tpu.memory_space<hbm>>
      tpu.wait_dma2 semaphore(%run_scoped3A_73 : memref<!tpu.dma_semaphore, #tpu.memory_space<semaphore_mem>>) src(%dma_wait3A_80 : memref<24960xi32, #tpu.memory_space<hbm>>) dst(%arg5 : memref<24960xi32, #tpu.memory_space<vmem>>)
      tpu.yield
    }) : () -> ()
    %dma_start3A = arith.constant 0 : i32
    %dma_start3A_5 = arith.constant 0 : i32
    %dma_start3A_6 = arith.constant 0 : i32
    %dma_start3A_7 = arith.constant 0 : i32
    %dma_start3A_8 = tpu.memref_slice %arg6[%dma_start3A, %dma_start3A_6, %dma_start3A_7] : memref<5x128x16xf32, #tpu.memory_space<vmem>> -> memref<1x128x16xf32, #tpu.memory_space<vmem>>
    %dma_start3A_9 = tpu.memref_squeeze %dma_start3A_8 : memref<1x128x16xf32, #tpu.memory_space<vmem>> -> memref<128x16xf32, #tpu.memory_space<vmem>>
    %dma_start3A_10 = arith.constant 0 : i32
    %dma_start3A_11 = tpu.memref_slice %arg5[%dma_start3A_10] : memref<24960xi32, #tpu.memory_space<vmem>> -> memref<128xi32, #tpu.memory_space<vmem>>
    %dma_start3A_12 = arith.constant 0 : i32
    %dma_start3A_13 = arith.constant 0 : i32
    %dma_start3A_14 = tpu.memref_slice %arg2[%dma_start3A_12, %dma_start3A_13] : memref<50000x16xf32, #tpu.memory_space<hbm>> -> memref<50000x16xf32, #tpu.memory_space<hbm>>
    %dma_start3A_15 = tpu.memref_slice %arg7[%dma_start3A_5] : memref<5x!tpu.dma_semaphore, #tpu.memory_space<semaphore_mem>> -> memref<1x!tpu.dma_semaphore, #tpu.memory_space<semaphore_mem>>
    %dma_start3A_16 = tpu.memref_squeeze %dma_start3A_15 : memref<1x!tpu.dma_semaphore, #tpu.memory_space<semaphore_mem>> -> memref<!tpu.dma_semaphore, #tpu.memory_space<semaphore_mem>>
    tpu.enqueue_indirect_dma source(%dma_start3A_14 : memref<50000x16xf32, #tpu.memory_space<hbm>>) target(%dma_start3A_9 : memref<128x16xf32, #tpu.memory_space<vmem>>) offsets(%dma_start3A_11 : memref<128xi32, #tpu.memory_space<vmem>>) semaphore(%dma_start3A_16 : memref<!tpu.dma_semaphore, #tpu.memory_space<semaphore_mem>>)
    %dma_start3A_17 = arith.constant 1 : i32
    %dma_start3A_18 = arith.constant 1 : i32
    %dma_start3A_19 = arith.constant 0 : i32
    %dma_start3A_20 = arith.constant 0 : i32
    %dma_start3A_21 = tpu.memref_slice %arg6[%dma_start3A_17, %dma_start3A_19, %dma_start3A_20] : memref<5x128x16xf32, #tpu.memory_space<vmem>> -> memref<1x128x16xf32, #tpu.memory_space<vmem>>
    %dma_start3A_22 = tpu.memref_squeeze %dma_start3A_21 : memref<1x128x16xf32, #tpu.memory_space<vmem>> -> memref<128x16xf32, #tpu.memory_space<vmem>>
    %dma_start3A_23 = arith.constant 128 : i32
    %dma_start3A_24 = tpu.memref_slice %arg5[%dma_start3A_23] : memref<24960xi32, #tpu.memory_space<vmem>> -> memref<128xi32, #tpu.memory_space<vmem>>
    %dma_start3A_25 = arith.constant 0 : i32
    %dma_start3A_26 = arith.constant 0 : i32
    %dma_start3A_27 = tpu.memref_slice %arg2[%dma_start3A_25, %dma_start3A_26] : memref<50000x16xf32, #tpu.memory_space<hbm>> -> memref<50000x16xf32, #tpu.memory_space<hbm>>
    %dma_start3A_28 = tpu.memref_slice %arg7[%dma_start3A_18] : memref<5x!tpu.dma_semaphore, #tpu.memory_space<semaphore_mem>> -> memref<1x!tpu.dma_semaphore, #tpu.memory_space<semaphore_mem>>
    %dma_start3A_29 = tpu.memref_squeeze %dma_start3A_28 : memref<1x!tpu.dma_semaphore, #tpu.memory_space<semaphore_mem>> -> memref<!tpu.dma_semaphore, #tpu.memory_space<semaphore_mem>>
    tpu.enqueue_indirect_dma source(%dma_start3A_27 : memref<50000x16xf32, #tpu.memory_space<hbm>>) target(%dma_start3A_22 : memref<128x16xf32, #tpu.memory_space<vmem>>) offsets(%dma_start3A_24 : memref<128xi32, #tpu.memory_space<vmem>>) semaphore(%dma_start3A_29 : memref<!tpu.dma_semaphore, #tpu.memory_space<semaphore_mem>>)
    %dma_start3A_30 = arith.constant 2 : i32
    %dma_start3A_31 = arith.constant 2 : i32
    %dma_start3A_32 = arith.constant 0 : i32
    %dma_start3A_33 = arith.constant 0 : i32
    %dma_start3A_34 = tpu.memref_slice %arg6[%dma_start3A_30, %dma_start3A_32, %dma_start3A_33] : memref<5x128x16xf32, #tpu.memory_space<vmem>> -> memref<1x128x16xf32, #tpu.memory_space<vmem>>
    %dma_start3A_35 = tpu.memref_squeeze %dma_start3A_34 : memref<1x128x16xf32, #tpu.memory_space<vmem>> -> memref<128x16xf32, #tpu.memory_space<vmem>>
    %dma_start3A_36 = arith.constant 256 : i32
    %dma_start3A_37 = tpu.memref_slice %arg5[%dma_start3A_36] : memref<24960xi32, #tpu.memory_space<vmem>> -> memref<128xi32, #tpu.memory_space<vmem>>
    %dma_start3A_38 = arith.constant 0 : i32
    %dma_start3A_39 = arith.constant 0 : i32
    %dma_start3A_40 = tpu.memref_slice %arg2[%dma_start3A_38, %dma_start3A_39] : memref<50000x16xf32, #tpu.memory_space<hbm>> -> memref<50000x16xf32, #tpu.memory_space<hbm>>
    %dma_start3A_41 = tpu.memref_slice %arg7[%dma_start3A_31] : memref<5x!tpu.dma_semaphore, #tpu.memory_space<semaphore_mem>> -> memref<1x!tpu.dma_semaphore, #tpu.memory_space<semaphore_mem>>
    %dma_start3A_42 = tpu.memref_squeeze %dma_start3A_41 : memref<1x!tpu.dma_semaphore, #tpu.memory_space<semaphore_mem>> -> memref<!tpu.dma_semaphore, #tpu.memory_space<semaphore_mem>>
    tpu.enqueue_indirect_dma source(%dma_start3A_40 : memref<50000x16xf32, #tpu.memory_space<hbm>>) target(%dma_start3A_35 : memref<128x16xf32, #tpu.memory_space<vmem>>) offsets(%dma_start3A_37 : memref<128xi32, #tpu.memory_space<vmem>>) semaphore(%dma_start3A_42 : memref<!tpu.dma_semaphore, #tpu.memory_space<semaphore_mem>>)
    %dma_start3A_43 = arith.constant 3 : i32
    %dma_start3A_44 = arith.constant 3 : i32
    %dma_start3A_45 = arith.constant 0 : i32
    %dma_start3A_46 = arith.constant 0 : i32
    %dma_start3A_47 = tpu.memref_slice %arg6[%dma_start3A_43, %dma_start3A_45, %dma_start3A_46] : memref<5x128x16xf32, #tpu.memory_space<vmem>> -> memref<1x128x16xf32, #tpu.memory_space<vmem>>
    %dma_start3A_48 = tpu.memref_squeeze %dma_start3A_47 : memref<1x128x16xf32, #tpu.memory_space<vmem>> -> memref<128x16xf32, #tpu.memory_space<vmem>>
    %dma_start3A_49 = arith.constant 384 : i32
    %dma_start3A_50 = tpu.memref_slice %arg5[%dma_start3A_49] : memref<24960xi32, #tpu.memory_space<vmem>> -> memref<128xi32, #tpu.memory_space<vmem>>
    %dma_start3A_51 = arith.constant 0 : i32
    %dma_start3A_52 = arith.constant 0 : i32
    %dma_start3A_53 = tpu.memref_slice %arg2[%dma_start3A_51, %dma_start3A_52] : memref<50000x16xf32, #tpu.memory_space<hbm>> -> memref<50000x16xf32, #tpu.memory_space<hbm>>
    %dma_start3A_54 = tpu.memref_slice %arg7[%dma_start3A_44] : memref<5x!tpu.dma_semaphore, #tpu.memory_space<semaphore_mem>> -> memref<1x!tpu.dma_semaphore, #tpu.memory_space<semaphore_mem>>
    %dma_start3A_55 = tpu.memref_squeeze %dma_start3A_54 : memref<1x!tpu.dma_semaphore, #tpu.memory_space<semaphore_mem>> -> memref<!tpu.dma_semaphore, #tpu.memory_space<semaphore_mem>>
    tpu.enqueue_indirect_dma source(%dma_start3A_53 : memref<50000x16xf32, #tpu.memory_space<hbm>>) target(%dma_start3A_48 : memref<128x16xf32, #tpu.memory_space<vmem>>) offsets(%dma_start3A_50 : memref<128xi32, #tpu.memory_space<vmem>>) semaphore(%dma_start3A_55 : memref<!tpu.dma_semaphore, #tpu.memory_space<semaphore_mem>>)
    %dma_start3A_56 = arith.constant 4 : i32
    %dma_start3A_57 = arith.constant 4 : i32
    %dma_start3A_58 = arith.constant 0 : i32
    %dma_start3A_59 = arith.constant 0 : i32
    %dma_start3A_60 = tpu.memref_slice %arg6[%dma_start3A_56, %dma_start3A_58, %dma_start3A_59] : memref<5x128x16xf32, #tpu.memory_space<vmem>> -> memref<1x128x16xf32, #tpu.memory_space<vmem>>
    %dma_start3A_61 = tpu.memref_squeeze %dma_start3A_60 : memref<1x128x16xf32, #tpu.memory_space<vmem>> -> memref<128x16xf32, #tpu.memory_space<vmem>>
    %dma_start3A_62 = arith.constant 512 : i32
    %dma_start3A_63 = tpu.memref_slice %arg5[%dma_start3A_62] : memref<24960xi32, #tpu.memory_space<vmem>> -> memref<128xi32, #tpu.memory_space<vmem>>
    %dma_start3A_64 = arith.constant 0 : i32
    %dma_start3A_65 = arith.constant 0 : i32
    %dma_start3A_66 = tpu.memref_slice %arg2[%dma_start3A_64, %dma_start3A_65] : memref<50000x16xf32, #tpu.memory_space<hbm>> -> memref<50000x16xf32, #tpu.memory_space<hbm>>
    %dma_start3A_67 = tpu.memref_slice %arg7[%dma_start3A_57] : memref<5x!tpu.dma_semaphore, #tpu.memory_space<semaphore_mem>> -> memref<1x!tpu.dma_semaphore, #tpu.memory_space<semaphore_mem>>
    %dma_start3A_68 = tpu.memref_squeeze %dma_start3A_67 : memref<1x!tpu.dma_semaphore, #tpu.memory_space<semaphore_mem>> -> memref<!tpu.dma_semaphore, #tpu.memory_space<semaphore_mem>>
    tpu.enqueue_indirect_dma source(%dma_start3A_66 : memref<50000x16xf32, #tpu.memory_space<hbm>>) target(%dma_start3A_61 : memref<128x16xf32, #tpu.memory_space<vmem>>) offsets(%dma_start3A_63 : memref<128xi32, #tpu.memory_space<vmem>>) semaphore(%dma_start3A_68 : memref<!tpu.dma_semaphore, #tpu.memory_space<semaphore_mem>>)
    %scan3A = arith.constant 0 : i32
    %scan3A_69 = arith.constant 39 : i32
    %scan3A_70 = arith.addi %scan3A, %scan3A_69 : i32
    %scan3A_71 = arith.constant 1 : i32
    scf.for %scan3A_73 = %scan3A to %scan3A_70 step %scan3A_71  : i32 {
      %mul3A_74 = arith.constant 1 : i32
      %mul3A_75 = arith.muli %scan3A_73, %mul3A_74 : i32
      %add3A_76 = arith.constant 0 : i32
      %add3A_77 = arith.addi %add3A_76, %mul3A_75 : i32
      %mul3A_78 = arith.constant 5 : i32
      %mul3A_79 = arith.muli %add3A_77, %mul3A_78 : i32
      %add3A_80 = arith.addi %mul3A_2, %mul3A_79 : i32
      %add3A_81 = arith.constant 0 : i32
      %add3A_82 = arith.addi %add3A_80, %add3A_81 : i32
      %mul3A_83 = arith.constant 128 : i32
      %mul3A_84 = arith.muli %add3A_82, %mul3A_83 : i32
      %dma_wait3A = arith.constant 0 : i32
      %dma_wait3A_85 = arith.constant 0 : i32
      %dma_wait3A_86 = arith.constant 0 : i32
      %dma_wait3A_87 = arith.constant 0 : i32
      %dma_wait3A_88 = tpu.memref_slice %arg6[%dma_wait3A, %dma_wait3A_86, %dma_wait3A_87] : memref<5x128x16xf32, #tpu.memory_space<vmem>> -> memref<1x128x16xf32, #tpu.memory_space<vmem>>
      %dma_wait3A_89 = tpu.memref_squeeze %dma_wait3A_88 : memref<1x128x16xf32, #tpu.memory_space<vmem>> -> memref<128x16xf32, #tpu.memory_space<vmem>>
      %dma_wait3A_90 = arith.constant 0 : i32
      %dma_wait3A_91 = tpu.memref_slice %arg5[%dma_wait3A_90] : memref<24960xi32, #tpu.memory_space<vmem>> -> memref<128xi32, #tpu.memory_space<vmem>>
      %dma_wait3A_92 = arith.constant 0 : i32
      %dma_wait3A_93 = arith.constant 0 : i32
      %dma_wait3A_94 = tpu.memref_slice %arg2[%dma_wait3A_92, %dma_wait3A_93] : memref<50000x16xf32, #tpu.memory_space<hbm>> -> memref<50000x16xf32, #tpu.memory_space<hbm>>
      %dma_wait3A_95 = tpu.memref_slice %arg7[%dma_wait3A_85] : memref<5x!tpu.dma_semaphore, #tpu.memory_space<semaphore_mem>> -> memref<1x!tpu.dma_semaphore, #tpu.memory_space<semaphore_mem>>
      %dma_wait3A_96 = tpu.memref_squeeze %dma_wait3A_95 : memref<1x!tpu.dma_semaphore, #tpu.memory_space<semaphore_mem>> -> memref<!tpu.dma_semaphore, #tpu.memory_space<semaphore_mem>>
      tpu.wait_indirect_dma semaphore(%dma_wait3A_96 : memref<!tpu.dma_semaphore, #tpu.memory_space<semaphore_mem>>) src(%dma_wait3A_94 : memref<50000x16xf32, #tpu.memory_space<hbm>>) dst(%dma_wait3A_89 : memref<128x16xf32, #tpu.memory_space<vmem>>)
      %dma_start3A_97 = arith.constant 0 : i32
      %dma_start3A_98 = arith.constant 0 : i32
      %dma_start3A_99 = arith.constant 0 : i32
      %dma_start3A_100 = arith.constant 0 : i32
      %dma_start3A_101 = tpu.memref_slice %arg6[%dma_start3A_97, %dma_start3A_99, %dma_start3A_100] : memref<5x128x16xf32, #tpu.memory_space<vmem>> -> memref<1x128x16xf32, #tpu.memory_space<vmem>>
      %dma_start3A_102 = tpu.memref_squeeze %dma_start3A_101 : memref<1x128x16xf32, #tpu.memory_space<vmem>> -> memref<128x16xf32, #tpu.memory_space<vmem>>
      %dma_start3A_103 = arith.constant 0 : i32
      %dma_start3A_104 = tpu.memref_slice %arg4[%mul3A_84, %dma_start3A_103] : memref<798720x16xf32, #tpu.memory_space<hbm>> -> memref<128x16xf32, #tpu.memory_space<hbm>>
      %dma_start3A_105 = tpu.memref_slice %arg8[%dma_start3A_98] : memref<5x!tpu.dma_semaphore, #tpu.memory_space<semaphore_mem>> -> memref<1x!tpu.dma_semaphore, #tpu.memory_space<semaphore_mem>>
      %dma_start3A_106 = tpu.memref_squeeze %dma_start3A_105 : memref<1x!tpu.dma_semaphore, #tpu.memory_space<semaphore_mem>> -> memref<!tpu.dma_semaphore, #tpu.memory_space<semaphore_mem>>
      %dma_start3A_107 = arith.constant 0 : i32
      %dma_start3A_108 = tpu.memref_slice %arg4[%mul3A_84, %dma_start3A_107] : memref<798720x16xf32, #tpu.memory_space<hbm>> -> memref<128x16xf32, #tpu.memory_space<hbm>>
      %dma_start3A_109 = arith.constant 0 : i32
      %dma_start3A_110 = arith.constant 0 : i32
      %dma_start3A_111 = tpu.memref_slice %arg6[%dma_start3A_97, %dma_start3A_109, %dma_start3A_110] : memref<5x128x16xf32, #tpu.memory_space<vmem>> -> memref<1x128x16xf32, #tpu.memory_space<vmem>>
      %dma_start3A_112 = tpu.memref_squeeze %dma_start3A_111 : memref<1x128x16xf32, #tpu.memory_space<vmem>> -> memref<128x16xf32, #tpu.memory_space<vmem>>
      tpu.enqueue_dma source(%dma_start3A_112 : memref<128x16xf32, #tpu.memory_space<vmem>>) target(%dma_start3A_108 : memref<128x16xf32, #tpu.memory_space<hbm>>) target_semaphore(%dma_start3A_106 : memref<!tpu.dma_semaphore, #tpu.memory_space<semaphore_mem>>)
      %add3A_113 = arith.addi %mul3A_2, %mul3A_79 : i32
      %add3A_114 = arith.constant 1 : i32
      %add3A_115 = arith.addi %add3A_113, %add3A_114 : i32
      %mul3A_116 = arith.constant 128 : i32
      %mul3A_117 = arith.muli %add3A_115, %mul3A_116 : i32
      %dma_wait3A_118 = arith.constant 1 : i32
      %dma_wait3A_119 = arith.constant 1 : i32
      %dma_wait3A_120 = arith.constant 0 : i32
      %dma_wait3A_121 = arith.constant 0 : i32
      %dma_wait3A_122 = tpu.memref_slice %arg6[%dma_wait3A_118, %dma_wait3A_120, %dma_wait3A_121] : memref<5x128x16xf32, #tpu.memory_space<vmem>> -> memref<1x128x16xf32, #tpu.memory_space<vmem>>
      %dma_wait3A_123 = tpu.memref_squeeze %dma_wait3A_122 : memref<1x128x16xf32, #tpu.memory_space<vmem>> -> memref<128x16xf32, #tpu.memory_space<vmem>>
      %dma_wait3A_124 = arith.constant 128 : i32
      %dma_wait3A_125 = tpu.memref_slice %arg5[%dma_wait3A_124] : memref<24960xi32, #tpu.memory_space<vmem>> -> memref<128xi32, #tpu.memory_space<vmem>>
      %dma_wait3A_126 = arith.constant 0 : i32
      %dma_wait3A_127 = arith.constant 0 : i32
      %dma_wait3A_128 = tpu.memref_slice %arg2[%dma_wait3A_126, %dma_wait3A_127] : memref<50000x16xf32, #tpu.memory_space<hbm>> -> memref<50000x16xf32, #tpu.memory_space<hbm>>
      %dma_wait3A_129 = tpu.memref_slice %arg7[%dma_wait3A_119] : memref<5x!tpu.dma_semaphore, #tpu.memory_space<semaphore_mem>> -> memref<1x!tpu.dma_semaphore, #tpu.memory_space<semaphore_mem>>
      %dma_wait3A_130 = tpu.memref_squeeze %dma_wait3A_129 : memref<1x!tpu.dma_semaphore, #tpu.memory_space<semaphore_mem>> -> memref<!tpu.dma_semaphore, #tpu.memory_space<semaphore_mem>>
      tpu.wait_indirect_dma semaphore(%dma_wait3A_130 : memref<!tpu.dma_semaphore, #tpu.memory_space<semaphore_mem>>) src(%dma_wait3A_128 : memref<50000x16xf32, #tpu.memory_space<hbm>>) dst(%dma_wait3A_123 : memref<128x16xf32, #tpu.memory_space<vmem>>)
      %dma_start3A_131 = arith.constant 1 : i32
      %dma_start3A_132 = arith.constant 1 : i32
      %dma_start3A_133 = arith.constant 0 : i32
      %dma_start3A_134 = arith.constant 0 : i32
      %dma_start3A_135 = tpu.memref_slice %arg6[%dma_start3A_131, %dma_start3A_133, %dma_start3A_134] : memref<5x128x16xf32, #tpu.memory_space<vmem>> -> memref<1x128x16xf32, #tpu.memory_space<vmem>>
      %dma_start3A_136 = tpu.memref_squeeze %dma_start3A_135 : memref<1x128x16xf32, #tpu.memory_space<vmem>> -> memref<128x16xf32, #tpu.memory_space<vmem>>
      %dma_start3A_137 = arith.constant 0 : i32
      %dma_start3A_138 = tpu.memref_slice %arg4[%mul3A_117, %dma_start3A_137] : memref<798720x16xf32, #tpu.memory_space<hbm>> -> memref<128x16xf32, #tpu.memory_space<hbm>>
      %dma_start3A_139 = tpu.memref_slice %arg8[%dma_start3A_132] : memref<5x!tpu.dma_semaphore, #tpu.memory_space<semaphore_mem>> -> memref<1x!tpu.dma_semaphore, #tpu.memory_space<semaphore_mem>>
      %dma_start3A_140 = tpu.memref_squeeze %dma_start3A_139 : memref<1x!tpu.dma_semaphore, #tpu.memory_space<semaphore_mem>> -> memref<!tpu.dma_semaphore, #tpu.memory_space<semaphore_mem>>
      %dma_start3A_141 = arith.constant 0 : i32
      %dma_start3A_142 = tpu.memref_slice %arg4[%mul3A_117, %dma_start3A_141] : memref<798720x16xf32, #tpu.memory_space<hbm>> -> memref<128x16xf32, #tpu.memory_space<hbm>>
      %dma_start3A_143 = arith.constant 0 : i32
      %dma_start3A_144 = arith.constant 0 : i32
      %dma_start3A_145 = tpu.memref_slice %arg6[%dma_start3A_131, %dma_start3A_143, %dma_start3A_144] : memref<5x128x16xf32, #tpu.memory_space<vmem>> -> memref<1x128x16xf32, #tpu.memory_space<vmem>>
      %dma_start3A_146 = tpu.memref_squeeze %dma_start3A_145 : memref<1x128x16xf32, #tpu.memory_space<vmem>> -> memref<128x16xf32, #tpu.memory_space<vmem>>
      tpu.enqueue_dma source(%dma_start3A_146 : memref<128x16xf32, #tpu.memory_space<vmem>>) target(%dma_start3A_142 : memref<128x16xf32, #tpu.memory_space<hbm>>) target_semaphore(%dma_start3A_140 : memref<!tpu.dma_semaphore, #tpu.memory_space<semaphore_mem>>)
      %add3A_147 = arith.addi %mul3A_2, %mul3A_79 : i32
      %add3A_148 = arith.constant 2 : i32
      %add3A_149 = arith.addi %add3A_147, %add3A_148 : i32
      %mul3A_150 = arith.constant 128 : i32
      %mul3A_151 = arith.muli %add3A_149, %mul3A_150 : i32
      %dma_wait3A_152 = arith.constant 2 : i32
      %dma_wait3A_153 = arith.constant 2 : i32
      %dma_wait3A_154 = arith.constant 0 : i32
      %dma_wait3A_155 = arith.constant 0 : i32
      %dma_wait3A_156 = tpu.memref_slice %arg6[%dma_wait3A_152, %dma_wait3A_154, %dma_wait3A_155] : memref<5x128x16xf32, #tpu.memory_space<vmem>> -> memref<1x128x16xf32, #tpu.memory_space<vmem>>
      %dma_wait3A_157 = tpu.memref_squeeze %dma_wait3A_156 : memref<1x128x16xf32, #tpu.memory_space<vmem>> -> memref<128x16xf32, #tpu.memory_space<vmem>>
      %dma_wait3A_158 = arith.constant 256 : i32
      %dma_wait3A_159 = tpu.memref_slice %arg5[%dma_wait3A_158] : memref<24960xi32, #tpu.memory_space<vmem>> -> memref<128xi32, #tpu.memory_space<vmem>>
      %dma_wait3A_160 = arith.constant 0 : i32
      %dma_wait3A_161 = arith.constant 0 : i32
      %dma_wait3A_162 = tpu.memref_slice %arg2[%dma_wait3A_160, %dma_wait3A_161] : memref<50000x16xf32, #tpu.memory_space<hbm>> -> memref<50000x16xf32, #tpu.memory_space<hbm>>
      %dma_wait3A_163 = tpu.memref_slice %arg7[%dma_wait3A_153] : memref<5x!tpu.dma_semaphore, #tpu.memory_space<semaphore_mem>> -> memref<1x!tpu.dma_semaphore, #tpu.memory_space<semaphore_mem>>
      %dma_wait3A_164 = tpu.memref_squeeze %dma_wait3A_163 : memref<1x!tpu.dma_semaphore, #tpu.memory_space<semaphore_mem>> -> memref<!tpu.dma_semaphore, #tpu.memory_space<semaphore_mem>>
      tpu.wait_indirect_dma semaphore(%dma_wait3A_164 : memref<!tpu.dma_semaphore, #tpu.memory_space<semaphore_mem>>) src(%dma_wait3A_162 : memref<50000x16xf32, #tpu.memory_space<hbm>>) dst(%dma_wait3A_157 : memref<128x16xf32, #tpu.memory_space<vmem>>)
      %dma_start3A_165 = arith.constant 2 : i32
      %dma_start3A_166 = arith.constant 2 : i32
      %dma_start3A_167 = arith.constant 0 : i32
      %dma_start3A_168 = arith.constant 0 : i32
      %dma_start3A_169 = tpu.memref_slice %arg6[%dma_start3A_165, %dma_start3A_167, %dma_start3A_168] : memref<5x128x16xf32, #tpu.memory_space<vmem>> -> memref<1x128x16xf32, #tpu.memory_space<vmem>>
      %dma_start3A_170 = tpu.memref_squeeze %dma_start3A_169 : memref<1x128x16xf32, #tpu.memory_space<vmem>> -> memref<128x16xf32, #tpu.memory_space<vmem>>
      %dma_start3A_171 = arith.constant 0 : i32
      %dma_start3A_172 = tpu.memref_slice %arg4[%mul3A_151, %dma_start3A_171] : memref<798720x16xf32, #tpu.memory_space<hbm>> -> memref<128x16xf32, #tpu.memory_space<hbm>>
      %dma_start3A_173 = tpu.memref_slice %arg8[%dma_start3A_166] : memref<5x!tpu.dma_semaphore, #tpu.memory_space<semaphore_mem>> -> memref<1x!tpu.dma_semaphore, #tpu.memory_space<semaphore_mem>>
      %dma_start3A_174 = tpu.memref_squeeze %dma_start3A_173 : memref<1x!tpu.dma_semaphore, #tpu.memory_space<semaphore_mem>> -> memref<!tpu.dma_semaphore, #tpu.memory_space<semaphore_mem>>
      %dma_start3A_175 = arith.constant 0 : i32
      %dma_start3A_176 = tpu.memref_slice %arg4[%mul3A_151, %dma_start3A_175] : memref<798720x16xf32, #tpu.memory_space<hbm>> -> memref<128x16xf32, #tpu.memory_space<hbm>>
      %dma_start3A_177 = arith.constant 0 : i32
      %dma_start3A_178 = arith.constant 0 : i32
      %dma_start3A_179 = tpu.memref_slice %arg6[%dma_start3A_165, %dma_start3A_177, %dma_start3A_178] : memref<5x128x16xf32, #tpu.memory_space<vmem>> -> memref<1x128x16xf32, #tpu.memory_space<vmem>>
      %dma_start3A_180 = tpu.memref_squeeze %dma_start3A_179 : memref<1x128x16xf32, #tpu.memory_space<vmem>> -> memref<128x16xf32, #tpu.memory_space<vmem>>
      tpu.enqueue_dma source(%dma_start3A_180 : memref<128x16xf32, #tpu.memory_space<vmem>>) target(%dma_start3A_176 : memref<128x16xf32, #tpu.memory_space<hbm>>) target_semaphore(%dma_start3A_174 : memref<!tpu.dma_semaphore, #tpu.memory_space<semaphore_mem>>)
      %add3A_181 = arith.addi %mul3A_2, %mul3A_79 : i32
      %add3A_182 = arith.constant 3 : i32
      %add3A_183 = arith.addi %add3A_181, %add3A_182 : i32
      %mul3A_184 = arith.constant 128 : i32
      %mul3A_185 = arith.muli %add3A_183, %mul3A_184 : i32
      %dma_wait3A_186 = arith.constant 3 : i32
      %dma_wait3A_187 = arith.constant 3 : i32
      %dma_wait3A_188 = arith.constant 0 : i32
      %dma_wait3A_189 = arith.constant 0 : i32
      %dma_wait3A_190 = tpu.memref_slice %arg6[%dma_wait3A_186, %dma_wait3A_188, %dma_wait3A_189] : memref<5x128x16xf32, #tpu.memory_space<vmem>> -> memref<1x128x16xf32, #tpu.memory_space<vmem>>
      %dma_wait3A_191 = tpu.memref_squeeze %dma_wait3A_190 : memref<1x128x16xf32, #tpu.memory_space<vmem>> -> memref<128x16xf32, #tpu.memory_space<vmem>>
      %dma_wait3A_192 = arith.constant 384 : i32
      %dma_wait3A_193 = tpu.memref_slice %arg5[%dma_wait3A_192] : memref<24960xi32, #tpu.memory_space<vmem>> -> memref<128xi32, #tpu.memory_space<vmem>>
      %dma_wait3A_194 = arith.constant 0 : i32
      %dma_wait3A_195 = arith.constant 0 : i32
      %dma_wait3A_196 = tpu.memref_slice %arg2[%dma_wait3A_194, %dma_wait3A_195] : memref<50000x16xf32, #tpu.memory_space<hbm>> -> memref<50000x16xf32, #tpu.memory_space<hbm>>
      %dma_wait3A_197 = tpu.memref_slice %arg7[%dma_wait3A_187] : memref<5x!tpu.dma_semaphore, #tpu.memory_space<semaphore_mem>> -> memref<1x!tpu.dma_semaphore, #tpu.memory_space<semaphore_mem>>
      %dma_wait3A_198 = tpu.memref_squeeze %dma_wait3A_197 : memref<1x!tpu.dma_semaphore, #tpu.memory_space<semaphore_mem>> -> memref<!tpu.dma_semaphore, #tpu.memory_space<semaphore_mem>>
      tpu.wait_indirect_dma semaphore(%dma_wait3A_198 : memref<!tpu.dma_semaphore, #tpu.memory_space<semaphore_mem>>) src(%dma_wait3A_196 : memref<50000x16xf32, #tpu.memory_space<hbm>>) dst(%dma_wait3A_191 : memref<128x16xf32, #tpu.memory_space<vmem>>)
      %dma_start3A_199 = arith.constant 3 : i32
      %dma_start3A_200 = arith.constant 3 : i32
      %dma_start3A_201 = arith.constant 0 : i32
      %dma_start3A_202 = arith.constant 0 : i32
      %dma_start3A_203 = tpu.memref_slice %arg6[%dma_start3A_199, %dma_start3A_201, %dma_start3A_202] : memref<5x128x16xf32, #tpu.memory_space<vmem>> -> memref<1x128x16xf32, #tpu.memory_space<vmem>>
      %dma_start3A_204 = tpu.memref_squeeze %dma_start3A_203 : memref<1x128x16xf32, #tpu.memory_space<vmem>> -> memref<128x16xf32, #tpu.memory_space<vmem>>
      %dma_start3A_205 = arith.constant 0 : i32
      %dma_start3A_206 = tpu.memref_slice %arg4[%mul3A_185, %dma_start3A_205] : memref<798720x16xf32, #tpu.memory_space<hbm>> -> memref<128x16xf32, #tpu.memory_space<hbm>>
      %dma_start3A_207 = tpu.memref_slice %arg8[%dma_start3A_200] : memref<5x!tpu.dma_semaphore, #tpu.memory_space<semaphore_mem>> -> memref<1x!tpu.dma_semaphore, #tpu.memory_space<semaphore_mem>>
      %dma_start3A_208 = tpu.memref_squeeze %dma_start3A_207 : memref<1x!tpu.dma_semaphore, #tpu.memory_space<semaphore_mem>> -> memref<!tpu.dma_semaphore, #tpu.memory_space<semaphore_mem>>
      %dma_start3A_209 = arith.constant 0 : i32
      %dma_start3A_210 = tpu.memref_slice %arg4[%mul3A_185, %dma_start3A_209] : memref<798720x16xf32, #tpu.memory_space<hbm>> -> memref<128x16xf32, #tpu.memory_space<hbm>>
      %dma_start3A_211 = arith.constant 0 : i32
      %dma_start3A_212 = arith.constant 0 : i32
      %dma_start3A_213 = tpu.memref_slice %arg6[%dma_start3A_199, %dma_start3A_211, %dma_start3A_212] : memref<5x128x16xf32, #tpu.memory_space<vmem>> -> memref<1x128x16xf32, #tpu.memory_space<vmem>>
      %dma_start3A_214 = tpu.memref_squeeze %dma_start3A_213 : memref<1x128x16xf32, #tpu.memory_space<vmem>> -> memref<128x16xf32, #tpu.memory_space<vmem>>
      tpu.enqueue_dma source(%dma_start3A_214 : memref<128x16xf32, #tpu.memory_space<vmem>>) target(%dma_start3A_210 : memref<128x16xf32, #tpu.memory_space<hbm>>) target_semaphore(%dma_start3A_208 : memref<!tpu.dma_semaphore, #tpu.memory_space<semaphore_mem>>)
      %add3A_215 = arith.addi %mul3A_2, %mul3A_79 : i32
      %add3A_216 = arith.constant 4 : i32
      %add3A_217 = arith.addi %add3A_215, %add3A_216 : i32
      %mul3A_218 = arith.constant 128 : i32
      %mul3A_219 = arith.muli %add3A_217, %mul3A_218 : i32
      %dma_wait3A_220 = arith.constant 4 : i32
      %dma_wait3A_221 = arith.constant 4 : i32
      %dma_wait3A_222 = arith.constant 0 : i32
      %dma_wait3A_223 = arith.constant 0 : i32
      %dma_wait3A_224 = tpu.memref_slice %arg6[%dma_wait3A_220, %dma_wait3A_222, %dma_wait3A_223] : memref<5x128x16xf32, #tpu.memory_space<vmem>> -> memref<1x128x16xf32, #tpu.memory_space<vmem>>
      %dma_wait3A_225 = tpu.memref_squeeze %dma_wait3A_224 : memref<1x128x16xf32, #tpu.memory_space<vmem>> -> memref<128x16xf32, #tpu.memory_space<vmem>>
      %dma_wait3A_226 = arith.constant 512 : i32
      %dma_wait3A_227 = tpu.memref_slice %arg5[%dma_wait3A_226] : memref<24960xi32, #tpu.memory_space<vmem>> -> memref<128xi32, #tpu.memory_space<vmem>>
      %dma_wait3A_228 = arith.constant 0 : i32
      %dma_wait3A_229 = arith.constant 0 : i32
      %dma_wait3A_230 = tpu.memref_slice %arg2[%dma_wait3A_228, %dma_wait3A_229] : memref<50000x16xf32, #tpu.memory_space<hbm>> -> memref<50000x16xf32, #tpu.memory_space<hbm>>
      %dma_wait3A_231 = tpu.memref_slice %arg7[%dma_wait3A_221] : memref<5x!tpu.dma_semaphore, #tpu.memory_space<semaphore_mem>> -> memref<1x!tpu.dma_semaphore, #tpu.memory_space<semaphore_mem>>
      %dma_wait3A_232 = tpu.memref_squeeze %dma_wait3A_231 : memref<1x!tpu.dma_semaphore, #tpu.memory_space<semaphore_mem>> -> memref<!tpu.dma_semaphore, #tpu.memory_space<semaphore_mem>>
      tpu.wait_indirect_dma semaphore(%dma_wait3A_232 : memref<!tpu.dma_semaphore, #tpu.memory_space<semaphore_mem>>) src(%dma_wait3A_230 : memref<50000x16xf32, #tpu.memory_space<hbm>>) dst(%dma_wait3A_225 : memref<128x16xf32, #tpu.memory_space<vmem>>)
      %dma_start3A_233 = arith.constant 4 : i32
      %dma_start3A_234 = arith.constant 4 : i32
      %dma_start3A_235 = arith.constant 0 : i32
      %dma_start3A_236 = arith.constant 0 : i32
      %dma_start3A_237 = tpu.memref_slice %arg6[%dma_start3A_233, %dma_start3A_235, %dma_start3A_236] : memref<5x128x16xf32, #tpu.memory_space<vmem>> -> memref<1x128x16xf32, #tpu.memory_space<vmem>>
      %dma_start3A_238 = tpu.memref_squeeze %dma_start3A_237 : memref<1x128x16xf32, #tpu.memory_space<vmem>> -> memref<128x16xf32, #tpu.memory_space<vmem>>
      %dma_start3A_239 = arith.constant 0 : i32
      %dma_start3A_240 = tpu.memref_slice %arg4[%mul3A_219, %dma_start3A_239] : memref<798720x16xf32, #tpu.memory_space<hbm>> -> memref<128x16xf32, #tpu.memory_space<hbm>>
      %dma_start3A_241 = tpu.memref_slice %arg8[%dma_start3A_234] : memref<5x!tpu.dma_semaphore, #tpu.memory_space<semaphore_mem>> -> memref<1x!tpu.dma_semaphore, #tpu.memory_space<semaphore_mem>>
      %dma_start3A_242 = tpu.memref_squeeze %dma_start3A_241 : memref<1x!tpu.dma_semaphore, #tpu.memory_space<semaphore_mem>> -> memref<!tpu.dma_semaphore, #tpu.memory_space<semaphore_mem>>
      %dma_start3A_243 = arith.constant 0 : i32
      %dma_start3A_244 = tpu.memref_slice %arg4[%mul3A_219, %dma_start3A_243] : memref<798720x16xf32, #tpu.memory_space<hbm>> -> memref<128x16xf32, #tpu.memory_space<hbm>>
      %dma_start3A_245 = arith.constant 0 : i32
      %dma_start3A_246 = arith.constant 0 : i32
      %dma_start3A_247 = tpu.memref_slice %arg6[%dma_start3A_233, %dma_start3A_245, %dma_start3A_246] : memref<5x128x16xf32, #tpu.memory_space<vmem>> -> memref<1x128x16xf32, #tpu.memory_space<vmem>>
      %dma_start3A_248 = tpu.memref_squeeze %dma_start3A_247 : memref<1x128x16xf32, #tpu.memory_space<vmem>> -> memref<128x16xf32, #tpu.memory_space<vmem>>
      tpu.enqueue_dma source(%dma_start3A_248 : memref<128x16xf32, #tpu.memory_space<vmem>>) target(%dma_start3A_244 : memref<128x16xf32, #tpu.memory_space<hbm>>) target_semaphore(%dma_start3A_242 : memref<!tpu.dma_semaphore, #tpu.memory_space<semaphore_mem>>)
      %dma_wait3A_249 = arith.constant 0 : i32
      %dma_wait3A_250 = arith.constant 0 : i32
      %dma_wait3A_251 = arith.constant 0 : i32
      %dma_wait3A_252 = arith.constant 0 : i32
      %dma_wait3A_253 = tpu.memref_slice %arg6[%dma_wait3A_249, %dma_wait3A_251, %dma_wait3A_252] : memref<5x128x16xf32, #tpu.memory_space<vmem>> -> memref<1x128x16xf32, #tpu.memory_space<vmem>>
      %dma_wait3A_254 = tpu.memref_squeeze %dma_wait3A_253 : memref<1x128x16xf32, #tpu.memory_space<vmem>> -> memref<128x16xf32, #tpu.memory_space<vmem>>
      %dma_wait3A_255 = arith.constant 0 : i32
      %dma_wait3A_256 = arith.constant 0 : i32
      %dma_wait3A_257 = tpu.memref_slice %arg2[%dma_wait3A_255, %dma_wait3A_256] : memref<50000x16xf32, #tpu.memory_space<hbm>> -> memref<128x16xf32, #tpu.memory_space<hbm>>
      %dma_wait3A_258 = tpu.memref_slice %arg8[%dma_wait3A_250] : memref<5x!tpu.dma_semaphore, #tpu.memory_space<semaphore_mem>> -> memref<1x!tpu.dma_semaphore, #tpu.memory_space<semaphore_mem>>
      %dma_wait3A_259 = tpu.memref_squeeze %dma_wait3A_258 : memref<1x!tpu.dma_semaphore, #tpu.memory_space<semaphore_mem>> -> memref<!tpu.dma_semaphore, #tpu.memory_space<semaphore_mem>>
      %dma_wait3A_260 = arith.constant 0 : i32
      %dma_wait3A_261 = arith.constant 0 : i32
      %dma_wait3A_262 = tpu.memref_slice %arg6[%dma_wait3A_249, %dma_wait3A_260, %dma_wait3A_261] : memref<5x128x16xf32, #tpu.memory_space<vmem>> -> memref<1x128x16xf32, #tpu.memory_space<vmem>>
      %dma_wait3A_263 = tpu.memref_squeeze %dma_wait3A_262 : memref<1x128x16xf32, #tpu.memory_space<vmem>> -> memref<128x16xf32, #tpu.memory_space<vmem>>
      %dma_wait3A_264 = arith.constant 0 : i32
      %dma_wait3A_265 = arith.constant 0 : i32
      %dma_wait3A_266 = tpu.memref_slice %arg2[%dma_wait3A_264, %dma_wait3A_265] : memref<50000x16xf32, #tpu.memory_space<hbm>> -> memref<128x16xf32, #tpu.memory_space<hbm>>
      tpu.wait_dma2 semaphore(%dma_wait3A_259 : memref<!tpu.dma_semaphore, #tpu.memory_space<semaphore_mem>>) src(%dma_wait3A_266 : memref<128x16xf32, #tpu.memory_space<hbm>>) dst(%dma_wait3A_263 : memref<128x16xf32, #tpu.memory_space<vmem>>)
      %lt3A = arith.constant 38 : i32
      %lt3A_267 = arith.cmpi slt, %add3A_77, %lt3A : i32
      %convert_element_type3A = arith.extui %lt3A_267 : i1 to i32
      %cond3A = arith.constant 0 : i32
      %cond3A_268 = arith.cmpi ne, %convert_element_type3A, %cond3A : i32
      scf.if %cond3A_268 {
        %add3A_361 = arith.constant 5 : i32
        %add3A_362 = arith.addi %mul3A_79, %add3A_361 : i32
        %add3A_363 = arith.constant 0 : i32
        %add3A_364 = arith.addi %add3A_362, %add3A_363 : i32
        %mul3A_365 = arith.constant 128 : i32
        %mul3A_366 = arith.muli %add3A_364, %mul3A_365 : i32
        %dma_start3A_367 = arith.constant 0 : i32
        %dma_start3A_368 = arith.constant 0 : i32
        %dma_start3A_369 = arith.constant 0 : i32
        %dma_start3A_370 = arith.constant 0 : i32
        %dma_start3A_371 = tpu.memref_slice %arg6[%dma_start3A_367, %dma_start3A_369, %dma_start3A_370] : memref<5x128x16xf32, #tpu.memory_space<vmem>> -> memref<1x128x16xf32, #tpu.memory_space<vmem>>
        %dma_start3A_372 = tpu.memref_squeeze %dma_start3A_371 : memref<1x128x16xf32, #tpu.memory_space<vmem>> -> memref<128x16xf32, #tpu.memory_space<vmem>>
        %dma_start3A_373 = tpu.memref_slice %arg5[%mul3A_366] : memref<24960xi32, #tpu.memory_space<vmem>> -> memref<128xi32, #tpu.memory_space<vmem>>
        %dma_start3A_374 = arith.constant 0 : i32
        %dma_start3A_375 = arith.constant 0 : i32
        %dma_start3A_376 = tpu.memref_slice %arg2[%dma_start3A_374, %dma_start3A_375] : memref<50000x16xf32, #tpu.memory_space<hbm>> -> memref<50000x16xf32, #tpu.memory_space<hbm>>
        %dma_start3A_377 = tpu.memref_slice %arg7[%dma_start3A_368] : memref<5x!tpu.dma_semaphore, #tpu.memory_space<semaphore_mem>> -> memref<1x!tpu.dma_semaphore, #tpu.memory_space<semaphore_mem>>
        %dma_start3A_378 = tpu.memref_squeeze %dma_start3A_377 : memref<1x!tpu.dma_semaphore, #tpu.memory_space<semaphore_mem>> -> memref<!tpu.dma_semaphore, #tpu.memory_space<semaphore_mem>>
        tpu.enqueue_indirect_dma source(%dma_start3A_376 : memref<50000x16xf32, #tpu.memory_space<hbm>>) target(%dma_start3A_372 : memref<128x16xf32, #tpu.memory_space<vmem>>) offsets(%dma_start3A_373 : memref<128xi32, #tpu.memory_space<vmem>>) semaphore(%dma_start3A_378 : memref<!tpu.dma_semaphore, #tpu.memory_space<semaphore_mem>>)
      } else {
      }
      %dma_wait3A_269 = arith.constant 1 : i32
      %dma_wait3A_270 = arith.constant 1 : i32
      %dma_wait3A_271 = arith.constant 0 : i32
      %dma_wait3A_272 = arith.constant 0 : i32
      %dma_wait3A_273 = tpu.memref_slice %arg6[%dma_wait3A_269, %dma_wait3A_271, %dma_wait3A_272] : memref<5x128x16xf32, #tpu.memory_space<vmem>> -> memref<1x128x16xf32, #tpu.memory_space<vmem>>
      %dma_wait3A_274 = tpu.memref_squeeze %dma_wait3A_273 : memref<1x128x16xf32, #tpu.memory_space<vmem>> -> memref<128x16xf32, #tpu.memory_space<vmem>>
      %dma_wait3A_275 = arith.constant 0 : i32
      %dma_wait3A_276 = arith.constant 0 : i32
      %dma_wait3A_277 = tpu.memref_slice %arg2[%dma_wait3A_275, %dma_wait3A_276] : memref<50000x16xf32, #tpu.memory_space<hbm>> -> memref<128x16xf32, #tpu.memory_space<hbm>>
      %dma_wait3A_278 = tpu.memref_slice %arg8[%dma_wait3A_270] : memref<5x!tpu.dma_semaphore, #tpu.memory_space<semaphore_mem>> -> memref<1x!tpu.dma_semaphore, #tpu.memory_space<semaphore_mem>>
      %dma_wait3A_279 = tpu.memref_squeeze %dma_wait3A_278 : memref<1x!tpu.dma_semaphore, #tpu.memory_space<semaphore_mem>> -> memref<!tpu.dma_semaphore, #tpu.memory_space<semaphore_mem>>
      %dma_wait3A_280 = arith.constant 0 : i32
      %dma_wait3A_281 = arith.constant 0 : i32
      %dma_wait3A_282 = tpu.memref_slice %arg6[%dma_wait3A_269, %dma_wait3A_280, %dma_wait3A_281] : memref<5x128x16xf32, #tpu.memory_space<vmem>> -> memref<1x128x16xf32, #tpu.memory_space<vmem>>
      %dma_wait3A_283 = tpu.memref_squeeze %dma_wait3A_282 : memref<1x128x16xf32, #tpu.memory_space<vmem>> -> memref<128x16xf32, #tpu.memory_space<vmem>>
      %dma_wait3A_284 = arith.constant 0 : i32
      %dma_wait3A_285 = arith.constant 0 : i32
      %dma_wait3A_286 = tpu.memref_slice %arg2[%dma_wait3A_284, %dma_wait3A_285] : memref<50000x16xf32, #tpu.memory_space<hbm>> -> memref<128x16xf32, #tpu.memory_space<hbm>>
      tpu.wait_dma2 semaphore(%dma_wait3A_279 : memref<!tpu.dma_semaphore, #tpu.memory_space<semaphore_mem>>) src(%dma_wait3A_286 : memref<128x16xf32, #tpu.memory_space<hbm>>) dst(%dma_wait3A_283 : memref<128x16xf32, #tpu.memory_space<vmem>>)
      %lt3A_287 = arith.constant 38 : i32
      %lt3A_288 = arith.cmpi slt, %add3A_77, %lt3A_287 : i32
      %convert_element_type3A_289 = arith.extui %lt3A_288 : i1 to i32
      %cond3A_290 = arith.constant 0 : i32
      %cond3A_291 = arith.cmpi ne, %convert_element_type3A_289, %cond3A_290 : i32
      scf.if %cond3A_291 {
        %add3A_361 = arith.constant 5 : i32
        %add3A_362 = arith.addi %mul3A_79, %add3A_361 : i32
        %add3A_363 = arith.constant 1 : i32
        %add3A_364 = arith.addi %add3A_362, %add3A_363 : i32
        %mul3A_365 = arith.constant 128 : i32
        %mul3A_366 = arith.muli %add3A_364, %mul3A_365 : i32
        %dma_start3A_367 = arith.constant 1 : i32
        %dma_start3A_368 = arith.constant 1 : i32
        %dma_start3A_369 = arith.constant 0 : i32
        %dma_start3A_370 = arith.constant 0 : i32
        %dma_start3A_371 = tpu.memref_slice %arg6[%dma_start3A_367, %dma_start3A_369, %dma_start3A_370] : memref<5x128x16xf32, #tpu.memory_space<vmem>> -> memref<1x128x16xf32, #tpu.memory_space<vmem>>
        %dma_start3A_372 = tpu.memref_squeeze %dma_start3A_371 : memref<1x128x16xf32, #tpu.memory_space<vmem>> -> memref<128x16xf32, #tpu.memory_space<vmem>>
        %dma_start3A_373 = tpu.memref_slice %arg5[%mul3A_366] : memref<24960xi32, #tpu.memory_space<vmem>> -> memref<128xi32, #tpu.memory_space<vmem>>
        %dma_start3A_374 = arith.constant 0 : i32
        %dma_start3A_375 = arith.constant 0 : i32
        %dma_start3A_376 = tpu.memref_slice %arg2[%dma_start3A_374, %dma_start3A_375] : memref<50000x16xf32, #tpu.memory_space<hbm>> -> memref<50000x16xf32, #tpu.memory_space<hbm>>
        %dma_start3A_377 = tpu.memref_slice %arg7[%dma_start3A_368] : memref<5x!tpu.dma_semaphore, #tpu.memory_space<semaphore_mem>> -> memref<1x!tpu.dma_semaphore, #tpu.memory_space<semaphore_mem>>
        %dma_start3A_378 = tpu.memref_squeeze %dma_start3A_377 : memref<1x!tpu.dma_semaphore, #tpu.memory_space<semaphore_mem>> -> memref<!tpu.dma_semaphore, #tpu.memory_space<semaphore_mem>>
        tpu.enqueue_indirect_dma source(%dma_start3A_376 : memref<50000x16xf32, #tpu.memory_space<hbm>>) target(%dma_start3A_372 : memref<128x16xf32, #tpu.memory_space<vmem>>) offsets(%dma_start3A_373 : memref<128xi32, #tpu.memory_space<vmem>>) semaphore(%dma_start3A_378 : memref<!tpu.dma_semaphore, #tpu.memory_space<semaphore_mem>>)
      } else {
      }
      %dma_wait3A_292 = arith.constant 2 : i32
      %dma_wait3A_293 = arith.constant 2 : i32
      %dma_wait3A_294 = arith.constant 0 : i32
      %dma_wait3A_295 = arith.constant 0 : i32
      %dma_wait3A_296 = tpu.memref_slice %arg6[%dma_wait3A_292, %dma_wait3A_294, %dma_wait3A_295] : memref<5x128x16xf32, #tpu.memory_space<vmem>> -> memref<1x128x16xf32, #tpu.memory_space<vmem>>
      %dma_wait3A_297 = tpu.memref_squeeze %dma_wait3A_296 : memref<1x128x16xf32, #tpu.memory_space<vmem>> -> memref<128x16xf32, #tpu.memory_space<vmem>>
      %dma_wait3A_298 = arith.constant 0 : i32
      %dma_wait3A_299 = arith.constant 0 : i32
      %dma_wait3A_300 = tpu.memref_slice %arg2[%dma_wait3A_298, %dma_wait3A_299] : memref<50000x16xf32, #tpu.memory_space<hbm>> -> memref<128x16xf32, #tpu.memory_space<hbm>>
      %dma_wait3A_301 = tpu.memref_slice %arg8[%dma_wait3A_293] : memref<5x!tpu.dma_semaphore, #tpu.memory_space<semaphore_mem>> -> memref<1x!tpu.dma_semaphore, #tpu.memory_space<semaphore_mem>>
      %dma_wait3A_302 = tpu.memref_squeeze %dma_wait3A_301 : memref<1x!tpu.dma_semaphore, #tpu.memory_space<semaphore_mem>> -> memref<!tpu.dma_semaphore, #tpu.memory_space<semaphore_mem>>
      %dma_wait3A_303 = arith.constant 0 : i32
      %dma_wait3A_304 = arith.constant 0 : i32
      %dma_wait3A_305 = tpu.memref_slice %arg6[%dma_wait3A_292, %dma_wait3A_303, %dma_wait3A_304] : memref<5x128x16xf32, #tpu.memory_space<vmem>> -> memref<1x128x16xf32, #tpu.memory_space<vmem>>
      %dma_wait3A_306 = tpu.memref_squeeze %dma_wait3A_305 : memref<1x128x16xf32, #tpu.memory_space<vmem>> -> memref<128x16xf32, #tpu.memory_space<vmem>>
      %dma_wait3A_307 = arith.constant 0 : i32
      %dma_wait3A_308 = arith.constant 0 : i32
      %dma_wait3A_309 = tpu.memref_slice %arg2[%dma_wait3A_307, %dma_wait3A_308] : memref<50000x16xf32, #tpu.memory_space<hbm>> -> memref<128x16xf32, #tpu.memory_space<hbm>>
      tpu.wait_dma2 semaphore(%dma_wait3A_302 : memref<!tpu.dma_semaphore, #tpu.memory_space<semaphore_mem>>) src(%dma_wait3A_309 : memref<128x16xf32, #tpu.memory_space<hbm>>) dst(%dma_wait3A_306 : memref<128x16xf32, #tpu.memory_space<vmem>>)
      %lt3A_310 = arith.constant 38 : i32
      %lt3A_311 = arith.cmpi slt, %add3A_77, %lt3A_310 : i32
      %convert_element_type3A_312 = arith.extui %lt3A_311 : i1 to i32
      %cond3A_313 = arith.constant 0 : i32
      %cond3A_314 = arith.cmpi ne, %convert_element_type3A_312, %cond3A_313 : i32
      scf.if %cond3A_314 {
        %add3A_361 = arith.constant 5 : i32
        %add3A_362 = arith.addi %mul3A_79, %add3A_361 : i32
        %add3A_363 = arith.constant 2 : i32
        %add3A_364 = arith.addi %add3A_362, %add3A_363 : i32
        %mul3A_365 = arith.constant 128 : i32
        %mul3A_366 = arith.muli %add3A_364, %mul3A_365 : i32
        %dma_start3A_367 = arith.constant 2 : i32
        %dma_start3A_368 = arith.constant 2 : i32
        %dma_start3A_369 = arith.constant 0 : i32
        %dma_start3A_370 = arith.constant 0 : i32
        %dma_start3A_371 = tpu.memref_slice %arg6[%dma_start3A_367, %dma_start3A_369, %dma_start3A_370] : memref<5x128x16xf32, #tpu.memory_space<vmem>> -> memref<1x128x16xf32, #tpu.memory_space<vmem>>
        %dma_start3A_372 = tpu.memref_squeeze %dma_start3A_371 : memref<1x128x16xf32, #tpu.memory_space<vmem>> -> memref<128x16xf32, #tpu.memory_space<vmem>>
        %dma_start3A_373 = tpu.memref_slice %arg5[%mul3A_366] : memref<24960xi32, #tpu.memory_space<vmem>> -> memref<128xi32, #tpu.memory_space<vmem>>
        %dma_start3A_374 = arith.constant 0 : i32
        %dma_start3A_375 = arith.constant 0 : i32
        %dma_start3A_376 = tpu.memref_slice %arg2[%dma_start3A_374, %dma_start3A_375] : memref<50000x16xf32, #tpu.memory_space<hbm>> -> memref<50000x16xf32, #tpu.memory_space<hbm>>
        %dma_start3A_377 = tpu.memref_slice %arg7[%dma_start3A_368] : memref<5x!tpu.dma_semaphore, #tpu.memory_space<semaphore_mem>> -> memref<1x!tpu.dma_semaphore, #tpu.memory_space<semaphore_mem>>
        %dma_start3A_378 = tpu.memref_squeeze %dma_start3A_377 : memref<1x!tpu.dma_semaphore, #tpu.memory_space<semaphore_mem>> -> memref<!tpu.dma_semaphore, #tpu.memory_space<semaphore_mem>>
        tpu.enqueue_indirect_dma source(%dma_start3A_376 : memref<50000x16xf32, #tpu.memory_space<hbm>>) target(%dma_start3A_372 : memref<128x16xf32, #tpu.memory_space<vmem>>) offsets(%dma_start3A_373 : memref<128xi32, #tpu.memory_space<vmem>>) semaphore(%dma_start3A_378 : memref<!tpu.dma_semaphore, #tpu.memory_space<semaphore_mem>>)
      } else {
      }
      %dma_wait3A_315 = arith.constant 3 : i32
      %dma_wait3A_316 = arith.constant 3 : i32
      %dma_wait3A_317 = arith.constant 0 : i32
      %dma_wait3A_318 = arith.constant 0 : i32
      %dma_wait3A_319 = tpu.memref_slice %arg6[%dma_wait3A_315, %dma_wait3A_317, %dma_wait3A_318] : memref<5x128x16xf32, #tpu.memory_space<vmem>> -> memref<1x128x16xf32, #tpu.memory_space<vmem>>
      %dma_wait3A_320 = tpu.memref_squeeze %dma_wait3A_319 : memref<1x128x16xf32, #tpu.memory_space<vmem>> -> memref<128x16xf32, #tpu.memory_space<vmem>>
      %dma_wait3A_321 = arith.constant 0 : i32
      %dma_wait3A_322 = arith.constant 0 : i32
      %dma_wait3A_323 = tpu.memref_slice %arg2[%dma_wait3A_321, %dma_wait3A_322] : memref<50000x16xf32, #tpu.memory_space<hbm>> -> memref<128x16xf32, #tpu.memory_space<hbm>>
      %dma_wait3A_324 = tpu.memref_slice %arg8[%dma_wait3A_316] : memref<5x!tpu.dma_semaphore, #tpu.memory_space<semaphore_mem>> -> memref<1x!tpu.dma_semaphore, #tpu.memory_space<semaphore_mem>>
      %dma_wait3A_325 = tpu.memref_squeeze %dma_wait3A_324 : memref<1x!tpu.dma_semaphore, #tpu.memory_space<semaphore_mem>> -> memref<!tpu.dma_semaphore, #tpu.memory_space<semaphore_mem>>
      %dma_wait3A_326 = arith.constant 0 : i32
      %dma_wait3A_327 = arith.constant 0 : i32
      %dma_wait3A_328 = tpu.memref_slice %arg6[%dma_wait3A_315, %dma_wait3A_326, %dma_wait3A_327] : memref<5x128x16xf32, #tpu.memory_space<vmem>> -> memref<1x128x16xf32, #tpu.memory_space<vmem>>
      %dma_wait3A_329 = tpu.memref_squeeze %dma_wait3A_328 : memref<1x128x16xf32, #tpu.memory_space<vmem>> -> memref<128x16xf32, #tpu.memory_space<vmem>>
      %dma_wait3A_330 = arith.constant 0 : i32
      %dma_wait3A_331 = arith.constant 0 : i32
      %dma_wait3A_332 = tpu.memref_slice %arg2[%dma_wait3A_330, %dma_wait3A_331] : memref<50000x16xf32, #tpu.memory_space<hbm>> -> memref<128x16xf32, #tpu.memory_space<hbm>>
      tpu.wait_dma2 semaphore(%dma_wait3A_325 : memref<!tpu.dma_semaphore, #tpu.memory_space<semaphore_mem>>) src(%dma_wait3A_332 : memref<128x16xf32, #tpu.memory_space<hbm>>) dst(%dma_wait3A_329 : memref<128x16xf32, #tpu.memory_space<vmem>>)
      %lt3A_333 = arith.constant 38 : i32
      %lt3A_334 = arith.cmpi slt, %add3A_77, %lt3A_333 : i32
      %convert_element_type3A_335 = arith.extui %lt3A_334 : i1 to i32
      %cond3A_336 = arith.constant 0 : i32
      %cond3A_337 = arith.cmpi ne, %convert_element_type3A_335, %cond3A_336 : i32
      scf.if %cond3A_337 {
        %add3A_361 = arith.constant 5 : i32
        %add3A_362 = arith.addi %mul3A_79, %add3A_361 : i32
        %add3A_363 = arith.constant 3 : i32
        %add3A_364 = arith.addi %add3A_362, %add3A_363 : i32
        %mul3A_365 = arith.constant 128 : i32
        %mul3A_366 = arith.muli %add3A_364, %mul3A_365 : i32
        %dma_start3A_367 = arith.constant 3 : i32
        %dma_start3A_368 = arith.constant 3 : i32
        %dma_start3A_369 = arith.constant 0 : i32
        %dma_start3A_370 = arith.constant 0 : i32
        %dma_start3A_371 = tpu.memref_slice %arg6[%dma_start3A_367, %dma_start3A_369, %dma_start3A_370] : memref<5x128x16xf32, #tpu.memory_space<vmem>> -> memref<1x128x16xf32, #tpu.memory_space<vmem>>
        %dma_start3A_372 = tpu.memref_squeeze %dma_start3A_371 : memref<1x128x16xf32, #tpu.memory_space<vmem>> -> memref<128x16xf32, #tpu.memory_space<vmem>>
        %dma_start3A_373 = tpu.memref_slice %arg5[%mul3A_366] : memref<24960xi32, #tpu.memory_space<vmem>> -> memref<128xi32, #tpu.memory_space<vmem>>
        %dma_start3A_374 = arith.constant 0 : i32
        %dma_start3A_375 = arith.constant 0 : i32
        %dma_start3A_376 = tpu.memref_slice %arg2[%dma_start3A_374, %dma_start3A_375] : memref<50000x16xf32, #tpu.memory_space<hbm>> -> memref<50000x16xf32, #tpu.memory_space<hbm>>
        %dma_start3A_377 = tpu.memref_slice %arg7[%dma_start3A_368] : memref<5x!tpu.dma_semaphore, #tpu.memory_space<semaphore_mem>> -> memref<1x!tpu.dma_semaphore, #tpu.memory_space<semaphore_mem>>
        %dma_start3A_378 = tpu.memref_squeeze %dma_start3A_377 : memref<1x!tpu.dma_semaphore, #tpu.memory_space<semaphore_mem>> -> memref<!tpu.dma_semaphore, #tpu.memory_space<semaphore_mem>>
        tpu.enqueue_indirect_dma source(%dma_start3A_376 : memref<50000x16xf32, #tpu.memory_space<hbm>>) target(%dma_start3A_372 : memref<128x16xf32, #tpu.memory_space<vmem>>) offsets(%dma_start3A_373 : memref<128xi32, #tpu.memory_space<vmem>>) semaphore(%dma_start3A_378 : memref<!tpu.dma_semaphore, #tpu.memory_space<semaphore_mem>>)
      } else {
      }
      %dma_wait3A_338 = arith.constant 4 : i32
      %dma_wait3A_339 = arith.constant 4 : i32
      %dma_wait3A_340 = arith.constant 0 : i32
      %dma_wait3A_341 = arith.constant 0 : i32
      %dma_wait3A_342 = tpu.memref_slice %arg6[%dma_wait3A_338, %dma_wait3A_340, %dma_wait3A_341] : memref<5x128x16xf32, #tpu.memory_space<vmem>> -> memref<1x128x16xf32, #tpu.memory_space<vmem>>
      %dma_wait3A_343 = tpu.memref_squeeze %dma_wait3A_342 : memref<1x128x16xf32, #tpu.memory_space<vmem>> -> memref<128x16xf32, #tpu.memory_space<vmem>>
      %dma_wait3A_344 = arith.constant 0 : i32
      %dma_wait3A_345 = arith.constant 0 : i32
      %dma_wait3A_346 = tpu.memref_slice %arg2[%dma_wait3A_344, %dma_wait3A_345] : memref<50000x16xf32, #tpu.memory_space<hbm>> -> memref<128x16xf32, #tpu.memory_space<hbm>>
      %dma_wait3A_347 = tpu.memref_slice %arg8[%dma_wait3A_339] : memref<5x!tpu.dma_semaphore, #tpu.memory_space<semaphore_mem>> -> memref<1x!tpu.dma_semaphore, #tpu.memory_space<semaphore_mem>>
      %dma_wait3A_348 = tpu.memref_squeeze %dma_wait3A_347 : memref<1x!tpu.dma_semaphore, #tpu.memory_space<semaphore_mem>> -> memref<!tpu.dma_semaphore, #tpu.memory_space<semaphore_mem>>
      %dma_wait3A_349 = arith.constant 0 : i32
      %dma_wait3A_350 = arith.constant 0 : i32
      %dma_wait3A_351 = tpu.memref_slice %arg6[%dma_wait3A_338, %dma_wait3A_349, %dma_wait3A_350] : memref<5x128x16xf32, #tpu.memory_space<vmem>> -> memref<1x128x16xf32, #tpu.memory_space<vmem>>
      %dma_wait3A_352 = tpu.memref_squeeze %dma_wait3A_351 : memref<1x128x16xf32, #tpu.memory_space<vmem>> -> memref<128x16xf32, #tpu.memory_space<vmem>>
      %dma_wait3A_353 = arith.constant 0 : i32
      %dma_wait3A_354 = arith.constant 0 : i32
      %dma_wait3A_355 = tpu.memref_slice %arg2[%dma_wait3A_353, %dma_wait3A_354] : memref<50000x16xf32, #tpu.memory_space<hbm>> -> memref<128x16xf32, #tpu.memory_space<hbm>>
      tpu.wait_dma2 semaphore(%dma_wait3A_348 : memref<!tpu.dma_semaphore, #tpu.memory_space<semaphore_mem>>) src(%dma_wait3A_355 : memref<128x16xf32, #tpu.memory_space<hbm>>) dst(%dma_wait3A_352 : memref<128x16xf32, #tpu.memory_space<vmem>>)
      %lt3A_356 = arith.constant 38 : i32
      %lt3A_357 = arith.cmpi slt, %add3A_77, %lt3A_356 : i32
      %convert_element_type3A_358 = arith.extui %lt3A_357 : i1 to i32
      %cond3A_359 = arith.constant 0 : i32
      %cond3A_360 = arith.cmpi ne, %convert_element_type3A_358, %cond3A_359 : i32
      scf.if %cond3A_360 {
        %add3A_361 = arith.constant 5 : i32
        %add3A_362 = arith.addi %mul3A_79, %add3A_361 : i32
        %add3A_363 = arith.constant 4 : i32
        %add3A_364 = arith.addi %add3A_362, %add3A_363 : i32
        %mul3A_365 = arith.constant 128 : i32
        %mul3A_366 = arith.muli %add3A_364, %mul3A_365 : i32
        %dma_start3A_367 = arith.constant 4 : i32
        %dma_start3A_368 = arith.constant 4 : i32
        %dma_start3A_369 = arith.constant 0 : i32
        %dma_start3A_370 = arith.constant 0 : i32
        %dma_start3A_371 = tpu.memref_slice %arg6[%dma_start3A_367, %dma_start3A_369, %dma_start3A_370] : memref<5x128x16xf32, #tpu.memory_space<vmem>> -> memref<1x128x16xf32, #tpu.memory_space<vmem>>
        %dma_start3A_372 = tpu.memref_squeeze %dma_start3A_371 : memref<1x128x16xf32, #tpu.memory_space<vmem>> -> memref<128x16xf32, #tpu.memory_space<vmem>>
        %dma_start3A_373 = tpu.memref_slice %arg5[%mul3A_366] : memref<24960xi32, #tpu.memory_space<vmem>> -> memref<128xi32, #tpu.memory_space<vmem>>
        %dma_start3A_374 = arith.constant 0 : i32
        %dma_start3A_375 = arith.constant 0 : i32
        %dma_start3A_376 = tpu.memref_slice %arg2[%dma_start3A_374, %dma_start3A_375] : memref<50000x16xf32, #tpu.memory_space<hbm>> -> memref<50000x16xf32, #tpu.memory_space<hbm>>
        %dma_start3A_377 = tpu.memref_slice %arg7[%dma_start3A_368] : memref<5x!tpu.dma_semaphore, #tpu.memory_space<semaphore_mem>> -> memref<1x!tpu.dma_semaphore, #tpu.memory_space<semaphore_mem>>
        %dma_start3A_378 = tpu.memref_squeeze %dma_start3A_377 : memref<1x!tpu.dma_semaphore, #tpu.memory_space<semaphore_mem>> -> memref<!tpu.dma_semaphore, #tpu.memory_space<semaphore_mem>>
        tpu.enqueue_indirect_dma source(%dma_start3A_376 : memref<50000x16xf32, #tpu.memory_space<hbm>>) target(%dma_start3A_372 : memref<128x16xf32, #tpu.memory_space<vmem>>) offsets(%dma_start3A_373 : memref<128xi32, #tpu.memory_space<vmem>>) semaphore(%dma_start3A_378 : memref<!tpu.dma_semaphore, #tpu.memory_space<semaphore_mem>>)
      } else {
      }
    }
    %scan3A_72 = arith.constant 39 : i32
    return
  }
}

#map = affine_map<(d0, d1) -> (0, 0)>
module attributes {stable_mosaic.version = 14 : i64} {
  func.func @k(%arg0: i32, %arg1: i32, %arg2: memref<798720x16xf32, #tpu.memory_space<hbm>>, %arg3: memref<6240x128xi32, #tpu.memory_space<hbm>>, %arg4: memref<100000x16xf32, #tpu.memory_space<hbm>>, %arg5: memref<625x16xf32, #tpu.memory_space<vmem>>, %arg6: memref<195x128xi32, #tpu.memory_space<vmem>>, %arg7: memref<5x128x16xf32, #tpu.memory_space<vmem>>, %arg8: memref<5x!tpu.dma_semaphore, #tpu.memory_space<semaphore_mem>>, %arg9: memref<5x!tpu.dma_semaphore, #tpu.memory_space<semaphore_mem>>, %arg10: memref<50000x16xf32, #tpu.memory_space<vmem_shared>>) attributes {dimension_semantics = [#tpu.dimension_semantics<core_parallel>, #tpu.dimension_semantics<subcore_parallel>], iteration_bounds = array<i64: 2, 16>, scalar_prefetch = 0 : i64, scratch_operands = 6 : i64, tpu.core_type = #tpu.core_type<sc_vector_subcore>, window_params = [{transform_indices = #map}, {transform_indices = #map}, {transform_indices = #map}]} {
    %mul3A = arith.constant 16 : i32
    %mul3A_0 = arith.muli %arg0, %mul3A : i32
    %add3A = arith.addi %mul3A_0, %arg1 : i32
    %mul3A_1 = arith.constant 195 : i32
    %mul3A_2 = arith.muli %add3A, %mul3A_1 : i32
    %mul3A_3 = arith.constant 3125 : i32
    %mul3A_4 = arith.muli %arg1, %mul3A_3 : i32
    %scan3A = arith.constant 0 : i32
    %scan3A_5 = arith.constant 625 : i32
    %scan3A_6 = arith.addi %scan3A, %scan3A_5 : i32
    %scan3A_7 = arith.constant 1 : i32
    scf.for %scan3A_122 = %scan3A to %scan3A_6 step %scan3A_7  : i32 {
      %mul3A_123 = arith.constant 1 : i32
      %mul3A_124 = arith.muli %scan3A_122, %mul3A_123 : i32
      %add3A_125 = arith.constant 0 : i32
      %add3A_126 = arith.addi %add3A_125, %mul3A_124 : i32
      %broadcast_in_dim3A = arith.constant 0.000000e+00 : f32
      %broadcast_in_dim3A_127 = vector.broadcast %broadcast_in_dim3A : f32 to vector<16xf32>
      %swap3A = arith.index_cast %add3A_126 : i32 to index
      %swap3A_128 = arith.constant 0 : index
      %swap3A_129 = tpu.vector_load %arg5[%swap3A, %swap3A_128] {strides = array<i32>} : memref<625x16xf32, #tpu.memory_space<vmem>>, vector<1x16xf32>,
      %swap3A_130 = vector.shape_cast %swap3A_129 : vector<1x16xf32> to vector<16xf32>
      %swap3A_131 = vector.shape_cast %broadcast_in_dim3A_127 : vector<16xf32> to vector<1x16xf32>
      tpu.vector_store %arg5[%swap3A, %swap3A_128], %swap3A_131 {strides = array<i32>} : memref<625x16xf32, #tpu.memory_space<vmem>>, vector<1x16xf32>,
    }
    %scan3A_8 = arith.constant 625 : i32
    "tpu.region"() ({
      %run_scoped3A = tpu.sem_alloc : memref<!tpu.dma_semaphore, #tpu.memory_space<semaphore_mem>>
      %dma_start3A_122 = arith.constant 0 : i32
      %dma_start3A_123 = tpu.memref_slice %arg3[%mul3A_2, %dma_start3A_122] : memref<6240x128xi32, #tpu.memory_space<hbm>> -> memref<195x128xi32, #tpu.memory_space<hbm>>
      %dma_start3A_124 = arith.constant 0 : i32
      %dma_start3A_125 = tpu.memref_slice %arg3[%mul3A_2, %dma_start3A_124] : memref<6240x128xi32, #tpu.memory_space<hbm>> -> memref<195x128xi32, #tpu.memory_space<hbm>>
      tpu.enqueue_dma source(%dma_start3A_125 : memref<195x128xi32, #tpu.memory_space<hbm>>) target(%arg6 : memref<195x128xi32, #tpu.memory_space<vmem>>) target_semaphore(%run_scoped3A : memref<!tpu.dma_semaphore, #tpu.memory_space<semaphore_mem>>)
      %dma_wait3A = arith.constant 0 : i32
      %dma_wait3A_126 = tpu.memref_slice %arg3[%mul3A_2, %dma_wait3A] : memref<6240x128xi32, #tpu.memory_space<hbm>> -> memref<195x128xi32, #tpu.memory_space<hbm>>
      %dma_wait3A_127 = arith.constant 0 : i32
      %dma_wait3A_128 = tpu.memref_slice %arg3[%mul3A_2, %dma_wait3A_127] : memref<6240x128xi32, #tpu.memory_space<hbm>> -> memref<195x128xi32, #tpu.memory_space<hbm>>
      tpu.wait_dma2 semaphore(%run_scoped3A : memref<!tpu.dma_semaphore, #tpu.memory_space<semaphore_mem>>) src(%dma_wait3A_128 : memref<195x128xi32, #tpu.memory_space<hbm>>) dst(%arg6 : memref<195x128xi32, #tpu.memory_space<vmem>>)
      tpu.yield
    }) : () -> ()
    %scan3A_9 = arith.constant 0 : i32
    %scan3A_10 = arith.constant 5 : i32
    %scan3A_11 = arith.addi %scan3A_9, %scan3A_10 : i32
    %scan3A_12 = arith.constant 1 : i32
    scf.for %scan3A_122 = %scan3A_9 to %scan3A_11 step %scan3A_12  : i32 {
      %mul3A_123 = arith.constant 1 : i32
      %mul3A_124 = arith.muli %scan3A_122, %mul3A_123 : i32
      %add3A_125 = arith.constant 0 : i32
      %add3A_126 = arith.addi %add3A_125, %mul3A_124 : i32
      %mul3A_127 = arith.constant 625 : i32
      %mul3A_128 = arith.muli %add3A_126, %mul3A_127 : i32
      %add3A_129 = arith.addi %mul3A_4, %mul3A_128 : i32
      "tpu.region"() ({
        %run_scoped3A = tpu.sem_alloc : memref<!tpu.dma_semaphore, #tpu.memory_space<semaphore_mem>>
        %dma_start3A_130 = arith.constant 0 : i32
        %dma_start3A_131 = tpu.memref_slice %arg10[%add3A_129, %dma_start3A_130] : memref<50000x16xf32, #tpu.memory_space<vmem_shared>> -> memref<625x16xf32, #tpu.memory_space<vmem_shared>>
        %dma_start3A_132 = arith.constant 0 : i32
        %dma_start3A_133 = tpu.memref_slice %arg10[%add3A_129, %dma_start3A_132] : memref<50000x16xf32, #tpu.memory_space<vmem_shared>> -> memref<625x16xf32, #tpu.memory_space<vmem_shared>>
        tpu.enqueue_dma source(%arg5 : memref<625x16xf32, #tpu.memory_space<vmem>>) target(%dma_start3A_133 : memref<625x16xf32, #tpu.memory_space<vmem_shared>>) target_semaphore(%run_scoped3A : memref<!tpu.dma_semaphore, #tpu.memory_space<semaphore_mem>>)
        %dma_wait3A = arith.constant 0 : i32
        %dma_wait3A_134 = tpu.memref_slice %arg10[%add3A_129, %dma_wait3A] : memref<50000x16xf32, #tpu.memory_space<vmem_shared>> -> memref<625x16xf32, #tpu.memory_space<vmem_shared>>
        %dma_wait3A_135 = arith.constant 0 : i32
        %dma_wait3A_136 = tpu.memref_slice %arg10[%add3A_129, %dma_wait3A_135] : memref<50000x16xf32, #tpu.memory_space<vmem_shared>> -> memref<625x16xf32, #tpu.memory_space<vmem_shared>>
        tpu.wait_dma2 semaphore(%run_scoped3A : memref<!tpu.dma_semaphore, #tpu.memory_space<semaphore_mem>>) src(%arg5 : memref<625x16xf32, #tpu.memory_space<vmem>>) dst(%dma_wait3A_136 : memref<625x16xf32, #tpu.memory_space<vmem_shared>>)
        tpu.yield
      }) : () -> ()
    }
    %scan3A_13 = arith.constant 5 : i32
    %barrier3A = arith.constant 0 : index
    tpu.barrier barrier_id(%barrier3A)
    %add3A_14 = arith.constant 0 : i32
    %add3A_15 = arith.addi %mul3A_2, %add3A_14 : i32
    %mul3A_16 = arith.constant 128 : i32
    %mul3A_17 = arith.muli %add3A_15, %mul3A_16 : i32
    %dma_start3A = arith.constant 0 : i32
    %dma_start3A_18 = arith.constant 0 : i32
    %dma_start3A_19 = arith.constant 0 : i32
    %dma_start3A_20 = arith.constant 0 : i32
    %dma_start3A_21 = tpu.memref_slice %arg7[%dma_start3A, %dma_start3A_19, %dma_start3A_20] : memref<5x128x16xf32, #tpu.memory_space<vmem>> -> memref<1x128x16xf32, #tpu.memory_space<vmem>>
    %dma_start3A_22 = tpu.memref_squeeze %dma_start3A_21 : memref<1x128x16xf32, #tpu.memory_space<vmem>> -> memref<128x16xf32, #tpu.memory_space<vmem>>
    %dma_start3A_23 = arith.constant 0 : i32
    %dma_start3A_24 = tpu.memref_slice %arg2[%mul3A_17, %dma_start3A_23] : memref<798720x16xf32, #tpu.memory_space<hbm>> -> memref<128x16xf32, #tpu.memory_space<hbm>>
    %dma_start3A_25 = tpu.memref_slice %arg8[%dma_start3A_18] : memref<5x!tpu.dma_semaphore, #tpu.memory_space<semaphore_mem>> -> memref<1x!tpu.dma_semaphore, #tpu.memory_space<semaphore_mem>>
    %dma_start3A_26 = tpu.memref_squeeze %dma_start3A_25 : memref<1x!tpu.dma_semaphore, #tpu.memory_space<semaphore_mem>> -> memref<!tpu.dma_semaphore, #tpu.memory_space<semaphore_mem>>
    %dma_start3A_27 = arith.constant 0 : i32
    %dma_start3A_28 = arith.constant 0 : i32
    %dma_start3A_29 = tpu.memref_slice %arg7[%dma_start3A, %dma_start3A_27, %dma_start3A_28] : memref<5x128x16xf32, #tpu.memory_space<vmem>> -> memref<1x128x16xf32, #tpu.memory_space<vmem>>
    %dma_start3A_30 = tpu.memref_squeeze %dma_start3A_29 : memref<1x128x16xf32, #tpu.memory_space<vmem>> -> memref<128x16xf32, #tpu.memory_space<vmem>>
    %dma_start3A_31 = arith.constant 0 : i32
    %dma_start3A_32 = tpu.memref_slice %arg2[%mul3A_17, %dma_start3A_31] : memref<798720x16xf32, #tpu.memory_space<hbm>> -> memref<128x16xf32, #tpu.memory_space<hbm>>
    tpu.enqueue_dma source(%dma_start3A_32 : memref<128x16xf32, #tpu.memory_space<hbm>>) target(%dma_start3A_30 : memref<128x16xf32, #tpu.memory_space<vmem>>) target_semaphore(%dma_start3A_26 : memref<!tpu.dma_semaphore, #tpu.memory_space<semaphore_mem>>)
    %add3A_33 = arith.constant 1 : i32
    %add3A_34 = arith.addi %mul3A_2, %add3A_33 : i32
    %mul3A_35 = arith.constant 128 : i32
    %mul3A_36 = arith.muli %add3A_34, %mul3A_35 : i32
    %dma_start3A_37 = arith.constant 1 : i32
    %dma_start3A_38 = arith.constant 1 : i32
    %dma_start3A_39 = arith.constant 0 : i32
    %dma_start3A_40 = arith.constant 0 : i32
    %dma_start3A_41 = tpu.memref_slice %arg7[%dma_start3A_37, %dma_start3A_39, %dma_start3A_40] : memref<5x128x16xf32, #tpu.memory_space<vmem>> -> memref<1x128x16xf32, #tpu.memory_space<vmem>>
    %dma_start3A_42 = tpu.memref_squeeze %dma_start3A_41 : memref<1x128x16xf32, #tpu.memory_space<vmem>> -> memref<128x16xf32, #tpu.memory_space<vmem>>
    %dma_start3A_43 = arith.constant 0 : i32
    %dma_start3A_44 = tpu.memref_slice %arg2[%mul3A_36, %dma_start3A_43] : memref<798720x16xf32, #tpu.memory_space<hbm>> -> memref<128x16xf32, #tpu.memory_space<hbm>>
    %dma_start3A_45 = tpu.memref_slice %arg8[%dma_start3A_38] : memref<5x!tpu.dma_semaphore, #tpu.memory_space<semaphore_mem>> -> memref<1x!tpu.dma_semaphore, #tpu.memory_space<semaphore_mem>>
    %dma_start3A_46 = tpu.memref_squeeze %dma_start3A_45 : memref<1x!tpu.dma_semaphore, #tpu.memory_space<semaphore_mem>> -> memref<!tpu.dma_semaphore, #tpu.memory_space<semaphore_mem>>
    %dma_start3A_47 = arith.constant 0 : i32
    %dma_start3A_48 = arith.constant 0 : i32
    %dma_start3A_49 = tpu.memref_slice %arg7[%dma_start3A_37, %dma_start3A_47, %dma_start3A_48] : memref<5x128x16xf32, #tpu.memory_space<vmem>> -> memref<1x128x16xf32, #tpu.memory_space<vmem>>
    %dma_start3A_50 = tpu.memref_squeeze %dma_start3A_49 : memref<1x128x16xf32, #tpu.memory_space<vmem>> -> memref<128x16xf32, #tpu.memory_space<vmem>>
    %dma_start3A_51 = arith.constant 0 : i32
    %dma_start3A_52 = tpu.memref_slice %arg2[%mul3A_36, %dma_start3A_51] : memref<798720x16xf32, #tpu.memory_space<hbm>> -> memref<128x16xf32, #tpu.memory_space<hbm>>
    tpu.enqueue_dma source(%dma_start3A_52 : memref<128x16xf32, #tpu.memory_space<hbm>>) target(%dma_start3A_50 : memref<128x16xf32, #tpu.memory_space<vmem>>) target_semaphore(%dma_start3A_46 : memref<!tpu.dma_semaphore, #tpu.memory_space<semaphore_mem>>)
    %add3A_53 = arith.constant 2 : i32
    %add3A_54 = arith.addi %mul3A_2, %add3A_53 : i32
    %mul3A_55 = arith.constant 128 : i32
    %mul3A_56 = arith.muli %add3A_54, %mul3A_55 : i32
    %dma_start3A_57 = arith.constant 2 : i32
    %dma_start3A_58 = arith.constant 2 : i32
    %dma_start3A_59 = arith.constant 0 : i32
    %dma_start3A_60 = arith.constant 0 : i32
    %dma_start3A_61 = tpu.memref_slice %arg7[%dma_start3A_57, %dma_start3A_59, %dma_start3A_60] : memref<5x128x16xf32, #tpu.memory_space<vmem>> -> memref<1x128x16xf32, #tpu.memory_space<vmem>>
    %dma_start3A_62 = tpu.memref_squeeze %dma_start3A_61 : memref<1x128x16xf32, #tpu.memory_space<vmem>> -> memref<128x16xf32, #tpu.memory_space<vmem>>
    %dma_start3A_63 = arith.constant 0 : i32
    %dma_start3A_64 = tpu.memref_slice %arg2[%mul3A_56, %dma_start3A_63] : memref<798720x16xf32, #tpu.memory_space<hbm>> -> memref<128x16xf32, #tpu.memory_space<hbm>>
    %dma_start3A_65 = tpu.memref_slice %arg8[%dma_start3A_58] : memref<5x!tpu.dma_semaphore, #tpu.memory_space<semaphore_mem>> -> memref<1x!tpu.dma_semaphore, #tpu.memory_space<semaphore_mem>>
    %dma_start3A_66 = tpu.memref_squeeze %dma_start3A_65 : memref<1x!tpu.dma_semaphore, #tpu.memory_space<semaphore_mem>> -> memref<!tpu.dma_semaphore, #tpu.memory_space<semaphore_mem>>
    %dma_start3A_67 = arith.constant 0 : i32
    %dma_start3A_68 = arith.constant 0 : i32
    %dma_start3A_69 = tpu.memref_slice %arg7[%dma_start3A_57, %dma_start3A_67, %dma_start3A_68] : memref<5x128x16xf32, #tpu.memory_space<vmem>> -> memref<1x128x16xf32, #tpu.memory_space<vmem>>
    %dma_start3A_70 = tpu.memref_squeeze %dma_start3A_69 : memref<1x128x16xf32, #tpu.memory_space<vmem>> -> memref<128x16xf32, #tpu.memory_space<vmem>>
    %dma_start3A_71 = arith.constant 0 : i32
    %dma_start3A_72 = tpu.memref_slice %arg2[%mul3A_56, %dma_start3A_71] : memref<798720x16xf32, #tpu.memory_space<hbm>> -> memref<128x16xf32, #tpu.memory_space<hbm>>
    tpu.enqueue_dma source(%dma_start3A_72 : memref<128x16xf32, #tpu.memory_space<hbm>>) target(%dma_start3A_70 : memref<128x16xf32, #tpu.memory_space<vmem>>) target_semaphore(%dma_start3A_66 : memref<!tpu.dma_semaphore, #tpu.memory_space<semaphore_mem>>)
    %add3A_73 = arith.constant 3 : i32
    %add3A_74 = arith.addi %mul3A_2, %add3A_73 : i32
    %mul3A_75 = arith.constant 128 : i32
    %mul3A_76 = arith.muli %add3A_74, %mul3A_75 : i32
    %dma_start3A_77 = arith.constant 3 : i32
    %dma_start3A_78 = arith.constant 3 : i32
    %dma_start3A_79 = arith.constant 0 : i32
    %dma_start3A_80 = arith.constant 0 : i32
    %dma_start3A_81 = tpu.memref_slice %arg7[%dma_start3A_77, %dma_start3A_79, %dma_start3A_80] : memref<5x128x16xf32, #tpu.memory_space<vmem>> -> memref<1x128x16xf32, #tpu.memory_space<vmem>>
    %dma_start3A_82 = tpu.memref_squeeze %dma_start3A_81 : memref<1x128x16xf32, #tpu.memory_space<vmem>> -> memref<128x16xf32, #tpu.memory_space<vmem>>
    %dma_start3A_83 = arith.constant 0 : i32
    %dma_start3A_84 = tpu.memref_slice %arg2[%mul3A_76, %dma_start3A_83] : memref<798720x16xf32, #tpu.memory_space<hbm>> -> memref<128x16xf32, #tpu.memory_space<hbm>>
    %dma_start3A_85 = tpu.memref_slice %arg8[%dma_start3A_78] : memref<5x!tpu.dma_semaphore, #tpu.memory_space<semaphore_mem>> -> memref<1x!tpu.dma_semaphore, #tpu.memory_space<semaphore_mem>>
    %dma_start3A_86 = tpu.memref_squeeze %dma_start3A_85 : memref<1x!tpu.dma_semaphore, #tpu.memory_space<semaphore_mem>> -> memref<!tpu.dma_semaphore, #tpu.memory_space<semaphore_mem>>
    %dma_start3A_87 = arith.constant 0 : i32
    %dma_start3A_88 = arith.constant 0 : i32
    %dma_start3A_89 = tpu.memref_slice %arg7[%dma_start3A_77, %dma_start3A_87, %dma_start3A_88] : memref<5x128x16xf32, #tpu.memory_space<vmem>> -> memref<1x128x16xf32, #tpu.memory_space<vmem>>
    %dma_start3A_90 = tpu.memref_squeeze %dma_start3A_89 : memref<1x128x16xf32, #tpu.memory_space<vmem>> -> memref<128x16xf32, #tpu.memory_space<vmem>>
    %dma_start3A_91 = arith.constant 0 : i32
    %dma_start3A_92 = tpu.memref_slice %arg2[%mul3A_76, %dma_start3A_91] : memref<798720x16xf32, #tpu.memory_space<hbm>> -> memref<128x16xf32, #tpu.memory_space<hbm>>
    tpu.enqueue_dma source(%dma_start3A_92 : memref<128x16xf32, #tpu.memory_space<hbm>>) target(%dma_start3A_90 : memref<128x16xf32, #tpu.memory_space<vmem>>) target_semaphore(%dma_start3A_86 : memref<!tpu.dma_semaphore, #tpu.memory_space<semaphore_mem>>)
    %add3A_93 = arith.constant 4 : i32
    %add3A_94 = arith.addi %mul3A_2, %add3A_93 : i32
    %mul3A_95 = arith.constant 128 : i32
    %mul3A_96 = arith.muli %add3A_94, %mul3A_95 : i32
    %dma_start3A_97 = arith.constant 4 : i32
    %dma_start3A_98 = arith.constant 4 : i32
    %dma_start3A_99 = arith.constant 0 : i32
    %dma_start3A_100 = arith.constant 0 : i32
    %dma_start3A_101 = tpu.memref_slice %arg7[%dma_start3A_97, %dma_start3A_99, %dma_start3A_100] : memref<5x128x16xf32, #tpu.memory_space<vmem>> -> memref<1x128x16xf32, #tpu.memory_space<vmem>>
    %dma_start3A_102 = tpu.memref_squeeze %dma_start3A_101 : memref<1x128x16xf32, #tpu.memory_space<vmem>> -> memref<128x16xf32, #tpu.memory_space<vmem>>
    %dma_start3A_103 = arith.constant 0 : i32
    %dma_start3A_104 = tpu.memref_slice %arg2[%mul3A_96, %dma_start3A_103] : memref<798720x16xf32, #tpu.memory_space<hbm>> -> memref<128x16xf32, #tpu.memory_space<hbm>>
    %dma_start3A_105 = tpu.memref_slice %arg8[%dma_start3A_98] : memref<5x!tpu.dma_semaphore, #tpu.memory_space<semaphore_mem>> -> memref<1x!tpu.dma_semaphore, #tpu.memory_space<semaphore_mem>>
    %dma_start3A_106 = tpu.memref_squeeze %dma_start3A_105 : memref<1x!tpu.dma_semaphore, #tpu.memory_space<semaphore_mem>> -> memref<!tpu.dma_semaphore, #tpu.memory_space<semaphore_mem>>
    %dma_start3A_107 = arith.constant 0 : i32
    %dma_start3A_108 = arith.constant 0 : i32
    %dma_start3A_109 = tpu.memref_slice %arg7[%dma_start3A_97, %dma_start3A_107, %dma_start3A_108] : memref<5x128x16xf32, #tpu.memory_space<vmem>> -> memref<1x128x16xf32, #tpu.memory_space<vmem>>
    %dma_start3A_110 = tpu.memref_squeeze %dma_start3A_109 : memref<1x128x16xf32, #tpu.memory_space<vmem>> -> memref<128x16xf32, #tpu.memory_space<vmem>>
    %dma_start3A_111 = arith.constant 0 : i32
    %dma_start3A_112 = tpu.memref_slice %arg2[%mul3A_96, %dma_start3A_111] : memref<798720x16xf32, #tpu.memory_space<hbm>> -> memref<128x16xf32, #tpu.memory_space<hbm>>
    tpu.enqueue_dma source(%dma_start3A_112 : memref<128x16xf32, #tpu.memory_space<hbm>>) target(%dma_start3A_110 : memref<128x16xf32, #tpu.memory_space<vmem>>) target_semaphore(%dma_start3A_106 : memref<!tpu.dma_semaphore, #tpu.memory_space<semaphore_mem>>)
    %scan3A_113 = arith.constant 0 : i32
    %scan3A_114 = arith.constant 39 : i32
    %scan3A_115 = arith.addi %scan3A_113, %scan3A_114 : i32
    %scan3A_116 = arith.constant 1 : i32
    scf.for %scan3A_122 = %scan3A_113 to %scan3A_115 step %scan3A_116  : i32 {
      %mul3A_123 = arith.constant 1 : i32
      %mul3A_124 = arith.muli %scan3A_122, %mul3A_123 : i32
      %add3A_125 = arith.constant 0 : i32
      %add3A_126 = arith.addi %add3A_125, %mul3A_124 : i32
      %mul3A_127 = arith.constant 5 : i32
      %mul3A_128 = arith.muli %add3A_126, %mul3A_127 : i32
      %dma_wait3A = arith.constant 0 : i32
      %dma_wait3A_129 = arith.constant 0 : i32
      %dma_wait3A_130 = arith.constant 0 : i32
      %dma_wait3A_131 = arith.constant 0 : i32
      %dma_wait3A_132 = tpu.memref_slice %arg7[%dma_wait3A, %dma_wait3A_130, %dma_wait3A_131] : memref<5x128x16xf32, #tpu.memory_space<vmem>> -> memref<1x128x16xf32, #tpu.memory_space<vmem>>
      %dma_wait3A_133 = tpu.memref_squeeze %dma_wait3A_132 : memref<1x128x16xf32, #tpu.memory_space<vmem>> -> memref<128x16xf32, #tpu.memory_space<vmem>>
      %dma_wait3A_134 = arith.constant 0 : i32
      %dma_wait3A_135 = arith.constant 0 : i32
      %dma_wait3A_136 = tpu.memref_slice %arg2[%dma_wait3A_134, %dma_wait3A_135] : memref<798720x16xf32, #tpu.memory_space<hbm>> -> memref<128x16xf32, #tpu.memory_space<hbm>>
      %dma_wait3A_137 = tpu.memref_slice %arg8[%dma_wait3A_129] : memref<5x!tpu.dma_semaphore, #tpu.memory_space<semaphore_mem>> -> memref<1x!tpu.dma_semaphore, #tpu.memory_space<semaphore_mem>>
      %dma_wait3A_138 = tpu.memref_squeeze %dma_wait3A_137 : memref<1x!tpu.dma_semaphore, #tpu.memory_space<semaphore_mem>> -> memref<!tpu.dma_semaphore, #tpu.memory_space<semaphore_mem>>
      %dma_wait3A_139 = arith.constant 0 : i32
      %dma_wait3A_140 = arith.constant 0 : i32
      %dma_wait3A_141 = tpu.memref_slice %arg7[%dma_wait3A, %dma_wait3A_139, %dma_wait3A_140] : memref<5x128x16xf32, #tpu.memory_space<vmem>> -> memref<1x128x16xf32, #tpu.memory_space<vmem>>
      %dma_wait3A_142 = tpu.memref_squeeze %dma_wait3A_141 : memref<1x128x16xf32, #tpu.memory_space<vmem>> -> memref<128x16xf32, #tpu.memory_space<vmem>>
      %dma_wait3A_143 = arith.constant 0 : i32
      %dma_wait3A_144 = arith.constant 0 : i32
      %dma_wait3A_145 = tpu.memref_slice %arg2[%dma_wait3A_143, %dma_wait3A_144] : memref<798720x16xf32, #tpu.memory_space<hbm>> -> memref<128x16xf32, #tpu.memory_space<hbm>>
      tpu.wait_dma2 semaphore(%dma_wait3A_138 : memref<!tpu.dma_semaphore, #tpu.memory_space<semaphore_mem>>) src(%dma_wait3A_145 : memref<128x16xf32, #tpu.memory_space<hbm>>) dst(%dma_wait3A_142 : memref<128x16xf32, #tpu.memory_space<vmem>>)
      %add3A_146 = arith.constant 0 : i32
      %add3A_147 = arith.addi %mul3A_128, %add3A_146 : i32
      %dma_start3A_148 = arith.constant 0 : i32
      %dma_start3A_149 = arith.constant 0 : i32
      %dma_start3A_150 = arith.constant 0 : i32
      %dma_start3A_151 = arith.constant 0 : i32
      %dma_start3A_152 = tpu.memref_slice %arg7[%dma_start3A_148, %dma_start3A_150, %dma_start3A_151] : memref<5x128x16xf32, #tpu.memory_space<vmem>> -> memref<1x128x16xf32, #tpu.memory_space<vmem>>
      %dma_start3A_153 = tpu.memref_squeeze %dma_start3A_152 : memref<1x128x16xf32, #tpu.memory_space<vmem>> -> memref<128x16xf32, #tpu.memory_space<vmem>>
      %dma_start3A_154 = arith.constant 0 : i32
      %dma_start3A_155 = tpu.memref_slice %arg6[%add3A_147, %dma_start3A_154] : memref<195x128xi32, #tpu.memory_space<vmem>> -> memref<1x128xi32, #tpu.memory_space<vmem>>
      %dma_start3A_156 = tpu.memref_squeeze %dma_start3A_155 : memref<1x128xi32, #tpu.memory_space<vmem>> -> memref<128xi32, #tpu.memory_space<vmem>>
      %dma_start3A_157 = arith.constant 0 : i32
      %dma_start3A_158 = arith.constant 0 : i32
      %dma_start3A_159 = tpu.memref_slice %arg10[%dma_start3A_157, %dma_start3A_158] : memref<50000x16xf32, #tpu.memory_space<vmem_shared>> -> memref<50000x16xf32, #tpu.memory_space<vmem_shared>>
      %dma_start3A_160 = tpu.memref_slice %arg9[%dma_start3A_149] : memref<5x!tpu.dma_semaphore, #tpu.memory_space<semaphore_mem>> -> memref<1x!tpu.dma_semaphore, #tpu.memory_space<semaphore_mem>>
      %dma_start3A_161 = tpu.memref_squeeze %dma_start3A_160 : memref<1x!tpu.dma_semaphore, #tpu.memory_space<semaphore_mem>> -> memref<!tpu.dma_semaphore, #tpu.memory_space<semaphore_mem>>
      tpu.enqueue_indirect_dma source(%dma_start3A_153 : memref<128x16xf32, #tpu.memory_space<vmem>>) target(%dma_start3A_159 : memref<50000x16xf32, #tpu.memory_space<vmem_shared>>) offsets(%dma_start3A_156 : memref<128xi32, #tpu.memory_space<vmem>>) semaphore(%dma_start3A_161 : memref<!tpu.dma_semaphore, #tpu.memory_space<semaphore_mem>>) {add = true}
      %dma_wait3A_162 = arith.constant 1 : i32
      %dma_wait3A_163 = arith.constant 1 : i32
      %dma_wait3A_164 = arith.constant 0 : i32
      %dma_wait3A_165 = arith.constant 0 : i32
      %dma_wait3A_166 = tpu.memref_slice %arg7[%dma_wait3A_162, %dma_wait3A_164, %dma_wait3A_165] : memref<5x128x16xf32, #tpu.memory_space<vmem>> -> memref<1x128x16xf32, #tpu.memory_space<vmem>>
      %dma_wait3A_167 = tpu.memref_squeeze %dma_wait3A_166 : memref<1x128x16xf32, #tpu.memory_space<vmem>> -> memref<128x16xf32, #tpu.memory_space<vmem>>
      %dma_wait3A_168 = arith.constant 0 : i32
      %dma_wait3A_169 = arith.constant 0 : i32
      %dma_wait3A_170 = tpu.memref_slice %arg2[%dma_wait3A_168, %dma_wait3A_169] : memref<798720x16xf32, #tpu.memory_space<hbm>> -> memref<128x16xf32, #tpu.memory_space<hbm>>
      %dma_wait3A_171 = tpu.memref_slice %arg8[%dma_wait3A_163] : memref<5x!tpu.dma_semaphore, #tpu.memory_space<semaphore_mem>> -> memref<1x!tpu.dma_semaphore, #tpu.memory_space<semaphore_mem>>
      %dma_wait3A_172 = tpu.memref_squeeze %dma_wait3A_171 : memref<1x!tpu.dma_semaphore, #tpu.memory_space<semaphore_mem>> -> memref<!tpu.dma_semaphore, #tpu.memory_space<semaphore_mem>>
      %dma_wait3A_173 = arith.constant 0 : i32
      %dma_wait3A_174 = arith.constant 0 : i32
      %dma_wait3A_175 = tpu.memref_slice %arg7[%dma_wait3A_162, %dma_wait3A_173, %dma_wait3A_174] : memref<5x128x16xf32, #tpu.memory_space<vmem>> -> memref<1x128x16xf32, #tpu.memory_space<vmem>>
      %dma_wait3A_176 = tpu.memref_squeeze %dma_wait3A_175 : memref<1x128x16xf32, #tpu.memory_space<vmem>> -> memref<128x16xf32, #tpu.memory_space<vmem>>
      %dma_wait3A_177 = arith.constant 0 : i32
      %dma_wait3A_178 = arith.constant 0 : i32
      %dma_wait3A_179 = tpu.memref_slice %arg2[%dma_wait3A_177, %dma_wait3A_178] : memref<798720x16xf32, #tpu.memory_space<hbm>> -> memref<128x16xf32, #tpu.memory_space<hbm>>
      tpu.wait_dma2 semaphore(%dma_wait3A_172 : memref<!tpu.dma_semaphore, #tpu.memory_space<semaphore_mem>>) src(%dma_wait3A_179 : memref<128x16xf32, #tpu.memory_space<hbm>>) dst(%dma_wait3A_176 : memref<128x16xf32, #tpu.memory_space<vmem>>)
      %add3A_180 = arith.constant 1 : i32
      %add3A_181 = arith.addi %mul3A_128, %add3A_180 : i32
      %dma_start3A_182 = arith.constant 1 : i32
      %dma_start3A_183 = arith.constant 1 : i32
      %dma_start3A_184 = arith.constant 0 : i32
      %dma_start3A_185 = arith.constant 0 : i32
      %dma_start3A_186 = tpu.memref_slice %arg7[%dma_start3A_182, %dma_start3A_184, %dma_start3A_185] : memref<5x128x16xf32, #tpu.memory_space<vmem>> -> memref<1x128x16xf32, #tpu.memory_space<vmem>>
      %dma_start3A_187 = tpu.memref_squeeze %dma_start3A_186 : memref<1x128x16xf32, #tpu.memory_space<vmem>> -> memref<128x16xf32, #tpu.memory_space<vmem>>
      %dma_start3A_188 = arith.constant 0 : i32
      %dma_start3A_189 = tpu.memref_slice %arg6[%add3A_181, %dma_start3A_188] : memref<195x128xi32, #tpu.memory_space<vmem>> -> memref<1x128xi32, #tpu.memory_space<vmem>>
      %dma_start3A_190 = tpu.memref_squeeze %dma_start3A_189 : memref<1x128xi32, #tpu.memory_space<vmem>> -> memref<128xi32, #tpu.memory_space<vmem>>
      %dma_start3A_191 = arith.constant 0 : i32
      %dma_start3A_192 = arith.constant 0 : i32
      %dma_start3A_193 = tpu.memref_slice %arg10[%dma_start3A_191, %dma_start3A_192] : memref<50000x16xf32, #tpu.memory_space<vmem_shared>> -> memref<50000x16xf32, #tpu.memory_space<vmem_shared>>
      %dma_start3A_194 = tpu.memref_slice %arg9[%dma_start3A_183] : memref<5x!tpu.dma_semaphore, #tpu.memory_space<semaphore_mem>> -> memref<1x!tpu.dma_semaphore, #tpu.memory_space<semaphore_mem>>
      %dma_start3A_195 = tpu.memref_squeeze %dma_start3A_194 : memref<1x!tpu.dma_semaphore, #tpu.memory_space<semaphore_mem>> -> memref<!tpu.dma_semaphore, #tpu.memory_space<semaphore_mem>>
      tpu.enqueue_indirect_dma source(%dma_start3A_187 : memref<128x16xf32, #tpu.memory_space<vmem>>) target(%dma_start3A_193 : memref<50000x16xf32, #tpu.memory_space<vmem_shared>>) offsets(%dma_start3A_190 : memref<128xi32, #tpu.memory_space<vmem>>) semaphore(%dma_start3A_195 : memref<!tpu.dma_semaphore, #tpu.memory_space<semaphore_mem>>) {add = true}
      %dma_wait3A_196 = arith.constant 2 : i32
      %dma_wait3A_197 = arith.constant 2 : i32
      %dma_wait3A_198 = arith.constant 0 : i32
      %dma_wait3A_199 = arith.constant 0 : i32
      %dma_wait3A_200 = tpu.memref_slice %arg7[%dma_wait3A_196, %dma_wait3A_198, %dma_wait3A_199] : memref<5x128x16xf32, #tpu.memory_space<vmem>> -> memref<1x128x16xf32, #tpu.memory_space<vmem>>
      %dma_wait3A_201 = tpu.memref_squeeze %dma_wait3A_200 : memref<1x128x16xf32, #tpu.memory_space<vmem>> -> memref<128x16xf32, #tpu.memory_space<vmem>>
      %dma_wait3A_202 = arith.constant 0 : i32
      %dma_wait3A_203 = arith.constant 0 : i32
      %dma_wait3A_204 = tpu.memref_slice %arg2[%dma_wait3A_202, %dma_wait3A_203] : memref<798720x16xf32, #tpu.memory_space<hbm>> -> memref<128x16xf32, #tpu.memory_space<hbm>>
      %dma_wait3A_205 = tpu.memref_slice %arg8[%dma_wait3A_197] : memref<5x!tpu.dma_semaphore, #tpu.memory_space<semaphore_mem>> -> memref<1x!tpu.dma_semaphore, #tpu.memory_space<semaphore_mem>>
      %dma_wait3A_206 = tpu.memref_squeeze %dma_wait3A_205 : memref<1x!tpu.dma_semaphore, #tpu.memory_space<semaphore_mem>> -> memref<!tpu.dma_semaphore, #tpu.memory_space<semaphore_mem>>
      %dma_wait3A_207 = arith.constant 0 : i32
      %dma_wait3A_208 = arith.constant 0 : i32
      %dma_wait3A_209 = tpu.memref_slice %arg7[%dma_wait3A_196, %dma_wait3A_207, %dma_wait3A_208] : memref<5x128x16xf32, #tpu.memory_space<vmem>> -> memref<1x128x16xf32, #tpu.memory_space<vmem>>
      %dma_wait3A_210 = tpu.memref_squeeze %dma_wait3A_209 : memref<1x128x16xf32, #tpu.memory_space<vmem>> -> memref<128x16xf32, #tpu.memory_space<vmem>>
      %dma_wait3A_211 = arith.constant 0 : i32
      %dma_wait3A_212 = arith.constant 0 : i32
      %dma_wait3A_213 = tpu.memref_slice %arg2[%dma_wait3A_211, %dma_wait3A_212] : memref<798720x16xf32, #tpu.memory_space<hbm>> -> memref<128x16xf32, #tpu.memory_space<hbm>>
      tpu.wait_dma2 semaphore(%dma_wait3A_206 : memref<!tpu.dma_semaphore, #tpu.memory_space<semaphore_mem>>) src(%dma_wait3A_213 : memref<128x16xf32, #tpu.memory_space<hbm>>) dst(%dma_wait3A_210 : memref<128x16xf32, #tpu.memory_space<vmem>>)
      %add3A_214 = arith.constant 2 : i32
      %add3A_215 = arith.addi %mul3A_128, %add3A_214 : i32
      %dma_start3A_216 = arith.constant 2 : i32
      %dma_start3A_217 = arith.constant 2 : i32
      %dma_start3A_218 = arith.constant 0 : i32
      %dma_start3A_219 = arith.constant 0 : i32
      %dma_start3A_220 = tpu.memref_slice %arg7[%dma_start3A_216, %dma_start3A_218, %dma_start3A_219] : memref<5x128x16xf32, #tpu.memory_space<vmem>> -> memref<1x128x16xf32, #tpu.memory_space<vmem>>
      %dma_start3A_221 = tpu.memref_squeeze %dma_start3A_220 : memref<1x128x16xf32, #tpu.memory_space<vmem>> -> memref<128x16xf32, #tpu.memory_space<vmem>>
      %dma_start3A_222 = arith.constant 0 : i32
      %dma_start3A_223 = tpu.memref_slice %arg6[%add3A_215, %dma_start3A_222] : memref<195x128xi32, #tpu.memory_space<vmem>> -> memref<1x128xi32, #tpu.memory_space<vmem>>
      %dma_start3A_224 = tpu.memref_squeeze %dma_start3A_223 : memref<1x128xi32, #tpu.memory_space<vmem>> -> memref<128xi32, #tpu.memory_space<vmem>>
      %dma_start3A_225 = arith.constant 0 : i32
      %dma_start3A_226 = arith.constant 0 : i32
      %dma_start3A_227 = tpu.memref_slice %arg10[%dma_start3A_225, %dma_start3A_226] : memref<50000x16xf32, #tpu.memory_space<vmem_shared>> -> memref<50000x16xf32, #tpu.memory_space<vmem_shared>>
      %dma_start3A_228 = tpu.memref_slice %arg9[%dma_start3A_217] : memref<5x!tpu.dma_semaphore, #tpu.memory_space<semaphore_mem>> -> memref<1x!tpu.dma_semaphore, #tpu.memory_space<semaphore_mem>>
      %dma_start3A_229 = tpu.memref_squeeze %dma_start3A_228 : memref<1x!tpu.dma_semaphore, #tpu.memory_space<semaphore_mem>> -> memref<!tpu.dma_semaphore, #tpu.memory_space<semaphore_mem>>
      tpu.enqueue_indirect_dma source(%dma_start3A_221 : memref<128x16xf32, #tpu.memory_space<vmem>>) target(%dma_start3A_227 : memref<50000x16xf32, #tpu.memory_space<vmem_shared>>) offsets(%dma_start3A_224 : memref<128xi32, #tpu.memory_space<vmem>>) semaphore(%dma_start3A_229 : memref<!tpu.dma_semaphore, #tpu.memory_space<semaphore_mem>>) {add = true}
      %dma_wait3A_230 = arith.constant 3 : i32
      %dma_wait3A_231 = arith.constant 3 : i32
      %dma_wait3A_232 = arith.constant 0 : i32
      %dma_wait3A_233 = arith.constant 0 : i32
      %dma_wait3A_234 = tpu.memref_slice %arg7[%dma_wait3A_230, %dma_wait3A_232, %dma_wait3A_233] : memref<5x128x16xf32, #tpu.memory_space<vmem>> -> memref<1x128x16xf32, #tpu.memory_space<vmem>>
      %dma_wait3A_235 = tpu.memref_squeeze %dma_wait3A_234 : memref<1x128x16xf32, #tpu.memory_space<vmem>> -> memref<128x16xf32, #tpu.memory_space<vmem>>
      %dma_wait3A_236 = arith.constant 0 : i32
      %dma_wait3A_237 = arith.constant 0 : i32
      %dma_wait3A_238 = tpu.memref_slice %arg2[%dma_wait3A_236, %dma_wait3A_237] : memref<798720x16xf32, #tpu.memory_space<hbm>> -> memref<128x16xf32, #tpu.memory_space<hbm>>
      %dma_wait3A_239 = tpu.memref_slice %arg8[%dma_wait3A_231] : memref<5x!tpu.dma_semaphore, #tpu.memory_space<semaphore_mem>> -> memref<1x!tpu.dma_semaphore, #tpu.memory_space<semaphore_mem>>
      %dma_wait3A_240 = tpu.memref_squeeze %dma_wait3A_239 : memref<1x!tpu.dma_semaphore, #tpu.memory_space<semaphore_mem>> -> memref<!tpu.dma_semaphore, #tpu.memory_space<semaphore_mem>>
      %dma_wait3A_241 = arith.constant 0 : i32
      %dma_wait3A_242 = arith.constant 0 : i32
      %dma_wait3A_243 = tpu.memref_slice %arg7[%dma_wait3A_230, %dma_wait3A_241, %dma_wait3A_242] : memref<5x128x16xf32, #tpu.memory_space<vmem>> -> memref<1x128x16xf32, #tpu.memory_space<vmem>>
      %dma_wait3A_244 = tpu.memref_squeeze %dma_wait3A_243 : memref<1x128x16xf32, #tpu.memory_space<vmem>> -> memref<128x16xf32, #tpu.memory_space<vmem>>
      %dma_wait3A_245 = arith.constant 0 : i32
      %dma_wait3A_246 = arith.constant 0 : i32
      %dma_wait3A_247 = tpu.memref_slice %arg2[%dma_wait3A_245, %dma_wait3A_246] : memref<798720x16xf32, #tpu.memory_space<hbm>> -> memref<128x16xf32, #tpu.memory_space<hbm>>
      tpu.wait_dma2 semaphore(%dma_wait3A_240 : memref<!tpu.dma_semaphore, #tpu.memory_space<semaphore_mem>>) src(%dma_wait3A_247 : memref<128x16xf32, #tpu.memory_space<hbm>>) dst(%dma_wait3A_244 : memref<128x16xf32, #tpu.memory_space<vmem>>)
      %add3A_248 = arith.constant 3 : i32
      %add3A_249 = arith.addi %mul3A_128, %add3A_248 : i32
      %dma_start3A_250 = arith.constant 3 : i32
      %dma_start3A_251 = arith.constant 3 : i32
      %dma_start3A_252 = arith.constant 0 : i32
      %dma_start3A_253 = arith.constant 0 : i32
      %dma_start3A_254 = tpu.memref_slice %arg7[%dma_start3A_250, %dma_start3A_252, %dma_start3A_253] : memref<5x128x16xf32, #tpu.memory_space<vmem>> -> memref<1x128x16xf32, #tpu.memory_space<vmem>>
      %dma_start3A_255 = tpu.memref_squeeze %dma_start3A_254 : memref<1x128x16xf32, #tpu.memory_space<vmem>> -> memref<128x16xf32, #tpu.memory_space<vmem>>
      %dma_start3A_256 = arith.constant 0 : i32
      %dma_start3A_257 = tpu.memref_slice %arg6[%add3A_249, %dma_start3A_256] : memref<195x128xi32, #tpu.memory_space<vmem>> -> memref<1x128xi32, #tpu.memory_space<vmem>>
      %dma_start3A_258 = tpu.memref_squeeze %dma_start3A_257 : memref<1x128xi32, #tpu.memory_space<vmem>> -> memref<128xi32, #tpu.memory_space<vmem>>
      %dma_start3A_259 = arith.constant 0 : i32
      %dma_start3A_260 = arith.constant 0 : i32
      %dma_start3A_261 = tpu.memref_slice %arg10[%dma_start3A_259, %dma_start3A_260] : memref<50000x16xf32, #tpu.memory_space<vmem_shared>> -> memref<50000x16xf32, #tpu.memory_space<vmem_shared>>
      %dma_start3A_262 = tpu.memref_slice %arg9[%dma_start3A_251] : memref<5x!tpu.dma_semaphore, #tpu.memory_space<semaphore_mem>> -> memref<1x!tpu.dma_semaphore, #tpu.memory_space<semaphore_mem>>
      %dma_start3A_263 = tpu.memref_squeeze %dma_start3A_262 : memref<1x!tpu.dma_semaphore, #tpu.memory_space<semaphore_mem>> -> memref<!tpu.dma_semaphore, #tpu.memory_space<semaphore_mem>>
      tpu.enqueue_indirect_dma source(%dma_start3A_255 : memref<128x16xf32, #tpu.memory_space<vmem>>) target(%dma_start3A_261 : memref<50000x16xf32, #tpu.memory_space<vmem_shared>>) offsets(%dma_start3A_258 : memref<128xi32, #tpu.memory_space<vmem>>) semaphore(%dma_start3A_263 : memref<!tpu.dma_semaphore, #tpu.memory_space<semaphore_mem>>) {add = true}
      %dma_wait3A_264 = arith.constant 4 : i32
      %dma_wait3A_265 = arith.constant 4 : i32
      %dma_wait3A_266 = arith.constant 0 : i32
      %dma_wait3A_267 = arith.constant 0 : i32
      %dma_wait3A_268 = tpu.memref_slice %arg7[%dma_wait3A_264, %dma_wait3A_266, %dma_wait3A_267] : memref<5x128x16xf32, #tpu.memory_space<vmem>> -> memref<1x128x16xf32, #tpu.memory_space<vmem>>
      %dma_wait3A_269 = tpu.memref_squeeze %dma_wait3A_268 : memref<1x128x16xf32, #tpu.memory_space<vmem>> -> memref<128x16xf32, #tpu.memory_space<vmem>>
      %dma_wait3A_270 = arith.constant 0 : i32
      %dma_wait3A_271 = arith.constant 0 : i32
      %dma_wait3A_272 = tpu.memref_slice %arg2[%dma_wait3A_270, %dma_wait3A_271] : memref<798720x16xf32, #tpu.memory_space<hbm>> -> memref<128x16xf32, #tpu.memory_space<hbm>>
      %dma_wait3A_273 = tpu.memref_slice %arg8[%dma_wait3A_265] : memref<5x!tpu.dma_semaphore, #tpu.memory_space<semaphore_mem>> -> memref<1x!tpu.dma_semaphore, #tpu.memory_space<semaphore_mem>>
      %dma_wait3A_274 = tpu.memref_squeeze %dma_wait3A_273 : memref<1x!tpu.dma_semaphore, #tpu.memory_space<semaphore_mem>> -> memref<!tpu.dma_semaphore, #tpu.memory_space<semaphore_mem>>
      %dma_wait3A_275 = arith.constant 0 : i32
      %dma_wait3A_276 = arith.constant 0 : i32
      %dma_wait3A_277 = tpu.memref_slice %arg7[%dma_wait3A_264, %dma_wait3A_275, %dma_wait3A_276] : memref<5x128x16xf32, #tpu.memory_space<vmem>> -> memref<1x128x16xf32, #tpu.memory_space<vmem>>
      %dma_wait3A_278 = tpu.memref_squeeze %dma_wait3A_277 : memref<1x128x16xf32, #tpu.memory_space<vmem>> -> memref<128x16xf32, #tpu.memory_space<vmem>>
      %dma_wait3A_279 = arith.constant 0 : i32
      %dma_wait3A_280 = arith.constant 0 : i32
      %dma_wait3A_281 = tpu.memref_slice %arg2[%dma_wait3A_279, %dma_wait3A_280] : memref<798720x16xf32, #tpu.memory_space<hbm>> -> memref<128x16xf32, #tpu.memory_space<hbm>>
      tpu.wait_dma2 semaphore(%dma_wait3A_274 : memref<!tpu.dma_semaphore, #tpu.memory_space<semaphore_mem>>) src(%dma_wait3A_281 : memref<128x16xf32, #tpu.memory_space<hbm>>) dst(%dma_wait3A_278 : memref<128x16xf32, #tpu.memory_space<vmem>>)
      %add3A_282 = arith.constant 4 : i32
      %add3A_283 = arith.addi %mul3A_128, %add3A_282 : i32
      %dma_start3A_284 = arith.constant 4 : i32
      %dma_start3A_285 = arith.constant 4 : i32
      %dma_start3A_286 = arith.constant 0 : i32
      %dma_start3A_287 = arith.constant 0 : i32
      %dma_start3A_288 = tpu.memref_slice %arg7[%dma_start3A_284, %dma_start3A_286, %dma_start3A_287] : memref<5x128x16xf32, #tpu.memory_space<vmem>> -> memref<1x128x16xf32, #tpu.memory_space<vmem>>
      %dma_start3A_289 = tpu.memref_squeeze %dma_start3A_288 : memref<1x128x16xf32, #tpu.memory_space<vmem>> -> memref<128x16xf32, #tpu.memory_space<vmem>>
      %dma_start3A_290 = arith.constant 0 : i32
      %dma_start3A_291 = tpu.memref_slice %arg6[%add3A_283, %dma_start3A_290] : memref<195x128xi32, #tpu.memory_space<vmem>> -> memref<1x128xi32, #tpu.memory_space<vmem>>
      %dma_start3A_292 = tpu.memref_squeeze %dma_start3A_291 : memref<1x128xi32, #tpu.memory_space<vmem>> -> memref<128xi32, #tpu.memory_space<vmem>>
      %dma_start3A_293 = arith.constant 0 : i32
      %dma_start3A_294 = arith.constant 0 : i32
      %dma_start3A_295 = tpu.memref_slice %arg10[%dma_start3A_293, %dma_start3A_294] : memref<50000x16xf32, #tpu.memory_space<vmem_shared>> -> memref<50000x16xf32, #tpu.memory_space<vmem_shared>>
      %dma_start3A_296 = tpu.memref_slice %arg9[%dma_start3A_285] : memref<5x!tpu.dma_semaphore, #tpu.memory_space<semaphore_mem>> -> memref<1x!tpu.dma_semaphore, #tpu.memory_space<semaphore_mem>>
      %dma_start3A_297 = tpu.memref_squeeze %dma_start3A_296 : memref<1x!tpu.dma_semaphore, #tpu.memory_space<semaphore_mem>> -> memref<!tpu.dma_semaphore, #tpu.memory_space<semaphore_mem>>
      tpu.enqueue_indirect_dma source(%dma_start3A_289 : memref<128x16xf32, #tpu.memory_space<vmem>>) target(%dma_start3A_295 : memref<50000x16xf32, #tpu.memory_space<vmem_shared>>) offsets(%dma_start3A_292 : memref<128xi32, #tpu.memory_space<vmem>>) semaphore(%dma_start3A_297 : memref<!tpu.dma_semaphore, #tpu.memory_space<semaphore_mem>>) {add = true}
      %add3A_298 = arith.constant 0 : i32
      %add3A_299 = arith.addi %mul3A_128, %add3A_298 : i32
      %dma_wait3A_300 = arith.constant 0 : i32
      %dma_wait3A_301 = arith.constant 0 : i32
      %dma_wait3A_302 = arith.constant 0 : i32
      %dma_wait3A_303 = arith.constant 0 : i32
      %dma_wait3A_304 = tpu.memref_slice %arg7[%dma_wait3A_300, %dma_wait3A_302, %dma_wait3A_303] : memref<5x128x16xf32, #tpu.memory_space<vmem>> -> memref<1x128x16xf32, #tpu.memory_space<vmem>>
      %dma_wait3A_305 = tpu.memref_squeeze %dma_wait3A_304 : memref<1x128x16xf32, #tpu.memory_space<vmem>> -> memref<128x16xf32, #tpu.memory_space<vmem>>
      %dma_wait3A_306 = arith.constant 0 : i32
      %dma_wait3A_307 = tpu.memref_slice %arg6[%add3A_299, %dma_wait3A_306] : memref<195x128xi32, #tpu.memory_space<vmem>> -> memref<1x128xi32, #tpu.memory_space<vmem>>
      %dma_wait3A_308 = tpu.memref_squeeze %dma_wait3A_307 : memref<1x128xi32, #tpu.memory_space<vmem>> -> memref<128xi32, #tpu.memory_space<vmem>>
      %dma_wait3A_309 = arith.constant 0 : i32
      %dma_wait3A_310 = arith.constant 0 : i32
      %dma_wait3A_311 = tpu.memref_slice %arg10[%dma_wait3A_309, %dma_wait3A_310] : memref<50000x16xf32, #tpu.memory_space<vmem_shared>> -> memref<50000x16xf32, #tpu.memory_space<vmem_shared>>
      %dma_wait3A_312 = tpu.memref_slice %arg9[%dma_wait3A_301] : memref<5x!tpu.dma_semaphore, #tpu.memory_space<semaphore_mem>> -> memref<1x!tpu.dma_semaphore, #tpu.memory_space<semaphore_mem>>
      %dma_wait3A_313 = tpu.memref_squeeze %dma_wait3A_312 : memref<1x!tpu.dma_semaphore, #tpu.memory_space<semaphore_mem>> -> memref<!tpu.dma_semaphore, #tpu.memory_space<semaphore_mem>>
      tpu.wait_indirect_dma semaphore(%dma_wait3A_313 : memref<!tpu.dma_semaphore, #tpu.memory_space<semaphore_mem>>) src(%dma_wait3A_305 : memref<128x16xf32, #tpu.memory_space<vmem>>) dst(%dma_wait3A_311 : memref<50000x16xf32, #tpu.memory_space<vmem_shared>>)
      %lt3A = arith.constant 38 : i32
      %lt3A_314 = arith.cmpi slt, %add3A_126, %lt3A : i32
      %convert_element_type3A = arith.extui %lt3A_314 : i1 to i32
      %cond3A = arith.constant 0 : i32
      %cond3A_315 = arith.cmpi ne, %convert_element_type3A, %cond3A : i32
      scf.if %cond3A_315 {
        %add3A_400 = arith.addi %mul3A_2, %mul3A_128 : i32
        %add3A_401 = arith.constant 5 : i32
        %add3A_402 = arith.addi %add3A_400, %add3A_401 : i32
        %add3A_403 = arith.constant 0 : i32
        %add3A_404 = arith.addi %add3A_402, %add3A_403 : i32
        %mul3A_405 = arith.constant 128 : i32
        %mul3A_406 = arith.muli %add3A_404, %mul3A_405 : i32
        %dma_start3A_407 = arith.constant 0 : i32
        %dma_start3A_408 = arith.constant 0 : i32
        %dma_start3A_409 = arith.constant 0 : i32
        %dma_start3A_410 = arith.constant 0 : i32
        %dma_start3A_411 = tpu.memref_slice %arg7[%dma_start3A_407, %dma_start3A_409, %dma_start3A_410] : memref<5x128x16xf32, #tpu.memory_space<vmem>> -> memref<1x128x16xf32, #tpu.memory_space<vmem>>
        %dma_start3A_412 = tpu.memref_squeeze %dma_start3A_411 : memref<1x128x16xf32, #tpu.memory_space<vmem>> -> memref<128x16xf32, #tpu.memory_space<vmem>>
        %dma_start3A_413 = arith.constant 0 : i32
        %dma_start3A_414 = tpu.memref_slice %arg2[%mul3A_406, %dma_start3A_413] : memref<798720x16xf32, #tpu.memory_space<hbm>> -> memref<128x16xf32, #tpu.memory_space<hbm>>
        %dma_start3A_415 = tpu.memref_slice %arg8[%dma_start3A_408] : memref<5x!tpu.dma_semaphore, #tpu.memory_space<semaphore_mem>> -> memref<1x!tpu.dma_semaphore, #tpu.memory_space<semaphore_mem>>
        %dma_start3A_416 = tpu.memref_squeeze %dma_start3A_415 : memref<1x!tpu.dma_semaphore, #tpu.memory_space<semaphore_mem>> -> memref<!tpu.dma_semaphore, #tpu.memory_space<semaphore_mem>>
        %dma_start3A_417 = arith.constant 0 : i32
        %dma_start3A_418 = arith.constant 0 : i32
        %dma_start3A_419 = tpu.memref_slice %arg7[%dma_start3A_407, %dma_start3A_417, %dma_start3A_418] : memref<5x128x16xf32, #tpu.memory_space<vmem>> -> memref<1x128x16xf32, #tpu.memory_space<vmem>>
        %dma_start3A_420 = tpu.memref_squeeze %dma_start3A_419 : memref<1x128x16xf32, #tpu.memory_space<vmem>> -> memref<128x16xf32, #tpu.memory_space<vmem>>
        %dma_start3A_421 = arith.constant 0 : i32
        %dma_start3A_422 = tpu.memref_slice %arg2[%mul3A_406, %dma_start3A_421] : memref<798720x16xf32, #tpu.memory_space<hbm>> -> memref<128x16xf32, #tpu.memory_space<hbm>>
        tpu.enqueue_dma source(%dma_start3A_422 : memref<128x16xf32, #tpu.memory_space<hbm>>) target(%dma_start3A_420 : memref<128x16xf32, #tpu.memory_space<vmem>>) target_semaphore(%dma_start3A_416 : memref<!tpu.dma_semaphore, #tpu.memory_space<semaphore_mem>>)
      } else {
      }
      %add3A_316 = arith.constant 1 : i32
      %add3A_317 = arith.addi %mul3A_128, %add3A_316 : i32
      %dma_wait3A_318 = arith.constant 1 : i32
      %dma_wait3A_319 = arith.constant 1 : i32
      %dma_wait3A_320 = arith.constant 0 : i32
      %dma_wait3A_321 = arith.constant 0 : i32
      %dma_wait3A_322 = tpu.memref_slice %arg7[%dma_wait3A_318, %dma_wait3A_320, %dma_wait3A_321] : memref<5x128x16xf32, #tpu.memory_space<vmem>> -> memref<1x128x16xf32, #tpu.memory_space<vmem>>
      %dma_wait3A_323 = tpu.memref_squeeze %dma_wait3A_322 : memref<1x128x16xf32, #tpu.memory_space<vmem>> -> memref<128x16xf32, #tpu.memory_space<vmem>>
      %dma_wait3A_324 = arith.constant 0 : i32
      %dma_wait3A_325 = tpu.memref_slice %arg6[%add3A_317, %dma_wait3A_324] : memref<195x128xi32, #tpu.memory_space<vmem>> -> memref<1x128xi32, #tpu.memory_space<vmem>>
      %dma_wait3A_326 = tpu.memref_squeeze %dma_wait3A_325 : memref<1x128xi32, #tpu.memory_space<vmem>> -> memref<128xi32, #tpu.memory_space<vmem>>
      %dma_wait3A_327 = arith.constant 0 : i32
      %dma_wait3A_328 = arith.constant 0 : i32
      %dma_wait3A_329 = tpu.memref_slice %arg10[%dma_wait3A_327, %dma_wait3A_328] : memref<50000x16xf32, #tpu.memory_space<vmem_shared>> -> memref<50000x16xf32, #tpu.memory_space<vmem_shared>>
      %dma_wait3A_330 = tpu.memref_slice %arg9[%dma_wait3A_319] : memref<5x!tpu.dma_semaphore, #tpu.memory_space<semaphore_mem>> -> memref<1x!tpu.dma_semaphore, #tpu.memory_space<semaphore_mem>>
      %dma_wait3A_331 = tpu.memref_squeeze %dma_wait3A_330 : memref<1x!tpu.dma_semaphore, #tpu.memory_space<semaphore_mem>> -> memref<!tpu.dma_semaphore, #tpu.memory_space<semaphore_mem>>
      tpu.wait_indirect_dma semaphore(%dma_wait3A_331 : memref<!tpu.dma_semaphore, #tpu.memory_space<semaphore_mem>>) src(%dma_wait3A_323 : memref<128x16xf32, #tpu.memory_space<vmem>>) dst(%dma_wait3A_329 : memref<50000x16xf32, #tpu.memory_space<vmem_shared>>)
      %lt3A_332 = arith.constant 38 : i32
      %lt3A_333 = arith.cmpi slt, %add3A_126, %lt3A_332 : i32
      %convert_element_type3A_334 = arith.extui %lt3A_333 : i1 to i32
      %cond3A_335 = arith.constant 0 : i32
      %cond3A_336 = arith.cmpi ne, %convert_element_type3A_334, %cond3A_335 : i32
      scf.if %cond3A_336 {
        %add3A_400 = arith.addi %mul3A_2, %mul3A_128 : i32
        %add3A_401 = arith.constant 5 : i32
        %add3A_402 = arith.addi %add3A_400, %add3A_401 : i32
        %add3A_403 = arith.constant 1 : i32
        %add3A_404 = arith.addi %add3A_402, %add3A_403 : i32
        %mul3A_405 = arith.constant 128 : i32
        %mul3A_406 = arith.muli %add3A_404, %mul3A_405 : i32
        %dma_start3A_407 = arith.constant 1 : i32
        %dma_start3A_408 = arith.constant 1 : i32
        %dma_start3A_409 = arith.constant 0 : i32
        %dma_start3A_410 = arith.constant 0 : i32
        %dma_start3A_411 = tpu.memref_slice %arg7[%dma_start3A_407, %dma_start3A_409, %dma_start3A_410] : memref<5x128x16xf32, #tpu.memory_space<vmem>> -> memref<1x128x16xf32, #tpu.memory_space<vmem>>
        %dma_start3A_412 = tpu.memref_squeeze %dma_start3A_411 : memref<1x128x16xf32, #tpu.memory_space<vmem>> -> memref<128x16xf32, #tpu.memory_space<vmem>>
        %dma_start3A_413 = arith.constant 0 : i32
        %dma_start3A_414 = tpu.memref_slice %arg2[%mul3A_406, %dma_start3A_413] : memref<798720x16xf32, #tpu.memory_space<hbm>> -> memref<128x16xf32, #tpu.memory_space<hbm>>
        %dma_start3A_415 = tpu.memref_slice %arg8[%dma_start3A_408] : memref<5x!tpu.dma_semaphore, #tpu.memory_space<semaphore_mem>> -> memref<1x!tpu.dma_semaphore, #tpu.memory_space<semaphore_mem>>
        %dma_start3A_416 = tpu.memref_squeeze %dma_start3A_415 : memref<1x!tpu.dma_semaphore, #tpu.memory_space<semaphore_mem>> -> memref<!tpu.dma_semaphore, #tpu.memory_space<semaphore_mem>>
        %dma_start3A_417 = arith.constant 0 : i32
        %dma_start3A_418 = arith.constant 0 : i32
        %dma_start3A_419 = tpu.memref_slice %arg7[%dma_start3A_407, %dma_start3A_417, %dma_start3A_418] : memref<5x128x16xf32, #tpu.memory_space<vmem>> -> memref<1x128x16xf32, #tpu.memory_space<vmem>>
        %dma_start3A_420 = tpu.memref_squeeze %dma_start3A_419 : memref<1x128x16xf32, #tpu.memory_space<vmem>> -> memref<128x16xf32, #tpu.memory_space<vmem>>
        %dma_start3A_421 = arith.constant 0 : i32
        %dma_start3A_422 = tpu.memref_slice %arg2[%mul3A_406, %dma_start3A_421] : memref<798720x16xf32, #tpu.memory_space<hbm>> -> memref<128x16xf32, #tpu.memory_space<hbm>>
        tpu.enqueue_dma source(%dma_start3A_422 : memref<128x16xf32, #tpu.memory_space<hbm>>) target(%dma_start3A_420 : memref<128x16xf32, #tpu.memory_space<vmem>>) target_semaphore(%dma_start3A_416 : memref<!tpu.dma_semaphore, #tpu.memory_space<semaphore_mem>>)
      } else {
      }
      %add3A_337 = arith.constant 2 : i32
      %add3A_338 = arith.addi %mul3A_128, %add3A_337 : i32
      %dma_wait3A_339 = arith.constant 2 : i32
      %dma_wait3A_340 = arith.constant 2 : i32
      %dma_wait3A_341 = arith.constant 0 : i32
      %dma_wait3A_342 = arith.constant 0 : i32
      %dma_wait3A_343 = tpu.memref_slice %arg7[%dma_wait3A_339, %dma_wait3A_341, %dma_wait3A_342] : memref<5x128x16xf32, #tpu.memory_space<vmem>> -> memref<1x128x16xf32, #tpu.memory_space<vmem>>
      %dma_wait3A_344 = tpu.memref_squeeze %dma_wait3A_343 : memref<1x128x16xf32, #tpu.memory_space<vmem>> -> memref<128x16xf32, #tpu.memory_space<vmem>>
      %dma_wait3A_345 = arith.constant 0 : i32
      %dma_wait3A_346 = tpu.memref_slice %arg6[%add3A_338, %dma_wait3A_345] : memref<195x128xi32, #tpu.memory_space<vmem>> -> memref<1x128xi32, #tpu.memory_space<vmem>>
      %dma_wait3A_347 = tpu.memref_squeeze %dma_wait3A_346 : memref<1x128xi32, #tpu.memory_space<vmem>> -> memref<128xi32, #tpu.memory_space<vmem>>
      %dma_wait3A_348 = arith.constant 0 : i32
      %dma_wait3A_349 = arith.constant 0 : i32
      %dma_wait3A_350 = tpu.memref_slice %arg10[%dma_wait3A_348, %dma_wait3A_349] : memref<50000x16xf32, #tpu.memory_space<vmem_shared>> -> memref<50000x16xf32, #tpu.memory_space<vmem_shared>>
      %dma_wait3A_351 = tpu.memref_slice %arg9[%dma_wait3A_340] : memref<5x!tpu.dma_semaphore, #tpu.memory_space<semaphore_mem>> -> memref<1x!tpu.dma_semaphore, #tpu.memory_space<semaphore_mem>>
      %dma_wait3A_352 = tpu.memref_squeeze %dma_wait3A_351 : memref<1x!tpu.dma_semaphore, #tpu.memory_space<semaphore_mem>> -> memref<!tpu.dma_semaphore, #tpu.memory_space<semaphore_mem>>
      tpu.wait_indirect_dma semaphore(%dma_wait3A_352 : memref<!tpu.dma_semaphore, #tpu.memory_space<semaphore_mem>>) src(%dma_wait3A_344 : memref<128x16xf32, #tpu.memory_space<vmem>>) dst(%dma_wait3A_350 : memref<50000x16xf32, #tpu.memory_space<vmem_shared>>)
      %lt3A_353 = arith.constant 38 : i32
      %lt3A_354 = arith.cmpi slt, %add3A_126, %lt3A_353 : i32
      %convert_element_type3A_355 = arith.extui %lt3A_354 : i1 to i32
      %cond3A_356 = arith.constant 0 : i32
      %cond3A_357 = arith.cmpi ne, %convert_element_type3A_355, %cond3A_356 : i32
      scf.if %cond3A_357 {
        %add3A_400 = arith.addi %mul3A_2, %mul3A_128 : i32
        %add3A_401 = arith.constant 5 : i32
        %add3A_402 = arith.addi %add3A_400, %add3A_401 : i32
        %add3A_403 = arith.constant 2 : i32
        %add3A_404 = arith.addi %add3A_402, %add3A_403 : i32
        %mul3A_405 = arith.constant 128 : i32
        %mul3A_406 = arith.muli %add3A_404, %mul3A_405 : i32
        %dma_start3A_407 = arith.constant 2 : i32
        %dma_start3A_408 = arith.constant 2 : i32
        %dma_start3A_409 = arith.constant 0 : i32
        %dma_start3A_410 = arith.constant 0 : i32
        %dma_start3A_411 = tpu.memref_slice %arg7[%dma_start3A_407, %dma_start3A_409, %dma_start3A_410] : memref<5x128x16xf32, #tpu.memory_space<vmem>> -> memref<1x128x16xf32, #tpu.memory_space<vmem>>
        %dma_start3A_412 = tpu.memref_squeeze %dma_start3A_411 : memref<1x128x16xf32, #tpu.memory_space<vmem>> -> memref<128x16xf32, #tpu.memory_space<vmem>>
        %dma_start3A_413 = arith.constant 0 : i32
        %dma_start3A_414 = tpu.memref_slice %arg2[%mul3A_406, %dma_start3A_413] : memref<798720x16xf32, #tpu.memory_space<hbm>> -> memref<128x16xf32, #tpu.memory_space<hbm>>
        %dma_start3A_415 = tpu.memref_slice %arg8[%dma_start3A_408] : memref<5x!tpu.dma_semaphore, #tpu.memory_space<semaphore_mem>> -> memref<1x!tpu.dma_semaphore, #tpu.memory_space<semaphore_mem>>
        %dma_start3A_416 = tpu.memref_squeeze %dma_start3A_415 : memref<1x!tpu.dma_semaphore, #tpu.memory_space<semaphore_mem>> -> memref<!tpu.dma_semaphore, #tpu.memory_space<semaphore_mem>>
        %dma_start3A_417 = arith.constant 0 : i32
        %dma_start3A_418 = arith.constant 0 : i32
        %dma_start3A_419 = tpu.memref_slice %arg7[%dma_start3A_407, %dma_start3A_417, %dma_start3A_418] : memref<5x128x16xf32, #tpu.memory_space<vmem>> -> memref<1x128x16xf32, #tpu.memory_space<vmem>>
        %dma_start3A_420 = tpu.memref_squeeze %dma_start3A_419 : memref<1x128x16xf32, #tpu.memory_space<vmem>> -> memref<128x16xf32, #tpu.memory_space<vmem>>
        %dma_start3A_421 = arith.constant 0 : i32
        %dma_start3A_422 = tpu.memref_slice %arg2[%mul3A_406, %dma_start3A_421] : memref<798720x16xf32, #tpu.memory_space<hbm>> -> memref<128x16xf32, #tpu.memory_space<hbm>>
        tpu.enqueue_dma source(%dma_start3A_422 : memref<128x16xf32, #tpu.memory_space<hbm>>) target(%dma_start3A_420 : memref<128x16xf32, #tpu.memory_space<vmem>>) target_semaphore(%dma_start3A_416 : memref<!tpu.dma_semaphore, #tpu.memory_space<semaphore_mem>>)
      } else {
      }
      %add3A_358 = arith.constant 3 : i32
      %add3A_359 = arith.addi %mul3A_128, %add3A_358 : i32
      %dma_wait3A_360 = arith.constant 3 : i32
      %dma_wait3A_361 = arith.constant 3 : i32
      %dma_wait3A_362 = arith.constant 0 : i32
      %dma_wait3A_363 = arith.constant 0 : i32
      %dma_wait3A_364 = tpu.memref_slice %arg7[%dma_wait3A_360, %dma_wait3A_362, %dma_wait3A_363] : memref<5x128x16xf32, #tpu.memory_space<vmem>> -> memref<1x128x16xf32, #tpu.memory_space<vmem>>
      %dma_wait3A_365 = tpu.memref_squeeze %dma_wait3A_364 : memref<1x128x16xf32, #tpu.memory_space<vmem>> -> memref<128x16xf32, #tpu.memory_space<vmem>>
      %dma_wait3A_366 = arith.constant 0 : i32
      %dma_wait3A_367 = tpu.memref_slice %arg6[%add3A_359, %dma_wait3A_366] : memref<195x128xi32, #tpu.memory_space<vmem>> -> memref<1x128xi32, #tpu.memory_space<vmem>>
      %dma_wait3A_368 = tpu.memref_squeeze %dma_wait3A_367 : memref<1x128xi32, #tpu.memory_space<vmem>> -> memref<128xi32, #tpu.memory_space<vmem>>
      %dma_wait3A_369 = arith.constant 0 : i32
      %dma_wait3A_370 = arith.constant 0 : i32
      %dma_wait3A_371 = tpu.memref_slice %arg10[%dma_wait3A_369, %dma_wait3A_370] : memref<50000x16xf32, #tpu.memory_space<vmem_shared>> -> memref<50000x16xf32, #tpu.memory_space<vmem_shared>>
      %dma_wait3A_372 = tpu.memref_slice %arg9[%dma_wait3A_361] : memref<5x!tpu.dma_semaphore, #tpu.memory_space<semaphore_mem>> -> memref<1x!tpu.dma_semaphore, #tpu.memory_space<semaphore_mem>>
      %dma_wait3A_373 = tpu.memref_squeeze %dma_wait3A_372 : memref<1x!tpu.dma_semaphore, #tpu.memory_space<semaphore_mem>> -> memref<!tpu.dma_semaphore, #tpu.memory_space<semaphore_mem>>
      tpu.wait_indirect_dma semaphore(%dma_wait3A_373 : memref<!tpu.dma_semaphore, #tpu.memory_space<semaphore_mem>>) src(%dma_wait3A_365 : memref<128x16xf32, #tpu.memory_space<vmem>>) dst(%dma_wait3A_371 : memref<50000x16xf32, #tpu.memory_space<vmem_shared>>)
      %lt3A_374 = arith.constant 38 : i32
      %lt3A_375 = arith.cmpi slt, %add3A_126, %lt3A_374 : i32
      %convert_element_type3A_376 = arith.extui %lt3A_375 : i1 to i32
      %cond3A_377 = arith.constant 0 : i32
      %cond3A_378 = arith.cmpi ne, %convert_element_type3A_376, %cond3A_377 : i32
      scf.if %cond3A_378 {
        %add3A_400 = arith.addi %mul3A_2, %mul3A_128 : i32
        %add3A_401 = arith.constant 5 : i32
        %add3A_402 = arith.addi %add3A_400, %add3A_401 : i32
        %add3A_403 = arith.constant 3 : i32
        %add3A_404 = arith.addi %add3A_402, %add3A_403 : i32
        %mul3A_405 = arith.constant 128 : i32
        %mul3A_406 = arith.muli %add3A_404, %mul3A_405 : i32
        %dma_start3A_407 = arith.constant 3 : i32
        %dma_start3A_408 = arith.constant 3 : i32
        %dma_start3A_409 = arith.constant 0 : i32
        %dma_start3A_410 = arith.constant 0 : i32
        %dma_start3A_411 = tpu.memref_slice %arg7[%dma_start3A_407, %dma_start3A_409, %dma_start3A_410] : memref<5x128x16xf32, #tpu.memory_space<vmem>> -> memref<1x128x16xf32, #tpu.memory_space<vmem>>
        %dma_start3A_412 = tpu.memref_squeeze %dma_start3A_411 : memref<1x128x16xf32, #tpu.memory_space<vmem>> -> memref<128x16xf32, #tpu.memory_space<vmem>>
        %dma_start3A_413 = arith.constant 0 : i32
        %dma_start3A_414 = tpu.memref_slice %arg2[%mul3A_406, %dma_start3A_413] : memref<798720x16xf32, #tpu.memory_space<hbm>> -> memref<128x16xf32, #tpu.memory_space<hbm>>
        %dma_start3A_415 = tpu.memref_slice %arg8[%dma_start3A_408] : memref<5x!tpu.dma_semaphore, #tpu.memory_space<semaphore_mem>> -> memref<1x!tpu.dma_semaphore, #tpu.memory_space<semaphore_mem>>
        %dma_start3A_416 = tpu.memref_squeeze %dma_start3A_415 : memref<1x!tpu.dma_semaphore, #tpu.memory_space<semaphore_mem>> -> memref<!tpu.dma_semaphore, #tpu.memory_space<semaphore_mem>>
        %dma_start3A_417 = arith.constant 0 : i32
        %dma_start3A_418 = arith.constant 0 : i32
        %dma_start3A_419 = tpu.memref_slice %arg7[%dma_start3A_407, %dma_start3A_417, %dma_start3A_418] : memref<5x128x16xf32, #tpu.memory_space<vmem>> -> memref<1x128x16xf32, #tpu.memory_space<vmem>>
        %dma_start3A_420 = tpu.memref_squeeze %dma_start3A_419 : memref<1x128x16xf32, #tpu.memory_space<vmem>> -> memref<128x16xf32, #tpu.memory_space<vmem>>
        %dma_start3A_421 = arith.constant 0 : i32
        %dma_start3A_422 = tpu.memref_slice %arg2[%mul3A_406, %dma_start3A_421] : memref<798720x16xf32, #tpu.memory_space<hbm>> -> memref<128x16xf32, #tpu.memory_space<hbm>>
        tpu.enqueue_dma source(%dma_start3A_422 : memref<128x16xf32, #tpu.memory_space<hbm>>) target(%dma_start3A_420 : memref<128x16xf32, #tpu.memory_space<vmem>>) target_semaphore(%dma_start3A_416 : memref<!tpu.dma_semaphore, #tpu.memory_space<semaphore_mem>>)
      } else {
      }
      %add3A_379 = arith.constant 4 : i32
      %add3A_380 = arith.addi %mul3A_128, %add3A_379 : i32
      %dma_wait3A_381 = arith.constant 4 : i32
      %dma_wait3A_382 = arith.constant 4 : i32
      %dma_wait3A_383 = arith.constant 0 : i32
      %dma_wait3A_384 = arith.constant 0 : i32
      %dma_wait3A_385 = tpu.memref_slice %arg7[%dma_wait3A_381, %dma_wait3A_383, %dma_wait3A_384] : memref<5x128x16xf32, #tpu.memory_space<vmem>> -> memref<1x128x16xf32, #tpu.memory_space<vmem>>
      %dma_wait3A_386 = tpu.memref_squeeze %dma_wait3A_385 : memref<1x128x16xf32, #tpu.memory_space<vmem>> -> memref<128x16xf32, #tpu.memory_space<vmem>>
      %dma_wait3A_387 = arith.constant 0 : i32
      %dma_wait3A_388 = tpu.memref_slice %arg6[%add3A_380, %dma_wait3A_387] : memref<195x128xi32, #tpu.memory_space<vmem>> -> memref<1x128xi32, #tpu.memory_space<vmem>>
      %dma_wait3A_389 = tpu.memref_squeeze %dma_wait3A_388 : memref<1x128xi32, #tpu.memory_space<vmem>> -> memref<128xi32, #tpu.memory_space<vmem>>
      %dma_wait3A_390 = arith.constant 0 : i32
      %dma_wait3A_391 = arith.constant 0 : i32
      %dma_wait3A_392 = tpu.memref_slice %arg10[%dma_wait3A_390, %dma_wait3A_391] : memref<50000x16xf32, #tpu.memory_space<vmem_shared>> -> memref<50000x16xf32, #tpu.memory_space<vmem_shared>>
      %dma_wait3A_393 = tpu.memref_slice %arg9[%dma_wait3A_382] : memref<5x!tpu.dma_semaphore, #tpu.memory_space<semaphore_mem>> -> memref<1x!tpu.dma_semaphore, #tpu.memory_space<semaphore_mem>>
      %dma_wait3A_394 = tpu.memref_squeeze %dma_wait3A_393 : memref<1x!tpu.dma_semaphore, #tpu.memory_space<semaphore_mem>> -> memref<!tpu.dma_semaphore, #tpu.memory_space<semaphore_mem>>
      tpu.wait_indirect_dma semaphore(%dma_wait3A_394 : memref<!tpu.dma_semaphore, #tpu.memory_space<semaphore_mem>>) src(%dma_wait3A_386 : memref<128x16xf32, #tpu.memory_space<vmem>>) dst(%dma_wait3A_392 : memref<50000x16xf32, #tpu.memory_space<vmem_shared>>)
      %lt3A_395 = arith.constant 38 : i32
      %lt3A_396 = arith.cmpi slt, %add3A_126, %lt3A_395 : i32
      %convert_element_type3A_397 = arith.extui %lt3A_396 : i1 to i32
      %cond3A_398 = arith.constant 0 : i32
      %cond3A_399 = arith.cmpi ne, %convert_element_type3A_397, %cond3A_398 : i32
      scf.if %cond3A_399 {
        %add3A_400 = arith.addi %mul3A_2, %mul3A_128 : i32
        %add3A_401 = arith.constant 5 : i32
        %add3A_402 = arith.addi %add3A_400, %add3A_401 : i32
        %add3A_403 = arith.constant 4 : i32
        %add3A_404 = arith.addi %add3A_402, %add3A_403 : i32
        %mul3A_405 = arith.constant 128 : i32
        %mul3A_406 = arith.muli %add3A_404, %mul3A_405 : i32
        %dma_start3A_407 = arith.constant 4 : i32
        %dma_start3A_408 = arith.constant 4 : i32
        %dma_start3A_409 = arith.constant 0 : i32
        %dma_start3A_410 = arith.constant 0 : i32
        %dma_start3A_411 = tpu.memref_slice %arg7[%dma_start3A_407, %dma_start3A_409, %dma_start3A_410] : memref<5x128x16xf32, #tpu.memory_space<vmem>> -> memref<1x128x16xf32, #tpu.memory_space<vmem>>
        %dma_start3A_412 = tpu.memref_squeeze %dma_start3A_411 : memref<1x128x16xf32, #tpu.memory_space<vmem>> -> memref<128x16xf32, #tpu.memory_space<vmem>>
        %dma_start3A_413 = arith.constant 0 : i32
        %dma_start3A_414 = tpu.memref_slice %arg2[%mul3A_406, %dma_start3A_413] : memref<798720x16xf32, #tpu.memory_space<hbm>> -> memref<128x16xf32, #tpu.memory_space<hbm>>
        %dma_start3A_415 = tpu.memref_slice %arg8[%dma_start3A_408] : memref<5x!tpu.dma_semaphore, #tpu.memory_space<semaphore_mem>> -> memref<1x!tpu.dma_semaphore, #tpu.memory_space<semaphore_mem>>
        %dma_start3A_416 = tpu.memref_squeeze %dma_start3A_415 : memref<1x!tpu.dma_semaphore, #tpu.memory_space<semaphore_mem>> -> memref<!tpu.dma_semaphore, #tpu.memory_space<semaphore_mem>>
        %dma_start3A_417 = arith.constant 0 : i32
        %dma_start3A_418 = arith.constant 0 : i32
        %dma_start3A_419 = tpu.memref_slice %arg7[%dma_start3A_407, %dma_start3A_417, %dma_start3A_418] : memref<5x128x16xf32, #tpu.memory_space<vmem>> -> memref<1x128x16xf32, #tpu.memory_space<vmem>>
        %dma_start3A_420 = tpu.memref_squeeze %dma_start3A_419 : memref<1x128x16xf32, #tpu.memory_space<vmem>> -> memref<128x16xf32, #tpu.memory_space<vmem>>
        %dma_start3A_421 = arith.constant 0 : i32
        %dma_start3A_422 = tpu.memref_slice %arg2[%mul3A_406, %dma_start3A_421] : memref<798720x16xf32, #tpu.memory_space<hbm>> -> memref<128x16xf32, #tpu.memory_space<hbm>>
        tpu.enqueue_dma source(%dma_start3A_422 : memref<128x16xf32, #tpu.memory_space<hbm>>) target(%dma_start3A_420 : memref<128x16xf32, #tpu.memory_space<vmem>>) target_semaphore(%dma_start3A_416 : memref<!tpu.dma_semaphore, #tpu.memory_space<semaphore_mem>>)
      } else {
      }
    }
    %scan3A_117 = arith.constant 39 : i32
    %barrier3A_118 = arith.constant 0 : index
    tpu.barrier barrier_id(%barrier3A_118)
    %mul3A_119 = arith.constant 50000 : i32
    %mul3A_120 = arith.muli %arg0, %mul3A_119 : i32
    %add3A_121 = arith.addi %mul3A_120, %mul3A_4 : i32
    "tpu.region"() ({
      %run_scoped3A = tpu.sem_alloc : memref<!tpu.dma_semaphore, #tpu.memory_space<semaphore_mem>>
      %dma_start3A_122 = arith.constant 0 : i32
      %dma_start3A_123 = tpu.memref_slice %arg4[%add3A_121, %dma_start3A_122] : memref<100000x16xf32, #tpu.memory_space<hbm>> -> memref<3125x16xf32, #tpu.memory_space<hbm>>
      %dma_start3A_124 = arith.constant 0 : i32
      %dma_start3A_125 = tpu.memref_slice %arg10[%mul3A_4, %dma_start3A_124] : memref<50000x16xf32, #tpu.memory_space<vmem_shared>> -> memref<3125x16xf32, #tpu.memory_space<vmem_shared>>
      tpu.enqueue_dma source(%dma_start3A_125 : memref<3125x16xf32, #tpu.memory_space<vmem_shared>>) target(%dma_start3A_123 : memref<3125x16xf32, #tpu.memory_space<hbm>>) target_semaphore(%run_scoped3A : memref<!tpu.dma_semaphore, #tpu.memory_space<semaphore_mem>>)
      %dma_wait3A = arith.constant 0 : i32
      %dma_wait3A_126 = tpu.memref_slice %arg4[%add3A_121, %dma_wait3A] : memref<100000x16xf32, #tpu.memory_space<hbm>> -> memref<3125x16xf32, #tpu.memory_space<hbm>>
      %dma_wait3A_127 = arith.constant 0 : i32
      %dma_wait3A_128 = tpu.memref_slice %arg10[%mul3A_4, %dma_wait3A_127] : memref<50000x16xf32, #tpu.memory_space<vmem_shared>> -> memref<3125x16xf32, #tpu.memory_space<vmem_shared>>
      tpu.wait_dma2 semaphore(%run_scoped3A : memref<!tpu.dma_semaphore, #tpu.memory_space<semaphore_mem>>) src(%dma_wait3A_128 : memref<3125x16xf32, #tpu.memory_space<vmem_shared>>) dst(%dma_wait3A_126 : memref<3125x16xf32, #tpu.memory_space<hbm>>)
      tpu.yield
    }) : () -> ()
    return
  }
}

#map = affine_map<(d0, d1) -> (0, 0)>
module attributes {stable_mosaic.version = 14 : i64} {
  func.func @k(%arg0: i32, %arg1: i32, %arg2: memref<50000x16xf32, #tpu.memory_space<hbm>>, %arg3: memref<1x798720xi32, #tpu.memory_space<hbm>>, %arg4: memref<1x798720xi32, #tpu.memory_space<hbm>>, %arg5: memref<798720x16xf32, #tpu.memory_space<hbm>>, %arg6: memref<798720x16xf32, #tpu.memory_space<hbm>>, %arg7: memref<24960xi32, #tpu.memory_space<vmem>>, %arg8: memref<5x128x16xf32, #tpu.memory_space<vmem>>, %arg9: memref<5x!tpu.dma_semaphore, #tpu.memory_space<semaphore_mem>>, %arg10: memref<5x!tpu.dma_semaphore, #tpu.memory_space<semaphore_mem>>, %arg11: memref<24960xi32, #tpu.memory_space<vmem>>, %arg12: memref<5x128x16xf32, #tpu.memory_space<vmem>>, %arg13: memref<5x!tpu.dma_semaphore, #tpu.memory_space<semaphore_mem>>, %arg14: memref<5x!tpu.dma_semaphore, #tpu.memory_space<semaphore_mem>>) attributes {dimension_semantics = [#tpu.dimension_semantics<core_parallel>, #tpu.dimension_semantics<subcore_parallel>], iteration_bounds = array<i64: 2, 16>, scalar_prefetch = 0 : i64, scratch_operands = 8 : i64, tpu.core_type = #tpu.core_type<sc_vector_subcore>, window_params = [{transform_indices = #map}, {transform_indices = #map}, {transform_indices = #map}, {transform_indices = #map}, {transform_indices = #map}]} {
    %mul3A = arith.constant 16 : i32
    %mul3A_0 = arith.muli %arg0, %mul3A : i32
    %add3A = arith.addi %mul3A_0, %arg1 : i32
    %mul3A_1 = arith.constant 195 : i32
    %mul3A_2 = arith.muli %add3A, %mul3A_1 : i32
    %mul3A_3 = arith.constant 24960 : i32
    %mul3A_4 = arith.muli %add3A, %mul3A_3 : i32
    %run_scoped3A = arith.constant 0 : i32
    "tpu.region"() ({
      %run_scoped3A_141 = tpu.sem_alloc : memref<!tpu.dma_semaphore, #tpu.memory_space<semaphore_mem>>
      %dma_start3A_142 = tpu.memref_slice %arg3[%run_scoped3A, %mul3A_4] : memref<1x798720xi32, #tpu.memory_space<hbm>> -> memref<1x24960xi32, #tpu.memory_space<hbm>>
      %dma_start3A_143 = tpu.memref_squeeze %dma_start3A_142 : memref<1x24960xi32, #tpu.memory_space<hbm>> -> memref<24960xi32, #tpu.memory_space<hbm>>
      %dma_start3A_144 = tpu.memref_slice %arg3[%run_scoped3A, %mul3A_4] : memref<1x798720xi32, #tpu.memory_space<hbm>> -> memref<1x24960xi32, #tpu.memory_space<hbm>>
      %dma_start3A_145 = tpu.memref_squeeze %dma_start3A_144 : memref<1x24960xi32, #tpu.memory_space<hbm>> -> memref<24960xi32, #tpu.memory_space<hbm>>
      tpu.enqueue_dma source(%dma_start3A_145 : memref<24960xi32, #tpu.memory_space<hbm>>) target(%arg7 : memref<24960xi32, #tpu.memory_space<vmem>>) target_semaphore(%run_scoped3A_141 : memref<!tpu.dma_semaphore, #tpu.memory_space<semaphore_mem>>)
      %dma_wait3A = tpu.memref_slice %arg3[%run_scoped3A, %mul3A_4] : memref<1x798720xi32, #tpu.memory_space<hbm>> -> memref<1x24960xi32, #tpu.memory_space<hbm>>
      %dma_wait3A_146 = tpu.memref_squeeze %dma_wait3A : memref<1x24960xi32, #tpu.memory_space<hbm>> -> memref<24960xi32, #tpu.memory_space<hbm>>
      %dma_wait3A_147 = tpu.memref_slice %arg3[%run_scoped3A, %mul3A_4] : memref<1x798720xi32, #tpu.memory_space<hbm>> -> memref<1x24960xi32, #tpu.memory_space<hbm>>
      %dma_wait3A_148 = tpu.memref_squeeze %dma_wait3A_147 : memref<1x24960xi32, #tpu.memory_space<hbm>> -> memref<24960xi32, #tpu.memory_space<hbm>>
      tpu.wait_dma2 semaphore(%run_scoped3A_141 : memref<!tpu.dma_semaphore, #tpu.memory_space<semaphore_mem>>) src(%dma_wait3A_148 : memref<24960xi32, #tpu.memory_space<hbm>>) dst(%arg7 : memref<24960xi32, #tpu.memory_space<vmem>>)
      tpu.yield
    }) : () -> ()
    %mul3A_5 = arith.constant 24960 : i32
    %mul3A_6 = arith.muli %add3A, %mul3A_5 : i32
    %run_scoped3A_7 = arith.constant 0 : i32
    "tpu.region"() ({
      %run_scoped3A_141 = tpu.sem_alloc : memref<!tpu.dma_semaphore, #tpu.memory_space<semaphore_mem>>
      %dma_start3A_142 = tpu.memref_slice %arg4[%run_scoped3A_7, %mul3A_6] : memref<1x798720xi32, #tpu.memory_space<hbm>> -> memref<1x24960xi32, #tpu.memory_space<hbm>>
      %dma_start3A_143 = tpu.memref_squeeze %dma_start3A_142 : memref<1x24960xi32, #tpu.memory_space<hbm>> -> memref<24960xi32, #tpu.memory_space<hbm>>
      %dma_start3A_144 = tpu.memref_slice %arg4[%run_scoped3A_7, %mul3A_6] : memref<1x798720xi32, #tpu.memory_space<hbm>> -> memref<1x24960xi32, #tpu.memory_space<hbm>>
      %dma_start3A_145 = tpu.memref_squeeze %dma_start3A_144 : memref<1x24960xi32, #tpu.memory_space<hbm>> -> memref<24960xi32, #tpu.memory_space<hbm>>
      tpu.enqueue_dma source(%dma_start3A_145 : memref<24960xi32, #tpu.memory_space<hbm>>) target(%arg11 : memref<24960xi32, #tpu.memory_space<vmem>>) target_semaphore(%run_scoped3A_141 : memref<!tpu.dma_semaphore, #tpu.memory_space<semaphore_mem>>)
      %dma_wait3A = tpu.memref_slice %arg4[%run_scoped3A_7, %mul3A_6] : memref<1x798720xi32, #tpu.memory_space<hbm>> -> memref<1x24960xi32, #tpu.memory_space<hbm>>
      %dma_wait3A_146 = tpu.memref_squeeze %dma_wait3A : memref<1x24960xi32, #tpu.memory_space<hbm>> -> memref<24960xi32, #tpu.memory_space<hbm>>
      %dma_wait3A_147 = tpu.memref_slice %arg4[%run_scoped3A_7, %mul3A_6] : memref<1x798720xi32, #tpu.memory_space<hbm>> -> memref<1x24960xi32, #tpu.memory_space<hbm>>
      %dma_wait3A_148 = tpu.memref_squeeze %dma_wait3A_147 : memref<1x24960xi32, #tpu.memory_space<hbm>> -> memref<24960xi32, #tpu.memory_space<hbm>>
      tpu.wait_dma2 semaphore(%run_scoped3A_141 : memref<!tpu.dma_semaphore, #tpu.memory_space<semaphore_mem>>) src(%dma_wait3A_148 : memref<24960xi32, #tpu.memory_space<hbm>>) dst(%arg11 : memref<24960xi32, #tpu.memory_space<vmem>>)
      tpu.yield
    }) : () -> ()
    %dma_start3A = arith.constant 0 : i32
    %dma_start3A_8 = arith.constant 0 : i32
    %dma_start3A_9 = arith.constant 0 : i32
    %dma_start3A_10 = arith.constant 0 : i32
    %dma_start3A_11 = tpu.memref_slice %arg8[%dma_start3A, %dma_start3A_9, %dma_start3A_10] : memref<5x128x16xf32, #tpu.memory_space<vmem>> -> memref<1x128x16xf32, #tpu.memory_space<vmem>>
    %dma_start3A_12 = tpu.memref_squeeze %dma_start3A_11 : memref<1x128x16xf32, #tpu.memory_space<vmem>> -> memref<128x16xf32, #tpu.memory_space<vmem>>
    %dma_start3A_13 = arith.constant 0 : i32
    %dma_start3A_14 = tpu.memref_slice %arg7[%dma_start3A_13] : memref<24960xi32, #tpu.memory_space<vmem>> -> memref<128xi32, #tpu.memory_space<vmem>>
    %dma_start3A_15 = arith.constant 0 : i32
    %dma_start3A_16 = arith.constant 0 : i32
    %dma_start3A_17 = tpu.memref_slice %arg2[%dma_start3A_15, %dma_start3A_16] : memref<50000x16xf32, #tpu.memory_space<hbm>> -> memref<50000x16xf32, #tpu.memory_space<hbm>>
    %dma_start3A_18 = tpu.memref_slice %arg9[%dma_start3A_8] : memref<5x!tpu.dma_semaphore, #tpu.memory_space<semaphore_mem>> -> memref<1x!tpu.dma_semaphore, #tpu.memory_space<semaphore_mem>>
    %dma_start3A_19 = tpu.memref_squeeze %dma_start3A_18 : memref<1x!tpu.dma_semaphore, #tpu.memory_space<semaphore_mem>> -> memref<!tpu.dma_semaphore, #tpu.memory_space<semaphore_mem>>
    tpu.enqueue_indirect_dma source(%dma_start3A_17 : memref<50000x16xf32, #tpu.memory_space<hbm>>) target(%dma_start3A_12 : memref<128x16xf32, #tpu.memory_space<vmem>>) offsets(%dma_start3A_14 : memref<128xi32, #tpu.memory_space<vmem>>) semaphore(%dma_start3A_19 : memref<!tpu.dma_semaphore, #tpu.memory_space<semaphore_mem>>)
    %dma_start3A_20 = arith.constant 1 : i32
    %dma_start3A_21 = arith.constant 1 : i32
    %dma_start3A_22 = arith.constant 0 : i32
    %dma_start3A_23 = arith.constant 0 : i32
    %dma_start3A_24 = tpu.memref_slice %arg8[%dma_start3A_20, %dma_start3A_22, %dma_start3A_23] : memref<5x128x16xf32, #tpu.memory_space<vmem>> -> memref<1x128x16xf32, #tpu.memory_space<vmem>>
    %dma_start3A_25 = tpu.memref_squeeze %dma_start3A_24 : memref<1x128x16xf32, #tpu.memory_space<vmem>> -> memref<128x16xf32, #tpu.memory_space<vmem>>
    %dma_start3A_26 = arith.constant 128 : i32
    %dma_start3A_27 = tpu.memref_slice %arg7[%dma_start3A_26] : memref<24960xi32, #tpu.memory_space<vmem>> -> memref<128xi32, #tpu.memory_space<vmem>>
    %dma_start3A_28 = arith.constant 0 : i32
    %dma_start3A_29 = arith.constant 0 : i32
    %dma_start3A_30 = tpu.memref_slice %arg2[%dma_start3A_28, %dma_start3A_29] : memref<50000x16xf32, #tpu.memory_space<hbm>> -> memref<50000x16xf32, #tpu.memory_space<hbm>>
    %dma_start3A_31 = tpu.memref_slice %arg9[%dma_start3A_21] : memref<5x!tpu.dma_semaphore, #tpu.memory_space<semaphore_mem>> -> memref<1x!tpu.dma_semaphore, #tpu.memory_space<semaphore_mem>>
    %dma_start3A_32 = tpu.memref_squeeze %dma_start3A_31 : memref<1x!tpu.dma_semaphore, #tpu.memory_space<semaphore_mem>> -> memref<!tpu.dma_semaphore, #tpu.memory_space<semaphore_mem>>
    tpu.enqueue_indirect_dma source(%dma_start3A_30 : memref<50000x16xf32, #tpu.memory_space<hbm>>) target(%dma_start3A_25 : memref<128x16xf32, #tpu.memory_space<vmem>>) offsets(%dma_start3A_27 : memref<128xi32, #tpu.memory_space<vmem>>) semaphore(%dma_start3A_32 : memref<!tpu.dma_semaphore, #tpu.memory_space<semaphore_mem>>)
    %dma_start3A_33 = arith.constant 2 : i32
    %dma_start3A_34 = arith.constant 2 : i32
    %dma_start3A_35 = arith.constant 0 : i32
    %dma_start3A_36 = arith.constant 0 : i32
    %dma_start3A_37 = tpu.memref_slice %arg8[%dma_start3A_33, %dma_start3A_35, %dma_start3A_36] : memref<5x128x16xf32, #tpu.memory_space<vmem>> -> memref<1x128x16xf32, #tpu.memory_space<vmem>>
    %dma_start3A_38 = tpu.memref_squeeze %dma_start3A_37 : memref<1x128x16xf32, #tpu.memory_space<vmem>> -> memref<128x16xf32, #tpu.memory_space<vmem>>
    %dma_start3A_39 = arith.constant 256 : i32
    %dma_start3A_40 = tpu.memref_slice %arg7[%dma_start3A_39] : memref<24960xi32, #tpu.memory_space<vmem>> -> memref<128xi32, #tpu.memory_space<vmem>>
    %dma_start3A_41 = arith.constant 0 : i32
    %dma_start3A_42 = arith.constant 0 : i32
    %dma_start3A_43 = tpu.memref_slice %arg2[%dma_start3A_41, %dma_start3A_42] : memref<50000x16xf32, #tpu.memory_space<hbm>> -> memref<50000x16xf32, #tpu.memory_space<hbm>>
    %dma_start3A_44 = tpu.memref_slice %arg9[%dma_start3A_34] : memref<5x!tpu.dma_semaphore, #tpu.memory_space<semaphore_mem>> -> memref<1x!tpu.dma_semaphore, #tpu.memory_space<semaphore_mem>>
    %dma_start3A_45 = tpu.memref_squeeze %dma_start3A_44 : memref<1x!tpu.dma_semaphore, #tpu.memory_space<semaphore_mem>> -> memref<!tpu.dma_semaphore, #tpu.memory_space<semaphore_mem>>
    tpu.enqueue_indirect_dma source(%dma_start3A_43 : memref<50000x16xf32, #tpu.memory_space<hbm>>) target(%dma_start3A_38 : memref<128x16xf32, #tpu.memory_space<vmem>>) offsets(%dma_start3A_40 : memref<128xi32, #tpu.memory_space<vmem>>) semaphore(%dma_start3A_45 : memref<!tpu.dma_semaphore, #tpu.memory_space<semaphore_mem>>)
    %dma_start3A_46 = arith.constant 3 : i32
    %dma_start3A_47 = arith.constant 3 : i32
    %dma_start3A_48 = arith.constant 0 : i32
    %dma_start3A_49 = arith.constant 0 : i32
    %dma_start3A_50 = tpu.memref_slice %arg8[%dma_start3A_46, %dma_start3A_48, %dma_start3A_49] : memref<5x128x16xf32, #tpu.memory_space<vmem>> -> memref<1x128x16xf32, #tpu.memory_space<vmem>>
    %dma_start3A_51 = tpu.memref_squeeze %dma_start3A_50 : memref<1x128x16xf32, #tpu.memory_space<vmem>> -> memref<128x16xf32, #tpu.memory_space<vmem>>
    %dma_start3A_52 = arith.constant 384 : i32
    %dma_start3A_53 = tpu.memref_slice %arg7[%dma_start3A_52] : memref<24960xi32, #tpu.memory_space<vmem>> -> memref<128xi32, #tpu.memory_space<vmem>>
    %dma_start3A_54 = arith.constant 0 : i32
    %dma_start3A_55 = arith.constant 0 : i32
    %dma_start3A_56 = tpu.memref_slice %arg2[%dma_start3A_54, %dma_start3A_55] : memref<50000x16xf32, #tpu.memory_space<hbm>> -> memref<50000x16xf32, #tpu.memory_space<hbm>>
    %dma_start3A_57 = tpu.memref_slice %arg9[%dma_start3A_47] : memref<5x!tpu.dma_semaphore, #tpu.memory_space<semaphore_mem>> -> memref<1x!tpu.dma_semaphore, #tpu.memory_space<semaphore_mem>>
    %dma_start3A_58 = tpu.memref_squeeze %dma_start3A_57 : memref<1x!tpu.dma_semaphore, #tpu.memory_space<semaphore_mem>> -> memref<!tpu.dma_semaphore, #tpu.memory_space<semaphore_mem>>
    tpu.enqueue_indirect_dma source(%dma_start3A_56 : memref<50000x16xf32, #tpu.memory_space<hbm>>) target(%dma_start3A_51 : memref<128x16xf32, #tpu.memory_space<vmem>>) offsets(%dma_start3A_53 : memref<128xi32, #tpu.memory_space<vmem>>) semaphore(%dma_start3A_58 : memref<!tpu.dma_semaphore, #tpu.memory_space<semaphore_mem>>)
    %dma_start3A_59 = arith.constant 4 : i32
    %dma_start3A_60 = arith.constant 4 : i32
    %dma_start3A_61 = arith.constant 0 : i32
    %dma_start3A_62 = arith.constant 0 : i32
    %dma_start3A_63 = tpu.memref_slice %arg8[%dma_start3A_59, %dma_start3A_61, %dma_start3A_62] : memref<5x128x16xf32, #tpu.memory_space<vmem>> -> memref<1x128x16xf32, #tpu.memory_space<vmem>>
    %dma_start3A_64 = tpu.memref_squeeze %dma_start3A_63 : memref<1x128x16xf32, #tpu.memory_space<vmem>> -> memref<128x16xf32, #tpu.memory_space<vmem>>
    %dma_start3A_65 = arith.constant 512 : i32
    %dma_start3A_66 = tpu.memref_slice %arg7[%dma_start3A_65] : memref<24960xi32, #tpu.memory_space<vmem>> -> memref<128xi32, #tpu.memory_space<vmem>>
    %dma_start3A_67 = arith.constant 0 : i32
    %dma_start3A_68 = arith.constant 0 : i32
    %dma_start3A_69 = tpu.memref_slice %arg2[%dma_start3A_67, %dma_start3A_68] : memref<50000x16xf32, #tpu.memory_space<hbm>> -> memref<50000x16xf32, #tpu.memory_space<hbm>>
    %dma_start3A_70 = tpu.memref_slice %arg9[%dma_start3A_60] : memref<5x!tpu.dma_semaphore, #tpu.memory_space<semaphore_mem>> -> memref<1x!tpu.dma_semaphore, #tpu.memory_space<semaphore_mem>>
    %dma_start3A_71 = tpu.memref_squeeze %dma_start3A_70 : memref<1x!tpu.dma_semaphore, #tpu.memory_space<semaphore_mem>> -> memref<!tpu.dma_semaphore, #tpu.memory_space<semaphore_mem>>
    tpu.enqueue_indirect_dma source(%dma_start3A_69 : memref<50000x16xf32, #tpu.memory_space<hbm>>) target(%dma_start3A_64 : memref<128x16xf32, #tpu.memory_space<vmem>>) offsets(%dma_start3A_66 : memref<128xi32, #tpu.memory_space<vmem>>) semaphore(%dma_start3A_71 : memref<!tpu.dma_semaphore, #tpu.memory_space<semaphore_mem>>)
    %dma_start3A_72 = arith.constant 0 : i32
    %dma_start3A_73 = arith.constant 0 : i32
    %dma_start3A_74 = arith.constant 0 : i32
    %dma_start3A_75 = arith.constant 0 : i32
    %dma_start3A_76 = tpu.memref_slice %arg12[%dma_start3A_72, %dma_start3A_74, %dma_start3A_75] : memref<5x128x16xf32, #tpu.memory_space<vmem>> -> memref<1x128x16xf32, #tpu.memory_space<vmem>>
    %dma_start3A_77 = tpu.memref_squeeze %dma_start3A_76 : memref<1x128x16xf32, #tpu.memory_space<vmem>> -> memref<128x16xf32, #tpu.memory_space<vmem>>
    %dma_start3A_78 = arith.constant 0 : i32
    %dma_start3A_79 = tpu.memref_slice %arg11[%dma_start3A_78] : memref<24960xi32, #tpu.memory_space<vmem>> -> memref<128xi32, #tpu.memory_space<vmem>>
    %dma_start3A_80 = arith.constant 0 : i32
    %dma_start3A_81 = arith.constant 0 : i32
    %dma_start3A_82 = tpu.memref_slice %arg2[%dma_start3A_80, %dma_start3A_81] : memref<50000x16xf32, #tpu.memory_space<hbm>> -> memref<50000x16xf32, #tpu.memory_space<hbm>>
    %dma_start3A_83 = tpu.memref_slice %arg13[%dma_start3A_73] : memref<5x!tpu.dma_semaphore, #tpu.memory_space<semaphore_mem>> -> memref<1x!tpu.dma_semaphore, #tpu.memory_space<semaphore_mem>>
    %dma_start3A_84 = tpu.memref_squeeze %dma_start3A_83 : memref<1x!tpu.dma_semaphore, #tpu.memory_space<semaphore_mem>> -> memref<!tpu.dma_semaphore, #tpu.memory_space<semaphore_mem>>
    tpu.enqueue_indirect_dma source(%dma_start3A_82 : memref<50000x16xf32, #tpu.memory_space<hbm>>) target(%dma_start3A_77 : memref<128x16xf32, #tpu.memory_space<vmem>>) offsets(%dma_start3A_79 : memref<128xi32, #tpu.memory_space<vmem>>) semaphore(%dma_start3A_84 : memref<!tpu.dma_semaphore, #tpu.memory_space<semaphore_mem>>)
    %dma_start3A_85 = arith.constant 1 : i32
    %dma_start3A_86 = arith.constant 1 : i32
    %dma_start3A_87 = arith.constant 0 : i32
    %dma_start3A_88 = arith.constant 0 : i32
    %dma_start3A_89 = tpu.memref_slice %arg12[%dma_start3A_85, %dma_start3A_87, %dma_start3A_88] : memref<5x128x16xf32, #tpu.memory_space<vmem>> -> memref<1x128x16xf32, #tpu.memory_space<vmem>>
    %dma_start3A_90 = tpu.memref_squeeze %dma_start3A_89 : memref<1x128x16xf32, #tpu.memory_space<vmem>> -> memref<128x16xf32, #tpu.memory_space<vmem>>
    %dma_start3A_91 = arith.constant 128 : i32
    %dma_start3A_92 = tpu.memref_slice %arg11[%dma_start3A_91] : memref<24960xi32, #tpu.memory_space<vmem>> -> memref<128xi32, #tpu.memory_space<vmem>>
    %dma_start3A_93 = arith.constant 0 : i32
    %dma_start3A_94 = arith.constant 0 : i32
    %dma_start3A_95 = tpu.memref_slice %arg2[%dma_start3A_93, %dma_start3A_94] : memref<50000x16xf32, #tpu.memory_space<hbm>> -> memref<50000x16xf32, #tpu.memory_space<hbm>>
    %dma_start3A_96 = tpu.memref_slice %arg13[%dma_start3A_86] : memref<5x!tpu.dma_semaphore, #tpu.memory_space<semaphore_mem>> -> memref<1x!tpu.dma_semaphore, #tpu.memory_space<semaphore_mem>>
    %dma_start3A_97 = tpu.memref_squeeze %dma_start3A_96 : memref<1x!tpu.dma_semaphore, #tpu.memory_space<semaphore_mem>> -> memref<!tpu.dma_semaphore, #tpu.memory_space<semaphore_mem>>
    tpu.enqueue_indirect_dma source(%dma_start3A_95 : memref<50000x16xf32, #tpu.memory_space<hbm>>) target(%dma_start3A_90 : memref<128x16xf32, #tpu.memory_space<vmem>>) offsets(%dma_start3A_92 : memref<128xi32, #tpu.memory_space<vmem>>) semaphore(%dma_start3A_97 : memref<!tpu.dma_semaphore, #tpu.memory_space<semaphore_mem>>)
    %dma_start3A_98 = arith.constant 2 : i32
    %dma_start3A_99 = arith.constant 2 : i32
    %dma_start3A_100 = arith.constant 0 : i32
    %dma_start3A_101 = arith.constant 0 : i32
    %dma_start3A_102 = tpu.memref_slice %arg12[%dma_start3A_98, %dma_start3A_100, %dma_start3A_101] : memref<5x128x16xf32, #tpu.memory_space<vmem>> -> memref<1x128x16xf32, #tpu.memory_space<vmem>>
    %dma_start3A_103 = tpu.memref_squeeze %dma_start3A_102 : memref<1x128x16xf32, #tpu.memory_space<vmem>> -> memref<128x16xf32, #tpu.memory_space<vmem>>
    %dma_start3A_104 = arith.constant 256 : i32
    %dma_start3A_105 = tpu.memref_slice %arg11[%dma_start3A_104] : memref<24960xi32, #tpu.memory_space<vmem>> -> memref<128xi32, #tpu.memory_space<vmem>>
    %dma_start3A_106 = arith.constant 0 : i32
    %dma_start3A_107 = arith.constant 0 : i32
    %dma_start3A_108 = tpu.memref_slice %arg2[%dma_start3A_106, %dma_start3A_107] : memref<50000x16xf32, #tpu.memory_space<hbm>> -> memref<50000x16xf32, #tpu.memory_space<hbm>>
    %dma_start3A_109 = tpu.memref_slice %arg13[%dma_start3A_99] : memref<5x!tpu.dma_semaphore, #tpu.memory_space<semaphore_mem>> -> memref<1x!tpu.dma_semaphore, #tpu.memory_space<semaphore_mem>>
    %dma_start3A_110 = tpu.memref_squeeze %dma_start3A_109 : memref<1x!tpu.dma_semaphore, #tpu.memory_space<semaphore_mem>> -> memref<!tpu.dma_semaphore, #tpu.memory_space<semaphore_mem>>
    tpu.enqueue_indirect_dma source(%dma_start3A_108 : memref<50000x16xf32, #tpu.memory_space<hbm>>) target(%dma_start3A_103 : memref<128x16xf32, #tpu.memory_space<vmem>>) offsets(%dma_start3A_105 : memref<128xi32, #tpu.memory_space<vmem>>) semaphore(%dma_start3A_110 : memref<!tpu.dma_semaphore, #tpu.memory_space<semaphore_mem>>)
    %dma_start3A_111 = arith.constant 3 : i32
    %dma_start3A_112 = arith.constant 3 : i32
    %dma_start3A_113 = arith.constant 0 : i32
    %dma_start3A_114 = arith.constant 0 : i32
    %dma_start3A_115 = tpu.memref_slice %arg12[%dma_start3A_111, %dma_start3A_113, %dma_start3A_114] : memref<5x128x16xf32, #tpu.memory_space<vmem>> -> memref<1x128x16xf32, #tpu.memory_space<vmem>>
    %dma_start3A_116 = tpu.memref_squeeze %dma_start3A_115 : memref<1x128x16xf32, #tpu.memory_space<vmem>> -> memref<128x16xf32, #tpu.memory_space<vmem>>
    %dma_start3A_117 = arith.constant 384 : i32
    %dma_start3A_118 = tpu.memref_slice %arg11[%dma_start3A_117] : memref<24960xi32, #tpu.memory_space<vmem>> -> memref<128xi32, #tpu.memory_space<vmem>>
    %dma_start3A_119 = arith.constant 0 : i32
    %dma_start3A_120 = arith.constant 0 : i32
    %dma_start3A_121 = tpu.memref_slice %arg2[%dma_start3A_119, %dma_start3A_120] : memref<50000x16xf32, #tpu.memory_space<hbm>> -> memref<50000x16xf32, #tpu.memory_space<hbm>>
    %dma_start3A_122 = tpu.memref_slice %arg13[%dma_start3A_112] : memref<5x!tpu.dma_semaphore, #tpu.memory_space<semaphore_mem>> -> memref<1x!tpu.dma_semaphore, #tpu.memory_space<semaphore_mem>>
    %dma_start3A_123 = tpu.memref_squeeze %dma_start3A_122 : memref<1x!tpu.dma_semaphore, #tpu.memory_space<semaphore_mem>> -> memref<!tpu.dma_semaphore, #tpu.memory_space<semaphore_mem>>
    tpu.enqueue_indirect_dma source(%dma_start3A_121 : memref<50000x16xf32, #tpu.memory_space<hbm>>) target(%dma_start3A_116 : memref<128x16xf32, #tpu.memory_space<vmem>>) offsets(%dma_start3A_118 : memref<128xi32, #tpu.memory_space<vmem>>) semaphore(%dma_start3A_123 : memref<!tpu.dma_semaphore, #tpu.memory_space<semaphore_mem>>)
    %dma_start3A_124 = arith.constant 4 : i32
    %dma_start3A_125 = arith.constant 4 : i32
    %dma_start3A_126 = arith.constant 0 : i32
    %dma_start3A_127 = arith.constant 0 : i32
    %dma_start3A_128 = tpu.memref_slice %arg12[%dma_start3A_124, %dma_start3A_126, %dma_start3A_127] : memref<5x128x16xf32, #tpu.memory_space<vmem>> -> memref<1x128x16xf32, #tpu.memory_space<vmem>>
    %dma_start3A_129 = tpu.memref_squeeze %dma_start3A_128 : memref<1x128x16xf32, #tpu.memory_space<vmem>> -> memref<128x16xf32, #tpu.memory_space<vmem>>
    %dma_start3A_130 = arith.constant 512 : i32
    %dma_start3A_131 = tpu.memref_slice %arg11[%dma_start3A_130] : memref<24960xi32, #tpu.memory_space<vmem>> -> memref<128xi32, #tpu.memory_space<vmem>>
    %dma_start3A_132 = arith.constant 0 : i32
    %dma_start3A_133 = arith.constant 0 : i32
    %dma_start3A_134 = tpu.memref_slice %arg2[%dma_start3A_132, %dma_start3A_133] : memref<50000x16xf32, #tpu.memory_space<hbm>> -> memref<50000x16xf32, #tpu.memory_space<hbm>>
    %dma_start3A_135 = tpu.memref_slice %arg13[%dma_start3A_125] : memref<5x!tpu.dma_semaphore, #tpu.memory_space<semaphore_mem>> -> memref<1x!tpu.dma_semaphore, #tpu.memory_space<semaphore_mem>>
    %dma_start3A_136 = tpu.memref_squeeze %dma_start3A_135 : memref<1x!tpu.dma_semaphore, #tpu.memory_space<semaphore_mem>> -> memref<!tpu.dma_semaphore, #tpu.memory_space<semaphore_mem>>
    tpu.enqueue_indirect_dma source(%dma_start3A_134 : memref<50000x16xf32, #tpu.memory_space<hbm>>) target(%dma_start3A_129 : memref<128x16xf32, #tpu.memory_space<vmem>>) offsets(%dma_start3A_131 : memref<128xi32, #tpu.memory_space<vmem>>) semaphore(%dma_start3A_136 : memref<!tpu.dma_semaphore, #tpu.memory_space<semaphore_mem>>)
    %scan3A = arith.constant 0 : i32
    %scan3A_137 = arith.constant 39 : i32
    %scan3A_138 = arith.addi %scan3A, %scan3A_137 : i32
    %scan3A_139 = arith.constant 1 : i32
    scf.for %scan3A_141 = %scan3A to %scan3A_138 step %scan3A_139  : i32 {
      %mul3A_142 = arith.constant 1 : i32
      %mul3A_143 = arith.muli %scan3A_141, %mul3A_142 : i32
      %add3A_144 = arith.constant 0 : i32
      %add3A_145 = arith.addi %add3A_144, %mul3A_143 : i32
      %mul3A_146 = arith.constant 5 : i32
      %mul3A_147 = arith.muli %add3A_145, %mul3A_146 : i32
      %add3A_148 = arith.addi %mul3A_2, %mul3A_147 : i32
      %add3A_149 = arith.constant 0 : i32
      %add3A_150 = arith.addi %add3A_148, %add3A_149 : i32
      %mul3A_151 = arith.constant 128 : i32
      %mul3A_152 = arith.muli %add3A_150, %mul3A_151 : i32
      %dma_wait3A = arith.constant 0 : i32
      %dma_wait3A_153 = arith.constant 0 : i32
      %dma_wait3A_154 = arith.constant 0 : i32
      %dma_wait3A_155 = arith.constant 0 : i32
      %dma_wait3A_156 = tpu.memref_slice %arg8[%dma_wait3A, %dma_wait3A_154, %dma_wait3A_155] : memref<5x128x16xf32, #tpu.memory_space<vmem>> -> memref<1x128x16xf32, #tpu.memory_space<vmem>>
      %dma_wait3A_157 = tpu.memref_squeeze %dma_wait3A_156 : memref<1x128x16xf32, #tpu.memory_space<vmem>> -> memref<128x16xf32, #tpu.memory_space<vmem>>
      %dma_wait3A_158 = arith.constant 0 : i32
      %dma_wait3A_159 = tpu.memref_slice %arg7[%dma_wait3A_158] : memref<24960xi32, #tpu.memory_space<vmem>> -> memref<128xi32, #tpu.memory_space<vmem>>
      %dma_wait3A_160 = arith.constant 0 : i32
      %dma_wait3A_161 = arith.constant 0 : i32
      %dma_wait3A_162 = tpu.memref_slice %arg2[%dma_wait3A_160, %dma_wait3A_161] : memref<50000x16xf32, #tpu.memory_space<hbm>> -> memref<50000x16xf32, #tpu.memory_space<hbm>>
      %dma_wait3A_163 = tpu.memref_slice %arg9[%dma_wait3A_153] : memref<5x!tpu.dma_semaphore, #tpu.memory_space<semaphore_mem>> -> memref<1x!tpu.dma_semaphore, #tpu.memory_space<semaphore_mem>>
      %dma_wait3A_164 = tpu.memref_squeeze %dma_wait3A_163 : memref<1x!tpu.dma_semaphore, #tpu.memory_space<semaphore_mem>> -> memref<!tpu.dma_semaphore, #tpu.memory_space<semaphore_mem>>
      tpu.wait_indirect_dma semaphore(%dma_wait3A_164 : memref<!tpu.dma_semaphore, #tpu.memory_space<semaphore_mem>>) src(%dma_wait3A_162 : memref<50000x16xf32, #tpu.memory_space<hbm>>) dst(%dma_wait3A_157 : memref<128x16xf32, #tpu.memory_space<vmem>>)
      %dma_start3A_165 = arith.constant 0 : i32
      %dma_start3A_166 = arith.constant 0 : i32
      %dma_start3A_167 = arith.constant 0 : i32
      %dma_start3A_168 = arith.constant 0 : i32
      %dma_start3A_169 = tpu.memref_slice %arg8[%dma_start3A_165, %dma_start3A_167, %dma_start3A_168] : memref<5x128x16xf32, #tpu.memory_space<vmem>> -> memref<1x128x16xf32, #tpu.memory_space<vmem>>
      %dma_start3A_170 = tpu.memref_squeeze %dma_start3A_169 : memref<1x128x16xf32, #tpu.memory_space<vmem>> -> memref<128x16xf32, #tpu.memory_space<vmem>>
      %dma_start3A_171 = arith.constant 0 : i32
      %dma_start3A_172 = tpu.memref_slice %arg5[%mul3A_152, %dma_start3A_171] : memref<798720x16xf32, #tpu.memory_space<hbm>> -> memref<128x16xf32, #tpu.memory_space<hbm>>
      %dma_start3A_173 = tpu.memref_slice %arg10[%dma_start3A_166] : memref<5x!tpu.dma_semaphore, #tpu.memory_space<semaphore_mem>> -> memref<1x!tpu.dma_semaphore, #tpu.memory_space<semaphore_mem>>
      %dma_start3A_174 = tpu.memref_squeeze %dma_start3A_173 : memref<1x!tpu.dma_semaphore, #tpu.memory_space<semaphore_mem>> -> memref<!tpu.dma_semaphore, #tpu.memory_space<semaphore_mem>>
      %dma_start3A_175 = arith.constant 0 : i32
      %dma_start3A_176 = tpu.memref_slice %arg5[%mul3A_152, %dma_start3A_175] : memref<798720x16xf32, #tpu.memory_space<hbm>> -> memref<128x16xf32, #tpu.memory_space<hbm>>
      %dma_start3A_177 = arith.constant 0 : i32
      %dma_start3A_178 = arith.constant 0 : i32
      %dma_start3A_179 = tpu.memref_slice %arg8[%dma_start3A_165, %dma_start3A_177, %dma_start3A_178] : memref<5x128x16xf32, #tpu.memory_space<vmem>> -> memref<1x128x16xf32, #tpu.memory_space<vmem>>
      %dma_start3A_180 = tpu.memref_squeeze %dma_start3A_179 : memref<1x128x16xf32, #tpu.memory_space<vmem>> -> memref<128x16xf32, #tpu.memory_space<vmem>>
      tpu.enqueue_dma source(%dma_start3A_180 : memref<128x16xf32, #tpu.memory_space<vmem>>) target(%dma_start3A_176 : memref<128x16xf32, #tpu.memory_space<hbm>>) target_semaphore(%dma_start3A_174 : memref<!tpu.dma_semaphore, #tpu.memory_space<semaphore_mem>>)
      %dma_wait3A_181 = arith.constant 0 : i32
      %dma_wait3A_182 = arith.constant 0 : i32
      %dma_wait3A_183 = arith.constant 0 : i32
      %dma_wait3A_184 = arith.constant 0 : i32
      %dma_wait3A_185 = tpu.memref_slice %arg12[%dma_wait3A_181, %dma_wait3A_183, %dma_wait3A_184] : memref<5x128x16xf32, #tpu.memory_space<vmem>> -> memref<1x128x16xf32, #tpu.memory_space<vmem>>
      %dma_wait3A_186 = tpu.memref_squeeze %dma_wait3A_185 : memref<1x128x16xf32, #tpu.memory_space<vmem>> -> memref<128x16xf32, #tpu.memory_space<vmem>>
      %dma_wait3A_187 = arith.constant 0 : i32
      %dma_wait3A_188 = tpu.memref_slice %arg11[%dma_wait3A_187] : memref<24960xi32, #tpu.memory_space<vmem>> -> memref<128xi32, #tpu.memory_space<vmem>>
      %dma_wait3A_189 = arith.constant 0 : i32
      %dma_wait3A_190 = arith.constant 0 : i32
      %dma_wait3A_191 = tpu.memref_slice %arg2[%dma_wait3A_189, %dma_wait3A_190] : memref<50000x16xf32, #tpu.memory_space<hbm>> -> memref<50000x16xf32, #tpu.memory_space<hbm>>
      %dma_wait3A_192 = tpu.memref_slice %arg13[%dma_wait3A_182] : memref<5x!tpu.dma_semaphore, #tpu.memory_space<semaphore_mem>> -> memref<1x!tpu.dma_semaphore, #tpu.memory_space<semaphore_mem>>
      %dma_wait3A_193 = tpu.memref_squeeze %dma_wait3A_192 : memref<1x!tpu.dma_semaphore, #tpu.memory_space<semaphore_mem>> -> memref<!tpu.dma_semaphore, #tpu.memory_space<semaphore_mem>>
      tpu.wait_indirect_dma semaphore(%dma_wait3A_193 : memref<!tpu.dma_semaphore, #tpu.memory_space<semaphore_mem>>) src(%dma_wait3A_191 : memref<50000x16xf32, #tpu.memory_space<hbm>>) dst(%dma_wait3A_186 : memref<128x16xf32, #tpu.memory_space<vmem>>)
      %dma_start3A_194 = arith.constant 0 : i32
      %dma_start3A_195 = arith.constant 0 : i32
      %dma_start3A_196 = arith.constant 0 : i32
      %dma_start3A_197 = arith.constant 0 : i32
      %dma_start3A_198 = tpu.memref_slice %arg12[%dma_start3A_194, %dma_start3A_196, %dma_start3A_197] : memref<5x128x16xf32, #tpu.memory_space<vmem>> -> memref<1x128x16xf32, #tpu.memory_space<vmem>>
      %dma_start3A_199 = tpu.memref_squeeze %dma_start3A_198 : memref<1x128x16xf32, #tpu.memory_space<vmem>> -> memref<128x16xf32, #tpu.memory_space<vmem>>
      %dma_start3A_200 = arith.constant 0 : i32
      %dma_start3A_201 = tpu.memref_slice %arg6[%mul3A_152, %dma_start3A_200] : memref<798720x16xf32, #tpu.memory_space<hbm>> -> memref<128x16xf32, #tpu.memory_space<hbm>>
      %dma_start3A_202 = tpu.memref_slice %arg14[%dma_start3A_195] : memref<5x!tpu.dma_semaphore, #tpu.memory_space<semaphore_mem>> -> memref<1x!tpu.dma_semaphore, #tpu.memory_space<semaphore_mem>>
      %dma_start3A_203 = tpu.memref_squeeze %dma_start3A_202 : memref<1x!tpu.dma_semaphore, #tpu.memory_space<semaphore_mem>> -> memref<!tpu.dma_semaphore, #tpu.memory_space<semaphore_mem>>
      %dma_start3A_204 = arith.constant 0 : i32
      %dma_start3A_205 = tpu.memref_slice %arg6[%mul3A_152, %dma_start3A_204] : memref<798720x16xf32, #tpu.memory_space<hbm>> -> memref<128x16xf32, #tpu.memory_space<hbm>>
      %dma_start3A_206 = arith.constant 0 : i32
      %dma_start3A_207 = arith.constant 0 : i32
      %dma_start3A_208 = tpu.memref_slice %arg12[%dma_start3A_194, %dma_start3A_206, %dma_start3A_207] : memref<5x128x16xf32, #tpu.memory_space<vmem>> -> memref<1x128x16xf32, #tpu.memory_space<vmem>>
      %dma_start3A_209 = tpu.memref_squeeze %dma_start3A_208 : memref<1x128x16xf32, #tpu.memory_space<vmem>> -> memref<128x16xf32, #tpu.memory_space<vmem>>
      tpu.enqueue_dma source(%dma_start3A_209 : memref<128x16xf32, #tpu.memory_space<vmem>>) target(%dma_start3A_205 : memref<128x16xf32, #tpu.memory_space<hbm>>) target_semaphore(%dma_start3A_203 : memref<!tpu.dma_semaphore, #tpu.memory_space<semaphore_mem>>)
      %add3A_210 = arith.addi %mul3A_2, %mul3A_147 : i32
      %add3A_211 = arith.constant 1 : i32
      %add3A_212 = arith.addi %add3A_210, %add3A_211 : i32
      %mul3A_213 = arith.constant 128 : i32
      %mul3A_214 = arith.muli %add3A_212, %mul3A_213 : i32
      %dma_wait3A_215 = arith.constant 1 : i32
      %dma_wait3A_216 = arith.constant 1 : i32
      %dma_wait3A_217 = arith.constant 0 : i32
      %dma_wait3A_218 = arith.constant 0 : i32
      %dma_wait3A_219 = tpu.memref_slice %arg8[%dma_wait3A_215, %dma_wait3A_217, %dma_wait3A_218] : memref<5x128x16xf32, #tpu.memory_space<vmem>> -> memref<1x128x16xf32, #tpu.memory_space<vmem>>
      %dma_wait3A_220 = tpu.memref_squeeze %dma_wait3A_219 : memref<1x128x16xf32, #tpu.memory_space<vmem>> -> memref<128x16xf32, #tpu.memory_space<vmem>>
      %dma_wait3A_221 = arith.constant 128 : i32
      %dma_wait3A_222 = tpu.memref_slice %arg7[%dma_wait3A_221] : memref<24960xi32, #tpu.memory_space<vmem>> -> memref<128xi32, #tpu.memory_space<vmem>>
      %dma_wait3A_223 = arith.constant 0 : i32
      %dma_wait3A_224 = arith.constant 0 : i32
      %dma_wait3A_225 = tpu.memref_slice %arg2[%dma_wait3A_223, %dma_wait3A_224] : memref<50000x16xf32, #tpu.memory_space<hbm>> -> memref<50000x16xf32, #tpu.memory_space<hbm>>
      %dma_wait3A_226 = tpu.memref_slice %arg9[%dma_wait3A_216] : memref<5x!tpu.dma_semaphore, #tpu.memory_space<semaphore_mem>> -> memref<1x!tpu.dma_semaphore, #tpu.memory_space<semaphore_mem>>
      %dma_wait3A_227 = tpu.memref_squeeze %dma_wait3A_226 : memref<1x!tpu.dma_semaphore, #tpu.memory_space<semaphore_mem>> -> memref<!tpu.dma_semaphore, #tpu.memory_space<semaphore_mem>>
      tpu.wait_indirect_dma semaphore(%dma_wait3A_227 : memref<!tpu.dma_semaphore, #tpu.memory_space<semaphore_mem>>) src(%dma_wait3A_225 : memref<50000x16xf32, #tpu.memory_space<hbm>>) dst(%dma_wait3A_220 : memref<128x16xf32, #tpu.memory_space<vmem>>)
      %dma_start3A_228 = arith.constant 1 : i32
      %dma_start3A_229 = arith.constant 1 : i32
      %dma_start3A_230 = arith.constant 0 : i32
      %dma_start3A_231 = arith.constant 0 : i32
      %dma_start3A_232 = tpu.memref_slice %arg8[%dma_start3A_228, %dma_start3A_230, %dma_start3A_231] : memref<5x128x16xf32, #tpu.memory_space<vmem>> -> memref<1x128x16xf32, #tpu.memory_space<vmem>>
      %dma_start3A_233 = tpu.memref_squeeze %dma_start3A_232 : memref<1x128x16xf32, #tpu.memory_space<vmem>> -> memref<128x16xf32, #tpu.memory_space<vmem>>
      %dma_start3A_234 = arith.constant 0 : i32
      %dma_start3A_235 = tpu.memref_slice %arg5[%mul3A_214, %dma_start3A_234] : memref<798720x16xf32, #tpu.memory_space<hbm>> -> memref<128x16xf32, #tpu.memory_space<hbm>>
      %dma_start3A_236 = tpu.memref_slice %arg10[%dma_start3A_229] : memref<5x!tpu.dma_semaphore, #tpu.memory_space<semaphore_mem>> -> memref<1x!tpu.dma_semaphore, #tpu.memory_space<semaphore_mem>>
      %dma_start3A_237 = tpu.memref_squeeze %dma_start3A_236 : memref<1x!tpu.dma_semaphore, #tpu.memory_space<semaphore_mem>> -> memref<!tpu.dma_semaphore, #tpu.memory_space<semaphore_mem>>
      %dma_start3A_238 = arith.constant 0 : i32
      %dma_start3A_239 = tpu.memref_slice %arg5[%mul3A_214, %dma_start3A_238] : memref<798720x16xf32, #tpu.memory_space<hbm>> -> memref<128x16xf32, #tpu.memory_space<hbm>>
      %dma_start3A_240 = arith.constant 0 : i32
      %dma_start3A_241 = arith.constant 0 : i32
      %dma_start3A_242 = tpu.memref_slice %arg8[%dma_start3A_228, %dma_start3A_240, %dma_start3A_241] : memref<5x128x16xf32, #tpu.memory_space<vmem>> -> memref<1x128x16xf32, #tpu.memory_space<vmem>>
      %dma_start3A_243 = tpu.memref_squeeze %dma_start3A_242 : memref<1x128x16xf32, #tpu.memory_space<vmem>> -> memref<128x16xf32, #tpu.memory_space<vmem>>
      tpu.enqueue_dma source(%dma_start3A_243 : memref<128x16xf32, #tpu.memory_space<vmem>>) target(%dma_start3A_239 : memref<128x16xf32, #tpu.memory_space<hbm>>) target_semaphore(%dma_start3A_237 : memref<!tpu.dma_semaphore, #tpu.memory_space<semaphore_mem>>)
      %dma_wait3A_244 = arith.constant 1 : i32
      %dma_wait3A_245 = arith.constant 1 : i32
      %dma_wait3A_246 = arith.constant 0 : i32
      %dma_wait3A_247 = arith.constant 0 : i32
      %dma_wait3A_248 = tpu.memref_slice %arg12[%dma_wait3A_244, %dma_wait3A_246, %dma_wait3A_247] : memref<5x128x16xf32, #tpu.memory_space<vmem>> -> memref<1x128x16xf32, #tpu.memory_space<vmem>>
      %dma_wait3A_249 = tpu.memref_squeeze %dma_wait3A_248 : memref<1x128x16xf32, #tpu.memory_space<vmem>> -> memref<128x16xf32, #tpu.memory_space<vmem>>
      %dma_wait3A_250 = arith.constant 128 : i32
      %dma_wait3A_251 = tpu.memref_slice %arg11[%dma_wait3A_250] : memref<24960xi32, #tpu.memory_space<vmem>> -> memref<128xi32, #tpu.memory_space<vmem>>
      %dma_wait3A_252 = arith.constant 0 : i32
      %dma_wait3A_253 = arith.constant 0 : i32
      %dma_wait3A_254 = tpu.memref_slice %arg2[%dma_wait3A_252, %dma_wait3A_253] : memref<50000x16xf32, #tpu.memory_space<hbm>> -> memref<50000x16xf32, #tpu.memory_space<hbm>>
      %dma_wait3A_255 = tpu.memref_slice %arg13[%dma_wait3A_245] : memref<5x!tpu.dma_semaphore, #tpu.memory_space<semaphore_mem>> -> memref<1x!tpu.dma_semaphore, #tpu.memory_space<semaphore_mem>>
      %dma_wait3A_256 = tpu.memref_squeeze %dma_wait3A_255 : memref<1x!tpu.dma_semaphore, #tpu.memory_space<semaphore_mem>> -> memref<!tpu.dma_semaphore, #tpu.memory_space<semaphore_mem>>
      tpu.wait_indirect_dma semaphore(%dma_wait3A_256 : memref<!tpu.dma_semaphore, #tpu.memory_space<semaphore_mem>>) src(%dma_wait3A_254 : memref<50000x16xf32, #tpu.memory_space<hbm>>) dst(%dma_wait3A_249 : memref<128x16xf32, #tpu.memory_space<vmem>>)
      %dma_start3A_257 = arith.constant 1 : i32
      %dma_start3A_258 = arith.constant 1 : i32
      %dma_start3A_259 = arith.constant 0 : i32
      %dma_start3A_260 = arith.constant 0 : i32
      %dma_start3A_261 = tpu.memref_slice %arg12[%dma_start3A_257, %dma_start3A_259, %dma_start3A_260] : memref<5x128x16xf32, #tpu.memory_space<vmem>> -> memref<1x128x16xf32, #tpu.memory_space<vmem>>
      %dma_start3A_262 = tpu.memref_squeeze %dma_start3A_261 : memref<1x128x16xf32, #tpu.memory_space<vmem>> -> memref<128x16xf32, #tpu.memory_space<vmem>>
      %dma_start3A_263 = arith.constant 0 : i32
      %dma_start3A_264 = tpu.memref_slice %arg6[%mul3A_214, %dma_start3A_263] : memref<798720x16xf32, #tpu.memory_space<hbm>> -> memref<128x16xf32, #tpu.memory_space<hbm>>
      %dma_start3A_265 = tpu.memref_slice %arg14[%dma_start3A_258] : memref<5x!tpu.dma_semaphore, #tpu.memory_space<semaphore_mem>> -> memref<1x!tpu.dma_semaphore, #tpu.memory_space<semaphore_mem>>
      %dma_start3A_266 = tpu.memref_squeeze %dma_start3A_265 : memref<1x!tpu.dma_semaphore, #tpu.memory_space<semaphore_mem>> -> memref<!tpu.dma_semaphore, #tpu.memory_space<semaphore_mem>>
      %dma_start3A_267 = arith.constant 0 : i32
      %dma_start3A_268 = tpu.memref_slice %arg6[%mul3A_214, %dma_start3A_267] : memref<798720x16xf32, #tpu.memory_space<hbm>> -> memref<128x16xf32, #tpu.memory_space<hbm>>
      %dma_start3A_269 = arith.constant 0 : i32
      %dma_start3A_270 = arith.constant 0 : i32
      %dma_start3A_271 = tpu.memref_slice %arg12[%dma_start3A_257, %dma_start3A_269, %dma_start3A_270] : memref<5x128x16xf32, #tpu.memory_space<vmem>> -> memref<1x128x16xf32, #tpu.memory_space<vmem>>
      %dma_start3A_272 = tpu.memref_squeeze %dma_start3A_271 : memref<1x128x16xf32, #tpu.memory_space<vmem>> -> memref<128x16xf32, #tpu.memory_space<vmem>>
      tpu.enqueue_dma source(%dma_start3A_272 : memref<128x16xf32, #tpu.memory_space<vmem>>) target(%dma_start3A_268 : memref<128x16xf32, #tpu.memory_space<hbm>>) target_semaphore(%dma_start3A_266 : memref<!tpu.dma_semaphore, #tpu.memory_space<semaphore_mem>>)
      %add3A_273 = arith.addi %mul3A_2, %mul3A_147 : i32
      %add3A_274 = arith.constant 2 : i32
      %add3A_275 = arith.addi %add3A_273, %add3A_274 : i32
      %mul3A_276 = arith.constant 128 : i32
      %mul3A_277 = arith.muli %add3A_275, %mul3A_276 : i32
      %dma_wait3A_278 = arith.constant 2 : i32
      %dma_wait3A_279 = arith.constant 2 : i32
      %dma_wait3A_280 = arith.constant 0 : i32
      %dma_wait3A_281 = arith.constant 0 : i32
      %dma_wait3A_282 = tpu.memref_slice %arg8[%dma_wait3A_278, %dma_wait3A_280, %dma_wait3A_281] : memref<5x128x16xf32, #tpu.memory_space<vmem>> -> memref<1x128x16xf32, #tpu.memory_space<vmem>>
      %dma_wait3A_283 = tpu.memref_squeeze %dma_wait3A_282 : memref<1x128x16xf32, #tpu.memory_space<vmem>> -> memref<128x16xf32, #tpu.memory_space<vmem>>
      %dma_wait3A_284 = arith.constant 256 : i32
      %dma_wait3A_285 = tpu.memref_slice %arg7[%dma_wait3A_284] : memref<24960xi32, #tpu.memory_space<vmem>> -> memref<128xi32, #tpu.memory_space<vmem>>
      %dma_wait3A_286 = arith.constant 0 : i32
      %dma_wait3A_287 = arith.constant 0 : i32
      %dma_wait3A_288 = tpu.memref_slice %arg2[%dma_wait3A_286, %dma_wait3A_287] : memref<50000x16xf32, #tpu.memory_space<hbm>> -> memref<50000x16xf32, #tpu.memory_space<hbm>>
      %dma_wait3A_289 = tpu.memref_slice %arg9[%dma_wait3A_279] : memref<5x!tpu.dma_semaphore, #tpu.memory_space<semaphore_mem>> -> memref<1x!tpu.dma_semaphore, #tpu.memory_space<semaphore_mem>>
      %dma_wait3A_290 = tpu.memref_squeeze %dma_wait3A_289 : memref<1x!tpu.dma_semaphore, #tpu.memory_space<semaphore_mem>> -> memref<!tpu.dma_semaphore, #tpu.memory_space<semaphore_mem>>
      tpu.wait_indirect_dma semaphore(%dma_wait3A_290 : memref<!tpu.dma_semaphore, #tpu.memory_space<semaphore_mem>>) src(%dma_wait3A_288 : memref<50000x16xf32, #tpu.memory_space<hbm>>) dst(%dma_wait3A_283 : memref<128x16xf32, #tpu.memory_space<vmem>>)
      %dma_start3A_291 = arith.constant 2 : i32
      %dma_start3A_292 = arith.constant 2 : i32
      %dma_start3A_293 = arith.constant 0 : i32
      %dma_start3A_294 = arith.constant 0 : i32
      %dma_start3A_295 = tpu.memref_slice %arg8[%dma_start3A_291, %dma_start3A_293, %dma_start3A_294] : memref<5x128x16xf32, #tpu.memory_space<vmem>> -> memref<1x128x16xf32, #tpu.memory_space<vmem>>
      %dma_start3A_296 = tpu.memref_squeeze %dma_start3A_295 : memref<1x128x16xf32, #tpu.memory_space<vmem>> -> memref<128x16xf32, #tpu.memory_space<vmem>>
      %dma_start3A_297 = arith.constant 0 : i32
      %dma_start3A_298 = tpu.memref_slice %arg5[%mul3A_277, %dma_start3A_297] : memref<798720x16xf32, #tpu.memory_space<hbm>> -> memref<128x16xf32, #tpu.memory_space<hbm>>
      %dma_start3A_299 = tpu.memref_slice %arg10[%dma_start3A_292] : memref<5x!tpu.dma_semaphore, #tpu.memory_space<semaphore_mem>> -> memref<1x!tpu.dma_semaphore, #tpu.memory_space<semaphore_mem>>
      %dma_start3A_300 = tpu.memref_squeeze %dma_start3A_299 : memref<1x!tpu.dma_semaphore, #tpu.memory_space<semaphore_mem>> -> memref<!tpu.dma_semaphore, #tpu.memory_space<semaphore_mem>>
      %dma_start3A_301 = arith.constant 0 : i32
      %dma_start3A_302 = tpu.memref_slice %arg5[%mul3A_277, %dma_start3A_301] : memref<798720x16xf32, #tpu.memory_space<hbm>> -> memref<128x16xf32, #tpu.memory_space<hbm>>
      %dma_start3A_303 = arith.constant 0 : i32
      %dma_start3A_304 = arith.constant 0 : i32
      %dma_start3A_305 = tpu.memref_slice %arg8[%dma_start3A_291, %dma_start3A_303, %dma_start3A_304] : memref<5x128x16xf32, #tpu.memory_space<vmem>> -> memref<1x128x16xf32, #tpu.memory_space<vmem>>
      %dma_start3A_306 = tpu.memref_squeeze %dma_start3A_305 : memref<1x128x16xf32, #tpu.memory_space<vmem>> -> memref<128x16xf32, #tpu.memory_space<vmem>>
      tpu.enqueue_dma source(%dma_start3A_306 : memref<128x16xf32, #tpu.memory_space<vmem>>) target(%dma_start3A_302 : memref<128x16xf32, #tpu.memory_space<hbm>>) target_semaphore(%dma_start3A_300 : memref<!tpu.dma_semaphore, #tpu.memory_space<semaphore_mem>>)
      %dma_wait3A_307 = arith.constant 2 : i32
      %dma_wait3A_308 = arith.constant 2 : i32
      %dma_wait3A_309 = arith.constant 0 : i32
      %dma_wait3A_310 = arith.constant 0 : i32
      %dma_wait3A_311 = tpu.memref_slice %arg12[%dma_wait3A_307, %dma_wait3A_309, %dma_wait3A_310] : memref<5x128x16xf32, #tpu.memory_space<vmem>> -> memref<1x128x16xf32, #tpu.memory_space<vmem>>
      %dma_wait3A_312 = tpu.memref_squeeze %dma_wait3A_311 : memref<1x128x16xf32, #tpu.memory_space<vmem>> -> memref<128x16xf32, #tpu.memory_space<vmem>>
      %dma_wait3A_313 = arith.constant 256 : i32
      %dma_wait3A_314 = tpu.memref_slice %arg11[%dma_wait3A_313] : memref<24960xi32, #tpu.memory_space<vmem>> -> memref<128xi32, #tpu.memory_space<vmem>>
      %dma_wait3A_315 = arith.constant 0 : i32
      %dma_wait3A_316 = arith.constant 0 : i32
      %dma_wait3A_317 = tpu.memref_slice %arg2[%dma_wait3A_315, %dma_wait3A_316] : memref<50000x16xf32, #tpu.memory_space<hbm>> -> memref<50000x16xf32, #tpu.memory_space<hbm>>
      %dma_wait3A_318 = tpu.memref_slice %arg13[%dma_wait3A_308] : memref<5x!tpu.dma_semaphore, #tpu.memory_space<semaphore_mem>> -> memref<1x!tpu.dma_semaphore, #tpu.memory_space<semaphore_mem>>
      %dma_wait3A_319 = tpu.memref_squeeze %dma_wait3A_318 : memref<1x!tpu.dma_semaphore, #tpu.memory_space<semaphore_mem>> -> memref<!tpu.dma_semaphore, #tpu.memory_space<semaphore_mem>>
      tpu.wait_indirect_dma semaphore(%dma_wait3A_319 : memref<!tpu.dma_semaphore, #tpu.memory_space<semaphore_mem>>) src(%dma_wait3A_317 : memref<50000x16xf32, #tpu.memory_space<hbm>>) dst(%dma_wait3A_312 : memref<128x16xf32, #tpu.memory_space<vmem>>)
      %dma_start3A_320 = arith.constant 2 : i32
      %dma_start3A_321 = arith.constant 2 : i32
      %dma_start3A_322 = arith.constant 0 : i32
      %dma_start3A_323 = arith.constant 0 : i32
      %dma_start3A_324 = tpu.memref_slice %arg12[%dma_start3A_320, %dma_start3A_322, %dma_start3A_323] : memref<5x128x16xf32, #tpu.memory_space<vmem>> -> memref<1x128x16xf32, #tpu.memory_space<vmem>>
      %dma_start3A_325 = tpu.memref_squeeze %dma_start3A_324 : memref<1x128x16xf32, #tpu.memory_space<vmem>> -> memref<128x16xf32, #tpu.memory_space<vmem>>
      %dma_start3A_326 = arith.constant 0 : i32
      %dma_start3A_327 = tpu.memref_slice %arg6[%mul3A_277, %dma_start3A_326] : memref<798720x16xf32, #tpu.memory_space<hbm>> -> memref<128x16xf32, #tpu.memory_space<hbm>>
      %dma_start3A_328 = tpu.memref_slice %arg14[%dma_start3A_321] : memref<5x!tpu.dma_semaphore, #tpu.memory_space<semaphore_mem>> -> memref<1x!tpu.dma_semaphore, #tpu.memory_space<semaphore_mem>>
      %dma_start3A_329 = tpu.memref_squeeze %dma_start3A_328 : memref<1x!tpu.dma_semaphore, #tpu.memory_space<semaphore_mem>> -> memref<!tpu.dma_semaphore, #tpu.memory_space<semaphore_mem>>
      %dma_start3A_330 = arith.constant 0 : i32
      %dma_start3A_331 = tpu.memref_slice %arg6[%mul3A_277, %dma_start3A_330] : memref<798720x16xf32, #tpu.memory_space<hbm>> -> memref<128x16xf32, #tpu.memory_space<hbm>>
      %dma_start3A_332 = arith.constant 0 : i32
      %dma_start3A_333 = arith.constant 0 : i32
      %dma_start3A_334 = tpu.memref_slice %arg12[%dma_start3A_320, %dma_start3A_332, %dma_start3A_333] : memref<5x128x16xf32, #tpu.memory_space<vmem>> -> memref<1x128x16xf32, #tpu.memory_space<vmem>>
      %dma_start3A_335 = tpu.memref_squeeze %dma_start3A_334 : memref<1x128x16xf32, #tpu.memory_space<vmem>> -> memref<128x16xf32, #tpu.memory_space<vmem>>
      tpu.enqueue_dma source(%dma_start3A_335 : memref<128x16xf32, #tpu.memory_space<vmem>>) target(%dma_start3A_331 : memref<128x16xf32, #tpu.memory_space<hbm>>) target_semaphore(%dma_start3A_329 : memref<!tpu.dma_semaphore, #tpu.memory_space<semaphore_mem>>)
      %add3A_336 = arith.addi %mul3A_2, %mul3A_147 : i32
      %add3A_337 = arith.constant 3 : i32
      %add3A_338 = arith.addi %add3A_336, %add3A_337 : i32
      %mul3A_339 = arith.constant 128 : i32
      %mul3A_340 = arith.muli %add3A_338, %mul3A_339 : i32
      %dma_wait3A_341 = arith.constant 3 : i32
      %dma_wait3A_342 = arith.constant 3 : i32
      %dma_wait3A_343 = arith.constant 0 : i32
      %dma_wait3A_344 = arith.constant 0 : i32
      %dma_wait3A_345 = tpu.memref_slice %arg8[%dma_wait3A_341, %dma_wait3A_343, %dma_wait3A_344] : memref<5x128x16xf32, #tpu.memory_space<vmem>> -> memref<1x128x16xf32, #tpu.memory_space<vmem>>
      %dma_wait3A_346 = tpu.memref_squeeze %dma_wait3A_345 : memref<1x128x16xf32, #tpu.memory_space<vmem>> -> memref<128x16xf32, #tpu.memory_space<vmem>>
      %dma_wait3A_347 = arith.constant 384 : i32
      %dma_wait3A_348 = tpu.memref_slice %arg7[%dma_wait3A_347] : memref<24960xi32, #tpu.memory_space<vmem>> -> memref<128xi32, #tpu.memory_space<vmem>>
      %dma_wait3A_349 = arith.constant 0 : i32
      %dma_wait3A_350 = arith.constant 0 : i32
      %dma_wait3A_351 = tpu.memref_slice %arg2[%dma_wait3A_349, %dma_wait3A_350] : memref<50000x16xf32, #tpu.memory_space<hbm>> -> memref<50000x16xf32, #tpu.memory_space<hbm>>
      %dma_wait3A_352 = tpu.memref_slice %arg9[%dma_wait3A_342] : memref<5x!tpu.dma_semaphore, #tpu.memory_space<semaphore_mem>> -> memref<1x!tpu.dma_semaphore, #tpu.memory_space<semaphore_mem>>
      %dma_wait3A_353 = tpu.memref_squeeze %dma_wait3A_352 : memref<1x!tpu.dma_semaphore, #tpu.memory_space<semaphore_mem>> -> memref<!tpu.dma_semaphore, #tpu.memory_space<semaphore_mem>>
      tpu.wait_indirect_dma semaphore(%dma_wait3A_353 : memref<!tpu.dma_semaphore, #tpu.memory_space<semaphore_mem>>) src(%dma_wait3A_351 : memref<50000x16xf32, #tpu.memory_space<hbm>>) dst(%dma_wait3A_346 : memref<128x16xf32, #tpu.memory_space<vmem>>)
      %dma_start3A_354 = arith.constant 3 : i32
      %dma_start3A_355 = arith.constant 3 : i32
      %dma_start3A_356 = arith.constant 0 : i32
      %dma_start3A_357 = arith.constant 0 : i32
      %dma_start3A_358 = tpu.memref_slice %arg8[%dma_start3A_354, %dma_start3A_356, %dma_start3A_357] : memref<5x128x16xf32, #tpu.memory_space<vmem>> -> memref<1x128x16xf32, #tpu.memory_space<vmem>>
      %dma_start3A_359 = tpu.memref_squeeze %dma_start3A_358 : memref<1x128x16xf32, #tpu.memory_space<vmem>> -> memref<128x16xf32, #tpu.memory_space<vmem>>
      %dma_start3A_360 = arith.constant 0 : i32
      %dma_start3A_361 = tpu.memref_slice %arg5[%mul3A_340, %dma_start3A_360] : memref<798720x16xf32, #tpu.memory_space<hbm>> -> memref<128x16xf32, #tpu.memory_space<hbm>>
      %dma_start3A_362 = tpu.memref_slice %arg10[%dma_start3A_355] : memref<5x!tpu.dma_semaphore, #tpu.memory_space<semaphore_mem>> -> memref<1x!tpu.dma_semaphore, #tpu.memory_space<semaphore_mem>>
      %dma_start3A_363 = tpu.memref_squeeze %dma_start3A_362 : memref<1x!tpu.dma_semaphore, #tpu.memory_space<semaphore_mem>> -> memref<!tpu.dma_semaphore, #tpu.memory_space<semaphore_mem>>
      %dma_start3A_364 = arith.constant 0 : i32
      %dma_start3A_365 = tpu.memref_slice %arg5[%mul3A_340, %dma_start3A_364] : memref<798720x16xf32, #tpu.memory_space<hbm>> -> memref<128x16xf32, #tpu.memory_space<hbm>>
      %dma_start3A_366 = arith.constant 0 : i32
      %dma_start3A_367 = arith.constant 0 : i32
      %dma_start3A_368 = tpu.memref_slice %arg8[%dma_start3A_354, %dma_start3A_366, %dma_start3A_367] : memref<5x128x16xf32, #tpu.memory_space<vmem>> -> memref<1x128x16xf32, #tpu.memory_space<vmem>>
      %dma_start3A_369 = tpu.memref_squeeze %dma_start3A_368 : memref<1x128x16xf32, #tpu.memory_space<vmem>> -> memref<128x16xf32, #tpu.memory_space<vmem>>
      tpu.enqueue_dma source(%dma_start3A_369 : memref<128x16xf32, #tpu.memory_space<vmem>>) target(%dma_start3A_365 : memref<128x16xf32, #tpu.memory_space<hbm>>) target_semaphore(%dma_start3A_363 : memref<!tpu.dma_semaphore, #tpu.memory_space<semaphore_mem>>)
      %dma_wait3A_370 = arith.constant 3 : i32
      %dma_wait3A_371 = arith.constant 3 : i32
      %dma_wait3A_372 = arith.constant 0 : i32
      %dma_wait3A_373 = arith.constant 0 : i32
      %dma_wait3A_374 = tpu.memref_slice %arg12[%dma_wait3A_370, %dma_wait3A_372, %dma_wait3A_373] : memref<5x128x16xf32, #tpu.memory_space<vmem>> -> memref<1x128x16xf32, #tpu.memory_space<vmem>>
      %dma_wait3A_375 = tpu.memref_squeeze %dma_wait3A_374 : memref<1x128x16xf32, #tpu.memory_space<vmem>> -> memref<128x16xf32, #tpu.memory_space<vmem>>
      %dma_wait3A_376 = arith.constant 384 : i32
      %dma_wait3A_377 = tpu.memref_slice %arg11[%dma_wait3A_376] : memref<24960xi32, #tpu.memory_space<vmem>> -> memref<128xi32, #tpu.memory_space<vmem>>
      %dma_wait3A_378 = arith.constant 0 : i32
      %dma_wait3A_379 = arith.constant 0 : i32
      %dma_wait3A_380 = tpu.memref_slice %arg2[%dma_wait3A_378, %dma_wait3A_379] : memref<50000x16xf32, #tpu.memory_space<hbm>> -> memref<50000x16xf32, #tpu.memory_space<hbm>>
      %dma_wait3A_381 = tpu.memref_slice %arg13[%dma_wait3A_371] : memref<5x!tpu.dma_semaphore, #tpu.memory_space<semaphore_mem>> -> memref<1x!tpu.dma_semaphore, #tpu.memory_space<semaphore_mem>>
      %dma_wait3A_382 = tpu.memref_squeeze %dma_wait3A_381 : memref<1x!tpu.dma_semaphore, #tpu.memory_space<semaphore_mem>> -> memref<!tpu.dma_semaphore, #tpu.memory_space<semaphore_mem>>
      tpu.wait_indirect_dma semaphore(%dma_wait3A_382 : memref<!tpu.dma_semaphore, #tpu.memory_space<semaphore_mem>>) src(%dma_wait3A_380 : memref<50000x16xf32, #tpu.memory_space<hbm>>) dst(%dma_wait3A_375 : memref<128x16xf32, #tpu.memory_space<vmem>>)
      %dma_start3A_383 = arith.constant 3 : i32
      %dma_start3A_384 = arith.constant 3 : i32
      %dma_start3A_385 = arith.constant 0 : i32
      %dma_start3A_386 = arith.constant 0 : i32
      %dma_start3A_387 = tpu.memref_slice %arg12[%dma_start3A_383, %dma_start3A_385, %dma_start3A_386] : memref<5x128x16xf32, #tpu.memory_space<vmem>> -> memref<1x128x16xf32, #tpu.memory_space<vmem>>
      %dma_start3A_388 = tpu.memref_squeeze %dma_start3A_387 : memref<1x128x16xf32, #tpu.memory_space<vmem>> -> memref<128x16xf32, #tpu.memory_space<vmem>>
      %dma_start3A_389 = arith.constant 0 : i32
      %dma_start3A_390 = tpu.memref_slice %arg6[%mul3A_340, %dma_start3A_389] : memref<798720x16xf32, #tpu.memory_space<hbm>> -> memref<128x16xf32, #tpu.memory_space<hbm>>
      %dma_start3A_391 = tpu.memref_slice %arg14[%dma_start3A_384] : memref<5x!tpu.dma_semaphore, #tpu.memory_space<semaphore_mem>> -> memref<1x!tpu.dma_semaphore, #tpu.memory_space<semaphore_mem>>
      %dma_start3A_392 = tpu.memref_squeeze %dma_start3A_391 : memref<1x!tpu.dma_semaphore, #tpu.memory_space<semaphore_mem>> -> memref<!tpu.dma_semaphore, #tpu.memory_space<semaphore_mem>>
      %dma_start3A_393 = arith.constant 0 : i32
      %dma_start3A_394 = tpu.memref_slice %arg6[%mul3A_340, %dma_start3A_393] : memref<798720x16xf32, #tpu.memory_space<hbm>> -> memref<128x16xf32, #tpu.memory_space<hbm>>
      %dma_start3A_395 = arith.constant 0 : i32
      %dma_start3A_396 = arith.constant 0 : i32
      %dma_start3A_397 = tpu.memref_slice %arg12[%dma_start3A_383, %dma_start3A_395, %dma_start3A_396] : memref<5x128x16xf32, #tpu.memory_space<vmem>> -> memref<1x128x16xf32, #tpu.memory_space<vmem>>
      %dma_start3A_398 = tpu.memref_squeeze %dma_start3A_397 : memref<1x128x16xf32, #tpu.memory_space<vmem>> -> memref<128x16xf32, #tpu.memory_space<vmem>>
      tpu.enqueue_dma source(%dma_start3A_398 : memref<128x16xf32, #tpu.memory_space<vmem>>) target(%dma_start3A_394 : memref<128x16xf32, #tpu.memory_space<hbm>>) target_semaphore(%dma_start3A_392 : memref<!tpu.dma_semaphore, #tpu.memory_space<semaphore_mem>>)
      %add3A_399 = arith.addi %mul3A_2, %mul3A_147 : i32
      %add3A_400 = arith.constant 4 : i32
      %add3A_401 = arith.addi %add3A_399, %add3A_400 : i32
      %mul3A_402 = arith.constant 128 : i32
      %mul3A_403 = arith.muli %add3A_401, %mul3A_402 : i32
      %dma_wait3A_404 = arith.constant 4 : i32
      %dma_wait3A_405 = arith.constant 4 : i32
      %dma_wait3A_406 = arith.constant 0 : i32
      %dma_wait3A_407 = arith.constant 0 : i32
      %dma_wait3A_408 = tpu.memref_slice %arg8[%dma_wait3A_404, %dma_wait3A_406, %dma_wait3A_407] : memref<5x128x16xf32, #tpu.memory_space<vmem>> -> memref<1x128x16xf32, #tpu.memory_space<vmem>>
      %dma_wait3A_409 = tpu.memref_squeeze %dma_wait3A_408 : memref<1x128x16xf32, #tpu.memory_space<vmem>> -> memref<128x16xf32, #tpu.memory_space<vmem>>
      %dma_wait3A_410 = arith.constant 512 : i32
      %dma_wait3A_411 = tpu.memref_slice %arg7[%dma_wait3A_410] : memref<24960xi32, #tpu.memory_space<vmem>> -> memref<128xi32, #tpu.memory_space<vmem>>
      %dma_wait3A_412 = arith.constant 0 : i32
      %dma_wait3A_413 = arith.constant 0 : i32
      %dma_wait3A_414 = tpu.memref_slice %arg2[%dma_wait3A_412, %dma_wait3A_413] : memref<50000x16xf32, #tpu.memory_space<hbm>> -> memref<50000x16xf32, #tpu.memory_space<hbm>>
      %dma_wait3A_415 = tpu.memref_slice %arg9[%dma_wait3A_405] : memref<5x!tpu.dma_semaphore, #tpu.memory_space<semaphore_mem>> -> memref<1x!tpu.dma_semaphore, #tpu.memory_space<semaphore_mem>>
      %dma_wait3A_416 = tpu.memref_squeeze %dma_wait3A_415 : memref<1x!tpu.dma_semaphore, #tpu.memory_space<semaphore_mem>> -> memref<!tpu.dma_semaphore, #tpu.memory_space<semaphore_mem>>
      tpu.wait_indirect_dma semaphore(%dma_wait3A_416 : memref<!tpu.dma_semaphore, #tpu.memory_space<semaphore_mem>>) src(%dma_wait3A_414 : memref<50000x16xf32, #tpu.memory_space<hbm>>) dst(%dma_wait3A_409 : memref<128x16xf32, #tpu.memory_space<vmem>>)
      %dma_start3A_417 = arith.constant 4 : i32
      %dma_start3A_418 = arith.constant 4 : i32
      %dma_start3A_419 = arith.constant 0 : i32
      %dma_start3A_420 = arith.constant 0 : i32
      %dma_start3A_421 = tpu.memref_slice %arg8[%dma_start3A_417, %dma_start3A_419, %dma_start3A_420] : memref<5x128x16xf32, #tpu.memory_space<vmem>> -> memref<1x128x16xf32, #tpu.memory_space<vmem>>
      %dma_start3A_422 = tpu.memref_squeeze %dma_start3A_421 : memref<1x128x16xf32, #tpu.memory_space<vmem>> -> memref<128x16xf32, #tpu.memory_space<vmem>>
      %dma_start3A_423 = arith.constant 0 : i32
      %dma_start3A_424 = tpu.memref_slice %arg5[%mul3A_403, %dma_start3A_423] : memref<798720x16xf32, #tpu.memory_space<hbm>> -> memref<128x16xf32, #tpu.memory_space<hbm>>
      %dma_start3A_425 = tpu.memref_slice %arg10[%dma_start3A_418] : memref<5x!tpu.dma_semaphore, #tpu.memory_space<semaphore_mem>> -> memref<1x!tpu.dma_semaphore, #tpu.memory_space<semaphore_mem>>
      %dma_start3A_426 = tpu.memref_squeeze %dma_start3A_425 : memref<1x!tpu.dma_semaphore, #tpu.memory_space<semaphore_mem>> -> memref<!tpu.dma_semaphore, #tpu.memory_space<semaphore_mem>>
      %dma_start3A_427 = arith.constant 0 : i32
      %dma_start3A_428 = tpu.memref_slice %arg5[%mul3A_403, %dma_start3A_427] : memref<798720x16xf32, #tpu.memory_space<hbm>> -> memref<128x16xf32, #tpu.memory_space<hbm>>
      %dma_start3A_429 = arith.constant 0 : i32
      %dma_start3A_430 = arith.constant 0 : i32
      %dma_start3A_431 = tpu.memref_slice %arg8[%dma_start3A_417, %dma_start3A_429, %dma_start3A_430] : memref<5x128x16xf32, #tpu.memory_space<vmem>> -> memref<1x128x16xf32, #tpu.memory_space<vmem>>
      %dma_start3A_432 = tpu.memref_squeeze %dma_start3A_431 : memref<1x128x16xf32, #tpu.memory_space<vmem>> -> memref<128x16xf32, #tpu.memory_space<vmem>>
      tpu.enqueue_dma source(%dma_start3A_432 : memref<128x16xf32, #tpu.memory_space<vmem>>) target(%dma_start3A_428 : memref<128x16xf32, #tpu.memory_space<hbm>>) target_semaphore(%dma_start3A_426 : memref<!tpu.dma_semaphore, #tpu.memory_space<semaphore_mem>>)
      %dma_wait3A_433 = arith.constant 4 : i32
      %dma_wait3A_434 = arith.constant 4 : i32
      %dma_wait3A_435 = arith.constant 0 : i32
      %dma_wait3A_436 = arith.constant 0 : i32
      %dma_wait3A_437 = tpu.memref_slice %arg12[%dma_wait3A_433, %dma_wait3A_435, %dma_wait3A_436] : memref<5x128x16xf32, #tpu.memory_space<vmem>> -> memref<1x128x16xf32, #tpu.memory_space<vmem>>
      %dma_wait3A_438 = tpu.memref_squeeze %dma_wait3A_437 : memref<1x128x16xf32, #tpu.memory_space<vmem>> -> memref<128x16xf32, #tpu.memory_space<vmem>>
      %dma_wait3A_439 = arith.constant 512 : i32
      %dma_wait3A_440 = tpu.memref_slice %arg11[%dma_wait3A_439] : memref<24960xi32, #tpu.memory_space<vmem>> -> memref<128xi32, #tpu.memory_space<vmem>>
      %dma_wait3A_441 = arith.constant 0 : i32
      %dma_wait3A_442 = arith.constant 0 : i32
      %dma_wait3A_443 = tpu.memref_slice %arg2[%dma_wait3A_441, %dma_wait3A_442] : memref<50000x16xf32, #tpu.memory_space<hbm>> -> memref<50000x16xf32, #tpu.memory_space<hbm>>
      %dma_wait3A_444 = tpu.memref_slice %arg13[%dma_wait3A_434] : memref<5x!tpu.dma_semaphore, #tpu.memory_space<semaphore_mem>> -> memref<1x!tpu.dma_semaphore, #tpu.memory_space<semaphore_mem>>
      %dma_wait3A_445 = tpu.memref_squeeze %dma_wait3A_444 : memref<1x!tpu.dma_semaphore, #tpu.memory_space<semaphore_mem>> -> memref<!tpu.dma_semaphore, #tpu.memory_space<semaphore_mem>>
      tpu.wait_indirect_dma semaphore(%dma_wait3A_445 : memref<!tpu.dma_semaphore, #tpu.memory_space<semaphore_mem>>) src(%dma_wait3A_443 : memref<50000x16xf32, #tpu.memory_space<hbm>>) dst(%dma_wait3A_438 : memref<128x16xf32, #tpu.memory_space<vmem>>)
      %dma_start3A_446 = arith.constant 4 : i32
      %dma_start3A_447 = arith.constant 4 : i32
      %dma_start3A_448 = arith.constant 0 : i32
      %dma_start3A_449 = arith.constant 0 : i32
      %dma_start3A_450 = tpu.memref_slice %arg12[%dma_start3A_446, %dma_start3A_448, %dma_start3A_449] : memref<5x128x16xf32, #tpu.memory_space<vmem>> -> memref<1x128x16xf32, #tpu.memory_space<vmem>>
      %dma_start3A_451 = tpu.memref_squeeze %dma_start3A_450 : memref<1x128x16xf32, #tpu.memory_space<vmem>> -> memref<128x16xf32, #tpu.memory_space<vmem>>
      %dma_start3A_452 = arith.constant 0 : i32
      %dma_start3A_453 = tpu.memref_slice %arg6[%mul3A_403, %dma_start3A_452] : memref<798720x16xf32, #tpu.memory_space<hbm>> -> memref<128x16xf32, #tpu.memory_space<hbm>>
      %dma_start3A_454 = tpu.memref_slice %arg14[%dma_start3A_447] : memref<5x!tpu.dma_semaphore, #tpu.memory_space<semaphore_mem>> -> memref<1x!tpu.dma_semaphore, #tpu.memory_space<semaphore_mem>>
      %dma_start3A_455 = tpu.memref_squeeze %dma_start3A_454 : memref<1x!tpu.dma_semaphore, #tpu.memory_space<semaphore_mem>> -> memref<!tpu.dma_semaphore, #tpu.memory_space<semaphore_mem>>
      %dma_start3A_456 = arith.constant 0 : i32
      %dma_start3A_457 = tpu.memref_slice %arg6[%mul3A_403, %dma_start3A_456] : memref<798720x16xf32, #tpu.memory_space<hbm>> -> memref<128x16xf32, #tpu.memory_space<hbm>>
      %dma_start3A_458 = arith.constant 0 : i32
      %dma_start3A_459 = arith.constant 0 : i32
      %dma_start3A_460 = tpu.memref_slice %arg12[%dma_start3A_446, %dma_start3A_458, %dma_start3A_459] : memref<5x128x16xf32, #tpu.memory_space<vmem>> -> memref<1x128x16xf32, #tpu.memory_space<vmem>>
      %dma_start3A_461 = tpu.memref_squeeze %dma_start3A_460 : memref<1x128x16xf32, #tpu.memory_space<vmem>> -> memref<128x16xf32, #tpu.memory_space<vmem>>
      tpu.enqueue_dma source(%dma_start3A_461 : memref<128x16xf32, #tpu.memory_space<vmem>>) target(%dma_start3A_457 : memref<128x16xf32, #tpu.memory_space<hbm>>) target_semaphore(%dma_start3A_455 : memref<!tpu.dma_semaphore, #tpu.memory_space<semaphore_mem>>)
      %dma_wait3A_462 = arith.constant 0 : i32
      %dma_wait3A_463 = arith.constant 0 : i32
      %dma_wait3A_464 = arith.constant 0 : i32
      %dma_wait3A_465 = arith.constant 0 : i32
      %dma_wait3A_466 = tpu.memref_slice %arg8[%dma_wait3A_462, %dma_wait3A_464, %dma_wait3A_465] : memref<5x128x16xf32, #tpu.memory_space<vmem>> -> memref<1x128x16xf32, #tpu.memory_space<vmem>>
      %dma_wait3A_467 = tpu.memref_squeeze %dma_wait3A_466 : memref<1x128x16xf32, #tpu.memory_space<vmem>> -> memref<128x16xf32, #tpu.memory_space<vmem>>
      %dma_wait3A_468 = arith.constant 0 : i32
      %dma_wait3A_469 = arith.constant 0 : i32
      %dma_wait3A_470 = tpu.memref_slice %arg2[%dma_wait3A_468, %dma_wait3A_469] : memref<50000x16xf32, #tpu.memory_space<hbm>> -> memref<128x16xf32, #tpu.memory_space<hbm>>
      %dma_wait3A_471 = tpu.memref_slice %arg10[%dma_wait3A_463] : memref<5x!tpu.dma_semaphore, #tpu.memory_space<semaphore_mem>> -> memref<1x!tpu.dma_semaphore, #tpu.memory_space<semaphore_mem>>
      %dma_wait3A_472 = tpu.memref_squeeze %dma_wait3A_471 : memref<1x!tpu.dma_semaphore, #tpu.memory_space<semaphore_mem>> -> memref<!tpu.dma_semaphore, #tpu.memory_space<semaphore_mem>>
      %dma_wait3A_473 = arith.constant 0 : i32
      %dma_wait3A_474 = arith.constant 0 : i32
      %dma_wait3A_475 = tpu.memref_slice %arg8[%dma_wait3A_462, %dma_wait3A_473, %dma_wait3A_474] : memref<5x128x16xf32, #tpu.memory_space<vmem>> -> memref<1x128x16xf32, #tpu.memory_space<vmem>>
      %dma_wait3A_476 = tpu.memref_squeeze %dma_wait3A_475 : memref<1x128x16xf32, #tpu.memory_space<vmem>> -> memref<128x16xf32, #tpu.memory_space<vmem>>
      %dma_wait3A_477 = arith.constant 0 : i32
      %dma_wait3A_478 = arith.constant 0 : i32
      %dma_wait3A_479 = tpu.memref_slice %arg2[%dma_wait3A_477, %dma_wait3A_478] : memref<50000x16xf32, #tpu.memory_space<hbm>> -> memref<128x16xf32, #tpu.memory_space<hbm>>
      tpu.wait_dma2 semaphore(%dma_wait3A_472 : memref<!tpu.dma_semaphore, #tpu.memory_space<semaphore_mem>>) src(%dma_wait3A_479 : memref<128x16xf32, #tpu.memory_space<hbm>>) dst(%dma_wait3A_476 : memref<128x16xf32, #tpu.memory_space<vmem>>)
      %lt3A = arith.constant 38 : i32
      %lt3A_480 = arith.cmpi slt, %add3A_145, %lt3A : i32
      %convert_element_type3A = arith.extui %lt3A_480 : i1 to i32
      %cond3A = arith.constant 0 : i32
      %cond3A_481 = arith.cmpi ne, %convert_element_type3A, %cond3A : i32
      scf.if %cond3A_481 {
        %add3A_689 = arith.constant 5 : i32
        %add3A_690 = arith.addi %mul3A_147, %add3A_689 : i32
        %add3A_691 = arith.constant 0 : i32
        %add3A_692 = arith.addi %add3A_690, %add3A_691 : i32
        %mul3A_693 = arith.constant 128 : i32
        %mul3A_694 = arith.muli %add3A_692, %mul3A_693 : i32
        %dma_start3A_695 = arith.constant 0 : i32
        %dma_start3A_696 = arith.constant 0 : i32
        %dma_start3A_697 = arith.constant 0 : i32
        %dma_start3A_698 = arith.constant 0 : i32
        %dma_start3A_699 = tpu.memref_slice %arg8[%dma_start3A_695, %dma_start3A_697, %dma_start3A_698] : memref<5x128x16xf32, #tpu.memory_space<vmem>> -> memref<1x128x16xf32, #tpu.memory_space<vmem>>
        %dma_start3A_700 = tpu.memref_squeeze %dma_start3A_699 : memref<1x128x16xf32, #tpu.memory_space<vmem>> -> memref<128x16xf32, #tpu.memory_space<vmem>>
        %dma_start3A_701 = tpu.memref_slice %arg7[%mul3A_694] : memref<24960xi32, #tpu.memory_space<vmem>> -> memref<128xi32, #tpu.memory_space<vmem>>
        %dma_start3A_702 = arith.constant 0 : i32
        %dma_start3A_703 = arith.constant 0 : i32
        %dma_start3A_704 = tpu.memref_slice %arg2[%dma_start3A_702, %dma_start3A_703] : memref<50000x16xf32, #tpu.memory_space<hbm>> -> memref<50000x16xf32, #tpu.memory_space<hbm>>
        %dma_start3A_705 = tpu.memref_slice %arg9[%dma_start3A_696] : memref<5x!tpu.dma_semaphore, #tpu.memory_space<semaphore_mem>> -> memref<1x!tpu.dma_semaphore, #tpu.memory_space<semaphore_mem>>
        %dma_start3A_706 = tpu.memref_squeeze %dma_start3A_705 : memref<1x!tpu.dma_semaphore, #tpu.memory_space<semaphore_mem>> -> memref<!tpu.dma_semaphore, #tpu.memory_space<semaphore_mem>>
        tpu.enqueue_indirect_dma source(%dma_start3A_704 : memref<50000x16xf32, #tpu.memory_space<hbm>>) target(%dma_start3A_700 : memref<128x16xf32, #tpu.memory_space<vmem>>) offsets(%dma_start3A_701 : memref<128xi32, #tpu.memory_space<vmem>>) semaphore(%dma_start3A_706 : memref<!tpu.dma_semaphore, #tpu.memory_space<semaphore_mem>>)
      } else {
      }
      %dma_wait3A_482 = arith.constant 0 : i32
      %dma_wait3A_483 = arith.constant 0 : i32
      %dma_wait3A_484 = arith.constant 0 : i32
      %dma_wait3A_485 = arith.constant 0 : i32
      %dma_wait3A_486 = tpu.memref_slice %arg12[%dma_wait3A_482, %dma_wait3A_484, %dma_wait3A_485] : memref<5x128x16xf32, #tpu.memory_space<vmem>> -> memref<1x128x16xf32, #tpu.memory_space<vmem>>
      %dma_wait3A_487 = tpu.memref_squeeze %dma_wait3A_486 : memref<1x128x16xf32, #tpu.memory_space<vmem>> -> memref<128x16xf32, #tpu.memory_space<vmem>>
      %dma_wait3A_488 = arith.constant 0 : i32
      %dma_wait3A_489 = arith.constant 0 : i32
      %dma_wait3A_490 = tpu.memref_slice %arg2[%dma_wait3A_488, %dma_wait3A_489] : memref<50000x16xf32, #tpu.memory_space<hbm>> -> memref<128x16xf32, #tpu.memory_space<hbm>>
      %dma_wait3A_491 = tpu.memref_slice %arg14[%dma_wait3A_483] : memref<5x!tpu.dma_semaphore, #tpu.memory_space<semaphore_mem>> -> memref<1x!tpu.dma_semaphore, #tpu.memory_space<semaphore_mem>>
      %dma_wait3A_492 = tpu.memref_squeeze %dma_wait3A_491 : memref<1x!tpu.dma_semaphore, #tpu.memory_space<semaphore_mem>> -> memref<!tpu.dma_semaphore, #tpu.memory_space<semaphore_mem>>
      %dma_wait3A_493 = arith.constant 0 : i32
      %dma_wait3A_494 = arith.constant 0 : i32
      %dma_wait3A_495 = tpu.memref_slice %arg12[%dma_wait3A_482, %dma_wait3A_493, %dma_wait3A_494] : memref<5x128x16xf32, #tpu.memory_space<vmem>> -> memref<1x128x16xf32, #tpu.memory_space<vmem>>
      %dma_wait3A_496 = tpu.memref_squeeze %dma_wait3A_495 : memref<1x128x16xf32, #tpu.memory_space<vmem>> -> memref<128x16xf32, #tpu.memory_space<vmem>>
      %dma_wait3A_497 = arith.constant 0 : i32
      %dma_wait3A_498 = arith.constant 0 : i32
      %dma_wait3A_499 = tpu.memref_slice %arg2[%dma_wait3A_497, %dma_wait3A_498] : memref<50000x16xf32, #tpu.memory_space<hbm>> -> memref<128x16xf32, #tpu.memory_space<hbm>>
      tpu.wait_dma2 semaphore(%dma_wait3A_492 : memref<!tpu.dma_semaphore, #tpu.memory_space<semaphore_mem>>) src(%dma_wait3A_499 : memref<128x16xf32, #tpu.memory_space<hbm>>) dst(%dma_wait3A_496 : memref<128x16xf32, #tpu.memory_space<vmem>>)
      %lt3A_500 = arith.constant 38 : i32
      %lt3A_501 = arith.cmpi slt, %add3A_145, %lt3A_500 : i32
      %convert_element_type3A_502 = arith.extui %lt3A_501 : i1 to i32
      %cond3A_503 = arith.constant 0 : i32
      %cond3A_504 = arith.cmpi ne, %convert_element_type3A_502, %cond3A_503 : i32
      scf.if %cond3A_504 {
        %add3A_689 = arith.constant 5 : i32
        %add3A_690 = arith.addi %mul3A_147, %add3A_689 : i32
        %add3A_691 = arith.constant 0 : i32
        %add3A_692 = arith.addi %add3A_690, %add3A_691 : i32
        %mul3A_693 = arith.constant 128 : i32
        %mul3A_694 = arith.muli %add3A_692, %mul3A_693 : i32
        %dma_start3A_695 = arith.constant 0 : i32
        %dma_start3A_696 = arith.constant 0 : i32
        %dma_start3A_697 = arith.constant 0 : i32
        %dma_start3A_698 = arith.constant 0 : i32
        %dma_start3A_699 = tpu.memref_slice %arg12[%dma_start3A_695, %dma_start3A_697, %dma_start3A_698] : memref<5x128x16xf32, #tpu.memory_space<vmem>> -> memref<1x128x16xf32, #tpu.memory_space<vmem>>
        %dma_start3A_700 = tpu.memref_squeeze %dma_start3A_699 : memref<1x128x16xf32, #tpu.memory_space<vmem>> -> memref<128x16xf32, #tpu.memory_space<vmem>>
        %dma_start3A_701 = tpu.memref_slice %arg11[%mul3A_694] : memref<24960xi32, #tpu.memory_space<vmem>> -> memref<128xi32, #tpu.memory_space<vmem>>
        %dma_start3A_702 = arith.constant 0 : i32
        %dma_start3A_703 = arith.constant 0 : i32
        %dma_start3A_704 = tpu.memref_slice %arg2[%dma_start3A_702, %dma_start3A_703] : memref<50000x16xf32, #tpu.memory_space<hbm>> -> memref<50000x16xf32, #tpu.memory_space<hbm>>
        %dma_start3A_705 = tpu.memref_slice %arg13[%dma_start3A_696] : memref<5x!tpu.dma_semaphore, #tpu.memory_space<semaphore_mem>> -> memref<1x!tpu.dma_semaphore, #tpu.memory_space<semaphore_mem>>
        %dma_start3A_706 = tpu.memref_squeeze %dma_start3A_705 : memref<1x!tpu.dma_semaphore, #tpu.memory_space<semaphore_mem>> -> memref<!tpu.dma_semaphore, #tpu.memory_space<semaphore_mem>>
        tpu.enqueue_indirect_dma source(%dma_start3A_704 : memref<50000x16xf32, #tpu.memory_space<hbm>>) target(%dma_start3A_700 : memref<128x16xf32, #tpu.memory_space<vmem>>) offsets(%dma_start3A_701 : memref<128xi32, #tpu.memory_space<vmem>>) semaphore(%dma_start3A_706 : memref<!tpu.dma_semaphore, #tpu.memory_space<semaphore_mem>>)
      } else {
      }
      %dma_wait3A_505 = arith.constant 1 : i32
      %dma_wait3A_506 = arith.constant 1 : i32
      %dma_wait3A_507 = arith.constant 0 : i32
      %dma_wait3A_508 = arith.constant 0 : i32
      %dma_wait3A_509 = tpu.memref_slice %arg8[%dma_wait3A_505, %dma_wait3A_507, %dma_wait3A_508] : memref<5x128x16xf32, #tpu.memory_space<vmem>> -> memref<1x128x16xf32, #tpu.memory_space<vmem>>
      %dma_wait3A_510 = tpu.memref_squeeze %dma_wait3A_509 : memref<1x128x16xf32, #tpu.memory_space<vmem>> -> memref<128x16xf32, #tpu.memory_space<vmem>>
      %dma_wait3A_511 = arith.constant 0 : i32
      %dma_wait3A_512 = arith.constant 0 : i32
      %dma_wait3A_513 = tpu.memref_slice %arg2[%dma_wait3A_511, %dma_wait3A_512] : memref<50000x16xf32, #tpu.memory_space<hbm>> -> memref<128x16xf32, #tpu.memory_space<hbm>>
      %dma_wait3A_514 = tpu.memref_slice %arg10[%dma_wait3A_506] : memref<5x!tpu.dma_semaphore, #tpu.memory_space<semaphore_mem>> -> memref<1x!tpu.dma_semaphore, #tpu.memory_space<semaphore_mem>>
      %dma_wait3A_515 = tpu.memref_squeeze %dma_wait3A_514 : memref<1x!tpu.dma_semaphore, #tpu.memory_space<semaphore_mem>> -> memref<!tpu.dma_semaphore, #tpu.memory_space<semaphore_mem>>
      %dma_wait3A_516 = arith.constant 0 : i32
      %dma_wait3A_517 = arith.constant 0 : i32
      %dma_wait3A_518 = tpu.memref_slice %arg8[%dma_wait3A_505, %dma_wait3A_516, %dma_wait3A_517] : memref<5x128x16xf32, #tpu.memory_space<vmem>> -> memref<1x128x16xf32, #tpu.memory_space<vmem>>
      %dma_wait3A_519 = tpu.memref_squeeze %dma_wait3A_518 : memref<1x128x16xf32, #tpu.memory_space<vmem>> -> memref<128x16xf32, #tpu.memory_space<vmem>>
      %dma_wait3A_520 = arith.constant 0 : i32
      %dma_wait3A_521 = arith.constant 0 : i32
      %dma_wait3A_522 = tpu.memref_slice %arg2[%dma_wait3A_520, %dma_wait3A_521] : memref<50000x16xf32, #tpu.memory_space<hbm>> -> memref<128x16xf32, #tpu.memory_space<hbm>>
      tpu.wait_dma2 semaphore(%dma_wait3A_515 : memref<!tpu.dma_semaphore, #tpu.memory_space<semaphore_mem>>) src(%dma_wait3A_522 : memref<128x16xf32, #tpu.memory_space<hbm>>) dst(%dma_wait3A_519 : memref<128x16xf32, #tpu.memory_space<vmem>>)
      %lt3A_523 = arith.constant 38 : i32
      %lt3A_524 = arith.cmpi slt, %add3A_145, %lt3A_523 : i32
      %convert_element_type3A_525 = arith.extui %lt3A_524 : i1 to i32
      %cond3A_526 = arith.constant 0 : i32
      %cond3A_527 = arith.cmpi ne, %convert_element_type3A_525, %cond3A_526 : i32
      scf.if %cond3A_527 {
        %add3A_689 = arith.constant 5 : i32
        %add3A_690 = arith.addi %mul3A_147, %add3A_689 : i32
        %add3A_691 = arith.constant 1 : i32
        %add3A_692 = arith.addi %add3A_690, %add3A_691 : i32
        %mul3A_693 = arith.constant 128 : i32
        %mul3A_694 = arith.muli %add3A_692, %mul3A_693 : i32
        %dma_start3A_695 = arith.constant 1 : i32
        %dma_start3A_696 = arith.constant 1 : i32
        %dma_start3A_697 = arith.constant 0 : i32
        %dma_start3A_698 = arith.constant 0 : i32
        %dma_start3A_699 = tpu.memref_slice %arg8[%dma_start3A_695, %dma_start3A_697, %dma_start3A_698] : memref<5x128x16xf32, #tpu.memory_space<vmem>> -> memref<1x128x16xf32, #tpu.memory_space<vmem>>
        %dma_start3A_700 = tpu.memref_squeeze %dma_start3A_699 : memref<1x128x16xf32, #tpu.memory_space<vmem>> -> memref<128x16xf32, #tpu.memory_space<vmem>>
        %dma_start3A_701 = tpu.memref_slice %arg7[%mul3A_694] : memref<24960xi32, #tpu.memory_space<vmem>> -> memref<128xi32, #tpu.memory_space<vmem>>
        %dma_start3A_702 = arith.constant 0 : i32
        %dma_start3A_703 = arith.constant 0 : i32
        %dma_start3A_704 = tpu.memref_slice %arg2[%dma_start3A_702, %dma_start3A_703] : memref<50000x16xf32, #tpu.memory_space<hbm>> -> memref<50000x16xf32, #tpu.memory_space<hbm>>
        %dma_start3A_705 = tpu.memref_slice %arg9[%dma_start3A_696] : memref<5x!tpu.dma_semaphore, #tpu.memory_space<semaphore_mem>> -> memref<1x!tpu.dma_semaphore, #tpu.memory_space<semaphore_mem>>
        %dma_start3A_706 = tpu.memref_squeeze %dma_start3A_705 : memref<1x!tpu.dma_semaphore, #tpu.memory_space<semaphore_mem>> -> memref<!tpu.dma_semaphore, #tpu.memory_space<semaphore_mem>>
        tpu.enqueue_indirect_dma source(%dma_start3A_704 : memref<50000x16xf32, #tpu.memory_space<hbm>>) target(%dma_start3A_700 : memref<128x16xf32, #tpu.memory_space<vmem>>) offsets(%dma_start3A_701 : memref<128xi32, #tpu.memory_space<vmem>>) semaphore(%dma_start3A_706 : memref<!tpu.dma_semaphore, #tpu.memory_space<semaphore_mem>>)
      } else {
      }
      %dma_wait3A_528 = arith.constant 1 : i32
      %dma_wait3A_529 = arith.constant 1 : i32
      %dma_wait3A_530 = arith.constant 0 : i32
      %dma_wait3A_531 = arith.constant 0 : i32
      %dma_wait3A_532 = tpu.memref_slice %arg12[%dma_wait3A_528, %dma_wait3A_530, %dma_wait3A_531] : memref<5x128x16xf32, #tpu.memory_space<vmem>> -> memref<1x128x16xf32, #tpu.memory_space<vmem>>
      %dma_wait3A_533 = tpu.memref_squeeze %dma_wait3A_532 : memref<1x128x16xf32, #tpu.memory_space<vmem>> -> memref<128x16xf32, #tpu.memory_space<vmem>>
      %dma_wait3A_534 = arith.constant 0 : i32
      %dma_wait3A_535 = arith.constant 0 : i32
      %dma_wait3A_536 = tpu.memref_slice %arg2[%dma_wait3A_534, %dma_wait3A_535] : memref<50000x16xf32, #tpu.memory_space<hbm>> -> memref<128x16xf32, #tpu.memory_space<hbm>>
      %dma_wait3A_537 = tpu.memref_slice %arg14[%dma_wait3A_529] : memref<5x!tpu.dma_semaphore, #tpu.memory_space<semaphore_mem>> -> memref<1x!tpu.dma_semaphore, #tpu.memory_space<semaphore_mem>>
      %dma_wait3A_538 = tpu.memref_squeeze %dma_wait3A_537 : memref<1x!tpu.dma_semaphore, #tpu.memory_space<semaphore_mem>> -> memref<!tpu.dma_semaphore, #tpu.memory_space<semaphore_mem>>
      %dma_wait3A_539 = arith.constant 0 : i32
      %dma_wait3A_540 = arith.constant 0 : i32
      %dma_wait3A_541 = tpu.memref_slice %arg12[%dma_wait3A_528, %dma_wait3A_539, %dma_wait3A_540] : memref<5x128x16xf32, #tpu.memory_space<vmem>> -> memref<1x128x16xf32, #tpu.memory_space<vmem>>
      %dma_wait3A_542 = tpu.memref_squeeze %dma_wait3A_541 : memref<1x128x16xf32, #tpu.memory_space<vmem>> -> memref<128x16xf32, #tpu.memory_space<vmem>>
      %dma_wait3A_543 = arith.constant 0 : i32
      %dma_wait3A_544 = arith.constant 0 : i32
      %dma_wait3A_545 = tpu.memref_slice %arg2[%dma_wait3A_543, %dma_wait3A_544] : memref<50000x16xf32, #tpu.memory_space<hbm>> -> memref<128x16xf32, #tpu.memory_space<hbm>>
      tpu.wait_dma2 semaphore(%dma_wait3A_538 : memref<!tpu.dma_semaphore, #tpu.memory_space<semaphore_mem>>) src(%dma_wait3A_545 : memref<128x16xf32, #tpu.memory_space<hbm>>) dst(%dma_wait3A_542 : memref<128x16xf32, #tpu.memory_space<vmem>>)
      %lt3A_546 = arith.constant 38 : i32
      %lt3A_547 = arith.cmpi slt, %add3A_145, %lt3A_546 : i32
      %convert_element_type3A_548 = arith.extui %lt3A_547 : i1 to i32
      %cond3A_549 = arith.constant 0 : i32
      %cond3A_550 = arith.cmpi ne, %convert_element_type3A_548, %cond3A_549 : i32
      scf.if %cond3A_550 {
        %add3A_689 = arith.constant 5 : i32
        %add3A_690 = arith.addi %mul3A_147, %add3A_689 : i32
        %add3A_691 = arith.constant 1 : i32
        %add3A_692 = arith.addi %add3A_690, %add3A_691 : i32
        %mul3A_693 = arith.constant 128 : i32
        %mul3A_694 = arith.muli %add3A_692, %mul3A_693 : i32
        %dma_start3A_695 = arith.constant 1 : i32
        %dma_start3A_696 = arith.constant 1 : i32
        %dma_start3A_697 = arith.constant 0 : i32
        %dma_start3A_698 = arith.constant 0 : i32
        %dma_start3A_699 = tpu.memref_slice %arg12[%dma_start3A_695, %dma_start3A_697, %dma_start3A_698] : memref<5x128x16xf32, #tpu.memory_space<vmem>> -> memref<1x128x16xf32, #tpu.memory_space<vmem>>
        %dma_start3A_700 = tpu.memref_squeeze %dma_start3A_699 : memref<1x128x16xf32, #tpu.memory_space<vmem>> -> memref<128x16xf32, #tpu.memory_space<vmem>>
        %dma_start3A_701 = tpu.memref_slice %arg11[%mul3A_694] : memref<24960xi32, #tpu.memory_space<vmem>> -> memref<128xi32, #tpu.memory_space<vmem>>
        %dma_start3A_702 = arith.constant 0 : i32
        %dma_start3A_703 = arith.constant 0 : i32
        %dma_start3A_704 = tpu.memref_slice %arg2[%dma_start3A_702, %dma_start3A_703] : memref<50000x16xf32, #tpu.memory_space<hbm>> -> memref<50000x16xf32, #tpu.memory_space<hbm>>
        %dma_start3A_705 = tpu.memref_slice %arg13[%dma_start3A_696] : memref<5x!tpu.dma_semaphore, #tpu.memory_space<semaphore_mem>> -> memref<1x!tpu.dma_semaphore, #tpu.memory_space<semaphore_mem>>
        %dma_start3A_706 = tpu.memref_squeeze %dma_start3A_705 : memref<1x!tpu.dma_semaphore, #tpu.memory_space<semaphore_mem>> -> memref<!tpu.dma_semaphore, #tpu.memory_space<semaphore_mem>>
        tpu.enqueue_indirect_dma source(%dma_start3A_704 : memref<50000x16xf32, #tpu.memory_space<hbm>>) target(%dma_start3A_700 : memref<128x16xf32, #tpu.memory_space<vmem>>) offsets(%dma_start3A_701 : memref<128xi32, #tpu.memory_space<vmem>>) semaphore(%dma_start3A_706 : memref<!tpu.dma_semaphore, #tpu.memory_space<semaphore_mem>>)
      } else {
      }
      %dma_wait3A_551 = arith.constant 2 : i32
      %dma_wait3A_552 = arith.constant 2 : i32
      %dma_wait3A_553 = arith.constant 0 : i32
      %dma_wait3A_554 = arith.constant 0 : i32
      %dma_wait3A_555 = tpu.memref_slice %arg8[%dma_wait3A_551, %dma_wait3A_553, %dma_wait3A_554] : memref<5x128x16xf32, #tpu.memory_space<vmem>> -> memref<1x128x16xf32, #tpu.memory_space<vmem>>
      %dma_wait3A_556 = tpu.memref_squeeze %dma_wait3A_555 : memref<1x128x16xf32, #tpu.memory_space<vmem>> -> memref<128x16xf32, #tpu.memory_space<vmem>>
      %dma_wait3A_557 = arith.constant 0 : i32
      %dma_wait3A_558 = arith.constant 0 : i32
      %dma_wait3A_559 = tpu.memref_slice %arg2[%dma_wait3A_557, %dma_wait3A_558] : memref<50000x16xf32, #tpu.memory_space<hbm>> -> memref<128x16xf32, #tpu.memory_space<hbm>>
      %dma_wait3A_560 = tpu.memref_slice %arg10[%dma_wait3A_552] : memref<5x!tpu.dma_semaphore, #tpu.memory_space<semaphore_mem>> -> memref<1x!tpu.dma_semaphore, #tpu.memory_space<semaphore_mem>>
      %dma_wait3A_561 = tpu.memref_squeeze %dma_wait3A_560 : memref<1x!tpu.dma_semaphore, #tpu.memory_space<semaphore_mem>> -> memref<!tpu.dma_semaphore, #tpu.memory_space<semaphore_mem>>
      %dma_wait3A_562 = arith.constant 0 : i32
      %dma_wait3A_563 = arith.constant 0 : i32
      %dma_wait3A_564 = tpu.memref_slice %arg8[%dma_wait3A_551, %dma_wait3A_562, %dma_wait3A_563] : memref<5x128x16xf32, #tpu.memory_space<vmem>> -> memref<1x128x16xf32, #tpu.memory_space<vmem>>
      %dma_wait3A_565 = tpu.memref_squeeze %dma_wait3A_564 : memref<1x128x16xf32, #tpu.memory_space<vmem>> -> memref<128x16xf32, #tpu.memory_space<vmem>>
      %dma_wait3A_566 = arith.constant 0 : i32
      %dma_wait3A_567 = arith.constant 0 : i32
      %dma_wait3A_568 = tpu.memref_slice %arg2[%dma_wait3A_566, %dma_wait3A_567] : memref<50000x16xf32, #tpu.memory_space<hbm>> -> memref<128x16xf32, #tpu.memory_space<hbm>>
      tpu.wait_dma2 semaphore(%dma_wait3A_561 : memref<!tpu.dma_semaphore, #tpu.memory_space<semaphore_mem>>) src(%dma_wait3A_568 : memref<128x16xf32, #tpu.memory_space<hbm>>) dst(%dma_wait3A_565 : memref<128x16xf32, #tpu.memory_space<vmem>>)
      %lt3A_569 = arith.constant 38 : i32
      %lt3A_570 = arith.cmpi slt, %add3A_145, %lt3A_569 : i32
      %convert_element_type3A_571 = arith.extui %lt3A_570 : i1 to i32
      %cond3A_572 = arith.constant 0 : i32
      %cond3A_573 = arith.cmpi ne, %convert_element_type3A_571, %cond3A_572 : i32
      scf.if %cond3A_573 {
        %add3A_689 = arith.constant 5 : i32
        %add3A_690 = arith.addi %mul3A_147, %add3A_689 : i32
        %add3A_691 = arith.constant 2 : i32
        %add3A_692 = arith.addi %add3A_690, %add3A_691 : i32
        %mul3A_693 = arith.constant 128 : i32
        %mul3A_694 = arith.muli %add3A_692, %mul3A_693 : i32
        %dma_start3A_695 = arith.constant 2 : i32
        %dma_start3A_696 = arith.constant 2 : i32
        %dma_start3A_697 = arith.constant 0 : i32
        %dma_start3A_698 = arith.constant 0 : i32
        %dma_start3A_699 = tpu.memref_slice %arg8[%dma_start3A_695, %dma_start3A_697, %dma_start3A_698] : memref<5x128x16xf32, #tpu.memory_space<vmem>> -> memref<1x128x16xf32, #tpu.memory_space<vmem>>
        %dma_start3A_700 = tpu.memref_squeeze %dma_start3A_699 : memref<1x128x16xf32, #tpu.memory_space<vmem>> -> memref<128x16xf32, #tpu.memory_space<vmem>>
        %dma_start3A_701 = tpu.memref_slice %arg7[%mul3A_694] : memref<24960xi32, #tpu.memory_space<vmem>> -> memref<128xi32, #tpu.memory_space<vmem>>
        %dma_start3A_702 = arith.constant 0 : i32
        %dma_start3A_703 = arith.constant 0 : i32
        %dma_start3A_704 = tpu.memref_slice %arg2[%dma_start3A_702, %dma_start3A_703] : memref<50000x16xf32, #tpu.memory_space<hbm>> -> memref<50000x16xf32, #tpu.memory_space<hbm>>
        %dma_start3A_705 = tpu.memref_slice %arg9[%dma_start3A_696] : memref<5x!tpu.dma_semaphore, #tpu.memory_space<semaphore_mem>> -> memref<1x!tpu.dma_semaphore, #tpu.memory_space<semaphore_mem>>
        %dma_start3A_706 = tpu.memref_squeeze %dma_start3A_705 : memref<1x!tpu.dma_semaphore, #tpu.memory_space<semaphore_mem>> -> memref<!tpu.dma_semaphore, #tpu.memory_space<semaphore_mem>>
        tpu.enqueue_indirect_dma source(%dma_start3A_704 : memref<50000x16xf32, #tpu.memory_space<hbm>>) target(%dma_start3A_700 : memref<128x16xf32, #tpu.memory_space<vmem>>) offsets(%dma_start3A_701 : memref<128xi32, #tpu.memory_space<vmem>>) semaphore(%dma_start3A_706 : memref<!tpu.dma_semaphore, #tpu.memory_space<semaphore_mem>>)
      } else {
      }
      %dma_wait3A_574 = arith.constant 2 : i32
      %dma_wait3A_575 = arith.constant 2 : i32
      %dma_wait3A_576 = arith.constant 0 : i32
      %dma_wait3A_577 = arith.constant 0 : i32
      %dma_wait3A_578 = tpu.memref_slice %arg12[%dma_wait3A_574, %dma_wait3A_576, %dma_wait3A_577] : memref<5x128x16xf32, #tpu.memory_space<vmem>> -> memref<1x128x16xf32, #tpu.memory_space<vmem>>
      %dma_wait3A_579 = tpu.memref_squeeze %dma_wait3A_578 : memref<1x128x16xf32, #tpu.memory_space<vmem>> -> memref<128x16xf32, #tpu.memory_space<vmem>>
      %dma_wait3A_580 = arith.constant 0 : i32
      %dma_wait3A_581 = arith.constant 0 : i32
      %dma_wait3A_582 = tpu.memref_slice %arg2[%dma_wait3A_580, %dma_wait3A_581] : memref<50000x16xf32, #tpu.memory_space<hbm>> -> memref<128x16xf32, #tpu.memory_space<hbm>>
      %dma_wait3A_583 = tpu.memref_slice %arg14[%dma_wait3A_575] : memref<5x!tpu.dma_semaphore, #tpu.memory_space<semaphore_mem>> -> memref<1x!tpu.dma_semaphore, #tpu.memory_space<semaphore_mem>>
      %dma_wait3A_584 = tpu.memref_squeeze %dma_wait3A_583 : memref<1x!tpu.dma_semaphore, #tpu.memory_space<semaphore_mem>> -> memref<!tpu.dma_semaphore, #tpu.memory_space<semaphore_mem>>
      %dma_wait3A_585 = arith.constant 0 : i32
      %dma_wait3A_586 = arith.constant 0 : i32
      %dma_wait3A_587 = tpu.memref_slice %arg12[%dma_wait3A_574, %dma_wait3A_585, %dma_wait3A_586] : memref<5x128x16xf32, #tpu.memory_space<vmem>> -> memref<1x128x16xf32, #tpu.memory_space<vmem>>
      %dma_wait3A_588 = tpu.memref_squeeze %dma_wait3A_587 : memref<1x128x16xf32, #tpu.memory_space<vmem>> -> memref<128x16xf32, #tpu.memory_space<vmem>>
      %dma_wait3A_589 = arith.constant 0 : i32
      %dma_wait3A_590 = arith.constant 0 : i32
      %dma_wait3A_591 = tpu.memref_slice %arg2[%dma_wait3A_589, %dma_wait3A_590] : memref<50000x16xf32, #tpu.memory_space<hbm>> -> memref<128x16xf32, #tpu.memory_space<hbm>>
      tpu.wait_dma2 semaphore(%dma_wait3A_584 : memref<!tpu.dma_semaphore, #tpu.memory_space<semaphore_mem>>) src(%dma_wait3A_591 : memref<128x16xf32, #tpu.memory_space<hbm>>) dst(%dma_wait3A_588 : memref<128x16xf32, #tpu.memory_space<vmem>>)
      %lt3A_592 = arith.constant 38 : i32
      %lt3A_593 = arith.cmpi slt, %add3A_145, %lt3A_592 : i32
      %convert_element_type3A_594 = arith.extui %lt3A_593 : i1 to i32
      %cond3A_595 = arith.constant 0 : i32
      %cond3A_596 = arith.cmpi ne, %convert_element_type3A_594, %cond3A_595 : i32
      scf.if %cond3A_596 {
        %add3A_689 = arith.constant 5 : i32
        %add3A_690 = arith.addi %mul3A_147, %add3A_689 : i32
        %add3A_691 = arith.constant 2 : i32
        %add3A_692 = arith.addi %add3A_690, %add3A_691 : i32
        %mul3A_693 = arith.constant 128 : i32
        %mul3A_694 = arith.muli %add3A_692, %mul3A_693 : i32
        %dma_start3A_695 = arith.constant 2 : i32
        %dma_start3A_696 = arith.constant 2 : i32
        %dma_start3A_697 = arith.constant 0 : i32
        %dma_start3A_698 = arith.constant 0 : i32
        %dma_start3A_699 = tpu.memref_slice %arg12[%dma_start3A_695, %dma_start3A_697, %dma_start3A_698] : memref<5x128x16xf32, #tpu.memory_space<vmem>> -> memref<1x128x16xf32, #tpu.memory_space<vmem>>
        %dma_start3A_700 = tpu.memref_squeeze %dma_start3A_699 : memref<1x128x16xf32, #tpu.memory_space<vmem>> -> memref<128x16xf32, #tpu.memory_space<vmem>>
        %dma_start3A_701 = tpu.memref_slice %arg11[%mul3A_694] : memref<24960xi32, #tpu.memory_space<vmem>> -> memref<128xi32, #tpu.memory_space<vmem>>
        %dma_start3A_702 = arith.constant 0 : i32
        %dma_start3A_703 = arith.constant 0 : i32
        %dma_start3A_704 = tpu.memref_slice %arg2[%dma_start3A_702, %dma_start3A_703] : memref<50000x16xf32, #tpu.memory_space<hbm>> -> memref<50000x16xf32, #tpu.memory_space<hbm>>
        %dma_start3A_705 = tpu.memref_slice %arg13[%dma_start3A_696] : memref<5x!tpu.dma_semaphore, #tpu.memory_space<semaphore_mem>> -> memref<1x!tpu.dma_semaphore, #tpu.memory_space<semaphore_mem>>
        %dma_start3A_706 = tpu.memref_squeeze %dma_start3A_705 : memref<1x!tpu.dma_semaphore, #tpu.memory_space<semaphore_mem>> -> memref<!tpu.dma_semaphore, #tpu.memory_space<semaphore_mem>>
        tpu.enqueue_indirect_dma source(%dma_start3A_704 : memref<50000x16xf32, #tpu.memory_space<hbm>>) target(%dma_start3A_700 : memref<128x16xf32, #tpu.memory_space<vmem>>) offsets(%dma_start3A_701 : memref<128xi32, #tpu.memory_space<vmem>>) semaphore(%dma_start3A_706 : memref<!tpu.dma_semaphore, #tpu.memory_space<semaphore_mem>>)
      } else {
      }
      %dma_wait3A_597 = arith.constant 3 : i32
      %dma_wait3A_598 = arith.constant 3 : i32
      %dma_wait3A_599 = arith.constant 0 : i32
      %dma_wait3A_600 = arith.constant 0 : i32
      %dma_wait3A_601 = tpu.memref_slice %arg8[%dma_wait3A_597, %dma_wait3A_599, %dma_wait3A_600] : memref<5x128x16xf32, #tpu.memory_space<vmem>> -> memref<1x128x16xf32, #tpu.memory_space<vmem>>
      %dma_wait3A_602 = tpu.memref_squeeze %dma_wait3A_601 : memref<1x128x16xf32, #tpu.memory_space<vmem>> -> memref<128x16xf32, #tpu.memory_space<vmem>>
      %dma_wait3A_603 = arith.constant 0 : i32
      %dma_wait3A_604 = arith.constant 0 : i32
      %dma_wait3A_605 = tpu.memref_slice %arg2[%dma_wait3A_603, %dma_wait3A_604] : memref<50000x16xf32, #tpu.memory_space<hbm>> -> memref<128x16xf32, #tpu.memory_space<hbm>>
      %dma_wait3A_606 = tpu.memref_slice %arg10[%dma_wait3A_598] : memref<5x!tpu.dma_semaphore, #tpu.memory_space<semaphore_mem>> -> memref<1x!tpu.dma_semaphore, #tpu.memory_space<semaphore_mem>>
      %dma_wait3A_607 = tpu.memref_squeeze %dma_wait3A_606 : memref<1x!tpu.dma_semaphore, #tpu.memory_space<semaphore_mem>> -> memref<!tpu.dma_semaphore, #tpu.memory_space<semaphore_mem>>
      %dma_wait3A_608 = arith.constant 0 : i32
      %dma_wait3A_609 = arith.constant 0 : i32
      %dma_wait3A_610 = tpu.memref_slice %arg8[%dma_wait3A_597, %dma_wait3A_608, %dma_wait3A_609] : memref<5x128x16xf32, #tpu.memory_space<vmem>> -> memref<1x128x16xf32, #tpu.memory_space<vmem>>
      %dma_wait3A_611 = tpu.memref_squeeze %dma_wait3A_610 : memref<1x128x16xf32, #tpu.memory_space<vmem>> -> memref<128x16xf32, #tpu.memory_space<vmem>>
      %dma_wait3A_612 = arith.constant 0 : i32
      %dma_wait3A_613 = arith.constant 0 : i32
      %dma_wait3A_614 = tpu.memref_slice %arg2[%dma_wait3A_612, %dma_wait3A_613] : memref<50000x16xf32, #tpu.memory_space<hbm>> -> memref<128x16xf32, #tpu.memory_space<hbm>>
      tpu.wait_dma2 semaphore(%dma_wait3A_607 : memref<!tpu.dma_semaphore, #tpu.memory_space<semaphore_mem>>) src(%dma_wait3A_614 : memref<128x16xf32, #tpu.memory_space<hbm>>) dst(%dma_wait3A_611 : memref<128x16xf32, #tpu.memory_space<vmem>>)
      %lt3A_615 = arith.constant 38 : i32
      %lt3A_616 = arith.cmpi slt, %add3A_145, %lt3A_615 : i32
      %convert_element_type3A_617 = arith.extui %lt3A_616 : i1 to i32
      %cond3A_618 = arith.constant 0 : i32
      %cond3A_619 = arith.cmpi ne, %convert_element_type3A_617, %cond3A_618 : i32
      scf.if %cond3A_619 {
        %add3A_689 = arith.constant 5 : i32
        %add3A_690 = arith.addi %mul3A_147, %add3A_689 : i32
        %add3A_691 = arith.constant 3 : i32
        %add3A_692 = arith.addi %add3A_690, %add3A_691 : i32
        %mul3A_693 = arith.constant 128 : i32
        %mul3A_694 = arith.muli %add3A_692, %mul3A_693 : i32
        %dma_start3A_695 = arith.constant 3 : i32
        %dma_start3A_696 = arith.constant 3 : i32
        %dma_start3A_697 = arith.constant 0 : i32
        %dma_start3A_698 = arith.constant 0 : i32
        %dma_start3A_699 = tpu.memref_slice %arg8[%dma_start3A_695, %dma_start3A_697, %dma_start3A_698] : memref<5x128x16xf32, #tpu.memory_space<vmem>> -> memref<1x128x16xf32, #tpu.memory_space<vmem>>
        %dma_start3A_700 = tpu.memref_squeeze %dma_start3A_699 : memref<1x128x16xf32, #tpu.memory_space<vmem>> -> memref<128x16xf32, #tpu.memory_space<vmem>>
        %dma_start3A_701 = tpu.memref_slice %arg7[%mul3A_694] : memref<24960xi32, #tpu.memory_space<vmem>> -> memref<128xi32, #tpu.memory_space<vmem>>
        %dma_start3A_702 = arith.constant 0 : i32
        %dma_start3A_703 = arith.constant 0 : i32
        %dma_start3A_704 = tpu.memref_slice %arg2[%dma_start3A_702, %dma_start3A_703] : memref<50000x16xf32, #tpu.memory_space<hbm>> -> memref<50000x16xf32, #tpu.memory_space<hbm>>
        %dma_start3A_705 = tpu.memref_slice %arg9[%dma_start3A_696] : memref<5x!tpu.dma_semaphore, #tpu.memory_space<semaphore_mem>> -> memref<1x!tpu.dma_semaphore, #tpu.memory_space<semaphore_mem>>
        %dma_start3A_706 = tpu.memref_squeeze %dma_start3A_705 : memref<1x!tpu.dma_semaphore, #tpu.memory_space<semaphore_mem>> -> memref<!tpu.dma_semaphore, #tpu.memory_space<semaphore_mem>>
        tpu.enqueue_indirect_dma source(%dma_start3A_704 : memref<50000x16xf32, #tpu.memory_space<hbm>>) target(%dma_start3A_700 : memref<128x16xf32, #tpu.memory_space<vmem>>) offsets(%dma_start3A_701 : memref<128xi32, #tpu.memory_space<vmem>>) semaphore(%dma_start3A_706 : memref<!tpu.dma_semaphore, #tpu.memory_space<semaphore_mem>>)
      } else {
      }
      %dma_wait3A_620 = arith.constant 3 : i32
      %dma_wait3A_621 = arith.constant 3 : i32
      %dma_wait3A_622 = arith.constant 0 : i32
      %dma_wait3A_623 = arith.constant 0 : i32
      %dma_wait3A_624 = tpu.memref_slice %arg12[%dma_wait3A_620, %dma_wait3A_622, %dma_wait3A_623] : memref<5x128x16xf32, #tpu.memory_space<vmem>> -> memref<1x128x16xf32, #tpu.memory_space<vmem>>
      %dma_wait3A_625 = tpu.memref_squeeze %dma_wait3A_624 : memref<1x128x16xf32, #tpu.memory_space<vmem>> -> memref<128x16xf32, #tpu.memory_space<vmem>>
      %dma_wait3A_626 = arith.constant 0 : i32
      %dma_wait3A_627 = arith.constant 0 : i32
      %dma_wait3A_628 = tpu.memref_slice %arg2[%dma_wait3A_626, %dma_wait3A_627] : memref<50000x16xf32, #tpu.memory_space<hbm>> -> memref<128x16xf32, #tpu.memory_space<hbm>>
      %dma_wait3A_629 = tpu.memref_slice %arg14[%dma_wait3A_621] : memref<5x!tpu.dma_semaphore, #tpu.memory_space<semaphore_mem>> -> memref<1x!tpu.dma_semaphore, #tpu.memory_space<semaphore_mem>>
      %dma_wait3A_630 = tpu.memref_squeeze %dma_wait3A_629 : memref<1x!tpu.dma_semaphore, #tpu.memory_space<semaphore_mem>> -> memref<!tpu.dma_semaphore, #tpu.memory_space<semaphore_mem>>
      %dma_wait3A_631 = arith.constant 0 : i32
      %dma_wait3A_632 = arith.constant 0 : i32
      %dma_wait3A_633 = tpu.memref_slice %arg12[%dma_wait3A_620, %dma_wait3A_631, %dma_wait3A_632] : memref<5x128x16xf32, #tpu.memory_space<vmem>> -> memref<1x128x16xf32, #tpu.memory_space<vmem>>
      %dma_wait3A_634 = tpu.memref_squeeze %dma_wait3A_633 : memref<1x128x16xf32, #tpu.memory_space<vmem>> -> memref<128x16xf32, #tpu.memory_space<vmem>>
      %dma_wait3A_635 = arith.constant 0 : i32
      %dma_wait3A_636 = arith.constant 0 : i32
      %dma_wait3A_637 = tpu.memref_slice %arg2[%dma_wait3A_635, %dma_wait3A_636] : memref<50000x16xf32, #tpu.memory_space<hbm>> -> memref<128x16xf32, #tpu.memory_space<hbm>>
      tpu.wait_dma2 semaphore(%dma_wait3A_630 : memref<!tpu.dma_semaphore, #tpu.memory_space<semaphore_mem>>) src(%dma_wait3A_637 : memref<128x16xf32, #tpu.memory_space<hbm>>) dst(%dma_wait3A_634 : memref<128x16xf32, #tpu.memory_space<vmem>>)
      %lt3A_638 = arith.constant 38 : i32
      %lt3A_639 = arith.cmpi slt, %add3A_145, %lt3A_638 : i32
      %convert_element_type3A_640 = arith.extui %lt3A_639 : i1 to i32
      %cond3A_641 = arith.constant 0 : i32
      %cond3A_642 = arith.cmpi ne, %convert_element_type3A_640, %cond3A_641 : i32
      scf.if %cond3A_642 {
        %add3A_689 = arith.constant 5 : i32
        %add3A_690 = arith.addi %mul3A_147, %add3A_689 : i32
        %add3A_691 = arith.constant 3 : i32
        %add3A_692 = arith.addi %add3A_690, %add3A_691 : i32
        %mul3A_693 = arith.constant 128 : i32
        %mul3A_694 = arith.muli %add3A_692, %mul3A_693 : i32
        %dma_start3A_695 = arith.constant 3 : i32
        %dma_start3A_696 = arith.constant 3 : i32
        %dma_start3A_697 = arith.constant 0 : i32
        %dma_start3A_698 = arith.constant 0 : i32
        %dma_start3A_699 = tpu.memref_slice %arg12[%dma_start3A_695, %dma_start3A_697, %dma_start3A_698] : memref<5x128x16xf32, #tpu.memory_space<vmem>> -> memref<1x128x16xf32, #tpu.memory_space<vmem>>
        %dma_start3A_700 = tpu.memref_squeeze %dma_start3A_699 : memref<1x128x16xf32, #tpu.memory_space<vmem>> -> memref<128x16xf32, #tpu.memory_space<vmem>>
        %dma_start3A_701 = tpu.memref_slice %arg11[%mul3A_694] : memref<24960xi32, #tpu.memory_space<vmem>> -> memref<128xi32, #tpu.memory_space<vmem>>
        %dma_start3A_702 = arith.constant 0 : i32
        %dma_start3A_703 = arith.constant 0 : i32
        %dma_start3A_704 = tpu.memref_slice %arg2[%dma_start3A_702, %dma_start3A_703] : memref<50000x16xf32, #tpu.memory_space<hbm>> -> memref<50000x16xf32, #tpu.memory_space<hbm>>
        %dma_start3A_705 = tpu.memref_slice %arg13[%dma_start3A_696] : memref<5x!tpu.dma_semaphore, #tpu.memory_space<semaphore_mem>> -> memref<1x!tpu.dma_semaphore, #tpu.memory_space<semaphore_mem>>
        %dma_start3A_706 = tpu.memref_squeeze %dma_start3A_705 : memref<1x!tpu.dma_semaphore, #tpu.memory_space<semaphore_mem>> -> memref<!tpu.dma_semaphore, #tpu.memory_space<semaphore_mem>>
        tpu.enqueue_indirect_dma source(%dma_start3A_704 : memref<50000x16xf32, #tpu.memory_space<hbm>>) target(%dma_start3A_700 : memref<128x16xf32, #tpu.memory_space<vmem>>) offsets(%dma_start3A_701 : memref<128xi32, #tpu.memory_space<vmem>>) semaphore(%dma_start3A_706 : memref<!tpu.dma_semaphore, #tpu.memory_space<semaphore_mem>>)
      } else {
      }
      %dma_wait3A_643 = arith.constant 4 : i32
      %dma_wait3A_644 = arith.constant 4 : i32
      %dma_wait3A_645 = arith.constant 0 : i32
      %dma_wait3A_646 = arith.constant 0 : i32
      %dma_wait3A_647 = tpu.memref_slice %arg8[%dma_wait3A_643, %dma_wait3A_645, %dma_wait3A_646] : memref<5x128x16xf32, #tpu.memory_space<vmem>> -> memref<1x128x16xf32, #tpu.memory_space<vmem>>
      %dma_wait3A_648 = tpu.memref_squeeze %dma_wait3A_647 : memref<1x128x16xf32, #tpu.memory_space<vmem>> -> memref<128x16xf32, #tpu.memory_space<vmem>>
      %dma_wait3A_649 = arith.constant 0 : i32
      %dma_wait3A_650 = arith.constant 0 : i32
      %dma_wait3A_651 = tpu.memref_slice %arg2[%dma_wait3A_649, %dma_wait3A_650] : memref<50000x16xf32, #tpu.memory_space<hbm>> -> memref<128x16xf32, #tpu.memory_space<hbm>>
      %dma_wait3A_652 = tpu.memref_slice %arg10[%dma_wait3A_644] : memref<5x!tpu.dma_semaphore, #tpu.memory_space<semaphore_mem>> -> memref<1x!tpu.dma_semaphore, #tpu.memory_space<semaphore_mem>>
      %dma_wait3A_653 = tpu.memref_squeeze %dma_wait3A_652 : memref<1x!tpu.dma_semaphore, #tpu.memory_space<semaphore_mem>> -> memref<!tpu.dma_semaphore, #tpu.memory_space<semaphore_mem>>
      %dma_wait3A_654 = arith.constant 0 : i32
      %dma_wait3A_655 = arith.constant 0 : i32
      %dma_wait3A_656 = tpu.memref_slice %arg8[%dma_wait3A_643, %dma_wait3A_654, %dma_wait3A_655] : memref<5x128x16xf32, #tpu.memory_space<vmem>> -> memref<1x128x16xf32, #tpu.memory_space<vmem>>
      %dma_wait3A_657 = tpu.memref_squeeze %dma_wait3A_656 : memref<1x128x16xf32, #tpu.memory_space<vmem>> -> memref<128x16xf32, #tpu.memory_space<vmem>>
      %dma_wait3A_658 = arith.constant 0 : i32
      %dma_wait3A_659 = arith.constant 0 : i32
      %dma_wait3A_660 = tpu.memref_slice %arg2[%dma_wait3A_658, %dma_wait3A_659] : memref<50000x16xf32, #tpu.memory_space<hbm>> -> memref<128x16xf32, #tpu.memory_space<hbm>>
      tpu.wait_dma2 semaphore(%dma_wait3A_653 : memref<!tpu.dma_semaphore, #tpu.memory_space<semaphore_mem>>) src(%dma_wait3A_660 : memref<128x16xf32, #tpu.memory_space<hbm>>) dst(%dma_wait3A_657 : memref<128x16xf32, #tpu.memory_space<vmem>>)
      %lt3A_661 = arith.constant 38 : i32
      %lt3A_662 = arith.cmpi slt, %add3A_145, %lt3A_661 : i32
      %convert_element_type3A_663 = arith.extui %lt3A_662 : i1 to i32
      %cond3A_664 = arith.constant 0 : i32
      %cond3A_665 = arith.cmpi ne, %convert_element_type3A_663, %cond3A_664 : i32
      scf.if %cond3A_665 {
        %add3A_689 = arith.constant 5 : i32
        %add3A_690 = arith.addi %mul3A_147, %add3A_689 : i32
        %add3A_691 = arith.constant 4 : i32
        %add3A_692 = arith.addi %add3A_690, %add3A_691 : i32
        %mul3A_693 = arith.constant 128 : i32
        %mul3A_694 = arith.muli %add3A_692, %mul3A_693 : i32
        %dma_start3A_695 = arith.constant 4 : i32
        %dma_start3A_696 = arith.constant 4 : i32
        %dma_start3A_697 = arith.constant 0 : i32
        %dma_start3A_698 = arith.constant 0 : i32
        %dma_start3A_699 = tpu.memref_slice %arg8[%dma_start3A_695, %dma_start3A_697, %dma_start3A_698] : memref<5x128x16xf32, #tpu.memory_space<vmem>> -> memref<1x128x16xf32, #tpu.memory_space<vmem>>
        %dma_start3A_700 = tpu.memref_squeeze %dma_start3A_699 : memref<1x128x16xf32, #tpu.memory_space<vmem>> -> memref<128x16xf32, #tpu.memory_space<vmem>>
        %dma_start3A_701 = tpu.memref_slice %arg7[%mul3A_694] : memref<24960xi32, #tpu.memory_space<vmem>> -> memref<128xi32, #tpu.memory_space<vmem>>
        %dma_start3A_702 = arith.constant 0 : i32
        %dma_start3A_703 = arith.constant 0 : i32
        %dma_start3A_704 = tpu.memref_slice %arg2[%dma_start3A_702, %dma_start3A_703] : memref<50000x16xf32, #tpu.memory_space<hbm>> -> memref<50000x16xf32, #tpu.memory_space<hbm>>
        %dma_start3A_705 = tpu.memref_slice %arg9[%dma_start3A_696] : memref<5x!tpu.dma_semaphore, #tpu.memory_space<semaphore_mem>> -> memref<1x!tpu.dma_semaphore, #tpu.memory_space<semaphore_mem>>
        %dma_start3A_706 = tpu.memref_squeeze %dma_start3A_705 : memref<1x!tpu.dma_semaphore, #tpu.memory_space<semaphore_mem>> -> memref<!tpu.dma_semaphore, #tpu.memory_space<semaphore_mem>>
        tpu.enqueue_indirect_dma source(%dma_start3A_704 : memref<50000x16xf32, #tpu.memory_space<hbm>>) target(%dma_start3A_700 : memref<128x16xf32, #tpu.memory_space<vmem>>) offsets(%dma_start3A_701 : memref<128xi32, #tpu.memory_space<vmem>>) semaphore(%dma_start3A_706 : memref<!tpu.dma_semaphore, #tpu.memory_space<semaphore_mem>>)
      } else {
      }
      %dma_wait3A_666 = arith.constant 4 : i32
      %dma_wait3A_667 = arith.constant 4 : i32
      %dma_wait3A_668 = arith.constant 0 : i32
      %dma_wait3A_669 = arith.constant 0 : i32
      %dma_wait3A_670 = tpu.memref_slice %arg12[%dma_wait3A_666, %dma_wait3A_668, %dma_wait3A_669] : memref<5x128x16xf32, #tpu.memory_space<vmem>> -> memref<1x128x16xf32, #tpu.memory_space<vmem>>
      %dma_wait3A_671 = tpu.memref_squeeze %dma_wait3A_670 : memref<1x128x16xf32, #tpu.memory_space<vmem>> -> memref<128x16xf32, #tpu.memory_space<vmem>>
      %dma_wait3A_672 = arith.constant 0 : i32
      %dma_wait3A_673 = arith.constant 0 : i32
      %dma_wait3A_674 = tpu.memref_slice %arg2[%dma_wait3A_672, %dma_wait3A_673] : memref<50000x16xf32, #tpu.memory_space<hbm>> -> memref<128x16xf32, #tpu.memory_space<hbm>>
      %dma_wait3A_675 = tpu.memref_slice %arg14[%dma_wait3A_667] : memref<5x!tpu.dma_semaphore, #tpu.memory_space<semaphore_mem>> -> memref<1x!tpu.dma_semaphore, #tpu.memory_space<semaphore_mem>>
      %dma_wait3A_676 = tpu.memref_squeeze %dma_wait3A_675 : memref<1x!tpu.dma_semaphore, #tpu.memory_space<semaphore_mem>> -> memref<!tpu.dma_semaphore, #tpu.memory_space<semaphore_mem>>
      %dma_wait3A_677 = arith.constant 0 : i32
      %dma_wait3A_678 = arith.constant 0 : i32
      %dma_wait3A_679 = tpu.memref_slice %arg12[%dma_wait3A_666, %dma_wait3A_677, %dma_wait3A_678] : memref<5x128x16xf32, #tpu.memory_space<vmem>> -> memref<1x128x16xf32, #tpu.memory_space<vmem>>
      %dma_wait3A_680 = tpu.memref_squeeze %dma_wait3A_679 : memref<1x128x16xf32, #tpu.memory_space<vmem>> -> memref<128x16xf32, #tpu.memory_space<vmem>>
      %dma_wait3A_681 = arith.constant 0 : i32
      %dma_wait3A_682 = arith.constant 0 : i32
      %dma_wait3A_683 = tpu.memref_slice %arg2[%dma_wait3A_681, %dma_wait3A_682] : memref<50000x16xf32, #tpu.memory_space<hbm>> -> memref<128x16xf32, #tpu.memory_space<hbm>>
      tpu.wait_dma2 semaphore(%dma_wait3A_676 : memref<!tpu.dma_semaphore, #tpu.memory_space<semaphore_mem>>) src(%dma_wait3A_683 : memref<128x16xf32, #tpu.memory_space<hbm>>) dst(%dma_wait3A_680 : memref<128x16xf32, #tpu.memory_space<vmem>>)
      %lt3A_684 = arith.constant 38 : i32
      %lt3A_685 = arith.cmpi slt, %add3A_145, %lt3A_684 : i32
      %convert_element_type3A_686 = arith.extui %lt3A_685 : i1 to i32
      %cond3A_687 = arith.constant 0 : i32
      %cond3A_688 = arith.cmpi ne, %convert_element_type3A_686, %cond3A_687 : i32
      scf.if %cond3A_688 {
        %add3A_689 = arith.constant 5 : i32
        %add3A_690 = arith.addi %mul3A_147, %add3A_689 : i32
        %add3A_691 = arith.constant 4 : i32
        %add3A_692 = arith.addi %add3A_690, %add3A_691 : i32
        %mul3A_693 = arith.constant 128 : i32
        %mul3A_694 = arith.muli %add3A_692, %mul3A_693 : i32
        %dma_start3A_695 = arith.constant 4 : i32
        %dma_start3A_696 = arith.constant 4 : i32
        %dma_start3A_697 = arith.constant 0 : i32
        %dma_start3A_698 = arith.constant 0 : i32
        %dma_start3A_699 = tpu.memref_slice %arg12[%dma_start3A_695, %dma_start3A_697, %dma_start3A_698] : memref<5x128x16xf32, #tpu.memory_space<vmem>> -> memref<1x128x16xf32, #tpu.memory_space<vmem>>
        %dma_start3A_700 = tpu.memref_squeeze %dma_start3A_699 : memref<1x128x16xf32, #tpu.memory_space<vmem>> -> memref<128x16xf32, #tpu.memory_space<vmem>>
        %dma_start3A_701 = tpu.memref_slice %arg11[%mul3A_694] : memref<24960xi32, #tpu.memory_space<vmem>> -> memref<128xi32, #tpu.memory_space<vmem>>
        %dma_start3A_702 = arith.constant 0 : i32
        %dma_start3A_703 = arith.constant 0 : i32
        %dma_start3A_704 = tpu.memref_slice %arg2[%dma_start3A_702, %dma_start3A_703] : memref<50000x16xf32, #tpu.memory_space<hbm>> -> memref<50000x16xf32, #tpu.memory_space<hbm>>
        %dma_start3A_705 = tpu.memref_slice %arg13[%dma_start3A_696] : memref<5x!tpu.dma_semaphore, #tpu.memory_space<semaphore_mem>> -> memref<1x!tpu.dma_semaphore, #tpu.memory_space<semaphore_mem>>
        %dma_start3A_706 = tpu.memref_squeeze %dma_start3A_705 : memref<1x!tpu.dma_semaphore, #tpu.memory_space<semaphore_mem>> -> memref<!tpu.dma_semaphore, #tpu.memory_space<semaphore_mem>>
        tpu.enqueue_indirect_dma source(%dma_start3A_704 : memref<50000x16xf32, #tpu.memory_space<hbm>>) target(%dma_start3A_700 : memref<128x16xf32, #tpu.memory_space<vmem>>) offsets(%dma_start3A_701 : memref<128xi32, #tpu.memory_space<vmem>>) semaphore(%dma_start3A_706 : memref<!tpu.dma_semaphore, #tpu.memory_space<semaphore_mem>>)
      } else {
      }
    }
    %scan3A_140 = arith.constant 39 : i32
    return
  }
}

module attributes {stable_mosaic.version = 14 : i64} {
  func.func @_node_prep_body(%arg0: i32, %arg1: memref<2000x1xf32, #tpu.memory_space<vmem>>, %arg2: memref<1x16xf32, #tpu.memory_space<vmem>>, %arg3: memref<1x16xf32, #tpu.memory_space<vmem>>, %arg4: memref<16x16xf32, #tpu.memory_space<vmem>>, %arg5: memref<2000x16xf32, #tpu.memory_space<vmem>>, %arg6: memref<2000x16xf32, #tpu.memory_space<vmem>>) attributes {dimension_semantics = [#tpu.dimension_semantics<arbitrary>], iteration_bounds = array<i64: 25>, scalar_prefetch = 0 : i64, scratch_operands = 0 : i64, tpu.core_type = #tpu.core_type<tc>, window_params = [{transform_indices = @transform_0, window_bounds = array<i64: 2000, 1>}, {pipeline_mode = #tpu.pipeline_mode<synchronous>, transform_indices = @transform_1, window_bounds = array<i64: 1, 16>}, {pipeline_mode = #tpu.pipeline_mode<synchronous>, transform_indices = @transform_2, window_bounds = array<i64: 1, 16>}, {pipeline_mode = #tpu.pipeline_mode<synchronous>, transform_indices = @transform_3, window_bounds = array<i64: 16, 16>}, {transform_indices = @transform_4, window_bounds = array<i64: 2000, 16>}, {transform_indices = @transform_5, window_bounds = array<i64: 2000, 16>}]} {
    %get3A = arith.constant 0 : index
    %get3A_0 = arith.constant 0 : index
    %get3A_1 = vector.load %arg1[%get3A, %get3A_0] : memref<2000x1xf32, #tpu.memory_space<vmem>>, vector<2000x1xf32>
    %get3A_2 = arith.constant 0 : index
    %get3A_3 = arith.constant 0 : index
    %get3A_4 = vector.load %arg2[%get3A_2, %get3A_3] : memref<1x16xf32, #tpu.memory_space<vmem>>, vector<1x16xf32>
    %mul3A = vector.broadcast %get3A_1 : vector<2000x1xf32> to vector<2000x16xf32>
    %mul3A_5 = vector.broadcast %get3A_4 : vector<1x16xf32> to vector<2000x16xf32>
    %mul3A_6 = arith.mulf %mul3A, %mul3A_5 : vector<2000x16xf32>
    %get3A_7 = arith.constant 0 : index
    %get3A_8 = arith.constant 0 : index
    %get3A_9 = vector.load %arg3[%get3A_7, %get3A_8] : memref<1x16xf32, #tpu.memory_space<vmem>>, vector<1x16xf32>
    %add3A = vector.broadcast %get3A_9 : vector<1x16xf32> to vector<2000x16xf32>
    %add3A_10 = arith.addf %mul3A_6, %add3A : vector<2000x16xf32>
    %max3A = arith.constant 0.000000e+00 : f32
    %max3A_11 = vector.broadcast %max3A : f32 to vector<2000x16xf32>
    %max3A_12 = arith.maximumf %add3A_10, %max3A_11 : vector<2000x16xf32>
    %swap3A = arith.constant 0 : index
    %swap3A_13 = arith.constant 0 : index
    %swap3A_14 = vector.load %arg5[%swap3A, %swap3A_13] : memref<2000x16xf32, #tpu.memory_space<vmem>>, vector<2000x16xf32>
    tpu.vector_store %arg5[%swap3A, %swap3A_13], %max3A_12 {strides = array<i32>} : memref<2000x16xf32, #tpu.memory_space<vmem>>, vector<2000x16xf32>,
    %get3A_15 = arith.constant 0 : index
    %get3A_16 = arith.constant 0 : index
    %get3A_17 = vector.load %arg4[%get3A_15, %get3A_16] : memref<16x16xf32, #tpu.memory_space<vmem>>, vector<16x16xf32>
    %dot_general3A = arith.constant dense<0.000000e+00> : vector<2000x16xf32>
    %dot_general3A_18 = tpu.matmul %max3A_12, %get3A_17, %dot_general3A {dimension_numbers = #tpu.dot_dimension_numbers<[1], [0], [0], [1], [0, 0, 1, 1], [], []>, transpose_lhs_hint = false} : vector<2000x16xf32>, vector<16x16xf32>, vector<2000x16xf32> -> vector<2000x16xf32>
    %swap3A_19 = arith.constant 0 : index
    %swap3A_20 = arith.constant 0 : index
    %swap3A_21 = vector.load %arg6[%swap3A_19, %swap3A_20] : memref<2000x16xf32, #tpu.memory_space<vmem>>, vector<2000x16xf32>
    tpu.vector_store %arg6[%swap3A_19, %swap3A_20], %dot_general3A_18 {strides = array<i32>} : memref<2000x16xf32, #tpu.memory_space<vmem>>, vector<2000x16xf32>,
    return
  }
  func.func @transform_0(%arg0: i32) -> (i32, i32) {
    %add3A = arith.constant 0 : i32
    %add3A_0 = arith.addi %arg0, %add3A : i32
    %c0_i32 = arith.constant 0 : i32
    %c0_i32_1 = arith.constant 0 : i32
    return %add3A_0, %c0_i32 : i32, i32
  }
  func.func @transform_1(%arg0: i32) -> (i32, i32) {
    %c0_i32 = arith.constant 0 : i32
    %c0_i32_0 = arith.constant 0 : i32
    %c0_i32_1 = arith.constant 0 : i32
    return %c0_i32, %c0_i32_0 : i32, i32
  }
  func.func @transform_2(%arg0: i32) -> (i32, i32) {
    %c0_i32 = arith.constant 0 : i32
    %c0_i32_0 = arith.constant 0 : i32
    %c0_i32_1 = arith.constant 0 : i32
    return %c0_i32, %c0_i32_0 : i32, i32
  }
  func.func @transform_3(%arg0: i32) -> (i32, i32) {
    %c0_i32 = arith.constant 0 : i32
    %c0_i32_0 = arith.constant 0 : i32
    %c0_i32_1 = arith.constant 0 : i32
    return %c0_i32, %c0_i32_0 : i32, i32
  }
  func.func @transform_4(%arg0: i32) -> (i32, i32) {
    %add3A = arith.constant 0 : i32
    %add3A_0 = arith.addi %arg0, %add3A : i32
    %c0_i32 = arith.constant 0 : i32
    %c0_i32_1 = arith.constant 0 : i32
    return %add3A_0, %c0_i32 : i32, i32
  }
  func.func @transform_5(%arg0: i32) -> (i32, i32) {
    %add3A = arith.constant 0 : i32
    %add3A_0 = arith.addi %arg0, %add3A : i32
    %c0_i32 = arith.constant 0 : i32
    %c0_i32_1 = arith.constant 0 : i32
    return %add3A_0, %c0_i32 : i32, i32
  }
}

module attributes {stable_mosaic.version = 14 : i64} {
  func.func @_msg0_body(%arg0: i32, %arg1: memref<4096x16xf32, #tpu.memory_space<vmem>>, %arg2: memref<4096x4xf32, #tpu.memory_space<vmem>>, %arg3: memref<4x16xf32, #tpu.memory_space<vmem>>, %arg4: memref<1x16xf32, #tpu.memory_space<vmem>>, %arg5: memref<4096x16xf32, #tpu.memory_space<vmem>>) attributes {dimension_semantics = [#tpu.dimension_semantics<arbitrary>], iteration_bounds = array<i64: 195>, scalar_prefetch = 0 : i64, scratch_operands = 0 : i64, tpu.core_type = #tpu.core_type<tc>, window_params = [{transform_indices = @transform_0, window_bounds = array<i64: 4096, 16>}, {transform_indices = @transform_1, window_bounds = array<i64: 4096, 4>}, {pipeline_mode = #tpu.pipeline_mode<synchronous>, transform_indices = @transform_2, window_bounds = array<i64: 4, 16>}, {pipeline_mode = #tpu.pipeline_mode<synchronous>, transform_indices = @transform_3, window_bounds = array<i64: 1, 16>}, {transform_indices = @transform_4, window_bounds = array<i64: 4096, 16>}]} {
    %get3A = arith.constant 0 : index
    %get3A_0 = arith.constant 0 : index
    %get3A_1 = vector.load %arg1[%get3A, %get3A_0] : memref<4096x16xf32, #tpu.memory_space<vmem>>, vector<4096x16xf32>
    %get3A_2 = arith.constant 0 : index
    %get3A_3 = arith.constant 0 : index
    %get3A_4 = vector.load %arg2[%get3A_2, %get3A_3] : memref<4096x4xf32, #tpu.memory_space<vmem>>, vector<4096x4xf32>
    %get3A_5 = arith.constant 0 : index
    %get3A_6 = arith.constant 0 : index
    %get3A_7 = vector.load %arg3[%get3A_5, %get3A_6] : memref<4x16xf32, #tpu.memory_space<vmem>>, vector<4x16xf32>
    %dot_general3A = arith.constant dense<0.000000e+00> : vector<4096x16xf32>
    %dot_general3A_8 = tpu.matmul %get3A_4, %get3A_7, %dot_general3A {dimension_numbers = #tpu.dot_dimension_numbers<[1], [0], [0], [1], [0, 0, 1, 1], [], []>, transpose_lhs_hint = false} : vector<4096x4xf32>, vector<4x16xf32>, vector<4096x16xf32> -> vector<4096x16xf32>
    %add3A = arith.addf %get3A_1, %dot_general3A_8 : vector<4096x16xf32>
    %get3A_9 = arith.constant 0 : index
    %get3A_10 = arith.constant 0 : index
    %get3A_11 = vector.load %arg4[%get3A_9, %get3A_10] : memref<1x16xf32, #tpu.memory_space<vmem>>, vector<1x16xf32>
    %add3A_12 = vector.broadcast %get3A_11 : vector<1x16xf32> to vector<4096x16xf32>
    %add3A_13 = arith.addf %add3A, %add3A_12 : vector<4096x16xf32>
    %max3A = arith.constant 0.000000e+00 : f32
    %max3A_14 = vector.broadcast %max3A : f32 to vector<4096x16xf32>
    %max3A_15 = arith.maximumf %add3A_13, %max3A_14 : vector<4096x16xf32>
    %mul3A = arith.constant 4096 : i32
    %mul3A_16 = arith.muli %arg0, %mul3A : i32
    %iota3A = tpu.iota {dimensions = array<i32: 0>} : vector<4096x16xi32>
    %add3A_17 = vector.broadcast %mul3A_16 : i32 to vector<4096x16xi32>
    %add3A_18 = arith.addi %add3A_17, %iota3A : vector<4096x16xi32>
    %lt3A = arith.constant 795904 : i32
    %lt3A_19 = vector.broadcast %lt3A : i32 to vector<4096x16xi32>
    %lt3A_20 = arith.cmpi slt, %add3A_18, %lt3A_19 : vector<4096x16xi32>
    %jit3A = arith.constant 0.000000e+00 : f32
    %broadcast_in_dim3A = vector.broadcast %jit3A : f32 to vector<4096x16xf32>
    %select_n3A = arith.select %lt3A_20, %max3A_15, %broadcast_in_dim3A : vector<4096x16xi1>, vector<4096x16xf32>
    %swap3A = arith.constant 0 : index
    %swap3A_21 = arith.constant 0 : index
    %swap3A_22 = vector.load %arg5[%swap3A, %swap3A_21] : memref<4096x16xf32, #tpu.memory_space<vmem>>, vector<4096x16xf32>
    tpu.vector_store %arg5[%swap3A, %swap3A_21], %select_n3A {strides = array<i32>} : memref<4096x16xf32, #tpu.memory_space<vmem>>, vector<4096x16xf32>,
    return
  }
  func.func @transform_0(%arg0: i32) -> (i32, i32) {
    %add3A = arith.constant 0 : i32
    %add3A_0 = arith.addi %arg0, %add3A : i32
    %c0_i32 = arith.constant 0 : i32
    %c0_i32_1 = arith.constant 0 : i32
    return %add3A_0, %c0_i32 : i32, i32
  }
  func.func @transform_1(%arg0: i32) -> (i32, i32) {
    %add3A = arith.constant 1 : i32
    %add3A_0 = arith.addi %arg0, %add3A : i32
    %c0_i32 = arith.constant 0 : i32
    %c0_i32_1 = arith.constant 0 : i32
    return %add3A_0, %c0_i32 : i32, i32
  }
  func.func @transform_2(%arg0: i32) -> (i32, i32) {
    %c0_i32 = arith.constant 0 : i32
    %c0_i32_0 = arith.constant 0 : i32
    %c0_i32_1 = arith.constant 0 : i32
    return %c0_i32, %c0_i32_0 : i32, i32
  }
  func.func @transform_3(%arg0: i32) -> (i32, i32) {
    %c0_i32 = arith.constant 0 : i32
    %c0_i32_0 = arith.constant 0 : i32
    %c0_i32_1 = arith.constant 0 : i32
    return %c0_i32, %c0_i32_0 : i32, i32
  }
  func.func @transform_4(%arg0: i32) -> (i32, i32) {
    %add3A = arith.constant 0 : i32
    %add3A_0 = arith.addi %arg0, %add3A : i32
    %c0_i32 = arith.constant 0 : i32
    %c0_i32_1 = arith.constant 0 : i32
    return %add3A_0, %c0_i32 : i32, i32
  }
}

module attributes {stable_mosaic.version = 14 : i64} {
  func.func @_hupd_body(%arg0: i32, %arg1: memref<2000x16xf32, #tpu.memory_space<vmem>>, %arg2: memref<2000x16xf32, #tpu.memory_space<vmem>>, %arg3: memref<2000x16xf32, #tpu.memory_space<vmem>>, %arg4: memref<16x16xf32, #tpu.memory_space<vmem>>, %arg5: memref<1x16xf32, #tpu.memory_space<vmem>>, %arg6: memref<2000x16xf32, #tpu.memory_space<vmem>>) attributes {dimension_semantics = [#tpu.dimension_semantics<arbitrary>], iteration_bounds = array<i64: 25>, scalar_prefetch = 0 : i64, scratch_operands = 0 : i64, tpu.core_type = #tpu.core_type<tc>, window_params = [{transform_indices = @transform_0, window_bounds = array<i64: 2000, 16>}, {transform_indices = @transform_1, window_bounds = array<i64: 2000, 16>}, {transform_indices = @transform_2, window_bounds = array<i64: 2000, 16>}, {pipeline_mode = #tpu.pipeline_mode<synchronous>, transform_indices = @transform_3, window_bounds = array<i64: 16, 16>}, {pipeline_mode = #tpu.pipeline_mode<synchronous>, transform_indices = @transform_4, window_bounds = array<i64: 1, 16>}, {transform_indices = @transform_5, window_bounds = array<i64: 2000, 16>}]} {
    %get3A = arith.constant 0 : index
    %get3A_0 = arith.constant 0 : index
    %get3A_1 = vector.load %arg2[%get3A, %get3A_0] : memref<2000x16xf32, #tpu.memory_space<vmem>>, vector<2000x16xf32>
    %get3A_2 = arith.constant 0 : index
    %get3A_3 = arith.constant 0 : index
    %get3A_4 = vector.load %arg3[%get3A_2, %get3A_3] : memref<2000x16xf32, #tpu.memory_space<vmem>>, vector<2000x16xf32>
    %add3A = arith.addf %get3A_1, %get3A_4 : vector<2000x16xf32>
    %get3A_5 = arith.constant 0 : index
    %get3A_6 = arith.constant 0 : index
    %get3A_7 = vector.load %arg1[%get3A_5, %get3A_6] : memref<2000x16xf32, #tpu.memory_space<vmem>>, vector<2000x16xf32>
    %get3A_8 = arith.constant 0 : index
    %get3A_9 = arith.constant 0 : index
    %get3A_10 = vector.load %arg4[%get3A_8, %get3A_9] : memref<16x16xf32, #tpu.memory_space<vmem>>, vector<16x16xf32>
    %dot_general3A = arith.constant dense<0.000000e+00> : vector<2000x16xf32>
    %dot_general3A_11 = tpu.matmul %add3A, %get3A_10, %dot_general3A {dimension_numbers = #tpu.dot_dimension_numbers<[1], [0], [0], [1], [0, 0, 1, 1], [], []>, transpose_lhs_hint = false} : vector<2000x16xf32>, vector<16x16xf32>, vector<2000x16xf32> -> vector<2000x16xf32>
    %add3A_12 = arith.addf %get3A_7, %dot_general3A_11 : vector<2000x16xf32>
    %get3A_13 = arith.constant 0 : index
    %get3A_14 = arith.constant 0 : index
    %get3A_15 = vector.load %arg5[%get3A_13, %get3A_14] : memref<1x16xf32, #tpu.memory_space<vmem>>, vector<1x16xf32>
    %add3A_16 = vector.broadcast %get3A_15 : vector<1x16xf32> to vector<2000x16xf32>
    %add3A_17 = arith.addf %add3A_12, %add3A_16 : vector<2000x16xf32>
    %max3A = arith.constant 0.000000e+00 : f32
    %max3A_18 = vector.broadcast %max3A : f32 to vector<2000x16xf32>
    %max3A_19 = arith.maximumf %add3A_17, %max3A_18 : vector<2000x16xf32>
    %swap3A = arith.constant 0 : index
    %swap3A_20 = arith.constant 0 : index
    %swap3A_21 = vector.load %arg6[%swap3A, %swap3A_20] : memref<2000x16xf32, #tpu.memory_space<vmem>>, vector<2000x16xf32>
    tpu.vector_store %arg6[%swap3A, %swap3A_20], %max3A_19 {strides = array<i32>} : memref<2000x16xf32, #tpu.memory_space<vmem>>, vector<2000x16xf32>,
    return
  }
  func.func @transform_0(%arg0: i32) -> (i32, i32) {
    %add3A = arith.constant 0 : i32
    %add3A_0 = arith.addi %arg0, %add3A : i32
    %c0_i32 = arith.constant 0 : i32
    %c0_i32_1 = arith.constant 0 : i32
    return %add3A_0, %c0_i32 : i32, i32
  }
  func.func @transform_1(%arg0: i32) -> (i32, i32) {
    %add3A = arith.constant 0 : i32
    %add3A_0 = arith.addi %arg0, %add3A : i32
    %c0_i32 = arith.constant 0 : i32
    %c0_i32_1 = arith.constant 0 : i32
    return %add3A_0, %c0_i32 : i32, i32
  }
  func.func @transform_2(%arg0: i32) -> (i32, i32) {
    %add3A = arith.constant 25 : i32
    %add3A_0 = arith.addi %arg0, %add3A : i32
    %c0_i32 = arith.constant 0 : i32
    %c0_i32_1 = arith.constant 0 : i32
    return %add3A_0, %c0_i32 : i32, i32
  }
  func.func @transform_3(%arg0: i32) -> (i32, i32) {
    %c0_i32 = arith.constant 0 : i32
    %c0_i32_0 = arith.constant 0 : i32
    %c0_i32_1 = arith.constant 0 : i32
    return %c0_i32, %c0_i32_0 : i32, i32
  }
  func.func @transform_4(%arg0: i32) -> (i32, i32) {
    %c0_i32 = arith.constant 0 : i32
    %c0_i32_0 = arith.constant 0 : i32
    %c0_i32_1 = arith.constant 0 : i32
    return %c0_i32, %c0_i32_0 : i32, i32
  }
  func.func @transform_5(%arg0: i32) -> (i32, i32) {
    %add3A = arith.constant 0 : i32
    %add3A_0 = arith.addi %arg0, %add3A : i32
    %c0_i32 = arith.constant 0 : i32
    %c0_i32_1 = arith.constant 0 : i32
    return %add3A_0, %c0_i32 : i32, i32
  }
}

module attributes {stable_mosaic.version = 14 : i64} {
  func.func @_msg1_body(%arg0: i32, %arg1: memref<4096x16xf32, #tpu.memory_space<vmem>>, %arg2: memref<4096x16xf32, #tpu.memory_space<vmem>>, %arg3: memref<4096x4xf32, #tpu.memory_space<vmem>>, %arg4: memref<16x64xf32, #tpu.memory_space<vmem>>, %arg5: memref<4x64xf32, #tpu.memory_space<vmem>>, %arg6: memref<1x64xf32, #tpu.memory_space<vmem>>, %arg7: memref<16x16xf32, #tpu.memory_space<vmem>>, %arg8: memref<4x16xf32, #tpu.memory_space<vmem>>, %arg9: memref<64x16xf32, #tpu.memory_space<vmem>>, %arg10: memref<1x16xf32, #tpu.memory_space<vmem>>, %arg11: memref<4096x16xf32, #tpu.memory_space<vmem>>) attributes {dimension_semantics = [#tpu.dimension_semantics<arbitrary>], iteration_bounds = array<i64: 195>, scalar_prefetch = 0 : i64, scratch_operands = 0 : i64, tpu.core_type = #tpu.core_type<tc>, window_params = [{transform_indices = @transform_0, window_bounds = array<i64: 4096, 16>}, {transform_indices = @transform_1, window_bounds = array<i64: 4096, 16>}, {transform_indices = @transform_2, window_bounds = array<i64: 4096, 4>}, {pipeline_mode = #tpu.pipeline_mode<synchronous>, transform_indices = @transform_3, window_bounds = array<i64: 16, 64>}, {pipeline_mode = #tpu.pipeline_mode<synchronous>, transform_indices = @transform_4, window_bounds = array<i64: 4, 64>}, {pipeline_mode = #tpu.pipeline_mode<synchronous>, transform_indices = @transform_5, window_bounds = array<i64: 1, 64>}, {pipeline_mode = #tpu.pipeline_mode<synchronous>, transform_indices = @transform_6, window_bounds = array<i64: 16, 16>}, {pipeline_mode = #tpu.pipeline_mode<synchronous>, transform_indices = @transform_7, window_bounds = array<i64: 4, 16>}, {pipeline_mode = #tpu.pipeline_mode<synchronous>, transform_indices = @transform_8, window_bounds = array<i64: 64, 16>}, {pipeline_mode = #tpu.pipeline_mode<synchronous>, transform_indices = @transform_9, window_bounds = array<i64: 1, 16>}, {transform_indices = @transform_10, window_bounds = array<i64: 4096, 16>}]} {
    %get3A = arith.constant 0 : index
    %get3A_0 = arith.constant 0 : index
    %get3A_1 = vector.load %arg1[%get3A, %get3A_0] : memref<4096x16xf32, #tpu.memory_space<vmem>>, vector<4096x16xf32>
    %get3A_2 = arith.constant 0 : index
    %get3A_3 = arith.constant 0 : index
    %get3A_4 = vector.load %arg3[%get3A_2, %get3A_3] : memref<4096x4xf32, #tpu.memory_space<vmem>>, vector<4096x4xf32>
    %get3A_5 = arith.constant 0 : index
    %get3A_6 = arith.constant 0 : index
    %get3A_7 = vector.load %arg2[%get3A_5, %get3A_6] : memref<4096x16xf32, #tpu.memory_space<vmem>>, vector<4096x16xf32>
    %add3A = arith.addf %get3A_1, %get3A_7 : vector<4096x16xf32>
    %get3A_8 = arith.constant 0 : index
    %get3A_9 = arith.constant 0 : index
    %get3A_10 = vector.load %arg4[%get3A_8, %get3A_9] : memref<16x64xf32, #tpu.memory_space<vmem>>, vector<16x64xf32>
    %dot_general3A = arith.constant dense<0.000000e+00> : vector<4096x64xf32>
    %dot_general3A_11 = tpu.matmul %add3A, %get3A_10, %dot_general3A {dimension_numbers = #tpu.dot_dimension_numbers<[1], [0], [0], [1], [0, 0, 1, 1], [], []>, transpose_lhs_hint = false} : vector<4096x16xf32>, vector<16x64xf32>, vector<4096x64xf32> -> vector<4096x64xf32>
    %get3A_12 = arith.constant 0 : index
    %get3A_13 = arith.constant 0 : index
    %get3A_14 = vector.load %arg5[%get3A_12, %get3A_13] : memref<4x64xf32, #tpu.memory_space<vmem>>, vector<4x64xf32>
    %dot_general3A_15 = arith.constant dense<0.000000e+00> : vector<4096x64xf32>
    %dot_general3A_16 = tpu.matmul %get3A_4, %get3A_14, %dot_general3A_15 {dimension_numbers = #tpu.dot_dimension_numbers<[1], [0], [0], [1], [0, 0, 1, 1], [], []>, transpose_lhs_hint = false} : vector<4096x4xf32>, vector<4x64xf32>, vector<4096x64xf32> -> vector<4096x64xf32>
    %add3A_17 = arith.addf %dot_general3A_11, %dot_general3A_16 : vector<4096x64xf32>
    %get3A_18 = arith.constant 0 : index
    %get3A_19 = arith.constant 0 : index
    %get3A_20 = vector.load %arg6[%get3A_18, %get3A_19] : memref<1x64xf32, #tpu.memory_space<vmem>>, vector<1x64xf32>
    %add3A_21 = vector.broadcast %get3A_20 : vector<1x64xf32> to vector<4096x64xf32>
    %add3A_22 = arith.addf %add3A_17, %add3A_21 : vector<4096x64xf32>
    %max3A = arith.constant 0.000000e+00 : f32
    %max3A_23 = vector.broadcast %max3A : f32 to vector<4096x64xf32>
    %max3A_24 = arith.maximumf %add3A_22, %max3A_23 : vector<4096x64xf32>
    %get3A_25 = arith.constant 0 : index
    %get3A_26 = arith.constant 0 : index
    %get3A_27 = vector.load %arg7[%get3A_25, %get3A_26] : memref<16x16xf32, #tpu.memory_space<vmem>>, vector<16x16xf32>
    %dot_general3A_28 = arith.constant dense<0.000000e+00> : vector<4096x16xf32>
    %dot_general3A_29 = tpu.matmul %get3A_1, %get3A_27, %dot_general3A_28 {dimension_numbers = #tpu.dot_dimension_numbers<[1], [0], [0], [1], [0, 0, 1, 1], [], []>, transpose_lhs_hint = false} : vector<4096x16xf32>, vector<16x16xf32>, vector<4096x16xf32> -> vector<4096x16xf32>
    %get3A_30 = arith.constant 0 : index
    %get3A_31 = arith.constant 0 : index
    %get3A_32 = vector.load %arg8[%get3A_30, %get3A_31] : memref<4x16xf32, #tpu.memory_space<vmem>>, vector<4x16xf32>
    %dot_general3A_33 = arith.constant dense<0.000000e+00> : vector<4096x16xf32>
    %dot_general3A_34 = tpu.matmul %get3A_4, %get3A_32, %dot_general3A_33 {dimension_numbers = #tpu.dot_dimension_numbers<[1], [0], [0], [1], [0, 0, 1, 1], [], []>, transpose_lhs_hint = false} : vector<4096x4xf32>, vector<4x16xf32>, vector<4096x16xf32> -> vector<4096x16xf32>
    %add3A_35 = arith.addf %dot_general3A_29, %dot_general3A_34 : vector<4096x16xf32>
    %get3A_36 = arith.constant 0 : index
    %get3A_37 = arith.constant 0 : index
    %get3A_38 = vector.load %arg9[%get3A_36, %get3A_37] : memref<64x16xf32, #tpu.memory_space<vmem>>, vector<64x16xf32>
    %dot_general3A_39 = arith.constant dense<0.000000e+00> : vector<4096x16xf32>
    %dot_general3A_40 = tpu.matmul %max3A_24, %get3A_38, %dot_general3A_39 {dimension_numbers = #tpu.dot_dimension_numbers<[1], [0], [0], [1], [0, 0, 1, 1], [], []>, transpose_lhs_hint = false} : vector<4096x64xf32>, vector<64x16xf32>, vector<4096x16xf32> -> vector<4096x16xf32>
    %add3A_41 = arith.addf %add3A_35, %dot_general3A_40 : vector<4096x16xf32>
    %get3A_42 = arith.constant 0 : index
    %get3A_43 = arith.constant 0 : index
    %get3A_44 = vector.load %arg10[%get3A_42, %get3A_43] : memref<1x16xf32, #tpu.memory_space<vmem>>, vector<1x16xf32>
    %add3A_45 = vector.broadcast %get3A_44 : vector<1x16xf32> to vector<4096x16xf32>
    %add3A_46 = arith.addf %add3A_41, %add3A_45 : vector<4096x16xf32>
    %max3A_47 = arith.constant 0.000000e+00 : f32
    %max3A_48 = vector.broadcast %max3A_47 : f32 to vector<4096x16xf32>
    %max3A_49 = arith.maximumf %add3A_46, %max3A_48 : vector<4096x16xf32>
    %mul3A = arith.constant 4096 : i32
    %mul3A_50 = arith.muli %arg0, %mul3A : i32
    %iota3A = tpu.iota {dimensions = array<i32: 0>} : vector<4096x16xi32>
    %add3A_51 = vector.broadcast %mul3A_50 : i32 to vector<4096x16xi32>
    %add3A_52 = arith.addi %add3A_51, %iota3A : vector<4096x16xi32>
    %lt3A = arith.constant 795904 : i32
    %lt3A_53 = vector.broadcast %lt3A : i32 to vector<4096x16xi32>
    %lt3A_54 = arith.cmpi slt, %add3A_52, %lt3A_53 : vector<4096x16xi32>
    %jit3A = arith.constant 0.000000e+00 : f32
    %broadcast_in_dim3A = vector.broadcast %jit3A : f32 to vector<4096x16xf32>
    %select_n3A = arith.select %lt3A_54, %max3A_49, %broadcast_in_dim3A : vector<4096x16xi1>, vector<4096x16xf32>
    %swap3A = arith.constant 0 : index
    %swap3A_55 = arith.constant 0 : index
    %swap3A_56 = vector.load %arg11[%swap3A, %swap3A_55] : memref<4096x16xf32, #tpu.memory_space<vmem>>, vector<4096x16xf32>
    tpu.vector_store %arg11[%swap3A, %swap3A_55], %select_n3A {strides = array<i32>} : memref<4096x16xf32, #tpu.memory_space<vmem>>, vector<4096x16xf32>,
    return
  }
  func.func @transform_0(%arg0: i32) -> (i32, i32) {
    %add3A = arith.constant 0 : i32
    %add3A_0 = arith.addi %arg0, %add3A : i32
    %c0_i32 = arith.constant 0 : i32
    %c0_i32_1 = arith.constant 0 : i32
    return %add3A_0, %c0_i32 : i32, i32
  }
  func.func @transform_1(%arg0: i32) -> (i32, i32) {
    %add3A = arith.constant 0 : i32
    %add3A_0 = arith.addi %arg0, %add3A : i32
    %c0_i32 = arith.constant 0 : i32
    %c0_i32_1 = arith.constant 0 : i32
    return %add3A_0, %c0_i32 : i32, i32
  }
  func.func @transform_2(%arg0: i32) -> (i32, i32) {
    %add3A = arith.constant 1 : i32
    %add3A_0 = arith.addi %arg0, %add3A : i32
    %c0_i32 = arith.constant 0 : i32
    %c0_i32_1 = arith.constant 0 : i32
    return %add3A_0, %c0_i32 : i32, i32
  }
  func.func @transform_3(%arg0: i32) -> (i32, i32) {
    %c0_i32 = arith.constant 0 : i32
    %c0_i32_0 = arith.constant 0 : i32
    %c0_i32_1 = arith.constant 0 : i32
    return %c0_i32, %c0_i32_0 : i32, i32
  }
  func.func @transform_4(%arg0: i32) -> (i32, i32) {
    %c0_i32 = arith.constant 0 : i32
    %c0_i32_0 = arith.constant 0 : i32
    %c0_i32_1 = arith.constant 0 : i32
    return %c0_i32, %c0_i32_0 : i32, i32
  }
  func.func @transform_5(%arg0: i32) -> (i32, i32) {
    %c0_i32 = arith.constant 0 : i32
    %c0_i32_0 = arith.constant 0 : i32
    %c0_i32_1 = arith.constant 0 : i32
    return %c0_i32, %c0_i32_0 : i32, i32
  }
  func.func @transform_6(%arg0: i32) -> (i32, i32) {
    %c0_i32 = arith.constant 0 : i32
    %c0_i32_0 = arith.constant 0 : i32
    %c0_i32_1 = arith.constant 0 : i32
    return %c0_i32, %c0_i32_0 : i32, i32
  }
  func.func @transform_7(%arg0: i32) -> (i32, i32) {
    %c0_i32 = arith.constant 0 : i32
    %c0_i32_0 = arith.constant 0 : i32
    %c0_i32_1 = arith.constant 0 : i32
    return %c0_i32, %c0_i32_0 : i32, i32
  }
  func.func @transform_8(%arg0: i32) -> (i32, i32) {
    %c0_i32 = arith.constant 0 : i32
    %c0_i32_0 = arith.constant 0 : i32
    %c0_i32_1 = arith.constant 0 : i32
    return %c0_i32, %c0_i32_0 : i32, i32
  }
  func.func @transform_9(%arg0: i32) -> (i32, i32) {
    %c0_i32 = arith.constant 0 : i32
    %c0_i32_0 = arith.constant 0 : i32
    %c0_i32_1 = arith.constant 0 : i32
    return %c0_i32, %c0_i32_0 : i32, i32
  }
  func.func @transform_10(%arg0: i32) -> (i32, i32) {
    %add3A = arith.constant 0 : i32
    %add3A_0 = arith.addi %arg0, %add3A : i32
    %c0_i32 = arith.constant 0 : i32
    %c0_i32_1 = arith.constant 0 : i32
    return %add3A_0, %c0_i32 : i32, i32
  }
}

module attributes {stable_mosaic.version = 14 : i64} {
  func.func @_tail_body(%arg0: i32, %arg1: memref<4096x16xf32, #tpu.memory_space<vmem>>, %arg2: memref<4096x16xf32, #tpu.memory_space<vmem>>, %arg3: memref<4096x16xf32, #tpu.memory_space<vmem>>, %arg4: memref<4096x16xf32, #tpu.memory_space<vmem>>, %arg5: memref<4096x4xf32, #tpu.memory_space<vmem>>, %arg6: memref<4x16xf32, #tpu.memory_space<vmem>>, %arg7: memref<4x16xf32, #tpu.memory_space<vmem>>, %arg8: memref<16x64xf32, #tpu.memory_space<vmem>>, %arg9: memref<64x64xf32, #tpu.memory_space<vmem>>, %arg10: memref<1x64xf32, #tpu.memory_space<vmem>>, %arg11: memref<16x64xf32, #tpu.memory_space<vmem>>, %arg12: memref<64x64xf32, #tpu.memory_space<vmem>>, %arg13: memref<1x64xf32, #tpu.memory_space<vmem>>, %arg14: memref<16x16xf32, #tpu.memory_space<vmem>>, %arg15: memref<16x16xf32, #tpu.memory_space<vmem>>, %arg16: memref<64x16xf32, #tpu.memory_space<vmem>>, %arg17: memref<1x16xf32, #tpu.memory_space<vmem>>, %arg18: memref<16x2xf32, #tpu.memory_space<vmem>>, %arg19: memref<1x2xf32, #tpu.memory_space<vmem>>, %arg20: memref<4096x2xf32, #tpu.memory_space<vmem>>) attributes {dimension_semantics = [#tpu.dimension_semantics<arbitrary>], iteration_bounds = array<i64: 1>, scalar_prefetch = 0 : i64, scratch_operands = 0 : i64, tpu.core_type = #tpu.core_type<tc>, window_params = [{pipeline_mode = #tpu.pipeline_mode<synchronous>, transform_indices = @transform_0, window_bounds = array<i64: 4096, 16>}, {pipeline_mode = #tpu.pipeline_mode<synchronous>, transform_indices = @transform_1, window_bounds = array<i64: 4096, 16>}, {pipeline_mode = #tpu.pipeline_mode<synchronous>, transform_indices = @transform_2, window_bounds = array<i64: 4096, 16>}, {pipeline_mode = #tpu.pipeline_mode<synchronous>, transform_indices = @transform_3, window_bounds = array<i64: 4096, 16>}, {pipeline_mode = #tpu.pipeline_mode<synchronous>, transform_indices = @transform_4, window_bounds = array<i64: 4096, 4>}, {pipeline_mode = #tpu.pipeline_mode<synchronous>, transform_indices = @transform_5, window_bounds = array<i64: 4, 16>}, {pipeline_mode = #tpu.pipeline_mode<synchronous>, transform_indices = @transform_6, window_bounds = array<i64: 4, 16>}, {pipeline_mode = #tpu.pipeline_mode<synchronous>, transform_indices = @transform_7, window_bounds = array<i64: 16, 64>}, {pipeline_mode = #tpu.pipeline_mode<synchronous>, transform_indices = @transform_8, window_bounds = array<i64: 64, 64>}, {pipeline_mode = #tpu.pipeline_mode<synchronous>, transform_indices = @transform_9, window_bounds = array<i64: 1, 64>}, {pipeline_mode = #tpu.pipeline_mode<synchronous>, transform_indices = @transform_10, window_bounds = array<i64: 16, 64>}, {pipeline_mode = #tpu.pipeline_mode<synchronous>, transform_indices = @transform_11, window_bounds = array<i64: 64, 64>}, {pipeline_mode = #tpu.pipeline_mode<synchronous>, transform_indices = @transform_12, window_bounds = array<i64: 1, 64>}, {pipeline_mode = #tpu.pipeline_mode<synchronous>, transform_indices = @transform_13, window_bounds = array<i64: 16, 16>}, {pipeline_mode = #tpu.pipeline_mode<synchronous>, transform_indices = @transform_14, window_bounds = array<i64: 16, 16>}, {pipeline_mode = #tpu.pipeline_mode<synchronous>, transform_indices = @transform_15, window_bounds = array<i64: 64, 16>}, {pipeline_mode = #tpu.pipeline_mode<synchronous>, transform_indices = @transform_16, window_bounds = array<i64: 1, 16>}, {pipeline_mode = #tpu.pipeline_mode<synchronous>, transform_indices = @transform_17, window_bounds = array<i64: 16, 2>}, {pipeline_mode = #tpu.pipeline_mode<synchronous>, transform_indices = @transform_18, window_bounds = array<i64: 1, 2>}, {pipeline_mode = #tpu.pipeline_mode<synchronous>, transform_indices = @transform_19, window_bounds = array<i64: 4096, 2>}]} {
    %get3A = arith.constant 0 : index
    %get3A_0 = arith.constant 0 : index
    %get3A_1 = vector.load %arg5[%get3A, %get3A_0] : memref<4096x4xf32, #tpu.memory_space<vmem>>, vector<4096x4xf32>
    %get3A_2 = arith.constant 0 : index
    %get3A_3 = arith.constant 0 : index
    %get3A_4 = vector.load %arg6[%get3A_2, %get3A_3] : memref<4x16xf32, #tpu.memory_space<vmem>>, vector<4x16xf32>
    %get3A_5 = arith.constant 0 : index
    %get3A_6 = arith.constant 0 : index
    %get3A_7 = vector.load %arg7[%get3A_5, %get3A_6] : memref<4x16xf32, #tpu.memory_space<vmem>>, vector<4x16xf32>
    %slice3A = vector.extract_strided_slice %get3A_1 {offsets = [0, 0], sizes = [4096, 1], strides = [1, 1]} : vector<4096x4xf32> to vector<4096x1xf32>
    %slice3A_8 = vector.extract_strided_slice %get3A_4 {offsets = [0, 0], sizes = [1, 16], strides = [1, 1]} : vector<4x16xf32> to vector<1x16xf32>
    %mul3A = vector.broadcast %slice3A : vector<4096x1xf32> to vector<4096x16xf32>
    %mul3A_9 = vector.broadcast %slice3A_8 : vector<1x16xf32> to vector<4096x16xf32>
    %mul3A_10 = arith.mulf %mul3A, %mul3A_9 : vector<4096x16xf32>
    %slice3A_11 = vector.extract_strided_slice %get3A_7 {offsets = [0, 0], sizes = [1, 16], strides = [1, 1]} : vector<4x16xf32> to vector<1x16xf32>
    %add3A = vector.broadcast %slice3A_11 : vector<1x16xf32> to vector<4096x16xf32>
    %add3A_12 = arith.addf %mul3A_10, %add3A : vector<4096x16xf32>
    %slice3A_13 = vector.extract_strided_slice %get3A_1 {offsets = [0, 1], sizes = [4096, 1], strides = [1, 1]} : vector<4096x4xf32> to vector<4096x1xf32>
    %slice3A_14 = vector.extract_strided_slice %get3A_4 {offsets = [1, 0], sizes = [1, 16], strides = [1, 1]} : vector<4x16xf32> to vector<1x16xf32>
    %mul3A_15 = vector.broadcast %slice3A_13 : vector<4096x1xf32> to vector<4096x16xf32>
    %mul3A_16 = vector.broadcast %slice3A_14 : vector<1x16xf32> to vector<4096x16xf32>
    %mul3A_17 = arith.mulf %mul3A_15, %mul3A_16 : vector<4096x16xf32>
    %slice3A_18 = vector.extract_strided_slice %get3A_7 {offsets = [1, 0], sizes = [1, 16], strides = [1, 1]} : vector<4x16xf32> to vector<1x16xf32>
    %add3A_19 = vector.broadcast %slice3A_18 : vector<1x16xf32> to vector<4096x16xf32>
    %add3A_20 = arith.addf %mul3A_17, %add3A_19 : vector<4096x16xf32>
    %slice3A_21 = vector.extract_strided_slice %get3A_1 {offsets = [0, 2], sizes = [4096, 1], strides = [1, 1]} : vector<4096x4xf32> to vector<4096x1xf32>
    %slice3A_22 = vector.extract_strided_slice %get3A_4 {offsets = [2, 0], sizes = [1, 16], strides = [1, 1]} : vector<4x16xf32> to vector<1x16xf32>
    %mul3A_23 = vector.broadcast %slice3A_21 : vector<4096x1xf32> to vector<4096x16xf32>
    %mul3A_24 = vector.broadcast %slice3A_22 : vector<1x16xf32> to vector<4096x16xf32>
    %mul3A_25 = arith.mulf %mul3A_23, %mul3A_24 : vector<4096x16xf32>
    %slice3A_26 = vector.extract_strided_slice %get3A_7 {offsets = [2, 0], sizes = [1, 16], strides = [1, 1]} : vector<4x16xf32> to vector<1x16xf32>
    %add3A_27 = vector.broadcast %slice3A_26 : vector<1x16xf32> to vector<4096x16xf32>
    %add3A_28 = arith.addf %mul3A_25, %add3A_27 : vector<4096x16xf32>
    %slice3A_29 = vector.extract_strided_slice %get3A_1 {offsets = [0, 3], sizes = [4096, 1], strides = [1, 1]} : vector<4096x4xf32> to vector<4096x1xf32>
    %slice3A_30 = vector.extract_strided_slice %get3A_4 {offsets = [3, 0], sizes = [1, 16], strides = [1, 1]} : vector<4x16xf32> to vector<1x16xf32>
    %mul3A_31 = vector.broadcast %slice3A_29 : vector<4096x1xf32> to vector<4096x16xf32>
    %mul3A_32 = vector.broadcast %slice3A_30 : vector<1x16xf32> to vector<4096x16xf32>
    %mul3A_33 = arith.mulf %mul3A_31, %mul3A_32 : vector<4096x16xf32>
    %slice3A_34 = vector.extract_strided_slice %get3A_7 {offsets = [3, 0], sizes = [1, 16], strides = [1, 1]} : vector<4x16xf32> to vector<1x16xf32>
    %add3A_35 = vector.broadcast %slice3A_34 : vector<1x16xf32> to vector<4096x16xf32>
    %add3A_36 = arith.addf %mul3A_33, %add3A_35 : vector<4096x16xf32>
    %concatenate3A = tpu.concatenate %add3A_12, %add3A_20, %add3A_28, %add3A_36 in 1 : vector<4096x16xf32>, vector<4096x16xf32>, vector<4096x16xf32>, vector<4096x16xf32> -> vector<4096x64xf32>
    %get3A_37 = arith.constant 0 : index
    %get3A_38 = arith.constant 0 : index
    %get3A_39 = vector.load %arg1[%get3A_37, %get3A_38] : memref<4096x16xf32, #tpu.memory_space<vmem>>, vector<4096x16xf32>
    %get3A_40 = arith.constant 0 : index
    %get3A_41 = arith.constant 0 : index
    %get3A_42 = vector.load %arg2[%get3A_40, %get3A_41] : memref<4096x16xf32, #tpu.memory_space<vmem>>, vector<4096x16xf32>
    %add3A_43 = arith.addf %get3A_39, %get3A_42 : vector<4096x16xf32>
    %get3A_44 = arith.constant 0 : index
    %get3A_45 = arith.constant 0 : index
    %get3A_46 = vector.load %arg8[%get3A_44, %get3A_45] : memref<16x64xf32, #tpu.memory_space<vmem>>, vector<16x64xf32>
    %dot_general3A = arith.constant dense<0.000000e+00> : vector<4096x64xf32>
    %dot_general3A_47 = tpu.matmul %add3A_43, %get3A_46, %dot_general3A {dimension_numbers = #tpu.dot_dimension_numbers<[1], [0], [0], [1], [0, 0, 1, 1], [], []>, transpose_lhs_hint = false} : vector<4096x16xf32>, vector<16x64xf32>, vector<4096x64xf32> -> vector<4096x64xf32>
    %get3A_48 = arith.constant 0 : index
    %get3A_49 = arith.constant 0 : index
    %get3A_50 = vector.load %arg9[%get3A_48, %get3A_49] : memref<64x64xf32, #tpu.memory_space<vmem>>, vector<64x64xf32>
    %dot_general3A_51 = arith.constant dense<0.000000e+00> : vector<4096x64xf32>
    %dot_general3A_52 = tpu.matmul %concatenate3A, %get3A_50, %dot_general3A_51 {dimension_numbers = #tpu.dot_dimension_numbers<[1], [0], [0], [1], [0, 0, 1, 1], [], []>, transpose_lhs_hint = false} : vector<4096x64xf32>, vector<64x64xf32>, vector<4096x64xf32> -> vector<4096x64xf32>
    %add3A_53 = arith.addf %dot_general3A_47, %dot_general3A_52 : vector<4096x64xf32>
    %get3A_54 = arith.constant 0 : index
    %get3A_55 = arith.constant 0 : index
    %get3A_56 = vector.load %arg10[%get3A_54, %get3A_55] : memref<1x64xf32, #tpu.memory_space<vmem>>, vector<1x64xf32>
    %add3A_57 = vector.broadcast %get3A_56 : vector<1x64xf32> to vector<4096x64xf32>
    %add3A_58 = arith.addf %add3A_53, %add3A_57 : vector<4096x64xf32>
    %max3A = arith.constant 0.000000e+00 : f32
    %max3A_59 = vector.broadcast %max3A : f32 to vector<4096x64xf32>
    %max3A_60 = arith.maximumf %add3A_58, %max3A_59 : vector<4096x64xf32>
    %add3A_61 = arith.addf %concatenate3A, %max3A_60 : vector<4096x64xf32>
    %get3A_62 = arith.constant 0 : index
    %get3A_63 = arith.constant 0 : index
    %get3A_64 = vector.load %arg3[%get3A_62, %get3A_63] : memref<4096x16xf32, #tpu.memory_space<vmem>>, vector<4096x16xf32>
    %get3A_65 = arith.constant 0 : index
    %get3A_66 = arith.constant 0 : index
    %get3A_67 = vector.load %arg4[%get3A_65, %get3A_66] : memref<4096x16xf32, #tpu.memory_space<vmem>>, vector<4096x16xf32>
    %add3A_68 = arith.addf %get3A_64, %get3A_67 : vector<4096x16xf32>
    %get3A_69 = arith.constant 0 : index
    %get3A_70 = arith.constant 0 : index
    %get3A_71 = vector.load %arg11[%get3A_69, %get3A_70] : memref<16x64xf32, #tpu.memory_space<vmem>>, vector<16x64xf32>
    %dot_general3A_72 = arith.constant dense<0.000000e+00> : vector<4096x64xf32>
    %dot_general3A_73 = tpu.matmul %add3A_68, %get3A_71, %dot_general3A_72 {dimension_numbers = #tpu.dot_dimension_numbers<[1], [0], [0], [1], [0, 0, 1, 1], [], []>, transpose_lhs_hint = false} : vector<4096x16xf32>, vector<16x64xf32>, vector<4096x64xf32> -> vector<4096x64xf32>
    %get3A_74 = arith.constant 0 : index
    %get3A_75 = arith.constant 0 : index
    %get3A_76 = vector.load %arg12[%get3A_74, %get3A_75] : memref<64x64xf32, #tpu.memory_space<vmem>>, vector<64x64xf32>
    %dot_general3A_77 = arith.constant dense<0.000000e+00> : vector<4096x64xf32>
    %dot_general3A_78 = tpu.matmul %add3A_61, %get3A_76, %dot_general3A_77 {dimension_numbers = #tpu.dot_dimension_numbers<[1], [0], [0], [1], [0, 0, 1, 1], [], []>, transpose_lhs_hint = false} : vector<4096x64xf32>, vector<64x64xf32>, vector<4096x64xf32> -> vector<4096x64xf32>
    %add3A_79 = arith.addf %dot_general3A_73, %dot_general3A_78 : vector<4096x64xf32>
    %get3A_80 = arith.constant 0 : index
    %get3A_81 = arith.constant 0 : index
    %get3A_82 = vector.load %arg13[%get3A_80, %get3A_81] : memref<1x64xf32, #tpu.memory_space<vmem>>, vector<1x64xf32>
    %add3A_83 = vector.broadcast %get3A_82 : vector<1x64xf32> to vector<4096x64xf32>
    %add3A_84 = arith.addf %add3A_79, %add3A_83 : vector<4096x64xf32>
    %max3A_85 = arith.constant 0.000000e+00 : f32
    %max3A_86 = vector.broadcast %max3A_85 : f32 to vector<4096x64xf32>
    %max3A_87 = arith.maximumf %add3A_84, %max3A_86 : vector<4096x64xf32>
    %add3A_88 = arith.addf %add3A_61, %max3A_87 : vector<4096x64xf32>
    %get3A_89 = arith.constant 0 : index
    %get3A_90 = arith.constant 0 : index
    %get3A_91 = vector.load %arg14[%get3A_89, %get3A_90] : memref<16x16xf32, #tpu.memory_space<vmem>>, vector<16x16xf32>
    %dot_general3A_92 = arith.constant dense<0.000000e+00> : vector<4096x16xf32>
    %dot_general3A_93 = tpu.matmul %get3A_64, %get3A_91, %dot_general3A_92 {dimension_numbers = #tpu.dot_dimension_numbers<[1], [0], [0], [1], [0, 0, 1, 1], [], []>, transpose_lhs_hint = false} : vector<4096x16xf32>, vector<16x16xf32>, vector<4096x16xf32> -> vector<4096x16xf32>
    %get3A_94 = arith.constant 0 : index
    %get3A_95 = arith.constant 0 : index
    %get3A_96 = vector.load %arg15[%get3A_94, %get3A_95] : memref<16x16xf32, #tpu.memory_space<vmem>>, vector<16x16xf32>
    %dot_general3A_97 = arith.constant dense<0.000000e+00> : vector<4096x16xf32>
    %dot_general3A_98 = tpu.matmul %get3A_67, %get3A_96, %dot_general3A_97 {dimension_numbers = #tpu.dot_dimension_numbers<[1], [0], [0], [1], [0, 0, 1, 1], [], []>, transpose_lhs_hint = false} : vector<4096x16xf32>, vector<16x16xf32>, vector<4096x16xf32> -> vector<4096x16xf32>
    %add3A_99 = arith.addf %dot_general3A_93, %dot_general3A_98 : vector<4096x16xf32>
    %get3A_100 = arith.constant 0 : index
    %get3A_101 = arith.constant 0 : index
    %get3A_102 = vector.load %arg16[%get3A_100, %get3A_101] : memref<64x16xf32, #tpu.memory_space<vmem>>, vector<64x16xf32>
    %dot_general3A_103 = arith.constant dense<0.000000e+00> : vector<4096x16xf32>
    %dot_general3A_104 = tpu.matmul %add3A_88, %get3A_102, %dot_general3A_103 {dimension_numbers = #tpu.dot_dimension_numbers<[1], [0], [0], [1], [0, 0, 1, 1], [], []>, transpose_lhs_hint = false} : vector<4096x64xf32>, vector<64x16xf32>, vector<4096x16xf32> -> vector<4096x16xf32>
    %add3A_105 = arith.addf %add3A_99, %dot_general3A_104 : vector<4096x16xf32>
    %get3A_106 = arith.constant 0 : index
    %get3A_107 = arith.constant 0 : index
    %get3A_108 = vector.load %arg17[%get3A_106, %get3A_107] : memref<1x16xf32, #tpu.memory_space<vmem>>, vector<1x16xf32>
    %add3A_109 = vector.broadcast %get3A_108 : vector<1x16xf32> to vector<4096x16xf32>
    %add3A_110 = arith.addf %add3A_105, %add3A_109 : vector<4096x16xf32>
    %max3A_111 = arith.constant 0.000000e+00 : f32
    %max3A_112 = vector.broadcast %max3A_111 : f32 to vector<4096x16xf32>
    %max3A_113 = arith.maximumf %add3A_110, %max3A_112 : vector<4096x16xf32>
    %get3A_114 = arith.constant 0 : index
    %get3A_115 = arith.constant 0 : index
    %get3A_116 = vector.load %arg18[%get3A_114, %get3A_115] : memref<16x2xf32, #tpu.memory_space<vmem>>, vector<16x2xf32>
    %dot_general3A_117 = arith.constant dense<0.000000e+00> : vector<4096x2xf32>
    %dot_general3A_118 = tpu.matmul %max3A_113, %get3A_116, %dot_general3A_117 {dimension_numbers = #tpu.dot_dimension_numbers<[1], [0], [0], [1], [0, 0, 1, 1], [], []>, transpose_lhs_hint = false} : vector<4096x16xf32>, vector<16x2xf32>, vector<4096x2xf32> -> vector<4096x2xf32>
    %get3A_119 = arith.constant 0 : index
    %get3A_120 = arith.constant 0 : index
    %get3A_121 = vector.load %arg19[%get3A_119, %get3A_120] : memref<1x2xf32, #tpu.memory_space<vmem>>, vector<1x2xf32>
    %add3A_122 = vector.broadcast %get3A_121 : vector<1x2xf32> to vector<4096x2xf32>
    %add3A_123 = arith.addf %dot_general3A_118, %add3A_122 : vector<4096x2xf32>
    %swap3A = arith.constant 0 : index
    %swap3A_124 = arith.constant 0 : index
    %swap3A_125 = vector.load %arg20[%swap3A, %swap3A_124] : memref<4096x2xf32, #tpu.memory_space<vmem>>, vector<4096x2xf32>
    tpu.vector_store %arg20[%swap3A, %swap3A_124], %add3A_123 {strides = array<i32>} : memref<4096x2xf32, #tpu.memory_space<vmem>>, vector<4096x2xf32>,
    return
  }
  func.func @transform_0(%arg0: i32) -> (i32, i32) {
    %c0_i32 = arith.constant 0 : i32
    %c0_i32_0 = arith.constant 0 : i32
    %c0_i32_1 = arith.constant 0 : i32
    return %c0_i32, %c0_i32_0 : i32, i32
  }
  func.func @transform_1(%arg0: i32) -> (i32, i32) {
    %c0_i32 = arith.constant 0 : i32
    %c0_i32_0 = arith.constant 0 : i32
    %c0_i32_1 = arith.constant 0 : i32
    return %c0_i32, %c0_i32_0 : i32, i32
  }
  func.func @transform_2(%arg0: i32) -> (i32, i32) {
    %c0_i32 = arith.constant 0 : i32
    %c0_i32_0 = arith.constant 0 : i32
    %c0_i32_1 = arith.constant 0 : i32
    return %c0_i32, %c0_i32_0 : i32, i32
  }
  func.func @transform_3(%arg0: i32) -> (i32, i32) {
    %c0_i32 = arith.constant 0 : i32
    %c0_i32_0 = arith.constant 0 : i32
    %c0_i32_1 = arith.constant 0 : i32
    return %c0_i32, %c0_i32_0 : i32, i32
  }
  func.func @transform_4(%arg0: i32) -> (i32, i32) {
    %c0_i32 = arith.constant 0 : i32
    %c0_i32_0 = arith.constant 0 : i32
    %c0_i32_1 = arith.constant 0 : i32
    return %c0_i32, %c0_i32_0 : i32, i32
  }
  func.func @transform_5(%arg0: i32) -> (i32, i32) {
    %c0_i32 = arith.constant 0 : i32
    %c0_i32_0 = arith.constant 0 : i32
    %c0_i32_1 = arith.constant 0 : i32
    return %c0_i32, %c0_i32_0 : i32, i32
  }
  func.func @transform_6(%arg0: i32) -> (i32, i32) {
    %c0_i32 = arith.constant 0 : i32
    %c0_i32_0 = arith.constant 0 : i32
    %c0_i32_1 = arith.constant 0 : i32
    return %c0_i32, %c0_i32_0 : i32, i32
  }
  func.func @transform_7(%arg0: i32) -> (i32, i32) {
    %c0_i32 = arith.constant 0 : i32
    %c0_i32_0 = arith.constant 0 : i32
    %c0_i32_1 = arith.constant 0 : i32
    return %c0_i32, %c0_i32_0 : i32, i32
  }
  func.func @transform_8(%arg0: i32) -> (i32, i32) {
    %c0_i32 = arith.constant 0 : i32
    %c0_i32_0 = arith.constant 0 : i32
    %c0_i32_1 = arith.constant 0 : i32
    return %c0_i32, %c0_i32_0 : i32, i32
  }
  func.func @transform_9(%arg0: i32) -> (i32, i32) {
    %c0_i32 = arith.constant 0 : i32
    %c0_i32_0 = arith.constant 0 : i32
    %c0_i32_1 = arith.constant 0 : i32
    return %c0_i32, %c0_i32_0 : i32, i32
  }
  func.func @transform_10(%arg0: i32) -> (i32, i32) {
    %c0_i32 = arith.constant 0 : i32
    %c0_i32_0 = arith.constant 0 : i32
    %c0_i32_1 = arith.constant 0 : i32
    return %c0_i32, %c0_i32_0 : i32, i32
  }
  func.func @transform_11(%arg0: i32) -> (i32, i32) {
    %c0_i32 = arith.constant 0 : i32
    %c0_i32_0 = arith.constant 0 : i32
    %c0_i32_1 = arith.constant 0 : i32
    return %c0_i32, %c0_i32_0 : i32, i32
  }
  func.func @transform_12(%arg0: i32) -> (i32, i32) {
    %c0_i32 = arith.constant 0 : i32
    %c0_i32_0 = arith.constant 0 : i32
    %c0_i32_1 = arith.constant 0 : i32
    return %c0_i32, %c0_i32_0 : i32, i32
  }
  func.func @transform_13(%arg0: i32) -> (i32, i32) {
    %c0_i32 = arith.constant 0 : i32
    %c0_i32_0 = arith.constant 0 : i32
    %c0_i32_1 = arith.constant 0 : i32
    return %c0_i32, %c0_i32_0 : i32, i32
  }
  func.func @transform_14(%arg0: i32) -> (i32, i32) {
    %c0_i32 = arith.constant 0 : i32
    %c0_i32_0 = arith.constant 0 : i32
    %c0_i32_1 = arith.constant 0 : i32
    return %c0_i32, %c0_i32_0 : i32, i32
  }
  func.func @transform_15(%arg0: i32) -> (i32, i32) {
    %c0_i32 = arith.constant 0 : i32
    %c0_i32_0 = arith.constant 0 : i32
    %c0_i32_1 = arith.constant 0 : i32
    return %c0_i32, %c0_i32_0 : i32, i32
  }
  func.func @transform_16(%arg0: i32) -> (i32, i32) {
    %c0_i32 = arith.constant 0 : i32
    %c0_i32_0 = arith.constant 0 : i32
    %c0_i32_1 = arith.constant 0 : i32
    return %c0_i32, %c0_i32_0 : i32, i32
  }
  func.func @transform_17(%arg0: i32) -> (i32, i32) {
    %c0_i32 = arith.constant 0 : i32
    %c0_i32_0 = arith.constant 0 : i32
    %c0_i32_1 = arith.constant 0 : i32
    return %c0_i32, %c0_i32_0 : i32, i32
  }
  func.func @transform_18(%arg0: i32) -> (i32, i32) {
    %c0_i32 = arith.constant 0 : i32
    %c0_i32_0 = arith.constant 0 : i32
    %c0_i32_1 = arith.constant 0 : i32
    return %c0_i32, %c0_i32_0 : i32, i32
  }
  func.func @transform_19(%arg0: i32) -> (i32, i32) {
    %c0_i32 = arith.constant 0 : i32
    %c0_i32_0 = arith.constant 0 : i32
    %c0_i32_1 = arith.constant 0 : i32
    return %c0_i32, %c0_i32_0 : i32, i32
  }
}

</mosaic_0001>

<sc_bundles>
// kernel: gather_offload_async_start.1
scs
__scs_entry_jumppad:
0x0: {  	(pc) =	sbr.rel $0x88, $3  }
0x1: {  	(tag) =	ssettag $0x0;
	lr =	simm.s32 $0x1  }
0x2: {  	[smem:$0x3F86] =	sst lr;
	_ =	strace $0xD0000000  }
0x3: {  	_ = 	snop  }
0x4: {  	_ = 	snop  }
0x5: {  	_ = 	snop  }
0x6: {  	_ = 	snop  }
0x7: {  	_ = 	snop  }
__scs_overlays_trampoline_lowered:
0x8: {  	[smem:$0x3F95] =	sst s0  }
0x9: {  	[smem:$0x3F96] =	sst s1  }
0xa: {  	[smem:$0x3F97] =	sst s2  }
0xb: {  	[smem:$0x3F98] =	sst s3  }
0xc: {  	[smem:$0x3F99] =	sst s4  }
0xd: {  	[smem:$0x3F9A] =	sst s5  }
0xe: {  	[smem:$0x3F9B] =	sst s6  }
0xf: {  	[smem:$0x3F9C] =	sst s7  }
0x10: {  	[smem:$0x3F9D] =	sst s8  }
0x11: {  	[smem:$0x3F9E] =	sst s9;
	s0 =	simm.s32 @!p0 $0x0  }
0x12: {  	s1 =	sld [smem:$0x3F84];
	s0 =	simm.s32 @p0 $0x1  }
0x13: {  	[smem:$0x3F9F] =	sst s0;
	s0 =	simm.s32 @!p1 $0x0  }
0x14: {  	s2 =	sld [smem:$0x3F83];
	s0 =	simm.s32 @p1 $0x1  }
0x15: {  	[smem:$0x3FA0] =	sst s0;
	s0 =	simm.s32 @!p2 $0x0  }
0x16: {  	s3 =	sld [smem:$0x3FDB];
	s0 =	simm.s32 @p2 $0x1  }
0x17: {  	s4 =	simm.s32 $0x1BF5;
	[smem:$0x3FA2] =	sst s0  }
0x18: {  	s0 =	sld [smem:$0x3F85];
	_ =	swait.ge [sflag:s4], $0x0  }
0x19: {  	s7 =	sld [smem:$0x3F86]  }
0x1a: {  	s8 =	sadd.s32 $0xFFFFE003, lr  }
0x1b: {  	s9 =	sadd.s32 $0xFFFFFEF7, lr;
	s5 =	simm.s32 $0xFFFFFFFF;
	p2 =	slt.u32 s8, $0xFFFFF086  }
0x1c: {  	p1 =	slt.u32 s9, $0xF7A;
	s5 =	simm.s32 @!p2 $0x0  }
0x1d: {  	s5 =	simm.s32 @p1 $0x1;
	p0 =	seq.s32 s7, s2  }
0x1e: {  	s7 =	smul.u32 @!p0 $0xF7A, s2;
	p2 =	seq.s32 @!p0 s5, $0x0  }
0x1f: {  	s9 =	smul.u32 $0xF7A, s1;
	s8 =	simm.s32 @!p0 $0x1BF5;
	p2 =	por !p2, p0  }
0x20: {  	[sflag:s8] =	ssyncset.s32 @!p0 $0xFFFFF086;
	s6 =	sadd.s32 @!p0 s3, s7;
	s7 =	simm.s32 @!p0 $0x108  }
0x21: {  	s3 =	sadd.s32 s3, s9;
	s6 =	sadd.s32 @!p0 $0x88, s6;
	s7 =	simm.s32 @p2 $0x1082  }
0x22: {  	[simem:s7], [sflag:s8] =	dma.local @!p0 [hbm:s6], $0xF7A  }
0x23: {  	s9 =	sor.u32 $0xD0000000, s2;
	s6 =	simm.s32 $0x108;
	_ =	swait.ge @!p0 [sflag:s8], $0x0  }
0x24: {  	s3 =	sadd.s32 $0x88, s3;
	s6 =	simm.s32 @!p1 $0x1082;
	[sflag:s4] =	ssyncset.s32 $0xFFFFF086  }
0x25: {  	[simem:s6], [sflag:s4] =	dma.local [hbm:s3], $0xF7A  }
0x26: {  	[smem:$0x3F86] =	sst s1;
	(tag) =	ssettag s2;
	_ =	strace s9  }
0x27: {  	s1 =	sld [smem:$0x3F96]  }
0x28: {  	s2 =	sld [smem:$0x3F97]  }
0x29: {  	s4 =	sld [smem:$0x3F99]  }
0x2a: {  	p0 =	seq.s32 s5, $0x0;
	s5 =	sld [smem:$0x3F9A]  }
0x2b: {  	s6 =	sld [smem:$0x3F9B]  }
0x2c: {  	s7 =	sld [smem:$0x3F9C]  }
0x2d: {  	s3 =	simm.s32 $0x108;
	s8 =	sld [smem:$0x3F9D]  }
0x2e: {  	s3 =	simm.s32 @!p0 $0x1082;
	s9 =	sld [smem:$0x3F9E]  }
0x2f: {  	lr =	sadd.s32 s0, s3;
	s0 =	sld [smem:$0x3F95]  }
0x30: {  	s3 =	sld [smem:$0x3F98]  }
0x31: {  	[smem:$0x3FA1] =	sst s10  }
0x32: {  	s10 =	sld [smem:$0x3F9F];
	_ =	sdelay $0x3  }
0x33: {  	p0 =	seq.s32 s10, $0x1;
	s10 =	sld [smem:$0x3FA1];
	_ =	sdelay $0x3  }
0x34: {  	[smem:$0x3FA1] =	sst s10  }
0x35: {  	s10 =	sld [smem:$0x3FA0];
	_ =	sdelay $0x3  }
0x36: {  	p1 =	seq.s32 s10, $0x1;
	s10 =	sld [smem:$0x3FA1];
	_ =	sdelay $0x3  }
0x37: {  	[smem:$0x3FA1] =	sst s10  }
0x38: {  	s10 =	sld [smem:$0x3FA2]  }
0x39: {  	_ = 	snop;
	(pc) =	sbr.ind lr, $3  }
0x3a: {  	_ = 	snop  }
0x3b: {  	_ = 	snop  }
0x3c: {  	p2 =	seq.s32 s10, $0x1;
	s10 =	sld [smem:$0x3FA1]  }
0x3d: {  	_ =	shalt  }
0x3e: {  	_ =	shalt  }
0x3f: {  	_ =	shalt  }
0x40: {  	_ =	shalt  }
0x41: {  	_ =	shalt  }
0x42: {  	_ =	shalt  }
0x43: {  	_ =	shalt  }
0x44: {  	_ =	shalt  }
0x45: {  	_ =	shalt  }
0x46: {  	_ =	shalt  }
0x47: {  	_ =	shalt  }
0x48: {  	_ =	shalt  }
0x49: {  	_ =	shalt  }
0x4a: {  	_ =	shalt  }
0x4b: {  	_ =	shalt  }
0x4c: {  	_ =	shalt  }
0x4d: {  	_ =	shalt  }
0x4e: {  	_ =	shalt  }
0x4f: {  	_ =	shalt  }
0x50: {  	_ =	shalt  }
0x51: {  	_ =	shalt  }
0x52: {  	_ =	shalt  }
0x53: {  	_ =	shalt  }
0x54: {  	_ =	shalt  }
0x55: {  	_ =	shalt  }
0x56: {  	_ =	shalt  }
0x57: {  	_ =	shalt  }
0x58: {  	_ =	shalt  }
0x59: {  	_ =	shalt  }
0x5a: {  	_ =	shalt  }
0x5b: {  	_ =	shalt  }
0x5c: {  	_ =	shalt  }
0x5d: {  	_ =	shalt  }
0x5e: {  	_ =	shalt  }
0x5f: {  	_ =	shalt  }
0x60: {  	_ =	shalt  }
0x61: {  	_ =	shalt  }
0x62: {  	_ =	shalt  }
0x63: {  	_ =	shalt  }
0x64: {  	_ =	shalt  }
0x65: {  	_ =	shalt  }
0x66: {  	_ =	shalt  }
0x67: {  	_ =	shalt  }
0x68: {  	_ =	shalt  }
0x69: {  	_ =	shalt  }
0x6a: {  	_ =	shalt  }
0x6b: {  	_ =	shalt  }
0x6c: {  	_ =	shalt  }
0x6d: {  	_ =	shalt  }
0x6e: {  	_ =	shalt  }
0x6f: {  	_ =	shalt  }
0x70: {  	_ =	shalt  }
0x71: {  	_ =	shalt  }
0x72: {  	_ =	shalt  }
0x73: {  	_ =	shalt  }
0x74: {  	_ =	shalt  }
0x75: {  	_ =	shalt  }
0x76: {  	_ =	shalt  }
0x77: {  	_ =	shalt  }
0x78: {  	_ =	shalt  }
0x79: {  	_ =	shalt  }
0x7a: {  	_ =	shalt  }
0x7b: {  	_ =	shalt  }
0x7c: {  	_ =	shalt  }
0x7d: {  	_ =	shalt  }
0x7e: {  	_ =	shalt  }
0x7f: {  	_ =	shalt  }
0x80: {  	_ =	shalt  }
0x81: {  	_ =	shalt  }
0x82: {  	_ =	shalt  }
0x83: {  	_ =	shalt  }
0x84: {  	_ =	shalt  }
0x85: {  	_ =	shalt  }
0x86: {  	_ =	shalt  }
0x87: {  	_ =	shalt  }
.Lfunc_end0:
.L_simem_size_0:
called_computation.1_lowered:
.L_overlay_start_0:
0x88: {  	s2 =	sld [smem:$0x3FD9]  }
0x89: {  	s3 =	sld [smem:$0x3FFE];
	_ =	sdelay $0x1  }
0x8a: {  	s1 =	srdreg.scid  }
0x8b: {  	s0 =	sand.u32 $0x1, s1  }
0x8c: {  	s17 =	sshll.u32 s0, $0xA;
	s2 =	sadd.s32 s3, s2  }
0x8d: {  	s2 =	sadd.s32 s2, s17  }
0x8e: {  	[smem:$0x3FAD] =	sst s2  }
0x8f: {  	_ = 	snop  }
0x90: {  	s18 =	sld [smem:$0x3FD0];
	(tm) =	ssettm $0x1  }
0x91: {  	s19 =	sld [smem:$0x3FFB];
	_ =	sdelay $0x3  }
0x92: {  	_ =	strace s19  }
0x93: {  	s2 =	sld [smem:$0x3FFC];
	_ =	sdelay $0x3  }
0x94: {  	_ =	strace s2  }
0x95: {  	s2 =	sld [smem:$0x3FFD];
	_ =	sdelay $0x3  }
0x96: {  	_ =	strace s2  }
0x97: {  	_ =	strace $0x8FFFFFFF  }
0x98: {  	s20 =	sld [smem:$0x3FDB];
	_ =	sdelay $0x1  }
0x99: {  	s4 =	simm.s32 $_scs_section_size  }
0x9a: {  	s5 =	simm.s32 $_size__tile_overlayer_lowered;
	s6 =	simm.s32 $_tile_overlayer_lowered  }
0x9b: {  	s7 =	simm.s32 $0x1BFF;
	s21 =	sshll.u32 s6, $0x1;
	s4 =	sadd.s32 s4, s20  }
0x9c: {  	s22 =	simm.s32 $0x0;
	s5 =	sshll.u32 s5, $0x1;
	s6 =	sadd.s32 s21, s4  }
0x9d: {  	[timem:s22], [sflag:s7] =	dma.local [hbm:s6], s5  }
0x9e: {  	_ =	swait.ge [sflag:s7], s5  }
0x9f: {  	s5 =	ssub.s32 $0x0, s5;
	[sflag:s7] =	ssyncset.done $0x0  }
0xa0: {  	[sflag:s7] =	ssyncadd.s32 s5;
	_ =	sdelay $0x1  }
0xa1: {  	s23 =	simm.s32 $0x1B8B  }
0xa2: {  	_ =	swait.ge [sflag:s23], $0x1  }
0xa3: {  	[sflag:s23] =	ssyncset.done $0x0  }
0xa4: {  	[sflag:s23] =	ssyncadd.s32 $0xFFFFFFFF  }
0xa5: {  	s5 =	sld [smem:$0x0]  }
0xa6: {  	s6 =	sand.u32 $0xFFFFFFFE, s1  }
0xa7: {  	p0 =	sne.s32 s1, s6  }
0xa8: {  	s6 =	sshll.u32 @p0 s6, $0xE  }
0xa9: {  	s6 =	sadd.s32 @p0 $0x11B8D, s6;
	s7 =	sshll.u32 @p0 s5, $0x11  }
0xaa: {  	s6 =	sor.u32 @p0 s7, s6  }
0xab: {  	[sflag:s6] =	ssyncadd.remote.s32 @p0 $0x1;
	_ =	sdelay $0x1  }
0xac: {  	s6 =	simm.s32 @p0 $0x1B8D  }
0xad: {  	_ =	swait.eq @p0 [sflag:s6], $0x1  }
0xae: {  	[sflag:s6] =	ssyncadd.s32 @p0 $0xFFFFFFFF  }
0xaf: {  	s7 =	sshll.u32 @!p0 s1, $0xE  }
0xb0: {  	s7 =	sor.u32 @!p0 $0x4000, s7;
	s6 =	simm.s32 @!p0 $0x1B8D  }
0xb1: {  	s5 =	sshll.u32 @!p0 s5, $0x11;
	s7 =	sadd.s32 @!p0 $0x11B8D, s7;
	_ =	swait.eq @!p0 [sflag:s6], $0x1  }
0xb2: {  	s5 =	sor.u32 @!p0 s5, s7;
	[sflag:s6] =	ssyncadd.s32 @!p0 $0xFFFFFFFF  }
0xb3: {  	s25 =	simm.s32 $0x1B8E;
	s24 =	sld [smem:$0x3FFE];
	[sflag:s5] =	ssyncadd.remote.s32 @!p0 $0x1  }
0xb4: {  	s26 =	simm.s32 $execute0_lowered;
	[smem:$0x3FD2] =	sst s25  }
0xb5: {  	s6 =	sshll.u32 s26, $0x1;
	_ =	strace $0x80000055;
	[dreg:$0x1] =	wrdreg $0xFFFFFFFF  }
0xb6: {  	s28 =	simm.s32 $_size_execute0_lowered;
	s4 =	sadd.s32 s4, s6;
	[dreg:$0x0] =	wrdreg $0x0  }
0xb7: {  	s6 =	sshll.u32 s28, $0x1;
	[dreg:$0x2] =	wrdreg s4  }
0xb8: {  	[dreg:$0x3] =	wrdreg s6  }
0xb9: {  	[dreg:$0x4] =	wrdreg $0xC0  }
0xba: {  	_ =	task [dreg:s22], $0x5FFFF  }
0xbb: {  	[dreg:$0x1] =	wrdreg $0xFFFFFFFF  }
0xbc: {  	[dreg:$0x0] =	wrdreg $0x60  }
0xbd: {  	[dreg:$0x2] =	wrdreg s24  }
0xbe: {  	[dreg:$0x3] =	wrdreg s18  }
0xbf: {  	[dreg:$0x4] =	wrdreg $0xA  }
0xc0: {  	_ =	task.clear_ibuf [dreg:s22], $0x5FFFF;
	_ =	strace $0x90000055  }
0xc1: {  	s29 =	simm.s32 $0xA;
	_ =	strace $0x80000057  }
0xc2: {  	_ =	swait.ge [sflag:s29], $0x1  }
0xc3: {  	[sflag:s29] =	ssyncadd.s32 $0xFFFFFFFF  }
0xc4: {  	_ =	strace $0x90000057  }
0xc5: {  	_ =	sfence  }
0xc6: {  	s30 =	sld [smem:$0x0];
	_ =	sdelay $0x2  }
0xc7: {  	s31 =	sshll.u32 s1, $0xD;
	s1 =	sshrl.u32 s1, $0x2  }
0xc8: {  	s4 =	sand.u32 $0x4000, s31;
	s1 =	sadd.s32 s1, s30  }
0xc9: {  	s0 =	sor.u32 s4, s0;
	s1 =	sshll.u32 s1, $0x11  }
0xca: {  	s0 =	sor.u32 s1, s0  }
0xcb: {  	s0 =	sadd.s32 $0x8F2B, s0  }
0xcc: {  	[sflag:s0] =	ssyncadd.remote.s32 $0x1  }
0xcd: {  	_ =	sfence.sel $0xFFFF  }
0xce: {  	[dreg:$0x0] =	wrdreg $0xFFFFFFFF;
	(pc) =	sbr.abs _section_cstart, $3  }
0xcf: {  	[dreg:$0x1] =	wrdreg $0xFFFFFFFF  }
0xd0: {  	_ =	task.clear_ibuf [dreg:s22], $0x2FFFF;
	_ =	strace $0x9FFFFFFF  }
0xd1: {  	(tm) =	ssettm $0x7FFFFFFF  }
tec
execute0_lowered:
.L_overlay_start_1:
0x0: {  	(tag) =	ssettag $0x1  }
0x1: {  	s7 =	rddreg [dreg:$0x0]  }
0x2: {  	s2 =	rddreg [dreg:$0x1]  }
0x3: {  	s0 =	rddreg [dreg:$0x2]  }
0x4: {  	s1 =	srdreg.scid;
	_ =	strace $0x80000056;
	s4 =	simm.s32 $0x1  }
0x5: {  	s9 =	simm.s32 $0x3;
	s12 =	simm.s32 $0x0;
	s5 =	sshll.u32 s1, $0x4  }
.Ltmp0:
0x6: {  	s1 =	stileid.u32;
	s5 =	sand.u32 $0x10, s5;
	(pc) =	sbr.rel .LBB2_1-.Ltmp0, $4  }
0x7: {  	s10 =	simm.s32 $0x0;
	s3 =	sadd.s32 $0x69A00, s7;
	s6 =	sor.u32 s1, s5  }
0x8: {  	[sflag:s4] =	ssyncpa.u1 $0x0;
	s5 =	simm.s32 $0x2;
	s6 =	sshll.u32 s6, $0x7  }
0x9: {  	s7 =	sadd.s32 $0x2B3000, s7;
	[sflag:s5] =	ssyncpa.u1 $0x0;
	s8 =	sadd.s32 $0x80, s6  }
0xa: {  	vm0 =	vmmov $0xff;
	vm1 =	vcmask $0x3F20;
	[sflag:s9] =	ssyncpa.u1 $0x0;
	s9 =	simm.s32 $0x80;
	s11 =	smov.u32 s6  }
.LBB2_9:
0xb: {  	p0 =	seq.s32 s10, $0x2  }
.Ltmp1:
0xc: {  	_ = 	snop;
	(pc) =	sbr.rel @p0 .LBB2_11-.Ltmp1, $1  }
0xd: {  	_ =	sdelay $0x3  }
.LBB2_10:
0xe: {  	s12 =	sadd.s32 $0x80, s11  }
0xf: {  	s13 =	smov.u32 s6;
	p0 =	slt.s32 s12, s8  }
0x10: {  	s13 =	smov.u32 @p0 s12  }
0x11: {  	s10 =	sadd.s32 $0x1, s10;
	s12 =	smov.u32 s11;
	s11 =	smov.u32 s13  }
.LBB2_1:
0x12: {  	p0 =	sne.s32 s10, $0x0  }
.Ltmp2:
0x13: {  	_ = 	snop;
	(pc) =	sbr.rel @!p0 .LBB2_2-.Ltmp2, $1  }
0x14: {  	_ =	sdelay $0x3  }
0x15: {  	s13 =	sand.u32 $0x1, s10  }
0x16: {  	p0 =	seq.s32 s13, $0x0  }
.Ltmp3:
0x17: {  	_ = 	snop;
	(pc) =	sbr.rel @p0 .LBB2_9-.Ltmp3, $1  }
0x18: {  	_ =	sdelay $0x3  }
0x19: {  	_ =	swait.ge [sflag:s5], $0x80  }
0x1a: {  	[sflag:s5] =	ssyncset.done $0x0  }
0x1b: {  	s13 =	simm.s32 $0x0;
	[sflag:s5] =	ssyncadd.s32 $0xFFFFFF80  }
0x1c: {  	v0 =	vld.msk [tilespmem:s13+$0x80 ss:$0x1], $0xffff;
	_ =	sdelay $0x4  }
0x1d: {  	vm2 =	vgt.s32 v0, $0x0  }
0x1e: {  	v0 =	vnsel vm2, $0x0, v0  }
0x1f: {  	v0 =	vmin.u32 v0, $0xC34F  }
0x20: {  	v0 =	vshll.u32 v0, $0x4;
	_ =	sdelay $0x3  }
0x21: {  	s13 =	simm.s32 $0x4100  }
0x22: {  	[tilespmem:s13], [sflag:$0x1] =	stream.indirect_vreg.gather [hbm:s3], $0x80, v0, vm0, $0x38;
	[tilespmem:$0x8100] =	vst v63  }
0x23: {  	s14 =	simm.s32 $0x4500;
	s31 =	simm.s32 $0x10  }
0x24: {  	[tilespmem:s14], [sflag:$0x1] =	stream.indirect_vreg.gather [hbm:s3], $0x80, v0, vm1, $0x38;
	[tilespmem:$0x8100] =	vst v63  }
0x25: {  	s14 =	simm.s32 $0x80;
	v0 =	vld.msk [tilespmem:s31+$0x80 ss:$0x1], $0xffff  }
.LBB2_5:
0x26: {  	p0 =	sne.s32 s14, $0x1C0;
	_ =	sdelay $0x4  }
0x27: {  	vm2 =	vgt.s32 v0, $0x0  }
0x28: {  	v0 =	vnsel vm2, $0x0, v0  }
0x29: {  	v0 =	vmin.u32 v0, $0xC34F  }
0x2a: {  	v0 =	vshll.u32 v0, $0x4;
	_ =	sdelay $0x3  }
.Ltmp4:
0x2b: {  	s13 =	sadd.s32 $0x800, s13;
	(pc) =	sbr.rel @p0 .LBB2_5-.Ltmp4, $4  }
0x2c: {  	[tilespmem:s13], [sflag:$0x1] =	stream.indirect_vreg.gather [hbm:s3], $0x80, v0, vm0, $0x38;
	[tilespmem:$0x8100] =	vst v63  }
0x2d: {  	s15 =	sshra.s32 s14, $0x2;
	s16 =	sadd.s32 $0x400, s13  }
0x2e: {  	[tilespmem:s16], [sflag:$0x1] =	stream.indirect_vreg.gather [hbm:s3], $0x80, v0, vm1, $0x38;
	[tilespmem:$0x8100] =	vst v63  }
0x2f: {  	s14 =	sadd.s32 $0x40, s14;
	v0 =	vld.msk [tilespmem:s15+$0x80 ss:$0x1], $0xffff  }
0x30: {  	_ =	sdelay $0x3  }
0x31: {  	vm2 =	vgt.s32 v0, $0x0  }
0x32: {  	v0 =	vnsel vm2, $0x0, v0  }
0x33: {  	v0 =	vmin.u32 v0, $0xC34F  }
0x34: {  	v0 =	vshll.u32 v0, $0x4;
	_ =	sdelay $0x3  }
0x35: {  	s13 =	sadd.s32 $0x800, s13  }
0x36: {  	[tilespmem:s13], [sflag:$0x1] =	stream.indirect_vreg.gather [hbm:s3], $0x80, v0, vm0, $0x38;
	[tilespmem:$0x8100] =	vst v63  }
0x37: {  	s13 =	sadd.s32 $0x400, s13  }
0x38: {  	[tilespmem:s13], [sflag:$0x1] =	stream.indirect_vreg.gather [hbm:s3], $0x80, v0, vm1, $0x38;
	[tilespmem:$0x8100] =	vst v63  }
0x39: {  	s12 =	sshll.u32 s12, $0x4;
	s14 =	simm.s32 $0x80;
	_ =	swait.ge [sflag:s4], $0x4000  }
0x3a: {  	s15 =	simm.s32 $0x4500;
	s12 =	sadd.s32 s12, s7;
	[sflag:s4] =	ssyncset.done $0x0  }
0x3b: {  	s16 =	sadd.s32 $0x0, s12;
	s13 =	simm.s32 $0x4100;
	[sflag:s4] =	ssyncadd.s32 $0xFFFFC000  }
.LBB2_7:
0x3c: {  	[hbm:s16] =	stream.linear.scatter [tilespmem:s13], [sflag:$0x3], $0x400, $0x38;
	[tilespmem:$0x8100] =	vst v63  }
0x3d: {  	s16 =	smov.u32 s14;
	s13 =	smov.u32 s15;
	p0 =	sne.s32 s14, $0x780  }
.Ltmp5:
0x3e: {  	s14 =	sadd.s32 $0x80, s14;
	(pc) =	sbr.rel @p0 .LBB2_7-.Ltmp5, $2  }
0x3f: {  	_ =	sdelay $0x2  }
0x40: {  	s15 =	sadd.s32 $0x400, s15;
	s16 =	sadd.s32 s16, s12  }
.Ltmp6:
0x41: {  	(pc) =	sbr.rel .LBB2_9-.Ltmp6, $2  }
0x42: {  	_ =	sdelay $0x2  }
0x43: {  	[hbm:s16] =	stream.linear.scatter [tilespmem:s13], [sflag:$0x3], $0x400, $0x38;
	[tilespmem:$0x8100] =	vst v63  }
.LBB2_2:
.Ltmp7:
0x44: {  	(pc) =	sbr.rel .LBB2_10-.Ltmp7, $4  }
0x45: {  	_ = 	snop  }
0x46: {  	s12 =	sshrl.u32 s11, $0x3  }
0x47: {  	s13 =	sand.u32 $0x7, s11;
	s12 =	sadd.s32 s2, s12  }
0x48: {  	[tilespmem:s9], [sflag:$0x2] =	stream.linear.gather [hbm4b:s12+s13], $0x80, $0x38;
	[tilespmem:$0x8100] =	vst v63  }
.LBB2_11:
0x49: {  	s2 =	simm.s32 $0x3  }
0x4a: {  	_ =	swait.ge [sflag:s2], $0x4000  }
0x4b: {  	[sflag:s2] =	ssyncset.done $0x0  }
0x4c: {  	[sflag:s2] =	ssyncadd.s32 $0xFFFFC000  }
0x4d: {  	_ =	sfence.sel $0x180000  }
0x4e: {  	s3 =	simm.s32 $0x2;
	[bflag:$0x0] =	sbarrier.arrive $0xFFFF  }
0x4f: {  	[sflag:s3] =	ssyncpa.u1 $0x1  }
0x50: {  	s31 =	simm.s32 $0x1;
	[sflag:s2] =	ssyncpa.u1 $0x1  }
0x51: {  	[sflag:s31] =	ssyncpa.u1 $0x1  }
0x52: {  	p0 =	sne.s32 s1, $0x0;
	_ =	strace $0x90000056  }
0x53: {  	s0 =	sadd.s32 @!p0 $0x100000, s0;
	[bflag:$0x2] =	sbarrier.arrive $0xFFFF  }
0x54: {  	[sflag:s0] =	ssyncadd.tile.s32 @!p0 $0x1;
	_ =	shalt  }
.Lfunc_end2:
_tile_overlayer_lowered:
.L_overlay_start_2:
0x55: {  	(tag) =	ssettag $0x2  }
0x56: {  	s0 =	rddreg [dreg:$0x0];
	s2 =	stileid.u32  }
0x57: {  	s1 =	rddreg [dreg:$0x1];
	p0 =	sne.s32 s2, $0x0  }
0x58: {  	s3 =	rddreg [dreg:$0x2];
	[bflag:$0x3] =	sbarrier.arrive $0xFFFF;
	s2 =	simm.s32 @!p0 $0x1C01  }
0x59: {  	[timem:s3], [sflag:s2] =	dma.local @!p0 [hbm:s0], s1  }
0x5a: {  	s0 =	simm.s32 @!p0 $0x1  }
0x5b: {  	_ =	swait.ge @!p0 [sflag:s0], s1  }
0x5c: {  	s1 =	ssub.s32 @!p0 $0x0, s1;
	[sflag:s0] =	ssyncset.done @!p0 $0x0  }
0x5d: {  	[sflag:s0] =	ssyncadd.s32 @!p0 s1  }
0x5e: {  	[bflag:$0x3] =	sbarrier.arrive $0xFFFF  }
0x5f: {  	_ =	shalt  }

// kernel: gather_offload_async_start.2
scs
__scs_entry_jumppad:
0x0: {  	(pc) =	sbr.rel $0x88, $3  }
0x1: {  	(tag) =	ssettag $0x0;
	lr =	simm.s32 $0x1  }
0x2: {  	[smem:$0x3F86] =	sst lr;
	_ =	strace $0xD0000000  }
0x3: {  	_ = 	snop  }
0x4: {  	_ = 	snop  }
0x5: {  	_ = 	snop  }
0x6: {  	_ = 	snop  }
0x7: {  	_ = 	snop  }
__scs_overlays_trampoline_lowered:
0x8: {  	[smem:$0x3F95] =	sst s0  }
0x9: {  	[smem:$0x3F96] =	sst s1  }
0xa: {  	[smem:$0x3F97] =	sst s2  }
0xb: {  	[smem:$0x3F98] =	sst s3  }
0xc: {  	[smem:$0x3F99] =	sst s4  }
0xd: {  	[smem:$0x3F9A] =	sst s5  }
0xe: {  	[smem:$0x3F9B] =	sst s6  }
0xf: {  	[smem:$0x3F9C] =	sst s7  }
0x10: {  	[smem:$0x3F9D] =	sst s8  }
0x11: {  	[smem:$0x3F9E] =	sst s9;
	s0 =	simm.s32 @!p0 $0x0  }
0x12: {  	s1 =	sld [smem:$0x3F84];
	s0 =	simm.s32 @p0 $0x1  }
0x13: {  	[smem:$0x3F9F] =	sst s0;
	s0 =	simm.s32 @!p1 $0x0  }
0x14: {  	s2 =	sld [smem:$0x3F83];
	s0 =	simm.s32 @p1 $0x1  }
0x15: {  	[smem:$0x3FA0] =	sst s0;
	s0 =	simm.s32 @!p2 $0x0  }
0x16: {  	s3 =	sld [smem:$0x3FDB];
	s0 =	simm.s32 @p2 $0x1  }
0x17: {  	s4 =	simm.s32 $0x1BF5;
	[smem:$0x3FA2] =	sst s0  }
0x18: {  	s0 =	sld [smem:$0x3F85];
	_ =	swait.ge [sflag:s4], $0x0  }
0x19: {  	s7 =	sld [smem:$0x3F86]  }
0x1a: {  	s8 =	sadd.s32 $0xFFFFE003, lr  }
0x1b: {  	s9 =	sadd.s32 $0xFFFFFEF7, lr;
	s5 =	simm.s32 $0xFFFFFFFF;
	p2 =	slt.u32 s8, $0xFFFFF086  }
0x1c: {  	p1 =	slt.u32 s9, $0xF7A;
	s5 =	simm.s32 @!p2 $0x0  }
0x1d: {  	s5 =	simm.s32 @p1 $0x1;
	p0 =	seq.s32 s7, s2  }
0x1e: {  	s7 =	smul.u32 @!p0 $0xF7A, s2;
	p2 =	seq.s32 @!p0 s5, $0x0  }
0x1f: {  	s9 =	smul.u32 $0xF7A, s1;
	s8 =	simm.s32 @!p0 $0x1BF5;
	p2 =	por !p2, p0  }
0x20: {  	[sflag:s8] =	ssyncset.s32 @!p0 $0xFFFFF086;
	s6 =	sadd.s32 @!p0 s3, s7;
	s7 =	simm.s32 @!p0 $0x108  }
0x21: {  	s3 =	sadd.s32 s3, s9;
	s6 =	sadd.s32 @!p0 $0x88, s6;
	s7 =	simm.s32 @p2 $0x1082  }
0x22: {  	[simem:s7], [sflag:s8] =	dma.local @!p0 [hbm:s6], $0xF7A  }
0x23: {  	s9 =	sor.u32 $0xD0000000, s2;
	s6 =	simm.s32 $0x108;
	_ =	swait.ge @!p0 [sflag:s8], $0x0  }
0x24: {  	s3 =	sadd.s32 $0x88, s3;
	s6 =	simm.s32 @!p1 $0x1082;
	[sflag:s4] =	ssyncset.s32 $0xFFFFF086  }
0x25: {  	[simem:s6], [sflag:s4] =	dma.local [hbm:s3], $0xF7A  }
0x26: {  	[smem:$0x3F86] =	sst s1;
	(tag) =	ssettag s2;
	_ =	strace s9  }
0x27: {  	s1 =	sld [smem:$0x3F96]  }
0x28: {  	s2 =	sld [smem:$0x3F97]  }
0x29: {  	s4 =	sld [smem:$0x3F99]  }
0x2a: {  	p0 =	seq.s32 s5, $0x0;
	s5 =	sld [smem:$0x3F9A]  }
0x2b: {  	s6 =	sld [smem:$0x3F9B]  }
0x2c: {  	s7 =	sld [smem:$0x3F9C]  }
0x2d: {  	s3 =	simm.s32 $0x108;
	s8 =	sld [smem:$0x3F9D]  }
0x2e: {  	s3 =	simm.s32 @!p0 $0x1082;
	s9 =	sld [smem:$0x3F9E]  }
0x2f: {  	lr =	sadd.s32 s0, s3;
	s0 =	sld [smem:$0x3F95]  }
0x30: {  	s3 =	sld [smem:$0x3F98]  }
0x31: {  	[smem:$0x3FA1] =	sst s10  }
0x32: {  	s10 =	sld [smem:$0x3F9F];
	_ =	sdelay $0x3  }
0x33: {  	p0 =	seq.s32 s10, $0x1;
	s10 =	sld [smem:$0x3FA1];
	_ =	sdelay $0x3  }
0x34: {  	[smem:$0x3FA1] =	sst s10  }
0x35: {  	s10 =	sld [smem:$0x3FA0];
	_ =	sdelay $0x3  }
0x36: {  	p1 =	seq.s32 s10, $0x1;
	s10 =	sld [smem:$0x3FA1];
	_ =	sdelay $0x3  }
0x37: {  	[smem:$0x3FA1] =	sst s10  }
0x38: {  	s10 =	sld [smem:$0x3FA2]  }
0x39: {  	_ = 	snop;
	(pc) =	sbr.ind lr, $3  }
0x3a: {  	_ = 	snop  }
0x3b: {  	_ = 	snop  }
0x3c: {  	p2 =	seq.s32 s10, $0x1;
	s10 =	sld [smem:$0x3FA1]  }
0x3d: {  	_ =	shalt  }
0x3e: {  	_ =	shalt  }
0x3f: {  	_ =	shalt  }
0x40: {  	_ =	shalt  }
0x41: {  	_ =	shalt  }
0x42: {  	_ =	shalt  }
0x43: {  	_ =	shalt  }
0x44: {  	_ =	shalt  }
0x45: {  	_ =	shalt  }
0x46: {  	_ =	shalt  }
0x47: {  	_ =	shalt  }
0x48: {  	_ =	shalt  }
0x49: {  	_ =	shalt  }
0x4a: {  	_ =	shalt  }
0x4b: {  	_ =	shalt  }
0x4c: {  	_ =	shalt  }
0x4d: {  	_ =	shalt  }
0x4e: {  	_ =	shalt  }
0x4f: {  	_ =	shalt  }
0x50: {  	_ =	shalt  }
0x51: {  	_ =	shalt  }
0x52: {  	_ =	shalt  }
0x53: {  	_ =	shalt  }
0x54: {  	_ =	shalt  }
0x55: {  	_ =	shalt  }
0x56: {  	_ =	shalt  }
0x57: {  	_ =	shalt  }
0x58: {  	_ =	shalt  }
0x59: {  	_ =	shalt  }
0x5a: {  	_ =	shalt  }
0x5b: {  	_ =	shalt  }
0x5c: {  	_ =	shalt  }
0x5d: {  	_ =	shalt  }
0x5e: {  	_ =	shalt  }
0x5f: {  	_ =	shalt  }
0x60: {  	_ =	shalt  }
0x61: {  	_ =	shalt  }
0x62: {  	_ =	shalt  }
0x63: {  	_ =	shalt  }
0x64: {  	_ =	shalt  }
0x65: {  	_ =	shalt  }
0x66: {  	_ =	shalt  }
0x67: {  	_ =	shalt  }
0x68: {  	_ =	shalt  }
0x69: {  	_ =	shalt  }
0x6a: {  	_ =	shalt  }
0x6b: {  	_ =	shalt  }
0x6c: {  	_ =	shalt  }
0x6d: {  	_ =	shalt  }
0x6e: {  	_ =	shalt  }
0x6f: {  	_ =	shalt  }
0x70: {  	_ =	shalt  }
0x71: {  	_ =	shalt  }
0x72: {  	_ =	shalt  }
0x73: {  	_ =	shalt  }
0x74: {  	_ =	shalt  }
0x75: {  	_ =	shalt  }
0x76: {  	_ =	shalt  }
0x77: {  	_ =	shalt  }
0x78: {  	_ =	shalt  }
0x79: {  	_ =	shalt  }
0x7a: {  	_ =	shalt  }
0x7b: {  	_ =	shalt  }
0x7c: {  	_ =	shalt  }
0x7d: {  	_ =	shalt  }
0x7e: {  	_ =	shalt  }
0x7f: {  	_ =	shalt  }
0x80: {  	_ =	shalt  }
0x81: {  	_ =	shalt  }
0x82: {  	_ =	shalt  }
0x83: {  	_ =	shalt  }
0x84: {  	_ =	shalt  }
0x85: {  	_ =	shalt  }
0x86: {  	_ =	shalt  }
0x87: {  	_ =	shalt  }
.Lfunc_end0:
.L_simem_size_0:
called_computation.2_lowered:
.L_overlay_start_0:
0x88: {  	s2 =	sld [smem:$0x3FD9]  }
0x89: {  	s3 =	sld [smem:$0x3FFE];
	_ =	sdelay $0x1  }
0x8a: {  	s1 =	srdreg.scid  }
0x8b: {  	s0 =	sand.u32 $0x1, s1  }
0x8c: {  	s17 =	sshll.u32 s0, $0xA;
	s2 =	sadd.s32 s3, s2  }
0x8d: {  	s2 =	sadd.s32 s2, s17  }
0x8e: {  	[smem:$0x3FAD] =	sst s2  }
0x8f: {  	_ = 	snop  }
0x90: {  	(tm) =	ssettm $0x1  }
0x91: {  	s18 =	sld [smem:$0x3FFB];
	_ =	sdelay $0x3  }
0x92: {  	_ =	strace s18  }
0x93: {  	s2 =	sld [smem:$0x3FFC];
	_ =	sdelay $0x3  }
0x94: {  	_ =	strace s2  }
0x95: {  	s2 =	sld [smem:$0x3FFD];
	_ =	sdelay $0x3  }
0x96: {  	_ =	strace s2  }
0x97: {  	_ =	strace $0x8FFFFFFF  }
0x98: {  	s19 =	sld [smem:$0x3FDB];
	_ =	sdelay $0x1  }
0x99: {  	s20 =	simm.s32 $_scs_section_size  }
0x9a: {  	s4 =	simm.s32 $_size__tile_overlayer_lowered;
	s5 =	simm.s32 $_tile_overlayer_lowered  }
0x9b: {  	s6 =	simm.s32 $0x1BFF;
	s21 =	sshll.u32 s5, $0x1;
	s3 =	sadd.s32 s20, s19  }
0x9c: {  	s22 =	simm.s32 $0x0;
	s4 =	sshll.u32 s4, $0x1;
	s5 =	sadd.s32 s21, s3  }
0x9d: {  	[timem:s22], [sflag:s6] =	dma.local [hbm:s5], s4  }
0x9e: {  	_ =	swait.ge [sflag:s6], s4  }
0x9f: {  	s4 =	ssub.s32 $0x0, s4;
	[sflag:s6] =	ssyncset.done $0x0  }
0xa0: {  	[sflag:s6] =	ssyncadd.s32 s4;
	_ =	sdelay $0x1  }
0xa1: {  	s23 =	simm.s32 $0x1B8B  }
0xa2: {  	_ =	swait.ge [sflag:s23], $0x1  }
0xa3: {  	[sflag:s23] =	ssyncset.done $0x0  }
0xa4: {  	[sflag:s23] =	ssyncadd.s32 $0xFFFFFFFF  }
0xa5: {  	s4 =	sld [smem:$0x0]  }
0xa6: {  	s5 =	sand.u32 $0xFFFFFFFE, s1  }
0xa7: {  	p0 =	sne.s32 s1, s5  }
0xa8: {  	s5 =	sshll.u32 @p0 s5, $0xE  }
0xa9: {  	s5 =	sadd.s32 @p0 $0x11B8D, s5;
	s6 =	sshll.u32 @p0 s4, $0x11  }
0xaa: {  	s5 =	sor.u32 @p0 s6, s5  }
0xab: {  	[sflag:s5] =	ssyncadd.remote.s32 @p0 $0x1;
	_ =	sdelay $0x1  }
0xac: {  	s5 =	simm.s32 @p0 $0x1B8D  }
0xad: {  	_ =	swait.eq @p0 [sflag:s5], $0x1  }
0xae: {  	[sflag:s5] =	ssyncadd.s32 @p0 $0xFFFFFFFF  }
0xaf: {  	s6 =	sshll.u32 @!p0 s1, $0xE  }
0xb0: {  	s6 =	sor.u32 @!p0 $0x4000, s6;
	s5 =	simm.s32 @!p0 $0x1B8D  }
0xb1: {  	s4 =	sshll.u32 @!p0 s4, $0x11;
	s6 =	sadd.s32 @!p0 $0x11B8D, s6;
	_ =	swait.eq @!p0 [sflag:s5], $0x1  }
0xb2: {  	s4 =	sor.u32 @!p0 s4, s6;
	[sflag:s5] =	ssyncadd.s32 @!p0 $0xFFFFFFFF  }
0xb3: {  	s25 =	simm.s32 $0x1B8E;
	s24 =	sld [smem:$0x3FFE];
	[sflag:s4] =	ssyncadd.remote.s32 @!p0 $0x1  }
0xb4: {  	s26 =	simm.s32 $execute0_lowered;
	[smem:$0x3FD2] =	sst s25  }
0xb5: {  	s5 =	sshll.u32 s26, $0x1;
	_ =	strace $0x80000058;
	[dreg:$0x1] =	wrdreg $0xFFFFFFFF  }
0xb6: {  	s28 =	simm.s32 $_size_execute0_lowered;
	s3 =	sadd.s32 s3, s5;
	[dreg:$0x0] =	wrdreg $0x0  }
0xb7: {  	s5 =	sshll.u32 s28, $0x1;
	[dreg:$0x2] =	wrdreg s3  }
0xb8: {  	[dreg:$0x3] =	wrdreg s5  }
0xb9: {  	[dreg:$0x4] =	wrdreg $0xC0  }
0xba: {  	_ =	task [dreg:s22], $0x5FFFF  }
0xbb: {  	[dreg:$0x1] =	wrdreg $0xFFFFFFFF  }
0xbc: {  	[dreg:$0x0] =	wrdreg $0x60  }
0xbd: {  	[dreg:$0x2] =	wrdreg s24  }
0xbe: {  	[dreg:$0x3] =	wrdreg $0xB  }
0xbf: {  	_ =	task.clear_ibuf [dreg:s22], $0x4FFFF;
	_ =	strace $0x90000058  }
0xc0: {  	s29 =	simm.s32 $0xB;
	_ =	strace $0x8000005A  }
0xc1: {  	_ =	swait.ge [sflag:s29], $0x1  }
0xc2: {  	[sflag:s29] =	ssyncadd.s32 $0xFFFFFFFF  }
0xc3: {  	_ =	strace $0x9000005A  }
0xc4: {  	_ =	sfence  }
0xc5: {  	s30 =	sld [smem:$0x0];
	_ =	sdelay $0x2  }
0xc6: {  	s31 =	sshll.u32 s1, $0xD;
	s1 =	sshrl.u32 s1, $0x2  }
0xc7: {  	s4 =	sand.u32 $0x4000, s31;
	s1 =	sadd.s32 s1, s30  }
0xc8: {  	s0 =	sor.u32 s4, s0;
	s1 =	sshll.u32 s1, $0x11  }
0xc9: {  	s0 =	sor.u32 s1, s0  }
0xca: {  	s0 =	sadd.s32 $0x8F2B, s0  }
0xcb: {  	[sflag:s0] =	ssyncadd.remote.s32 $0x1  }
0xcc: {  	_ =	sfence.sel $0xFFFF  }
0xcd: {  	[dreg:$0x0] =	wrdreg $0xFFFFFFFF;
	(pc) =	sbr.abs _section_cstart, $3  }
0xce: {  	[dreg:$0x1] =	wrdreg $0xFFFFFFFF  }
0xcf: {  	_ =	task.clear_ibuf [dreg:s22], $0x2FFFF;
	_ =	strace $0x9FFFFFFF  }
0xd0: {  	(tm) =	ssettm $0x7FFFFFFF  }
0xd1: {  	_ =	shalt  }
tec
execute0_lowered:
.L_overlay_start_1:
0x0: {  	(tag) =	ssettag $0x1  }
0x1: {  	s7 =	rddreg [dreg:$0x0]  }
0x2: {  	s0 =	rddreg [dreg:$0x1];
	_ =	strace $0x80000059  }
0x3: {  	s1 =	srdreg.scid;
	s4 =	simm.s32 $0x1;
	s9 =	simm.s32 $0x3  }
0x4: {  	s12 =	simm.s32 $0x0;
	s10 =	simm.s32 $0x0;
	s5 =	sshll.u32 s1, $0x4  }
.Ltmp0:
0x5: {  	s1 =	stileid.u32;
	s5 =	sand.u32 $0x10, s5;
	(pc) =	sbr.rel .LBB2_1-.Ltmp0, $4  }
0x6: {  	s2 =	sadd.s32 $0x2C3000, s7;
	s3 =	sadd.s32 $0x38E00, s7;
	s6 =	sor.u32 s1, s5  }
0x7: {  	[sflag:s4] =	ssyncpa.u1 $0x0;
	s5 =	simm.s32 $0x2;
	s6 =	sshll.u32 s6, $0x7  }
0x8: {  	s7 =	sadd.s32 $0x49000, s7;
	[sflag:s5] =	ssyncpa.u1 $0x0;
	s8 =	sadd.s32 $0x80, s6  }
0x9: {  	vm0 =	vmmov $0xff;
	vm1 =	vcmask $0x3F20;
	[sflag:s9] =	ssyncpa.u1 $0x0;
	s9 =	simm.s32 $0x80;
	s11 =	smov.u32 s6  }
.LBB2_9:
0xa: {  	p0 =	seq.s32 s10, $0x2  }
.Ltmp1:
0xb: {  	_ = 	snop;
	(pc) =	sbr.rel @p0 .LBB2_11-.Ltmp1, $1  }
0xc: {  	_ =	sdelay $0x3  }
.LBB2_10:
0xd: {  	s12 =	sadd.s32 $0x80, s11  }
0xe: {  	s13 =	smov.u32 s6;
	p0 =	slt.s32 s12, s8  }
0xf: {  	s13 =	smov.u32 @p0 s12  }
0x10: {  	s10 =	sadd.s32 $0x1, s10;
	s12 =	smov.u32 s11;
	s11 =	smov.u32 s13  }
.LBB2_1:
0x11: {  	p0 =	sne.s32 s10, $0x0  }
.Ltmp2:
0x12: {  	_ = 	snop;
	(pc) =	sbr.rel @!p0 .LBB2_2-.Ltmp2, $1  }
0x13: {  	_ =	sdelay $0x3  }
0x14: {  	s13 =	sand.u32 $0x1, s10  }
0x15: {  	p0 =	seq.s32 s13, $0x0  }
.Ltmp3:
0x16: {  	_ = 	snop;
	(pc) =	sbr.rel @p0 .LBB2_9-.Ltmp3, $1  }
0x17: {  	_ =	sdelay $0x3  }
0x18: {  	_ =	swait.ge [sflag:s5], $0x80  }
0x19: {  	[sflag:s5] =	ssyncset.done $0x0  }
0x1a: {  	s13 =	simm.s32 $0x0;
	[sflag:s5] =	ssyncadd.s32 $0xFFFFFF80  }
0x1b: {  	v0 =	vld.msk [tilespmem:s13+$0x80 ss:$0x1], $0xffff;
	_ =	sdelay $0x4  }
0x1c: {  	vm2 =	vgt.s32 v0, $0x0  }
0x1d: {  	v0 =	vnsel vm2, $0x0, v0  }
0x1e: {  	v0 =	vmin.u32 v0, $0xC34F  }
0x1f: {  	v0 =	vshll.u32 v0, $0x4;
	_ =	sdelay $0x3  }
0x20: {  	s13 =	simm.s32 $0x4100  }
0x21: {  	[tilespmem:s13], [sflag:$0x1] =	stream.indirect_vreg.gather [hbm:s2], $0x80, v0, vm0, $0x38;
	[tilespmem:$0x8100] =	vst v63  }
0x22: {  	s14 =	simm.s32 $0x4500;
	s31 =	simm.s32 $0x10  }
0x23: {  	[tilespmem:s14], [sflag:$0x1] =	stream.indirect_vreg.gather [hbm:s2], $0x80, v0, vm1, $0x38;
	[tilespmem:$0x8100] =	vst v63  }
0x24: {  	s14 =	simm.s32 $0x80;
	v0 =	vld.msk [tilespmem:s31+$0x80 ss:$0x1], $0xffff  }
.LBB2_5:
0x25: {  	p0 =	sne.s32 s14, $0x1C0;
	_ =	sdelay $0x4  }
0x26: {  	vm2 =	vgt.s32 v0, $0x0  }
0x27: {  	v0 =	vnsel vm2, $0x0, v0  }
0x28: {  	v0 =	vmin.u32 v0, $0xC34F  }
0x29: {  	v0 =	vshll.u32 v0, $0x4;
	_ =	sdelay $0x3  }
.Ltmp4:
0x2a: {  	s13 =	sadd.s32 $0x800, s13;
	(pc) =	sbr.rel @p0 .LBB2_5-.Ltmp4, $4  }
0x2b: {  	[tilespmem:s13], [sflag:$0x1] =	stream.indirect_vreg.gather [hbm:s2], $0x80, v0, vm0, $0x38;
	[tilespmem:$0x8100] =	vst v63  }
0x2c: {  	s15 =	sshra.s32 s14, $0x2;
	s16 =	sadd.s32 $0x400, s13  }
0x2d: {  	[tilespmem:s16], [sflag:$0x1] =	stream.indirect_vreg.gather [hbm:s2], $0x80, v0, vm1, $0x38;
	[tilespmem:$0x8100] =	vst v63  }
0x2e: {  	s14 =	sadd.s32 $0x40, s14;
	v0 =	vld.msk [tilespmem:s15+$0x80 ss:$0x1], $0xffff  }
0x2f: {  	_ =	sdelay $0x3  }
0x30: {  	vm2 =	vgt.s32 v0, $0x0  }
0x31: {  	v0 =	vnsel vm2, $0x0, v0  }
0x32: {  	v0 =	vmin.u32 v0, $0xC34F  }
0x33: {  	v0 =	vshll.u32 v0, $0x4;
	_ =	sdelay $0x3  }
0x34: {  	s13 =	sadd.s32 $0x800, s13  }
0x35: {  	[tilespmem:s13], [sflag:$0x1] =	stream.indirect_vreg.gather [hbm:s2], $0x80, v0, vm0, $0x38;
	[tilespmem:$0x8100] =	vst v63  }
0x36: {  	s13 =	sadd.s32 $0x400, s13  }
0x37: {  	[tilespmem:s13], [sflag:$0x1] =	stream.indirect_vreg.gather [hbm:s2], $0x80, v0, vm1, $0x38;
	[tilespmem:$0x8100] =	vst v63  }
0x38: {  	s12 =	sshll.u32 s12, $0x4;
	s14 =	simm.s32 $0x80;
	_ =	swait.ge [sflag:s4], $0x4000  }
0x39: {  	s15 =	simm.s32 $0x4500;
	s12 =	sadd.s32 s12, s7;
	[sflag:s4] =	ssyncset.done $0x0  }
0x3a: {  	s16 =	sadd.s32 $0x0, s12;
	s13 =	simm.s32 $0x4100;
	[sflag:s4] =	ssyncadd.s32 $0xFFFFC000  }
.LBB2_7:
0x3b: {  	[hbm:s16] =	stream.linear.scatter [tilespmem:s13], [sflag:$0x3], $0x400, $0x38;
	[tilespmem:$0x8100] =	vst v63  }
0x3c: {  	s16 =	smov.u32 s14;
	s13 =	smov.u32 s15;
	p0 =	sne.s32 s14, $0x780  }
.Ltmp5:
0x3d: {  	s14 =	sadd.s32 $0x80, s14;
	(pc) =	sbr.rel @p0 .LBB2_7-.Ltmp5, $2  }
0x3e: {  	_ =	sdelay $0x2  }
0x3f: {  	s15 =	sadd.s32 $0x400, s15;
	s16 =	sadd.s32 s16, s12  }
.Ltmp6:
0x40: {  	(pc) =	sbr.rel .LBB2_9-.Ltmp6, $2  }
0x41: {  	_ =	sdelay $0x2  }
0x42: {  	[hbm:s16] =	stream.linear.scatter [tilespmem:s13], [sflag:$0x3], $0x400, $0x38;
	[tilespmem:$0x8100] =	vst v63  }
.LBB2_2:
.Ltmp7:
0x43: {  	(pc) =	sbr.rel .LBB2_10-.Ltmp7, $4  }
0x44: {  	_ = 	snop  }
0x45: {  	s12 =	sshrl.u32 s11, $0x3  }
0x46: {  	s13 =	sand.u32 $0x7, s11;
	s12 =	sadd.s32 s3, s12  }
0x47: {  	[tilespmem:s9], [sflag:$0x2] =	stream.linear.gather [hbm4b:s12+s13], $0x80, $0x38;
	[tilespmem:$0x8100] =	vst v63  }
.LBB2_11:
0x48: {  	s2 =	simm.s32 $0x3  }
0x49: {  	_ =	swait.ge [sflag:s2], $0x4000  }
0x4a: {  	[sflag:s2] =	ssyncset.done $0x0  }
0x4b: {  	[sflag:s2] =	ssyncadd.s32 $0xFFFFC000  }
0x4c: {  	_ =	sfence.sel $0x180000  }
0x4d: {  	s3 =	simm.s32 $0x2;
	[bflag:$0x0] =	sbarrier.arrive $0xFFFF  }
0x4e: {  	[sflag:s3] =	ssyncpa.u1 $0x1  }
0x4f: {  	s31 =	simm.s32 $0x1;
	[sflag:s2] =	ssyncpa.u1 $0x1  }
0x50: {  	[sflag:s31] =	ssyncpa.u1 $0x1  }
0x51: {  	p0 =	sne.s32 s1, $0x0;
	_ =	strace $0x90000059  }
0x52: {  	s0 =	sadd.s32 @!p0 $0x100000, s0;
	[bflag:$0x2] =	sbarrier.arrive $0xFFFF  }
0x53: {  	[sflag:s0] =	ssyncadd.tile.s32 @!p0 $0x1;
	_ =	shalt  }
.Lfunc_end2:
_tile_overlayer_lowered:
.L_overlay_start_2:
0x54: {  	(tag) =	ssettag $0x2  }
0x55: {  	s0 =	rddreg [dreg:$0x0];
	s2 =	stileid.u32  }
0x56: {  	s1 =	rddreg [dreg:$0x1];
	p0 =	sne.s32 s2, $0x0  }
0x57: {  	s3 =	rddreg [dreg:$0x2];
	[bflag:$0x3] =	sbarrier.arrive $0xFFFF;
	s2 =	simm.s32 @!p0 $0x1C01  }
0x58: {  	[timem:s3], [sflag:s2] =	dma.local @!p0 [hbm:s0], s1  }
0x59: {  	s0 =	simm.s32 @!p0 $0x1  }
0x5a: {  	_ =	swait.ge @!p0 [sflag:s0], s1  }
0x5b: {  	s1 =	ssub.s32 @!p0 $0x0, s1;
	[sflag:s0] =	ssyncset.done @!p0 $0x0  }
0x5c: {  	[sflag:s0] =	ssyncadd.s32 @!p0 s1  }
0x5d: {  	[bflag:$0x3] =	sbarrier.arrive $0xFFFF  }
0x5e: {  	_ =	shalt  }

// kernel: gather_offload_async_start.3
scs
__scs_entry_jumppad:
0x0: {  	(pc) =	sbr.rel $0x88, $3  }
0x1: {  	(tag) =	ssettag $0x0;
	lr =	simm.s32 $0x1  }
0x2: {  	[smem:$0x3F86] =	sst lr;
	_ =	strace $0xD0000000  }
0x3: {  	_ = 	snop  }
0x4: {  	_ = 	snop  }
0x5: {  	_ = 	snop  }
0x6: {  	_ = 	snop  }
0x7: {  	_ = 	snop  }
__scs_overlays_trampoline_lowered:
0x8: {  	[smem:$0x3F95] =	sst s0  }
0x9: {  	[smem:$0x3F96] =	sst s1  }
0xa: {  	[smem:$0x3F97] =	sst s2  }
0xb: {  	[smem:$0x3F98] =	sst s3  }
0xc: {  	[smem:$0x3F99] =	sst s4  }
0xd: {  	[smem:$0x3F9A] =	sst s5  }
0xe: {  	[smem:$0x3F9B] =	sst s6  }
0xf: {  	[smem:$0x3F9C] =	sst s7  }
0x10: {  	[smem:$0x3F9D] =	sst s8  }
0x11: {  	[smem:$0x3F9E] =	sst s9;
	s0 =	simm.s32 @!p0 $0x0  }
0x12: {  	s1 =	sld [smem:$0x3F84];
	s0 =	simm.s32 @p0 $0x1  }
0x13: {  	[smem:$0x3F9F] =	sst s0;
	s0 =	simm.s32 @!p1 $0x0  }
0x14: {  	s2 =	sld [smem:$0x3F83];
	s0 =	simm.s32 @p1 $0x1  }
0x15: {  	[smem:$0x3FA0] =	sst s0;
	s0 =	simm.s32 @!p2 $0x0  }
0x16: {  	s3 =	sld [smem:$0x3FDB];
	s0 =	simm.s32 @p2 $0x1  }
0x17: {  	s4 =	simm.s32 $0x1BF5;
	[smem:$0x3FA2] =	sst s0  }
0x18: {  	s0 =	sld [smem:$0x3F85];
	_ =	swait.ge [sflag:s4], $0x0  }
0x19: {  	s7 =	sld [smem:$0x3F86]  }
0x1a: {  	s8 =	sadd.s32 $0xFFFFE003, lr  }
0x1b: {  	s9 =	sadd.s32 $0xFFFFFEF7, lr;
	s5 =	simm.s32 $0xFFFFFFFF;
	p2 =	slt.u32 s8, $0xFFFFF086  }
0x1c: {  	p1 =	slt.u32 s9, $0xF7A;
	s5 =	simm.s32 @!p2 $0x0  }
0x1d: {  	s5 =	simm.s32 @p1 $0x1;
	p0 =	seq.s32 s7, s2  }
0x1e: {  	s7 =	smul.u32 @!p0 $0xF7A, s2;
	p2 =	seq.s32 @!p0 s5, $0x0  }
0x1f: {  	s9 =	smul.u32 $0xF7A, s1;
	s8 =	simm.s32 @!p0 $0x1BF5;
	p2 =	por !p2, p0  }
0x20: {  	[sflag:s8] =	ssyncset.s32 @!p0 $0xFFFFF086;
	s6 =	sadd.s32 @!p0 s3, s7;
	s7 =	simm.s32 @!p0 $0x108  }
0x21: {  	s3 =	sadd.s32 s3, s9;
	s6 =	sadd.s32 @!p0 $0x88, s6;
	s7 =	simm.s32 @p2 $0x1082  }
0x22: {  	[simem:s7], [sflag:s8] =	dma.local @!p0 [hbm:s6], $0xF7A  }
0x23: {  	s9 =	sor.u32 $0xD0000000, s2;
	s6 =	simm.s32 $0x108;
	_ =	swait.ge @!p0 [sflag:s8], $0x0  }
0x24: {  	s3 =	sadd.s32 $0x88, s3;
	s6 =	simm.s32 @!p1 $0x1082;
	[sflag:s4] =	ssyncset.s32 $0xFFFFF086  }
0x25: {  	[simem:s6], [sflag:s4] =	dma.local [hbm:s3], $0xF7A  }
0x26: {  	[smem:$0x3F86] =	sst s1;
	(tag) =	ssettag s2;
	_ =	strace s9  }
0x27: {  	s1 =	sld [smem:$0x3F96]  }
0x28: {  	s2 =	sld [smem:$0x3F97]  }
0x29: {  	s4 =	sld [smem:$0x3F99]  }
0x2a: {  	p0 =	seq.s32 s5, $0x0;
	s5 =	sld [smem:$0x3F9A]  }
0x2b: {  	s6 =	sld [smem:$0x3F9B]  }
0x2c: {  	s7 =	sld [smem:$0x3F9C]  }
0x2d: {  	s3 =	simm.s32 $0x108;
	s8 =	sld [smem:$0x3F9D]  }
0x2e: {  	s3 =	simm.s32 @!p0 $0x1082;
	s9 =	sld [smem:$0x3F9E]  }
0x2f: {  	lr =	sadd.s32 s0, s3;
	s0 =	sld [smem:$0x3F95]  }
0x30: {  	s3 =	sld [smem:$0x3F98]  }
0x31: {  	[smem:$0x3FA1] =	sst s10  }
0x32: {  	s10 =	sld [smem:$0x3F9F];
	_ =	sdelay $0x3  }
0x33: {  	p0 =	seq.s32 s10, $0x1;
	s10 =	sld [smem:$0x3FA1];
	_ =	sdelay $0x3  }
0x34: {  	[smem:$0x3FA1] =	sst s10  }
0x35: {  	s10 =	sld [smem:$0x3FA0];
	_ =	sdelay $0x3  }
0x36: {  	p1 =	seq.s32 s10, $0x1;
	s10 =	sld [smem:$0x3FA1];
	_ =	sdelay $0x3  }
0x37: {  	[smem:$0x3FA1] =	sst s10  }
0x38: {  	s10 =	sld [smem:$0x3FA2]  }
0x39: {  	_ = 	snop;
	(pc) =	sbr.ind lr, $3  }
0x3a: {  	_ = 	snop  }
0x3b: {  	_ = 	snop  }
0x3c: {  	p2 =	seq.s32 s10, $0x1;
	s10 =	sld [smem:$0x3FA1]  }
0x3d: {  	_ =	shalt  }
0x3e: {  	_ =	shalt  }
0x3f: {  	_ =	shalt  }
0x40: {  	_ =	shalt  }
0x41: {  	_ =	shalt  }
0x42: {  	_ =	shalt  }
0x43: {  	_ =	shalt  }
0x44: {  	_ =	shalt  }
0x45: {  	_ =	shalt  }
0x46: {  	_ =	shalt  }
0x47: {  	_ =	shalt  }
0x48: {  	_ =	shalt  }
0x49: {  	_ =	shalt  }
0x4a: {  	_ =	shalt  }
0x4b: {  	_ =	shalt  }
0x4c: {  	_ =	shalt  }
0x4d: {  	_ =	shalt  }
0x4e: {  	_ =	shalt  }
0x4f: {  	_ =	shalt  }
0x50: {  	_ =	shalt  }
0x51: {  	_ =	shalt  }
0x52: {  	_ =	shalt  }
0x53: {  	_ =	shalt  }
0x54: {  	_ =	shalt  }
0x55: {  	_ =	shalt  }
0x56: {  	_ =	shalt  }
0x57: {  	_ =	shalt  }
0x58: {  	_ =	shalt  }
0x59: {  	_ =	shalt  }
0x5a: {  	_ =	shalt  }
0x5b: {  	_ =	shalt  }
0x5c: {  	_ =	shalt  }
0x5d: {  	_ =	shalt  }
0x5e: {  	_ =	shalt  }
0x5f: {  	_ =	shalt  }
0x60: {  	_ =	shalt  }
0x61: {  	_ =	shalt  }
0x62: {  	_ =	shalt  }
0x63: {  	_ =	shalt  }
0x64: {  	_ =	shalt  }
0x65: {  	_ =	shalt  }
0x66: {  	_ =	shalt  }
0x67: {  	_ =	shalt  }
0x68: {  	_ =	shalt  }
0x69: {  	_ =	shalt  }
0x6a: {  	_ =	shalt  }
0x6b: {  	_ =	shalt  }
0x6c: {  	_ =	shalt  }
0x6d: {  	_ =	shalt  }
0x6e: {  	_ =	shalt  }
0x6f: {  	_ =	shalt  }
0x70: {  	_ =	shalt  }
0x71: {  	_ =	shalt  }
0x72: {  	_ =	shalt  }
0x73: {  	_ =	shalt  }
0x74: {  	_ =	shalt  }
0x75: {  	_ =	shalt  }
0x76: {  	_ =	shalt  }
0x77: {  	_ =	shalt  }
0x78: {  	_ =	shalt  }
0x79: {  	_ =	shalt  }
0x7a: {  	_ =	shalt  }
0x7b: {  	_ =	shalt  }
0x7c: {  	_ =	shalt  }
0x7d: {  	_ =	shalt  }
0x7e: {  	_ =	shalt  }
0x7f: {  	_ =	shalt  }
0x80: {  	_ =	shalt  }
0x81: {  	_ =	shalt  }
0x82: {  	_ =	shalt  }
0x83: {  	_ =	shalt  }
0x84: {  	_ =	shalt  }
0x85: {  	_ =	shalt  }
0x86: {  	_ =	shalt  }
0x87: {  	_ =	shalt  }
.Lfunc_end0:
.L_simem_size_0:
called_computation.3_lowered:
.L_overlay_start_0:
0x88: {  	s2 =	sld [smem:$0x3FD9]  }
0x89: {  	s3 =	sld [smem:$0x3FFE];
	_ =	sdelay $0x1  }
0x8a: {  	s1 =	srdreg.scid  }
0x8b: {  	s0 =	sand.u32 $0x1, s1  }
0x8c: {  	s17 =	sshll.u32 s0, $0xA;
	s2 =	sadd.s32 s3, s2  }
0x8d: {  	s2 =	sadd.s32 s2, s17  }
0x8e: {  	[smem:$0x3FAD] =	sst s2  }
0x8f: {  	_ = 	snop  }
0x90: {  	s18 =	sld [smem:$0x3FD0];
	(tm) =	ssettm $0x1  }
0x91: {  	s19 =	sld [smem:$0x3FFB];
	_ =	sdelay $0x3  }
0x92: {  	_ =	strace s19  }
0x93: {  	s2 =	sld [smem:$0x3FFC];
	_ =	sdelay $0x3  }
0x94: {  	_ =	strace s2  }
0x95: {  	s2 =	sld [smem:$0x3FFD];
	_ =	sdelay $0x3  }
0x96: {  	_ =	strace s2  }
0x97: {  	_ =	strace $0x8FFFFFFF  }
0x98: {  	s20 =	sld [smem:$0x3FDB];
	_ =	sdelay $0x1  }
0x99: {  	s4 =	simm.s32 $_scs_section_size  }
0x9a: {  	s5 =	simm.s32 $_size__tile_overlayer_lowered;
	s6 =	simm.s32 $_tile_overlayer_lowered  }
0x9b: {  	s7 =	simm.s32 $0x1BFF;
	s21 =	sshll.u32 s6, $0x1;
	s4 =	sadd.s32 s4, s20  }
0x9c: {  	s22 =	simm.s32 $0x0;
	s5 =	sshll.u32 s5, $0x1;
	s6 =	sadd.s32 s21, s4  }
0x9d: {  	[timem:s22], [sflag:s7] =	dma.local [hbm:s6], s5  }
0x9e: {  	_ =	swait.ge [sflag:s7], s5  }
0x9f: {  	s5 =	ssub.s32 $0x0, s5;
	[sflag:s7] =	ssyncset.done $0x0  }
0xa0: {  	[sflag:s7] =	ssyncadd.s32 s5;
	_ =	sdelay $0x1  }
0xa1: {  	s23 =	simm.s32 $0x1B8B  }
0xa2: {  	_ =	swait.ge [sflag:s23], $0x1  }
0xa3: {  	[sflag:s23] =	ssyncset.done $0x0  }
0xa4: {  	[sflag:s23] =	ssyncadd.s32 $0xFFFFFFFF  }
0xa5: {  	s5 =	sld [smem:$0x0]  }
0xa6: {  	s6 =	sand.u32 $0xFFFFFFFE, s1  }
0xa7: {  	p0 =	sne.s32 s1, s6  }
0xa8: {  	s6 =	sshll.u32 @p0 s6, $0xE  }
0xa9: {  	s6 =	sadd.s32 @p0 $0x11B8D, s6;
	s7 =	sshll.u32 @p0 s5, $0x11  }
0xaa: {  	s6 =	sor.u32 @p0 s7, s6  }
0xab: {  	[sflag:s6] =	ssyncadd.remote.s32 @p0 $0x1;
	_ =	sdelay $0x1  }
0xac: {  	s6 =	simm.s32 @p0 $0x1B8D  }
0xad: {  	_ =	swait.eq @p0 [sflag:s6], $0x1  }
0xae: {  	[sflag:s6] =	ssyncadd.s32 @p0 $0xFFFFFFFF  }
0xaf: {  	s7 =	sshll.u32 @!p0 s1, $0xE  }
0xb0: {  	s7 =	sor.u32 @!p0 $0x4000, s7;
	s6 =	simm.s32 @!p0 $0x1B8D  }
0xb1: {  	s5 =	sshll.u32 @!p0 s5, $0x11;
	s7 =	sadd.s32 @!p0 $0x11B8D, s7;
	_ =	swait.eq @!p0 [sflag:s6], $0x1  }
0xb2: {  	s5 =	sor.u32 @!p0 s5, s7;
	[sflag:s6] =	ssyncadd.s32 @!p0 $0xFFFFFFFF  }
0xb3: {  	s25 =	simm.s32 $0x1B8E;
	s24 =	sld [smem:$0x3FFE];
	[sflag:s5] =	ssyncadd.remote.s32 @!p0 $0x1  }
0xb4: {  	s26 =	simm.s32 $execute0_lowered;
	[smem:$0x3FD2] =	sst s25  }
0xb5: {  	s6 =	sshll.u32 s26, $0x1;
	_ =	strace $0x8000005B;
	[dreg:$0x1] =	wrdreg $0xFFFFFFFF  }
0xb6: {  	s28 =	simm.s32 $_size_execute0_lowered;
	s4 =	sadd.s32 s4, s6;
	[dreg:$0x0] =	wrdreg $0x0  }
0xb7: {  	s6 =	sshll.u32 s28, $0x1;
	[dreg:$0x2] =	wrdreg s4  }
0xb8: {  	[dreg:$0x3] =	wrdreg s6  }
0xb9: {  	[dreg:$0x4] =	wrdreg $0xC0  }
0xba: {  	_ =	task [dreg:s22], $0x5FFFF  }
0xbb: {  	[dreg:$0x1] =	wrdreg $0xFFFFFFFF  }
0xbc: {  	[dreg:$0x0] =	wrdreg $0x60  }
0xbd: {  	[dreg:$0x2] =	wrdreg s24  }
0xbe: {  	[dreg:$0x3] =	wrdreg s18  }
0xbf: {  	[dreg:$0x4] =	wrdreg $0xC  }
0xc0: {  	_ =	task.clear_ibuf [dreg:s22], $0x5FFFF;
	_ =	strace $0x9000005B  }
0xc1: {  	s29 =	simm.s32 $0xC;
	_ =	strace $0x8000005D  }
0xc2: {  	_ =	swait.ge [sflag:s29], $0x1  }
0xc3: {  	[sflag:s29] =	ssyncadd.s32 $0xFFFFFFFF  }
0xc4: {  	_ =	strace $0x9000005D  }
0xc5: {  	_ =	sfence  }
0xc6: {  	s30 =	sld [smem:$0x0];
	_ =	sdelay $0x2  }
0xc7: {  	s31 =	sshll.u32 s1, $0xD;
	s1 =	sshrl.u32 s1, $0x2  }
0xc8: {  	s4 =	sand.u32 $0x4000, s31;
	s1 =	sadd.s32 s1, s30  }
0xc9: {  	s0 =	sor.u32 s4, s0;
	s1 =	sshll.u32 s1, $0x11  }
0xca: {  	s0 =	sor.u32 s1, s0  }
0xcb: {  	s0 =	sadd.s32 $0x8F2B, s0  }
0xcc: {  	[sflag:s0] =	ssyncadd.remote.s32 $0x1  }
0xcd: {  	_ =	sfence.sel $0xFFFF  }
0xce: {  	[dreg:$0x0] =	wrdreg $0xFFFFFFFF;
	(pc) =	sbr.abs _section_cstart, $3  }
0xcf: {  	[dreg:$0x1] =	wrdreg $0xFFFFFFFF  }
0xd0: {  	_ =	task.clear_ibuf [dreg:s22], $0x2FFFF;
	_ =	strace $0x9FFFFFFF  }
0xd1: {  	(tm) =	ssettm $0x7FFFFFFF  }
tec
execute0_lowered:
.L_overlay_start_1:
0x0: {  	(tag) =	ssettag $0x1  }
0x1: {  	s7 =	rddreg [dreg:$0x0]  }
0x2: {  	s2 =	rddreg [dreg:$0x1]  }
0x3: {  	s0 =	rddreg [dreg:$0x2]  }
0x4: {  	s1 =	srdreg.scid;
	_ =	strace $0x8000005C;
	s4 =	simm.s32 $0x1  }
0x5: {  	s9 =	simm.s32 $0x3;
	s12 =	simm.s32 $0x0;
	s5 =	sshll.u32 s1, $0x4  }
.Ltmp0:
0x6: {  	s1 =	stileid.u32;
	s5 =	sand.u32 $0x10, s5;
	(pc) =	sbr.rel .LBB2_1-.Ltmp0, $4  }
0x7: {  	s10 =	simm.s32 $0x0;
	s3 =	sadd.s32 $0x2C3000, s7;
	s6 =	sor.u32 s1, s5  }
0x8: {  	[sflag:s4] =	ssyncpa.u1 $0x0;
	s5 =	simm.s32 $0x2;
	s6 =	sshll.u32 s6, $0x7  }
0x9: {  	s7 =	sadd.s32 $0x59000, s7;
	[sflag:s5] =	ssyncpa.u1 $0x0;
	s8 =	sadd.s32 $0x80, s6  }
0xa: {  	vm0 =	vmmov $0xff;
	vm1 =	vcmask $0x3F20;
	[sflag:s9] =	ssyncpa.u1 $0x0;
	s9 =	simm.s32 $0x80;
	s11 =	smov.u32 s6  }
.LBB2_9:
0xb: {  	p0 =	seq.s32 s10, $0x2  }
.Ltmp1:
0xc: {  	_ = 	snop;
	(pc) =	sbr.rel @p0 .LBB2_11-.Ltmp1, $1  }
0xd: {  	_ =	sdelay $0x3  }
.LBB2_10:
0xe: {  	s12 =	sadd.s32 $0x80, s11  }
0xf: {  	s13 =	smov.u32 s6;
	p0 =	slt.s32 s12, s8  }
0x10: {  	s13 =	smov.u32 @p0 s12  }
0x11: {  	s10 =	sadd.s32 $0x1, s10;
	s12 =	smov.u32 s11;
	s11 =	smov.u32 s13  }
.LBB2_1:
0x12: {  	p0 =	sne.s32 s10, $0x0  }
.Ltmp2:
0x13: {  	_ = 	snop;
	(pc) =	sbr.rel @!p0 .LBB2_2-.Ltmp2, $1  }
0x14: {  	_ =	sdelay $0x3  }
0x15: {  	s13 =	sand.u32 $0x1, s10  }
0x16: {  	p0 =	seq.s32 s13, $0x0  }
.Ltmp3:
0x17: {  	_ = 	snop;
	(pc) =	sbr.rel @p0 .LBB2_9-.Ltmp3, $1  }
0x18: {  	_ =	sdelay $0x3  }
0x19: {  	_ =	swait.ge [sflag:s5], $0x80  }
0x1a: {  	[sflag:s5] =	ssyncset.done $0x0  }
0x1b: {  	s13 =	simm.s32 $0x0;
	[sflag:s5] =	ssyncadd.s32 $0xFFFFFF80  }
0x1c: {  	v0 =	vld.msk [tilespmem:s13+$0x80 ss:$0x1], $0xffff;
	_ =	sdelay $0x4  }
0x1d: {  	vm2 =	vgt.s32 v0, $0x0  }
0x1e: {  	v0 =	vnsel vm2, $0x0, v0  }
0x1f: {  	v0 =	vmin.u32 v0, $0xC34F  }
0x20: {  	v0 =	vshll.u32 v0, $0x4;
	_ =	sdelay $0x3  }
0x21: {  	s13 =	simm.s32 $0x4100  }
0x22: {  	[tilespmem:s13], [sflag:$0x1] =	stream.indirect_vreg.gather [hbm:s3], $0x80, v0, vm0, $0x38;
	[tilespmem:$0x8100] =	vst v63  }
0x23: {  	s14 =	simm.s32 $0x4500;
	s31 =	simm.s32 $0x10  }
0x24: {  	[tilespmem:s14], [sflag:$0x1] =	stream.indirect_vreg.gather [hbm:s3], $0x80, v0, vm1, $0x38;
	[tilespmem:$0x8100] =	vst v63  }
0x25: {  	s14 =	simm.s32 $0x80;
	v0 =	vld.msk [tilespmem:s31+$0x80 ss:$0x1], $0xffff  }
.LBB2_5:
0x26: {  	p0 =	sne.s32 s14, $0x1C0;
	_ =	sdelay $0x4  }
0x27: {  	vm2 =	vgt.s32 v0, $0x0  }
0x28: {  	v0 =	vnsel vm2, $0x0, v0  }
0x29: {  	v0 =	vmin.u32 v0, $0xC34F  }
0x2a: {  	v0 =	vshll.u32 v0, $0x4;
	_ =	sdelay $0x3  }
.Ltmp4:
0x2b: {  	s13 =	sadd.s32 $0x800, s13;
	(pc) =	sbr.rel @p0 .LBB2_5-.Ltmp4, $4  }
0x2c: {  	[tilespmem:s13], [sflag:$0x1] =	stream.indirect_vreg.gather [hbm:s3], $0x80, v0, vm0, $0x38;
	[tilespmem:$0x8100] =	vst v63  }
0x2d: {  	s15 =	sshra.s32 s14, $0x2;
	s16 =	sadd.s32 $0x400, s13  }
0x2e: {  	[tilespmem:s16], [sflag:$0x1] =	stream.indirect_vreg.gather [hbm:s3], $0x80, v0, vm1, $0x38;
	[tilespmem:$0x8100] =	vst v63  }
0x2f: {  	s14 =	sadd.s32 $0x40, s14;
	v0 =	vld.msk [tilespmem:s15+$0x80 ss:$0x1], $0xffff  }
0x30: {  	_ =	sdelay $0x3  }
0x31: {  	vm2 =	vgt.s32 v0, $0x0  }
0x32: {  	v0 =	vnsel vm2, $0x0, v0  }
0x33: {  	v0 =	vmin.u32 v0, $0xC34F  }
0x34: {  	v0 =	vshll.u32 v0, $0x4;
	_ =	sdelay $0x3  }
0x35: {  	s13 =	sadd.s32 $0x800, s13  }
0x36: {  	[tilespmem:s13], [sflag:$0x1] =	stream.indirect_vreg.gather [hbm:s3], $0x80, v0, vm0, $0x38;
	[tilespmem:$0x8100] =	vst v63  }
0x37: {  	s13 =	sadd.s32 $0x400, s13  }
0x38: {  	[tilespmem:s13], [sflag:$0x1] =	stream.indirect_vreg.gather [hbm:s3], $0x80, v0, vm1, $0x38;
	[tilespmem:$0x8100] =	vst v63  }
0x39: {  	s12 =	sshll.u32 s12, $0x4;
	s14 =	simm.s32 $0x80;
	_ =	swait.ge [sflag:s4], $0x4000  }
0x3a: {  	s15 =	simm.s32 $0x4500;
	s12 =	sadd.s32 s12, s7;
	[sflag:s4] =	ssyncset.done $0x0  }
0x3b: {  	s16 =	sadd.s32 $0x0, s12;
	s13 =	simm.s32 $0x4100;
	[sflag:s4] =	ssyncadd.s32 $0xFFFFC000  }
.LBB2_7:
0x3c: {  	[hbm:s16] =	stream.linear.scatter [tilespmem:s13], [sflag:$0x3], $0x400, $0x38;
	[tilespmem:$0x8100] =	vst v63  }
0x3d: {  	s16 =	smov.u32 s14;
	s13 =	smov.u32 s15;
	p0 =	sne.s32 s14, $0x780  }
.Ltmp5:
0x3e: {  	s14 =	sadd.s32 $0x80, s14;
	(pc) =	sbr.rel @p0 .LBB2_7-.Ltmp5, $2  }
0x3f: {  	_ =	sdelay $0x2  }
0x40: {  	s15 =	sadd.s32 $0x400, s15;
	s16 =	sadd.s32 s16, s12  }
.Ltmp6:
0x41: {  	(pc) =	sbr.rel .LBB2_9-.Ltmp6, $2  }
0x42: {  	_ =	sdelay $0x2  }
0x43: {  	[hbm:s16] =	stream.linear.scatter [tilespmem:s13], [sflag:$0x3], $0x400, $0x38;
	[tilespmem:$0x8100] =	vst v63  }
.LBB2_2:
.Ltmp7:
0x44: {  	(pc) =	sbr.rel .LBB2_10-.Ltmp7, $4  }
0x45: {  	_ = 	snop  }
0x46: {  	s12 =	sshrl.u32 s11, $0x3  }
0x47: {  	s13 =	sand.u32 $0x7, s11;
	s12 =	sadd.s32 s2, s12  }
0x48: {  	[tilespmem:s9], [sflag:$0x2] =	stream.linear.gather [hbm4b:s12+s13], $0x80, $0x38;
	[tilespmem:$0x8100] =	vst v63  }
.LBB2_11:
0x49: {  	s2 =	simm.s32 $0x3  }
0x4a: {  	_ =	swait.ge [sflag:s2], $0x4000  }
0x4b: {  	[sflag:s2] =	ssyncset.done $0x0  }
0x4c: {  	[sflag:s2] =	ssyncadd.s32 $0xFFFFC000  }
0x4d: {  	_ =	sfence.sel $0x180000  }
0x4e: {  	s3 =	simm.s32 $0x2;
	[bflag:$0x0] =	sbarrier.arrive $0xFFFF  }
0x4f: {  	[sflag:s3] =	ssyncpa.u1 $0x1  }
0x50: {  	s31 =	simm.s32 $0x1;
	[sflag:s2] =	ssyncpa.u1 $0x1  }
0x51: {  	[sflag:s31] =	ssyncpa.u1 $0x1  }
0x52: {  	p0 =	sne.s32 s1, $0x0;
	_ =	strace $0x9000005C  }
0x53: {  	s0 =	sadd.s32 @!p0 $0x100000, s0;
	[bflag:$0x2] =	sbarrier.arrive $0xFFFF  }
0x54: {  	[sflag:s0] =	ssyncadd.tile.s32 @!p0 $0x1;
	_ =	shalt  }
.Lfunc_end2:
_tile_overlayer_lowered:
.L_overlay_start_2:
0x55: {  	(tag) =	ssettag $0x2  }
0x56: {  	s0 =	rddreg [dreg:$0x0];
	s2 =	stileid.u32  }
0x57: {  	s1 =	rddreg [dreg:$0x1];
	p0 =	sne.s32 s2, $0x0  }
0x58: {  	s3 =	rddreg [dreg:$0x2];
	[bflag:$0x3] =	sbarrier.arrive $0xFFFF;
	s2 =	simm.s32 @!p0 $0x1C01  }
0x59: {  	[timem:s3], [sflag:s2] =	dma.local @!p0 [hbm:s0], s1  }
0x5a: {  	s0 =	simm.s32 @!p0 $0x1  }
0x5b: {  	_ =	swait.ge @!p0 [sflag:s0], s1  }
0x5c: {  	s1 =	ssub.s32 @!p0 $0x0, s1;
	[sflag:s0] =	ssyncset.done @!p0 $0x0  }
0x5d: {  	[sflag:s0] =	ssyncadd.s32 @!p0 s1  }
0x5e: {  	[bflag:$0x3] =	sbarrier.arrive $0xFFFF  }
0x5f: {  	_ =	shalt  }

// kernel: gather_offload_async_start
scs
__scs_entry_jumppad:
0x0: {  	(pc) =	sbr.rel $0x88, $3  }
0x1: {  	(tag) =	ssettag $0x0;
	lr =	simm.s32 $0x1  }
0x2: {  	[smem:$0x3F86] =	sst lr;
	_ =	strace $0xD0000000  }
0x3: {  	_ = 	snop  }
0x4: {  	_ = 	snop  }
0x5: {  	_ = 	snop  }
0x6: {  	_ = 	snop  }
0x7: {  	_ = 	snop  }
__scs_overlays_trampoline_lowered:
0x8: {  	[smem:$0x3F95] =	sst s0  }
0x9: {  	[smem:$0x3F96] =	sst s1  }
0xa: {  	[smem:$0x3F97] =	sst s2  }
0xb: {  	[smem:$0x3F98] =	sst s3  }
0xc: {  	[smem:$0x3F99] =	sst s4  }
0xd: {  	[smem:$0x3F9A] =	sst s5  }
0xe: {  	[smem:$0x3F9B] =	sst s6  }
0xf: {  	[smem:$0x3F9C] =	sst s7  }
0x10: {  	[smem:$0x3F9D] =	sst s8  }
0x11: {  	[smem:$0x3F9E] =	sst s9;
	s0 =	simm.s32 @!p0 $0x0  }
0x12: {  	s1 =	sld [smem:$0x3F84];
	s0 =	simm.s32 @p0 $0x1  }
0x13: {  	[smem:$0x3F9F] =	sst s0;
	s0 =	simm.s32 @!p1 $0x0  }
0x14: {  	s2 =	sld [smem:$0x3F83];
	s0 =	simm.s32 @p1 $0x1  }
0x15: {  	[smem:$0x3FA0] =	sst s0;
	s0 =	simm.s32 @!p2 $0x0  }
0x16: {  	s3 =	sld [smem:$0x3FDB];
	s0 =	simm.s32 @p2 $0x1  }
0x17: {  	s4 =	simm.s32 $0x1BF5;
	[smem:$0x3FA2] =	sst s0  }
0x18: {  	s0 =	sld [smem:$0x3F85];
	_ =	swait.ge [sflag:s4], $0x0  }
0x19: {  	s7 =	sld [smem:$0x3F86]  }
0x1a: {  	s8 =	sadd.s32 $0xFFFFE003, lr  }
0x1b: {  	s9 =	sadd.s32 $0xFFFFFEF7, lr;
	s5 =	simm.s32 $0xFFFFFFFF;
	p2 =	slt.u32 s8, $0xFFFFF086  }
0x1c: {  	p1 =	slt.u32 s9, $0xF7A;
	s5 =	simm.s32 @!p2 $0x0  }
0x1d: {  	s5 =	simm.s32 @p1 $0x1;
	p0 =	seq.s32 s7, s2  }
0x1e: {  	s7 =	smul.u32 @!p0 $0xF7A, s2;
	p2 =	seq.s32 @!p0 s5, $0x0  }
0x1f: {  	s9 =	smul.u32 $0xF7A, s1;
	s8 =	simm.s32 @!p0 $0x1BF5;
	p2 =	por !p2, p0  }
0x20: {  	[sflag:s8] =	ssyncset.s32 @!p0 $0xFFFFF086;
	s6 =	sadd.s32 @!p0 s3, s7;
	s7 =	simm.s32 @!p0 $0x108  }
0x21: {  	s3 =	sadd.s32 s3, s9;
	s6 =	sadd.s32 @!p0 $0x88, s6;
	s7 =	simm.s32 @p2 $0x1082  }
0x22: {  	[simem:s7], [sflag:s8] =	dma.local @!p0 [hbm:s6], $0xF7A  }
0x23: {  	s9 =	sor.u32 $0xD0000000, s2;
	s6 =	simm.s32 $0x108;
	_ =	swait.ge @!p0 [sflag:s8], $0x0  }
0x24: {  	s3 =	sadd.s32 $0x88, s3;
	s6 =	simm.s32 @!p1 $0x1082;
	[sflag:s4] =	ssyncset.s32 $0xFFFFF086  }
0x25: {  	[simem:s6], [sflag:s4] =	dma.local [hbm:s3], $0xF7A  }
0x26: {  	[smem:$0x3F86] =	sst s1;
	(tag) =	ssettag s2;
	_ =	strace s9  }
0x27: {  	s1 =	sld [smem:$0x3F96]  }
0x28: {  	s2 =	sld [smem:$0x3F97]  }
0x29: {  	s4 =	sld [smem:$0x3F99]  }
0x2a: {  	p0 =	seq.s32 s5, $0x0;
	s5 =	sld [smem:$0x3F9A]  }
0x2b: {  	s6 =	sld [smem:$0x3F9B]  }
0x2c: {  	s7 =	sld [smem:$0x3F9C]  }
0x2d: {  	s3 =	simm.s32 $0x108;
	s8 =	sld [smem:$0x3F9D]  }
0x2e: {  	s3 =	simm.s32 @!p0 $0x1082;
	s9 =	sld [smem:$0x3F9E]  }
0x2f: {  	lr =	sadd.s32 s0, s3;
	s0 =	sld [smem:$0x3F95]  }
0x30: {  	s3 =	sld [smem:$0x3F98]  }
0x31: {  	[smem:$0x3FA1] =	sst s10  }
0x32: {  	s10 =	sld [smem:$0x3F9F];
	_ =	sdelay $0x3  }
0x33: {  	p0 =	seq.s32 s10, $0x1;
	s10 =	sld [smem:$0x3FA1];
	_ =	sdelay $0x3  }
0x34: {  	[smem:$0x3FA1] =	sst s10  }
0x35: {  	s10 =	sld [smem:$0x3FA0];
	_ =	sdelay $0x3  }
0x36: {  	p1 =	seq.s32 s10, $0x1;
	s10 =	sld [smem:$0x3FA1];
	_ =	sdelay $0x3  }
0x37: {  	[smem:$0x3FA1] =	sst s10  }
0x38: {  	s10 =	sld [smem:$0x3FA2]  }
0x39: {  	_ = 	snop;
	(pc) =	sbr.ind lr, $3  }
0x3a: {  	_ = 	snop  }
0x3b: {  	_ = 	snop  }
0x3c: {  	p2 =	seq.s32 s10, $0x1;
	s10 =	sld [smem:$0x3FA1]  }
0x3d: {  	_ =	shalt  }
0x3e: {  	_ =	shalt  }
0x3f: {  	_ =	shalt  }
0x40: {  	_ =	shalt  }
0x41: {  	_ =	shalt  }
0x42: {  	_ =	shalt  }
0x43: {  	_ =	shalt  }
0x44: {  	_ =	shalt  }
0x45: {  	_ =	shalt  }
0x46: {  	_ =	shalt  }
0x47: {  	_ =	shalt  }
0x48: {  	_ =	shalt  }
0x49: {  	_ =	shalt  }
0x4a: {  	_ =	shalt  }
0x4b: {  	_ =	shalt  }
0x4c: {  	_ =	shalt  }
0x4d: {  	_ =	shalt  }
0x4e: {  	_ =	shalt  }
0x4f: {  	_ =	shalt  }
0x50: {  	_ =	shalt  }
0x51: {  	_ =	shalt  }
0x52: {  	_ =	shalt  }
0x53: {  	_ =	shalt  }
0x54: {  	_ =	shalt  }
0x55: {  	_ =	shalt  }
0x56: {  	_ =	shalt  }
0x57: {  	_ =	shalt  }
0x58: {  	_ =	shalt  }
0x59: {  	_ =	shalt  }
0x5a: {  	_ =	shalt  }
0x5b: {  	_ =	shalt  }
0x5c: {  	_ =	shalt  }
0x5d: {  	_ =	shalt  }
0x5e: {  	_ =	shalt  }
0x5f: {  	_ =	shalt  }
0x60: {  	_ =	shalt  }
0x61: {  	_ =	shalt  }
0x62: {  	_ =	shalt  }
0x63: {  	_ =	shalt  }
0x64: {  	_ =	shalt  }
0x65: {  	_ =	shalt  }
0x66: {  	_ =	shalt  }
0x67: {  	_ =	shalt  }
0x68: {  	_ =	shalt  }
0x69: {  	_ =	shalt  }
0x6a: {  	_ =	shalt  }
0x6b: {  	_ =	shalt  }
0x6c: {  	_ =	shalt  }
0x6d: {  	_ =	shalt  }
0x6e: {  	_ =	shalt  }
0x6f: {  	_ =	shalt  }
0x70: {  	_ =	shalt  }
0x71: {  	_ =	shalt  }
0x72: {  	_ =	shalt  }
0x73: {  	_ =	shalt  }
0x74: {  	_ =	shalt  }
0x75: {  	_ =	shalt  }
0x76: {  	_ =	shalt  }
0x77: {  	_ =	shalt  }
0x78: {  	_ =	shalt  }
0x79: {  	_ =	shalt  }
0x7a: {  	_ =	shalt  }
0x7b: {  	_ =	shalt  }
0x7c: {  	_ =	shalt  }
0x7d: {  	_ =	shalt  }
0x7e: {  	_ =	shalt  }
0x7f: {  	_ =	shalt  }
0x80: {  	_ =	shalt  }
0x81: {  	_ =	shalt  }
0x82: {  	_ =	shalt  }
0x83: {  	_ =	shalt  }
0x84: {  	_ =	shalt  }
0x85: {  	_ =	shalt  }
0x86: {  	_ =	shalt  }
0x87: {  	_ =	shalt  }
.Lfunc_end0:
.L_simem_size_0:
called_computation_lowered:
.L_overlay_start_0:
0x88: {  	s2 =	sld [smem:$0x3FD9]  }
0x89: {  	s3 =	sld [smem:$0x3FFE];
	_ =	sdelay $0x1  }
0x8a: {  	s1 =	srdreg.scid  }
0x8b: {  	s0 =	sand.u32 $0x1, s1  }
0x8c: {  	s17 =	sshll.u32 s0, $0xA;
	s2 =	sadd.s32 s3, s2  }
0x8d: {  	s2 =	sadd.s32 s2, s17  }
0x8e: {  	[smem:$0x3FAD] =	sst s2  }
0x8f: {  	_ = 	snop  }
0x90: {  	(tm) =	ssettm $0x1  }
0x91: {  	s18 =	sld [smem:$0x3FFB];
	_ =	sdelay $0x3  }
0x92: {  	_ =	strace s18  }
0x93: {  	s2 =	sld [smem:$0x3FFC];
	_ =	sdelay $0x3  }
0x94: {  	_ =	strace s2  }
0x95: {  	s2 =	sld [smem:$0x3FFD];
	_ =	sdelay $0x3  }
0x96: {  	_ =	strace s2  }
0x97: {  	_ =	strace $0x8FFFFFFF  }
0x98: {  	s19 =	sld [smem:$0x3FDB];
	_ =	sdelay $0x1  }
0x99: {  	s20 =	simm.s32 $_scs_section_size  }
0x9a: {  	s4 =	simm.s32 $_size__tile_overlayer_lowered;
	s5 =	simm.s32 $_tile_overlayer_lowered  }
0x9b: {  	s6 =	simm.s32 $0x1BFF;
	s21 =	sshll.u32 s5, $0x1;
	s3 =	sadd.s32 s20, s19  }
0x9c: {  	s22 =	simm.s32 $0x0;
	s4 =	sshll.u32 s4, $0x1;
	s5 =	sadd.s32 s21, s3  }
0x9d: {  	[timem:s22], [sflag:s6] =	dma.local [hbm:s5], s4  }
0x9e: {  	_ =	swait.ge [sflag:s6], s4  }
0x9f: {  	s4 =	ssub.s32 $0x0, s4;
	[sflag:s6] =	ssyncset.done $0x0  }
0xa0: {  	[sflag:s6] =	ssyncadd.s32 s4;
	_ =	sdelay $0x1  }
0xa1: {  	s23 =	simm.s32 $0x1B8B  }
0xa2: {  	_ =	swait.ge [sflag:s23], $0x1  }
0xa3: {  	[sflag:s23] =	ssyncset.done $0x0  }
0xa4: {  	[sflag:s23] =	ssyncadd.s32 $0xFFFFFFFF  }
0xa5: {  	s4 =	sld [smem:$0x0]  }
0xa6: {  	s5 =	sand.u32 $0xFFFFFFFE, s1  }
0xa7: {  	p0 =	sne.s32 s1, s5  }
0xa8: {  	s5 =	sshll.u32 @p0 s5, $0xE  }
0xa9: {  	s5 =	sadd.s32 @p0 $0x11B8D, s5;
	s6 =	sshll.u32 @p0 s4, $0x11  }
0xaa: {  	s5 =	sor.u32 @p0 s6, s5  }
0xab: {  	[sflag:s5] =	ssyncadd.remote.s32 @p0 $0x1;
	_ =	sdelay $0x1  }
0xac: {  	s5 =	simm.s32 @p0 $0x1B8D  }
0xad: {  	_ =	swait.eq @p0 [sflag:s5], $0x1  }
0xae: {  	[sflag:s5] =	ssyncadd.s32 @p0 $0xFFFFFFFF  }
0xaf: {  	s6 =	sshll.u32 @!p0 s1, $0xE  }
0xb0: {  	s6 =	sor.u32 @!p0 $0x4000, s6;
	s5 =	simm.s32 @!p0 $0x1B8D  }
0xb1: {  	s4 =	sshll.u32 @!p0 s4, $0x11;
	s6 =	sadd.s32 @!p0 $0x11B8D, s6;
	_ =	swait.eq @!p0 [sflag:s5], $0x1  }
0xb2: {  	s4 =	sor.u32 @!p0 s4, s6;
	[sflag:s5] =	ssyncadd.s32 @!p0 $0xFFFFFFFF  }
0xb3: {  	s25 =	simm.s32 $0x1B8E;
	s24 =	sld [smem:$0x3FFE];
	[sflag:s4] =	ssyncadd.remote.s32 @!p0 $0x1  }
0xb4: {  	s26 =	simm.s32 $execute0_lowered;
	[smem:$0x3FD2] =	sst s25  }
0xb5: {  	s5 =	sshll.u32 s26, $0x1;
	_ =	strace $0x80000052;
	[dreg:$0x1] =	wrdreg $0xFFFFFFFF  }
0xb6: {  	s28 =	simm.s32 $_size_execute0_lowered;
	s3 =	sadd.s32 s3, s5;
	[dreg:$0x0] =	wrdreg $0x0  }
0xb7: {  	s5 =	sshll.u32 s28, $0x1;
	[dreg:$0x2] =	wrdreg s3  }
0xb8: {  	[dreg:$0x3] =	wrdreg s5  }
0xb9: {  	[dreg:$0x4] =	wrdreg $0xC0  }
0xba: {  	_ =	task [dreg:s22], $0x5FFFF  }
0xbb: {  	[dreg:$0x1] =	wrdreg $0xFFFFFFFF  }
0xbc: {  	[dreg:$0x0] =	wrdreg $0x60  }
0xbd: {  	[dreg:$0x2] =	wrdreg s24  }
0xbe: {  	[dreg:$0x3] =	wrdreg $0x9  }
0xbf: {  	_ =	task.clear_ibuf [dreg:s22], $0x4FFFF;
	_ =	strace $0x90000052  }
0xc0: {  	s29 =	simm.s32 $0x9;
	_ =	strace $0x80000054  }
0xc1: {  	_ =	swait.ge [sflag:s29], $0x1  }
0xc2: {  	[sflag:s29] =	ssyncadd.s32 $0xFFFFFFFF  }
0xc3: {  	_ =	strace $0x90000054  }
0xc4: {  	_ =	sfence  }
0xc5: {  	s30 =	sld [smem:$0x0];
	_ =	sdelay $0x2  }
0xc6: {  	s31 =	sshll.u32 s1, $0xD;
	s1 =	sshrl.u32 s1, $0x2  }
0xc7: {  	s4 =	sand.u32 $0x4000, s31;
	s1 =	sadd.s32 s1, s30  }
0xc8: {  	s0 =	sor.u32 s4, s0;
	s1 =	sshll.u32 s1, $0x11  }
0xc9: {  	s0 =	sor.u32 s1, s0  }
0xca: {  	s0 =	sadd.s32 $0x8F2B, s0  }
0xcb: {  	[sflag:s0] =	ssyncadd.remote.s32 $0x1  }
0xcc: {  	_ =	sfence.sel $0xFFFF  }
0xcd: {  	[dreg:$0x0] =	wrdreg $0xFFFFFFFF;
	(pc) =	sbr.abs _section_cstart, $3  }
0xce: {  	[dreg:$0x1] =	wrdreg $0xFFFFFFFF  }
0xcf: {  	_ =	task.clear_ibuf [dreg:s22], $0x2FFFF;
	_ =	strace $0x9FFFFFFF  }
0xd0: {  	(tm) =	ssettm $0x7FFFFFFF  }
0xd1: {  	_ =	shalt  }
tec
execute0_lowered:
.L_overlay_start_1:
0x0: {  	(tag) =	ssettag $0x1  }
0x1: {  	s7 =	rddreg [dreg:$0x0]  }
0x2: {  	s0 =	rddreg [dreg:$0x1];
	_ =	strace $0x80000053  }
0x3: {  	s1 =	srdreg.scid;
	s4 =	simm.s32 $0x1;
	s9 =	simm.s32 $0x3  }
0x4: {  	s12 =	simm.s32 $0x0;
	s10 =	simm.s32 $0x0;
	s5 =	sshll.u32 s1, $0x4  }
.Ltmp0:
0x5: {  	s1 =	stileid.u32;
	s5 =	sand.u32 $0x10, s5;
	(pc) =	sbr.rel .LBB2_1-.Ltmp0, $4  }
0x6: {  	s2 =	sadd.s32 $0x69A00, s7;
	s3 =	sadd.s32 $0x38E00, s7;
	s6 =	sor.u32 s1, s5  }
0x7: {  	[sflag:s4] =	ssyncpa.u1 $0x0;
	s5 =	simm.s32 $0x2;
	s6 =	sshll.u32 s6, $0x7  }
0x8: {  	s7 =	sadd.s32 $0x39000, s7;
	[sflag:s5] =	ssyncpa.u1 $0x0;
	s8 =	sadd.s32 $0x80, s6  }
0x9: {  	vm0 =	vmmov $0xff;
	vm1 =	vcmask $0x3F20;
	[sflag:s9] =	ssyncpa.u1 $0x0;
	s9 =	simm.s32 $0x80;
	s11 =	smov.u32 s6  }
.LBB2_9:
0xa: {  	p0 =	seq.s32 s10, $0x2  }
.Ltmp1:
0xb: {  	_ = 	snop;
	(pc) =	sbr.rel @p0 .LBB2_11-.Ltmp1, $1  }
0xc: {  	_ =	sdelay $0x3  }
.LBB2_10:
0xd: {  	s12 =	sadd.s32 $0x80, s11  }
0xe: {  	s13 =	smov.u32 s6;
	p0 =	slt.s32 s12, s8  }
0xf: {  	s13 =	smov.u32 @p0 s12  }
0x10: {  	s10 =	sadd.s32 $0x1, s10;
	s12 =	smov.u32 s11;
	s11 =	smov.u32 s13  }
.LBB2_1:
0x11: {  	p0 =	sne.s32 s10, $0x0  }
.Ltmp2:
0x12: {  	_ = 	snop;
	(pc) =	sbr.rel @!p0 .LBB2_2-.Ltmp2, $1  }
0x13: {  	_ =	sdelay $0x3  }
0x14: {  	s13 =	sand.u32 $0x1, s10  }
0x15: {  	p0 =	seq.s32 s13, $0x0  }
.Ltmp3:
0x16: {  	_ = 	snop;
	(pc) =	sbr.rel @p0 .LBB2_9-.Ltmp3, $1  }
0x17: {  	_ =	sdelay $0x3  }
0x18: {  	_ =	swait.ge [sflag:s5], $0x80  }
0x19: {  	[sflag:s5] =	ssyncset.done $0x0  }
0x1a: {  	s13 =	simm.s32 $0x0;
	[sflag:s5] =	ssyncadd.s32 $0xFFFFFF80  }
0x1b: {  	v0 =	vld.msk [tilespmem:s13+$0x80 ss:$0x1], $0xffff;
	_ =	sdelay $0x4  }
0x1c: {  	vm2 =	vgt.s32 v0, $0x0  }
0x1d: {  	v0 =	vnsel vm2, $0x0, v0  }
0x1e: {  	v0 =	vmin.u32 v0, $0xC34F  }
0x1f: {  	v0 =	vshll.u32 v0, $0x4;
	_ =	sdelay $0x3  }
0x20: {  	s13 =	simm.s32 $0x4100  }
0x21: {  	[tilespmem:s13], [sflag:$0x1] =	stream.indirect_vreg.gather [hbm:s2], $0x80, v0, vm0, $0x38;
	[tilespmem:$0x8100] =	vst v63  }
0x22: {  	s14 =	simm.s32 $0x4500;
	s31 =	simm.s32 $0x10  }
0x23: {  	[tilespmem:s14], [sflag:$0x1] =	stream.indirect_vreg.gather [hbm:s2], $0x80, v0, vm1, $0x38;
	[tilespmem:$0x8100] =	vst v63  }
0x24: {  	s14 =	simm.s32 $0x80;
	v0 =	vld.msk [tilespmem:s31+$0x80 ss:$0x1], $0xffff  }
.LBB2_5:
0x25: {  	p0 =	sne.s32 s14, $0x1C0;
	_ =	sdelay $0x4  }
0x26: {  	vm2 =	vgt.s32 v0, $0x0  }
0x27: {  	v0 =	vnsel vm2, $0x0, v0  }
0x28: {  	v0 =	vmin.u32 v0, $0xC34F  }
0x29: {  	v0 =	vshll.u32 v0, $0x4;
	_ =	sdelay $0x3  }
.Ltmp4:
0x2a: {  	s13 =	sadd.s32 $0x800, s13;
	(pc) =	sbr.rel @p0 .LBB2_5-.Ltmp4, $4  }
0x2b: {  	[tilespmem:s13], [sflag:$0x1] =	stream.indirect_vreg.gather [hbm:s2], $0x80, v0, vm0, $0x38;
	[tilespmem:$0x8100] =	vst v63  }
0x2c: {  	s15 =	sshra.s32 s14, $0x2;
	s16 =	sadd.s32 $0x400, s13  }
0x2d: {  	[tilespmem:s16], [sflag:$0x1] =	stream.indirect_vreg.gather [hbm:s2], $0x80, v0, vm1, $0x38;
	[tilespmem:$0x8100] =	vst v63  }
0x2e: {  	s14 =	sadd.s32 $0x40, s14;
	v0 =	vld.msk [tilespmem:s15+$0x80 ss:$0x1], $0xffff  }
0x2f: {  	_ =	sdelay $0x3  }
0x30: {  	vm2 =	vgt.s32 v0, $0x0  }
0x31: {  	v0 =	vnsel vm2, $0x0, v0  }
0x32: {  	v0 =	vmin.u32 v0, $0xC34F  }
0x33: {  	v0 =	vshll.u32 v0, $0x4;
	_ =	sdelay $0x3  }
0x34: {  	s13 =	sadd.s32 $0x800, s13  }
0x35: {  	[tilespmem:s13], [sflag:$0x1] =	stream.indirect_vreg.gather [hbm:s2], $0x80, v0, vm0, $0x38;
	[tilespmem:$0x8100] =	vst v63  }
0x36: {  	s13 =	sadd.s32 $0x400, s13  }
0x37: {  	[tilespmem:s13], [sflag:$0x1] =	stream.indirect_vreg.gather [hbm:s2], $0x80, v0, vm1, $0x38;
	[tilespmem:$0x8100] =	vst v63  }
0x38: {  	s12 =	sshll.u32 s12, $0x4;
	s14 =	simm.s32 $0x80;
	_ =	swait.ge [sflag:s4], $0x4000  }
0x39: {  	s15 =	simm.s32 $0x4500;
	s12 =	sadd.s32 s12, s7;
	[sflag:s4] =	ssyncset.done $0x0  }
0x3a: {  	s16 =	sadd.s32 $0x0, s12;
	s13 =	simm.s32 $0x4100;
	[sflag:s4] =	ssyncadd.s32 $0xFFFFC000  }
.LBB2_7:
0x3b: {  	[hbm:s16] =	stream.linear.scatter [tilespmem:s13], [sflag:$0x3], $0x400, $0x38;
	[tilespmem:$0x8100] =	vst v63  }
0x3c: {  	s16 =	smov.u32 s14;
	s13 =	smov.u32 s15;
	p0 =	sne.s32 s14, $0x780  }
.Ltmp5:
0x3d: {  	s14 =	sadd.s32 $0x80, s14;
	(pc) =	sbr.rel @p0 .LBB2_7-.Ltmp5, $2  }
0x3e: {  	_ =	sdelay $0x2  }
0x3f: {  	s15 =	sadd.s32 $0x400, s15;
	s16 =	sadd.s32 s16, s12  }
.Ltmp6:
0x40: {  	(pc) =	sbr.rel .LBB2_9-.Ltmp6, $2  }
0x41: {  	_ =	sdelay $0x2  }
0x42: {  	[hbm:s16] =	stream.linear.scatter [tilespmem:s13], [sflag:$0x3], $0x400, $0x38;
	[tilespmem:$0x8100] =	vst v63  }
.LBB2_2:
.Ltmp7:
0x43: {  	(pc) =	sbr.rel .LBB2_10-.Ltmp7, $4  }
0x44: {  	_ = 	snop  }
0x45: {  	s12 =	sshrl.u32 s11, $0x3  }
0x46: {  	s13 =	sand.u32 $0x7, s11;
	s12 =	sadd.s32 s3, s12  }
0x47: {  	[tilespmem:s9], [sflag:$0x2] =	stream.linear.gather [hbm4b:s12+s13], $0x80, $0x38;
	[tilespmem:$0x8100] =	vst v63  }
.LBB2_11:
0x48: {  	s2 =	simm.s32 $0x3  }
0x49: {  	_ =	swait.ge [sflag:s2], $0x4000  }
0x4a: {  	[sflag:s2] =	ssyncset.done $0x0  }
0x4b: {  	[sflag:s2] =	ssyncadd.s32 $0xFFFFC000  }
0x4c: {  	_ =	sfence.sel $0x180000  }
0x4d: {  	s3 =	simm.s32 $0x2;
	[bflag:$0x0] =	sbarrier.arrive $0xFFFF  }
0x4e: {  	[sflag:s3] =	ssyncpa.u1 $0x1  }
0x4f: {  	s31 =	simm.s32 $0x1;
	[sflag:s2] =	ssyncpa.u1 $0x1  }
0x50: {  	[sflag:s31] =	ssyncpa.u1 $0x1  }
0x51: {  	p0 =	sne.s32 s1, $0x0;
	_ =	strace $0x90000053  }
0x52: {  	s0 =	sadd.s32 @!p0 $0x100000, s0;
	[bflag:$0x2] =	sbarrier.arrive $0xFFFF  }
0x53: {  	[sflag:s0] =	ssyncadd.tile.s32 @!p0 $0x1;
	_ =	shalt  }
.Lfunc_end2:
_tile_overlayer_lowered:
.L_overlay_start_2:
0x54: {  	(tag) =	ssettag $0x2  }
0x55: {  	s0 =	rddreg [dreg:$0x0];
	s2 =	stileid.u32  }
0x56: {  	s1 =	rddreg [dreg:$0x1];
	p0 =	sne.s32 s2, $0x0  }
0x57: {  	s3 =	rddreg [dreg:$0x2];
	[bflag:$0x3] =	sbarrier.arrive $0xFFFF;
	s2 =	simm.s32 @!p0 $0x1C01  }
0x58: {  	[timem:s3], [sflag:s2] =	dma.local @!p0 [hbm:s0], s1  }
0x59: {  	s0 =	simm.s32 @!p0 $0x1  }
0x5a: {  	_ =	swait.ge @!p0 [sflag:s0], s1  }
0x5b: {  	s1 =	ssub.s32 @!p0 $0x0, s1;
	[sflag:s0] =	ssyncset.done @!p0 $0x0  }
0x5c: {  	[sflag:s0] =	ssyncadd.s32 @!p0 s1  }
0x5d: {  	[bflag:$0x3] =	sbarrier.arrive $0xFFFF  }
0x5e: {  	_ =	shalt  }

// kernel: kernel.12.cloned.1.call-start
scs
__scs_entry_jumppad:
0x0: {  	(pc) =	sbr.rel $0x88, $3  }
0x1: {  	(tag) =	ssettag $0x0;
	lr =	simm.s32 $0x1  }
0x2: {  	[smem:$0x3F86] =	sst lr;
	_ =	strace $0xD0000000  }
0x3: {  	_ = 	snop  }
0x4: {  	_ = 	snop  }
0x5: {  	_ = 	snop  }
0x6: {  	_ = 	snop  }
0x7: {  	_ = 	snop  }
__scs_overlays_trampoline_lowered:
0x8: {  	[smem:$0x3F95] =	sst s0  }
0x9: {  	[smem:$0x3F96] =	sst s1  }
0xa: {  	[smem:$0x3F97] =	sst s2  }
0xb: {  	[smem:$0x3F98] =	sst s3  }
0xc: {  	[smem:$0x3F99] =	sst s4  }
0xd: {  	[smem:$0x3F9A] =	sst s5  }
0xe: {  	[smem:$0x3F9B] =	sst s6  }
0xf: {  	[smem:$0x3F9C] =	sst s7  }
0x10: {  	[smem:$0x3F9D] =	sst s8  }
0x11: {  	[smem:$0x3F9E] =	sst s9;
	s0 =	simm.s32 @!p0 $0x0  }
0x12: {  	s1 =	sld [smem:$0x3F84];
	s0 =	simm.s32 @p0 $0x1  }
0x13: {  	[smem:$0x3F9F] =	sst s0;
	s0 =	simm.s32 @!p1 $0x0  }
0x14: {  	s2 =	sld [smem:$0x3F83];
	s0 =	simm.s32 @p1 $0x1  }
0x15: {  	[smem:$0x3FA0] =	sst s0;
	s0 =	simm.s32 @!p2 $0x0  }
0x16: {  	s3 =	sld [smem:$0x3FDB];
	s0 =	simm.s32 @p2 $0x1  }
0x17: {  	s4 =	simm.s32 $0x1BF5;
	[smem:$0x3FA2] =	sst s0  }
0x18: {  	s0 =	sld [smem:$0x3F85];
	_ =	swait.ge [sflag:s4], $0x0  }
0x19: {  	s7 =	sld [smem:$0x3F86]  }
0x1a: {  	s8 =	sadd.s32 $0xFFFFE003, lr  }
0x1b: {  	s9 =	sadd.s32 $0xFFFFFEF7, lr;
	s5 =	simm.s32 $0xFFFFFFFF;
	p2 =	slt.u32 s8, $0xFFFFF086  }
0x1c: {  	p1 =	slt.u32 s9, $0xF7A;
	s5 =	simm.s32 @!p2 $0x0  }
0x1d: {  	s5 =	simm.s32 @p1 $0x1;
	p0 =	seq.s32 s7, s2  }
0x1e: {  	s7 =	smul.u32 @!p0 $0xF7A, s2;
	p2 =	seq.s32 @!p0 s5, $0x0  }
0x1f: {  	s9 =	smul.u32 $0xF7A, s1;
	s8 =	simm.s32 @!p0 $0x1BF5;
	p2 =	por !p2, p0  }
0x20: {  	[sflag:s8] =	ssyncset.s32 @!p0 $0xFFFFF086;
	s6 =	sadd.s32 @!p0 s3, s7;
	s7 =	simm.s32 @!p0 $0x108  }
0x21: {  	s3 =	sadd.s32 s3, s9;
	s6 =	sadd.s32 @!p0 $0x88, s6;
	s7 =	simm.s32 @p2 $0x1082  }
0x22: {  	[simem:s7], [sflag:s8] =	dma.local @!p0 [hbm:s6], $0xF7A  }
0x23: {  	s9 =	sor.u32 $0xD0000000, s2;
	s6 =	simm.s32 $0x108;
	_ =	swait.ge @!p0 [sflag:s8], $0x0  }
0x24: {  	s3 =	sadd.s32 $0x88, s3;
	s6 =	simm.s32 @!p1 $0x1082;
	[sflag:s4] =	ssyncset.s32 $0xFFFFF086  }
0x25: {  	[simem:s6], [sflag:s4] =	dma.local [hbm:s3], $0xF7A  }
0x26: {  	[smem:$0x3F86] =	sst s1;
	(tag) =	ssettag s2;
	_ =	strace s9  }
0x27: {  	s1 =	sld [smem:$0x3F96]  }
0x28: {  	s2 =	sld [smem:$0x3F97]  }
0x29: {  	s4 =	sld [smem:$0x3F99]  }
0x2a: {  	p0 =	seq.s32 s5, $0x0;
	s5 =	sld [smem:$0x3F9A]  }
0x2b: {  	s6 =	sld [smem:$0x3F9B]  }
0x2c: {  	s7 =	sld [smem:$0x3F9C]  }
0x2d: {  	s3 =	simm.s32 $0x108;
	s8 =	sld [smem:$0x3F9D]  }
0x2e: {  	s3 =	simm.s32 @!p0 $0x1082;
	s9 =	sld [smem:$0x3F9E]  }
0x2f: {  	lr =	sadd.s32 s0, s3;
	s0 =	sld [smem:$0x3F95]  }
0x30: {  	s3 =	sld [smem:$0x3F98]  }
0x31: {  	[smem:$0x3FA1] =	sst s10  }
0x32: {  	s10 =	sld [smem:$0x3F9F];
	_ =	sdelay $0x3  }
0x33: {  	p0 =	seq.s32 s10, $0x1;
	s10 =	sld [smem:$0x3FA1];
	_ =	sdelay $0x3  }
0x34: {  	[smem:$0x3FA1] =	sst s10  }
0x35: {  	s10 =	sld [smem:$0x3FA0];
	_ =	sdelay $0x3  }
0x36: {  	p1 =	seq.s32 s10, $0x1;
	s10 =	sld [smem:$0x3FA1];
	_ =	sdelay $0x3  }
0x37: {  	[smem:$0x3FA1] =	sst s10  }
0x38: {  	s10 =	sld [smem:$0x3FA2]  }
0x39: {  	_ = 	snop;
	(pc) =	sbr.ind lr, $3  }
0x3a: {  	_ = 	snop  }
0x3b: {  	_ = 	snop  }
0x3c: {  	p2 =	seq.s32 s10, $0x1;
	s10 =	sld [smem:$0x3FA1]  }
0x3d: {  	_ =	shalt  }
0x3e: {  	_ =	shalt  }
0x3f: {  	_ =	shalt  }
0x40: {  	_ =	shalt  }
0x41: {  	_ =	shalt  }
0x42: {  	_ =	shalt  }
0x43: {  	_ =	shalt  }
0x44: {  	_ =	shalt  }
0x45: {  	_ =	shalt  }
0x46: {  	_ =	shalt  }
0x47: {  	_ =	shalt  }
0x48: {  	_ =	shalt  }
0x49: {  	_ =	shalt  }
0x4a: {  	_ =	shalt  }
0x4b: {  	_ =	shalt  }
0x4c: {  	_ =	shalt  }
0x4d: {  	_ =	shalt  }
0x4e: {  	_ =	shalt  }
0x4f: {  	_ =	shalt  }
0x50: {  	_ =	shalt  }
0x51: {  	_ =	shalt  }
0x52: {  	_ =	shalt  }
0x53: {  	_ =	shalt  }
0x54: {  	_ =	shalt  }
0x55: {  	_ =	shalt  }
0x56: {  	_ =	shalt  }
0x57: {  	_ =	shalt  }
0x58: {  	_ =	shalt  }
0x59: {  	_ =	shalt  }
0x5a: {  	_ =	shalt  }
0x5b: {  	_ =	shalt  }
0x5c: {  	_ =	shalt  }
0x5d: {  	_ =	shalt  }
0x5e: {  	_ =	shalt  }
0x5f: {  	_ =	shalt  }
0x60: {  	_ =	shalt  }
0x61: {  	_ =	shalt  }
0x62: {  	_ =	shalt  }
0x63: {  	_ =	shalt  }
0x64: {  	_ =	shalt  }
0x65: {  	_ =	shalt  }
0x66: {  	_ =	shalt  }
0x67: {  	_ =	shalt  }
0x68: {  	_ =	shalt  }
0x69: {  	_ =	shalt  }
0x6a: {  	_ =	shalt  }
0x6b: {  	_ =	shalt  }
0x6c: {  	_ =	shalt  }
0x6d: {  	_ =	shalt  }
0x6e: {  	_ =	shalt  }
0x6f: {  	_ =	shalt  }
0x70: {  	_ =	shalt  }
0x71: {  	_ =	shalt  }
0x72: {  	_ =	shalt  }
0x73: {  	_ =	shalt  }
0x74: {  	_ =	shalt  }
0x75: {  	_ =	shalt  }
0x76: {  	_ =	shalt  }
0x77: {  	_ =	shalt  }
0x78: {  	_ =	shalt  }
0x79: {  	_ =	shalt  }
0x7a: {  	_ =	shalt  }
0x7b: {  	_ =	shalt  }
0x7c: {  	_ =	shalt  }
0x7d: {  	_ =	shalt  }
0x7e: {  	_ =	shalt  }
0x7f: {  	_ =	shalt  }
0x80: {  	_ =	shalt  }
0x81: {  	_ =	shalt  }
0x82: {  	_ =	shalt  }
0x83: {  	_ =	shalt  }
0x84: {  	_ =	shalt  }
0x85: {  	_ =	shalt  }
0x86: {  	_ =	shalt  }
0x87: {  	_ =	shalt  }
.Lfunc_end0:
.L_simem_size_0:
called_computation.4_lowered:
.L_overlay_start_0:
0x88: {  	s2 =	sld [smem:$0x3FD9]  }
0x89: {  	s3 =	sld [smem:$0x3FFE];
	_ =	sdelay $0x1  }
0x8a: {  	s1 =	srdreg.scid  }
0x8b: {  	s0 =	sand.u32 $0x1, s1  }
0x8c: {  	s16 =	sshll.u32 s0, $0xA;
	s2 =	sadd.s32 s3, s2  }
0x8d: {  	s2 =	sadd.s32 s2, s16  }
0x8e: {  	[smem:$0x3FAD] =	sst s2  }
0x8f: {  	_ = 	snop  }
0x90: {  	(tm) =	ssettm $0x1  }
0x91: {  	s17 =	sld [smem:$0x3FFB];
	_ =	sdelay $0x3  }
0x92: {  	_ =	strace s17  }
0x93: {  	s2 =	sld [smem:$0x3FFC];
	_ =	sdelay $0x3  }
0x94: {  	_ =	strace s2  }
0x95: {  	s2 =	sld [smem:$0x3FFD];
	_ =	sdelay $0x3  }
0x96: {  	_ =	strace s2  }
0x97: {  	_ =	strace $0x8FFFFFFF  }
0x98: {  	s18 =	sld [smem:$0x3FDB];
	_ =	sdelay $0x1  }
0x99: {  	s19 =	simm.s32 $_scs_section_size  }
0x9a: {  	s4 =	simm.s32 $_size__tile_overlayer_lowered;
	s5 =	simm.s32 $_tile_overlayer_lowered  }
0x9b: {  	s22 =	simm.s32 $0x1BFF;
	s21 =	sshll.u32 s5, $0x1;
	s2 =	sadd.s32 s19, s18  }
0x9c: {  	s6 =	simm.s32 $0x0;
	s20 =	sshll.u32 s4, $0x1;
	s4 =	sadd.s32 s21, s2  }
0x9d: {  	[timem:s6], [sflag:s22] =	dma.local [hbm:s4], s20  }
0x9e: {  	_ =	swait.ge [sflag:s22], s20  }
0x9f: {  	s3 =	ssub.s32 $0x0, s20;
	[sflag:s22] =	ssyncset.done $0x0  }
0xa0: {  	[sflag:s22] =	ssyncadd.s32 s3;
	_ =	sdelay $0x1  }
0xa1: {  	s23 =	simm.s32 $0x1B8B  }
0xa2: {  	_ =	swait.ge [sflag:s23], $0x1  }
0xa3: {  	[sflag:s23] =	ssyncset.done $0x0  }
0xa4: {  	s25 =	simm.s32 $0x1B8E;
	s24 =	sld [smem:$0x3FFE];
	[sflag:s23] =	ssyncadd.s32 $0xFFFFFFFF  }
0xa5: {  	s26 =	simm.s32 $execute0_lowered;
	[smem:$0x3FD2] =	sst s25  }
0xa6: {  	s4 =	sshll.u32 s26, $0x1;
	_ =	strace $0x80000046;
	[dreg:$0x1] =	wrdreg $0xFFFFFFFF  }
0xa7: {  	s28 =	simm.s32 $_size_execute0_lowered;
	s2 =	sadd.s32 s2, s4;
	[dreg:$0x0] =	wrdreg $0x0  }
0xa8: {  	s4 =	sshll.u32 s28, $0x1;
	[dreg:$0x2] =	wrdreg s2  }
0xa9: {  	[dreg:$0x3] =	wrdreg s4  }
0xaa: {  	[dreg:$0x4] =	wrdreg $0xC0  }
0xab: {  	_ =	task [dreg:s6], $0x5FFFF  }
0xac: {  	[dreg:$0x1] =	wrdreg $0xFFFFFFFF  }
0xad: {  	[dreg:$0x0] =	wrdreg $0x60  }
0xae: {  	[dreg:$0x2] =	wrdreg s24  }
0xaf: {  	[dreg:$0x3] =	wrdreg $0x9  }
0xb0: {  	_ =	task.clear_ibuf [dreg:s6], $0x4FFFF;
	_ =	strace $0x90000046  }
0xb1: {  	s29 =	simm.s32 $0x9;
	_ =	strace $0x80000048  }
0xb2: {  	_ =	swait.ge [sflag:s29], $0x1  }
0xb3: {  	[sflag:s29] =	ssyncadd.s32 $0xFFFFFFFF  }
0xb4: {  	_ =	strace $0x90000048  }
0xb5: {  	_ =	sfence  }
0xb6: {  	s30 =	sld [smem:$0x0];
	_ =	sdelay $0x2  }
0xb7: {  	s31 =	sshll.u32 s1, $0xD;
	s1 =	sshrl.u32 s1, $0x2  }
0xb8: {  	s3 =	sand.u32 $0x4000, s31;
	s1 =	sadd.s32 s1, s30  }
0xb9: {  	s0 =	sor.u32 s3, s0;
	s1 =	sshll.u32 s1, $0x11  }
0xba: {  	s0 =	sor.u32 s1, s0  }
0xbb: {  	s0 =	sadd.s32 $0x8F2B, s0  }
0xbc: {  	[sflag:s0] =	ssyncadd.remote.s32 $0x1  }
0xbd: {  	_ =	sfence.sel $0xFFFF  }
0xbe: {  	[dreg:$0x0] =	wrdreg $0xFFFFFFFF;
	(pc) =	sbr.abs _section_cstart, $3  }
0xbf: {  	[dreg:$0x1] =	wrdreg $0xFFFFFFFF  }
0xc0: {  	_ =	task.clear_ibuf [dreg:s6], $0x2FFFF;
	_ =	strace $0x9FFFFFFF  }
0xc1: {  	(tm) =	ssettm $0x7FFFFFFF  }
tec
execute0_lowered:
.L_overlay_start_1:
0x0: {  	(tag) =	ssettag $0x1  }
0x1: {  	s0 =	srdreg.scid;
	s4 =	rddreg [dreg:$0x0]  }
0x2: {  	s2 =	simm.s32 $0x0;
	s10 =	simm.s32 $0x6980;
	s11 =	simm.s32 $0x100  }
0x3: {  	s12 =	simm.s32 $0x7180;
	s13 =	simm.s32 $0x180;
	s14 =	simm.s32 $0x7980  }
0x4: {  	s15 =	simm.s32 $0x200;
	s16 =	simm.s32 $0x8180;
	s17 =	simm.s32 $0x1  }
0x5: {  	s18 =	simm.s32 $0x2;
	s19 =	simm.s32 $0x3;
	s20 =	simm.s32 $0x4  }
0x6: {  	s21 =	simm.s32 $0x5;
	s22 =	simm.s32 $0x6;
	s23 =	simm.s32 $0x7  }
0x7: {  	s24 =	simm.s32 $0x8;
	s25 =	simm.s32 $0x9;
	s26 =	simm.s32 $0xA  }
0x8: {  	s28 =	simm.s32 $0x0;
	s3 =	sand.u32 $0x1, s0;
	s0 =	stileid.u32  }
0x9: {  	[smem:$0x7FF] =	sst s2;
	s1 =	sshll.u32 s3, $0x4;
	s6 =	smul.u32 $0xC3000, s3  }
0xa: {  	_ =	strace $0x80000047;
	s7 =	ssub.s32 $0x2, s3;
	s8 =	smul.u32 $0xC300, s0  }
.Ltmp0:
0xb: {  	s3 =	sadd.s32 $0x20600, s4;
	s5 =	sor.u32 s0, s1;
	(pc) =	sbr.rel .LBB2_1-.Ltmp0, $4  }
0xc: {  	s9 =	sshrl.u32 s7, $0x1;
	s5 =	smul.u32 $0xC30, s5;
	s6 =	sadd.s32 s6, s4  }
0xd: {  	s31 =	ssub.s32 s7, s9;
	s7 =	simm.s32 $0xB;
	s9 =	simm.s32 $0x6180  }
0xe: {  	s6 =	sadd.s32 s8, s6;
	s8 =	simm.s32 $0x80;
	s4 =	sadd.s32 s5, s4  }
0xf: {  	s5 =	smax.u32 s31, $0x1;
	s6 =	sadd.s32 $0x26A800, s6;
	s4 =	sadd.s32 $0x38E00, s4  }
.LBB2_4:
0x10: {  	_ =	swait.ge [sflag:s23], $0x800  }
0x11: {  	[sflag:s23] =	ssyncset.done $0x0  }
0x12: {  	[sflag:s23] =	ssyncadd.s32 $0xFFFFF800  }
0x13: {  	_ =	swait.ge [sflag:s24], $0x800  }
0x14: {  	[sflag:s24] =	ssyncset.done $0x0  }
0x15: {  	s28 =	sadd.s32 $0x1, s28;
	[sflag:s24] =	ssyncadd.s32 $0xFFFFF800  }
0x16: {  	p0 =	sne.s32 s28, s5;
	_ =	swait.ge [sflag:s25], $0x800  }
.Ltmp1:
0x17: {  	[sflag:s25] =	ssyncset.done $0x0;
	(pc) =	sbr.rel @!p0 .LBB2_5-.Ltmp1, $4  }
0x18: {  	[sflag:s25] =	ssyncadd.s32 $0xFFFFF800  }
0x19: {  	_ =	swait.ge [sflag:s26], $0x800  }
0x1a: {  	[sflag:s26] =	ssyncset.done $0x0  }
0x1b: {  	[sflag:s26] =	ssyncadd.s32 $0xFFFFF800  }
.LBB2_1:
0x1c: {  	[tilespmem:s2], [sflag:$0xB] =	stream.linear.gather [hbm4b:s4+s2], $0x6180, $0x38;
	[tilespmem:$0x8980] =	vst v63  }
0x1d: {  	_ =	swait.ge [sflag:s7], $0x6180  }
0x1e: {  	[sflag:s7] =	ssyncset.done $0x0  }
0x1f: {  	[sflag:s7] =	ssyncadd.s32 $0xFFFF9E80  }
0x20: {  	[tilespmem:s9], [sflag:$0x1] =	stream.indirect.gather [hbm4b:s3+s8], $0x10, s2, s8, $0xb8;
	[tilespmem:$0x8980] =	vst v63  }
0x21: {  	_ = 	snop  }
0x22: {  	[tilespmem:s10], [sflag:$0x2] =	stream.indirect.gather [hbm4b:s3+s8], $0x10, s8, s8, $0xb8;
	[tilespmem:$0x8980] =	vst v63  }
0x23: {  	_ = 	snop  }
0x24: {  	[tilespmem:s12], [sflag:$0x3] =	stream.indirect.gather [hbm4b:s3+s8], $0x10, s11, s8, $0xb8;
	[tilespmem:$0x8980] =	vst v63  }
0x25: {  	_ = 	snop  }
0x26: {  	[tilespmem:s14], [sflag:$0x4] =	stream.indirect.gather [hbm4b:s3+s8], $0x10, s13, s8, $0xb8;
	[tilespmem:$0x8980] =	vst v63  }
0x27: {  	s29 =	smov.u32 s6;
	s30 =	simm.s32 $0x0  }
0x28: {  	[tilespmem:s16], [sflag:$0x5] =	stream.indirect.gather [hbm4b:s3+s8], $0x10, s15, s8, $0xb8;
	[tilespmem:$0x8980] =	vst v63  }
.LBB2_2:
0x29: {  	_ =	swait.ge [sflag:s17], $0x800  }
0x2a: {  	[sflag:s17] =	ssyncset.done $0x0  }
0x2b: {  	[sflag:s17] =	ssyncadd.s32 $0xFFFFF800  }
0x2c: {  	[hbm4b:s29+s2] =	stream.linear.scatter [tilespmem:s9], [sflag:$0x6], $0x800, $0x38;
	[tilespmem:$0x8980] =	vst v63  }
0x2d: {  	_ =	swait.ge [sflag:s18], $0x800  }
0x2e: {  	[sflag:s18] =	ssyncset.done $0x0  }
0x2f: {  	s31 =	sadd.s32 $0x100, s29;
	[sflag:s18] =	ssyncadd.s32 $0xFFFFF800  }
0x30: {  	[hbm4b:s31+s2] =	stream.linear.scatter [tilespmem:s10], [sflag:$0x7], $0x800, $0x38;
	[tilespmem:$0x8980] =	vst v63  }
0x31: {  	_ =	swait.ge [sflag:s19], $0x800  }
0x32: {  	[sflag:s19] =	ssyncset.done $0x0  }
0x33: {  	s1 =	sadd.s32 $0x200, s29;
	[sflag:s19] =	ssyncadd.s32 $0xFFFFF800  }
0x34: {  	[hbm4b:s1+s2] =	stream.linear.scatter [tilespmem:s12], [sflag:$0x8], $0x800, $0x38;
	[tilespmem:$0x8980] =	vst v63  }
0x35: {  	_ =	swait.ge [sflag:s20], $0x800  }
0x36: {  	[sflag:s20] =	ssyncset.done $0x0  }
0x37: {  	s1 =	sadd.s32 $0x300, s29;
	[sflag:s20] =	ssyncadd.s32 $0xFFFFF800  }
0x38: {  	[hbm4b:s1+s2] =	stream.linear.scatter [tilespmem:s14], [sflag:$0x9], $0x800, $0x38;
	[tilespmem:$0x8980] =	vst v63  }
0x39: {  	_ =	swait.ge [sflag:s21], $0x800  }
0x3a: {  	p0 =	seq.s32 s30, $0x17C00;
	[sflag:s21] =	ssyncset.done $0x0  }
.Ltmp2:
0x3b: {  	s1 =	sadd.s32 $0x400, s29;
	[sflag:s21] =	ssyncadd.s32 $0xFFFFF800;
	(pc) =	sbr.rel @p0 .LBB2_4-.Ltmp2, $4  }
0x3c: {  	[hbm4b:s1+s2] =	stream.linear.scatter [tilespmem:s16], [sflag:$0xA], $0x800, $0x38;
	[tilespmem:$0x8980] =	vst v63  }
0x3d: {  	_ =	swait.ge [sflag:s22], $0x800  }
0x3e: {  	[sflag:s22] =	ssyncset.done $0x0  }
0x3f: {  	[sflag:s22] =	ssyncadd.s32 $0xFFFFF800  }
0x40: {  	s31 =	sshra.s32 s30, $0x2  }
0x41: {  	s1 =	sadd.s32 $0x280, s31  }
0x42: {  	[tilespmem:s9], [sflag:$0x1] =	stream.indirect.gather [hbm4b:s3+s8], $0x10, s1, s8, $0xb8;
	[tilespmem:$0x8980] =	vst v63  }
0x43: {  	_ =	swait.ge [sflag:s23], $0x800  }
0x44: {  	[sflag:s23] =	ssyncset.done $0x0  }
0x45: {  	s1 =	sadd.s32 $0x300, s31;
	[sflag:s23] =	ssyncadd.s32 $0xFFFFF800  }
0x46: {  	[tilespmem:s10], [sflag:$0x2] =	stream.indirect.gather [hbm4b:s3+s8], $0x10, s1, s8, $0xb8;
	[tilespmem:$0x8980] =	vst v63  }
0x47: {  	_ =	swait.ge [sflag:s24], $0x800  }
0x48: {  	[sflag:s24] =	ssyncset.done $0x0  }
0x49: {  	s1 =	sadd.s32 $0x380, s31;
	[sflag:s24] =	ssyncadd.s32 $0xFFFFF800  }
0x4a: {  	[tilespmem:s12], [sflag:$0x3] =	stream.indirect.gather [hbm4b:s3+s8], $0x10, s1, s8, $0xb8;
	[tilespmem:$0x8980] =	vst v63  }
0x4b: {  	_ =	swait.ge [sflag:s25], $0x800  }
0x4c: {  	[sflag:s25] =	ssyncset.done $0x0  }
0x4d: {  	s1 =	sadd.s32 $0x400, s31;
	[sflag:s25] =	ssyncadd.s32 $0xFFFFF800  }
0x4e: {  	[tilespmem:s14], [sflag:$0x4] =	stream.indirect.gather [hbm4b:s3+s8], $0x10, s1, s8, $0xb8;
	[tilespmem:$0x8980] =	vst v63  }
.Ltmp3:
0x4f: {  	_ = 	snop;
	(pc) =	sbr.rel .LBB2_2-.Ltmp3, $4  }
0x50: {  	_ =	swait.ge [sflag:s26], $0x800  }
0x51: {  	s30 =	sadd.s32 $0xA00, s30;
	[sflag:s26] =	ssyncset.done $0x0  }
0x52: {  	s29 =	sadd.s32 $0x500, s29;
	s31 =	sadd.s32 $0x480, s31;
	[sflag:s26] =	ssyncadd.s32 $0xFFFFF800  }
0x53: {  	[tilespmem:s16], [sflag:$0x5] =	stream.indirect.gather [hbm4b:s3+s8], $0x10, s31, s8, $0xb8;
	[tilespmem:$0x8980] =	vst v63  }
.LBB2_5:
0x54: {  	_ =	sfence.sel $0x180000  }
0x55: {  	[bflag:$0x0] =	sbarrier.arrive $0xFFFF  }
0x56: {  	_ =	strace $0x90000047  }
0x57: {  	[bflag:$0x2] =	sbarrier.arrive $0xFFFF  }
0x58: {  	p0 =	sne.s32 s0, $0x0;
	s0 =	rddreg [dreg:$0x1]  }
0x59: {  	s0 =	sadd.s32 @!p0 $0x100000, s0  }
0x5a: {  	[sflag:s0] =	ssyncadd.tile.s32 @!p0 $0x1;
	_ =	shalt  }
.Lfunc_end2:
_tile_overlayer_lowered:
.L_overlay_start_2:
0x5b: {  	(tag) =	ssettag $0x2  }
0x5c: {  	s0 =	rddreg [dreg:$0x0];
	s2 =	stileid.u32  }
0x5d: {  	s1 =	rddreg [dreg:$0x1];
	p0 =	sne.s32 s2, $0x0  }
0x5e: {  	s3 =	rddreg [dreg:$0x2];
	[bflag:$0x3] =	sbarrier.arrive $0xFFFF;
	s2 =	simm.s32 @!p0 $0x1C0B  }
0x5f: {  	[timem:s3], [sflag:s2] =	dma.local @!p0 [hbm:s0], s1  }
0x60: {  	s0 =	simm.s32 @!p0 $0xB  }
0x61: {  	_ =	swait.ge @!p0 [sflag:s0], s1  }
0x62: {  	s1 =	ssub.s32 @!p0 $0x0, s1;
	[sflag:s0] =	ssyncset.done @!p0 $0x0  }
0x63: {  	[sflag:s0] =	ssyncadd.s32 @!p0 s1  }
0x64: {  	[bflag:$0x3] =	sbarrier.arrive $0xFFFF  }
0x65: {  	_ =	shalt  }

// kernel: kernel.15.cloned.1.call-start
scs
__scs_entry_jumppad:
0x0: {  	(pc) =	sbr.rel $0x88, $3  }
0x1: {  	(tag) =	ssettag $0x0;
	lr =	simm.s32 $0x1  }
0x2: {  	[smem:$0x3F86] =	sst lr;
	_ =	strace $0xD0000000  }
0x3: {  	_ = 	snop  }
0x4: {  	_ = 	snop  }
0x5: {  	_ = 	snop  }
0x6: {  	_ = 	snop  }
0x7: {  	_ = 	snop  }
__scs_overlays_trampoline_lowered:
0x8: {  	[smem:$0x3F95] =	sst s0  }
0x9: {  	[smem:$0x3F96] =	sst s1  }
0xa: {  	[smem:$0x3F97] =	sst s2  }
0xb: {  	[smem:$0x3F98] =	sst s3  }
0xc: {  	[smem:$0x3F99] =	sst s4  }
0xd: {  	[smem:$0x3F9A] =	sst s5  }
0xe: {  	[smem:$0x3F9B] =	sst s6  }
0xf: {  	[smem:$0x3F9C] =	sst s7  }
0x10: {  	[smem:$0x3F9D] =	sst s8  }
0x11: {  	[smem:$0x3F9E] =	sst s9;
	s0 =	simm.s32 @!p0 $0x0  }
0x12: {  	s1 =	sld [smem:$0x3F84];
	s0 =	simm.s32 @p0 $0x1  }
0x13: {  	[smem:$0x3F9F] =	sst s0;
	s0 =	simm.s32 @!p1 $0x0  }
0x14: {  	s2 =	sld [smem:$0x3F83];
	s0 =	simm.s32 @p1 $0x1  }
0x15: {  	[smem:$0x3FA0] =	sst s0;
	s0 =	simm.s32 @!p2 $0x0  }
0x16: {  	s3 =	sld [smem:$0x3FDB];
	s0 =	simm.s32 @p2 $0x1  }
0x17: {  	s4 =	simm.s32 $0x1BF5;
	[smem:$0x3FA2] =	sst s0  }
0x18: {  	s0 =	sld [smem:$0x3F85];
	_ =	swait.ge [sflag:s4], $0x0  }
0x19: {  	s7 =	sld [smem:$0x3F86]  }
0x1a: {  	s8 =	sadd.s32 $0xFFFFE003, lr  }
0x1b: {  	s9 =	sadd.s32 $0xFFFFFEF7, lr;
	s5 =	simm.s32 $0xFFFFFFFF;
	p2 =	slt.u32 s8, $0xFFFFF086  }
0x1c: {  	p1 =	slt.u32 s9, $0xF7A;
	s5 =	simm.s32 @!p2 $0x0  }
0x1d: {  	s5 =	simm.s32 @p1 $0x1;
	p0 =	seq.s32 s7, s2  }
0x1e: {  	s7 =	smul.u32 @!p0 $0xF7A, s2;
	p2 =	seq.s32 @!p0 s5, $0x0  }
0x1f: {  	s9 =	smul.u32 $0xF7A, s1;
	s8 =	simm.s32 @!p0 $0x1BF5;
	p2 =	por !p2, p0  }
0x20: {  	[sflag:s8] =	ssyncset.s32 @!p0 $0xFFFFF086;
	s6 =	sadd.s32 @!p0 s3, s7;
	s7 =	simm.s32 @!p0 $0x108  }
0x21: {  	s3 =	sadd.s32 s3, s9;
	s6 =	sadd.s32 @!p0 $0x88, s6;
	s7 =	simm.s32 @p2 $0x1082  }
0x22: {  	[simem:s7], [sflag:s8] =	dma.local @!p0 [hbm:s6], $0xF7A  }
0x23: {  	s9 =	sor.u32 $0xD0000000, s2;
	s6 =	simm.s32 $0x108;
	_ =	swait.ge @!p0 [sflag:s8], $0x0  }
0x24: {  	s3 =	sadd.s32 $0x88, s3;
	s6 =	simm.s32 @!p1 $0x1082;
	[sflag:s4] =	ssyncset.s32 $0xFFFFF086  }
0x25: {  	[simem:s6], [sflag:s4] =	dma.local [hbm:s3], $0xF7A  }
0x26: {  	[smem:$0x3F86] =	sst s1;
	(tag) =	ssettag s2;
	_ =	strace s9  }
0x27: {  	s1 =	sld [smem:$0x3F96]  }
0x28: {  	s2 =	sld [smem:$0x3F97]  }
0x29: {  	s4 =	sld [smem:$0x3F99]  }
0x2a: {  	p0 =	seq.s32 s5, $0x0;
	s5 =	sld [smem:$0x3F9A]  }
0x2b: {  	s6 =	sld [smem:$0x3F9B]  }
0x2c: {  	s7 =	sld [smem:$0x3F9C]  }
0x2d: {  	s3 =	simm.s32 $0x108;
	s8 =	sld [smem:$0x3F9D]  }
0x2e: {  	s3 =	simm.s32 @!p0 $0x1082;
	s9 =	sld [smem:$0x3F9E]  }
0x2f: {  	lr =	sadd.s32 s0, s3;
	s0 =	sld [smem:$0x3F95]  }
0x30: {  	s3 =	sld [smem:$0x3F98]  }
0x31: {  	[smem:$0x3FA1] =	sst s10  }
0x32: {  	s10 =	sld [smem:$0x3F9F];
	_ =	sdelay $0x3  }
0x33: {  	p0 =	seq.s32 s10, $0x1;
	s10 =	sld [smem:$0x3FA1];
	_ =	sdelay $0x3  }
0x34: {  	[smem:$0x3FA1] =	sst s10  }
0x35: {  	s10 =	sld [smem:$0x3FA0];
	_ =	sdelay $0x3  }
0x36: {  	p1 =	seq.s32 s10, $0x1;
	s10 =	sld [smem:$0x3FA1];
	_ =	sdelay $0x3  }
0x37: {  	[smem:$0x3FA1] =	sst s10  }
0x38: {  	s10 =	sld [smem:$0x3FA2]  }
0x39: {  	_ = 	snop;
	(pc) =	sbr.ind lr, $3  }
0x3a: {  	_ = 	snop  }
0x3b: {  	_ = 	snop  }
0x3c: {  	p2 =	seq.s32 s10, $0x1;
	s10 =	sld [smem:$0x3FA1]  }
0x3d: {  	_ =	shalt  }
0x3e: {  	_ =	shalt  }
0x3f: {  	_ =	shalt  }
0x40: {  	_ =	shalt  }
0x41: {  	_ =	shalt  }
0x42: {  	_ =	shalt  }
0x43: {  	_ =	shalt  }
0x44: {  	_ =	shalt  }
0x45: {  	_ =	shalt  }
0x46: {  	_ =	shalt  }
0x47: {  	_ =	shalt  }
0x48: {  	_ =	shalt  }
0x49: {  	_ =	shalt  }
0x4a: {  	_ =	shalt  }
0x4b: {  	_ =	shalt  }
0x4c: {  	_ =	shalt  }
0x4d: {  	_ =	shalt  }
0x4e: {  	_ =	shalt  }
0x4f: {  	_ =	shalt  }
0x50: {  	_ =	shalt  }
0x51: {  	_ =	shalt  }
0x52: {  	_ =	shalt  }
0x53: {  	_ =	shalt  }
0x54: {  	_ =	shalt  }
0x55: {  	_ =	shalt  }
0x56: {  	_ =	shalt  }
0x57: {  	_ =	shalt  }
0x58: {  	_ =	shalt  }
0x59: {  	_ =	shalt  }
0x5a: {  	_ =	shalt  }
0x5b: {  	_ =	shalt  }
0x5c: {  	_ =	shalt  }
0x5d: {  	_ =	shalt  }
0x5e: {  	_ =	shalt  }
0x5f: {  	_ =	shalt  }
0x60: {  	_ =	shalt  }
0x61: {  	_ =	shalt  }
0x62: {  	_ =	shalt  }
0x63: {  	_ =	shalt  }
0x64: {  	_ =	shalt  }
0x65: {  	_ =	shalt  }
0x66: {  	_ =	shalt  }
0x67: {  	_ =	shalt  }
0x68: {  	_ =	shalt  }
0x69: {  	_ =	shalt  }
0x6a: {  	_ =	shalt  }
0x6b: {  	_ =	shalt  }
0x6c: {  	_ =	shalt  }
0x6d: {  	_ =	shalt  }
0x6e: {  	_ =	shalt  }
0x6f: {  	_ =	shalt  }
0x70: {  	_ =	shalt  }
0x71: {  	_ =	shalt  }
0x72: {  	_ =	shalt  }
0x73: {  	_ =	shalt  }
0x74: {  	_ =	shalt  }
0x75: {  	_ =	shalt  }
0x76: {  	_ =	shalt  }
0x77: {  	_ =	shalt  }
0x78: {  	_ =	shalt  }
0x79: {  	_ =	shalt  }
0x7a: {  	_ =	shalt  }
0x7b: {  	_ =	shalt  }
0x7c: {  	_ =	shalt  }
0x7d: {  	_ =	shalt  }
0x7e: {  	_ =	shalt  }
0x7f: {  	_ =	shalt  }
0x80: {  	_ =	shalt  }
0x81: {  	_ =	shalt  }
0x82: {  	_ =	shalt  }
0x83: {  	_ =	shalt  }
0x84: {  	_ =	shalt  }
0x85: {  	_ =	shalt  }
0x86: {  	_ =	shalt  }
0x87: {  	_ =	shalt  }
.Lfunc_end0:
.L_simem_size_0:
called_computation.5_lowered:
.L_overlay_start_0:
0x88: {  	s2 =	sld [smem:$0x3FD9]  }
0x89: {  	s3 =	sld [smem:$0x3FFE];
	_ =	sdelay $0x1  }
0x8a: {  	s1 =	srdreg.scid  }
0x8b: {  	s0 =	sand.u32 $0x1, s1  }
0x8c: {  	s16 =	sshll.u32 s0, $0xA;
	s2 =	sadd.s32 s3, s2  }
0x8d: {  	s2 =	sadd.s32 s2, s16  }
0x8e: {  	[smem:$0x3FAD] =	sst s2  }
0x8f: {  	_ = 	snop  }
0x90: {  	(tm) =	ssettm $0x1  }
0x91: {  	s17 =	sld [smem:$0x3FFB];
	_ =	sdelay $0x3  }
0x92: {  	_ =	strace s17  }
0x93: {  	s2 =	sld [smem:$0x3FFC];
	_ =	sdelay $0x3  }
0x94: {  	_ =	strace s2  }
0x95: {  	s2 =	sld [smem:$0x3FFD];
	_ =	sdelay $0x3  }
0x96: {  	_ =	strace s2  }
0x97: {  	_ =	strace $0x8FFFFFFF  }
0x98: {  	s18 =	sld [smem:$0x3FDB];
	_ =	sdelay $0x1  }
0x99: {  	s19 =	simm.s32 $_scs_section_size  }
0x9a: {  	s4 =	simm.s32 $_size__tile_overlayer_lowered;
	s5 =	simm.s32 $_tile_overlayer_lowered  }
0x9b: {  	s22 =	simm.s32 $0x1BFF;
	s21 =	sshll.u32 s5, $0x1;
	s2 =	sadd.s32 s19, s18  }
0x9c: {  	s6 =	simm.s32 $0x0;
	s20 =	sshll.u32 s4, $0x1;
	s4 =	sadd.s32 s21, s2  }
0x9d: {  	[timem:s6], [sflag:s22] =	dma.local [hbm:s4], s20  }
0x9e: {  	_ =	swait.ge [sflag:s22], s20  }
0x9f: {  	s3 =	ssub.s32 $0x0, s20;
	[sflag:s22] =	ssyncset.done $0x0  }
0xa0: {  	[sflag:s22] =	ssyncadd.s32 s3;
	_ =	sdelay $0x1  }
0xa1: {  	s23 =	simm.s32 $0x1B8B  }
0xa2: {  	_ =	swait.ge [sflag:s23], $0x1  }
0xa3: {  	[sflag:s23] =	ssyncset.done $0x0  }
0xa4: {  	s25 =	simm.s32 $0x1B8E;
	s24 =	sld [smem:$0x3FFE];
	[sflag:s23] =	ssyncadd.s32 $0xFFFFFFFF  }
0xa5: {  	s26 =	simm.s32 $execute0_lowered;
	[smem:$0x3FD2] =	sst s25  }
0xa6: {  	s4 =	sshll.u32 s26, $0x1;
	_ =	strace $0x80000049;
	[dreg:$0x1] =	wrdreg $0xFFFFFFFF  }
0xa7: {  	s28 =	simm.s32 $_size_execute0_lowered;
	s2 =	sadd.s32 s2, s4;
	[dreg:$0x0] =	wrdreg $0x0  }
0xa8: {  	s4 =	sshll.u32 s28, $0x1;
	[dreg:$0x2] =	wrdreg s2  }
0xa9: {  	[dreg:$0x3] =	wrdreg s4  }
0xaa: {  	[dreg:$0x4] =	wrdreg $0xC0  }
0xab: {  	_ =	task [dreg:s6], $0x5FFFF  }
0xac: {  	[dreg:$0x1] =	wrdreg $0xFFFFFFFF  }
0xad: {  	[dreg:$0x0] =	wrdreg $0x60  }
0xae: {  	[dreg:$0x2] =	wrdreg s24  }
0xaf: {  	[dreg:$0x3] =	wrdreg $0xB0900  }
0xb0: {  	[dreg:$0x4] =	wrdreg $0x9  }
0xb1: {  	_ =	task.clear_ibuf [dreg:s6], $0x5FFFF;
	_ =	strace $0x90000049  }
0xb2: {  	s29 =	simm.s32 $0x9;
	_ =	strace $0x8000004B  }
0xb3: {  	_ =	swait.ge [sflag:s29], $0x1  }
0xb4: {  	[sflag:s29] =	ssyncadd.s32 $0xFFFFFFFF  }
0xb5: {  	_ =	strace $0x9000004B  }
0xb6: {  	_ =	sfence  }
0xb7: {  	s30 =	sld [smem:$0x0];
	_ =	sdelay $0x2  }
0xb8: {  	s31 =	sshll.u32 s1, $0xD;
	s1 =	sshrl.u32 s1, $0x2  }
0xb9: {  	s3 =	sand.u32 $0x4000, s31;
	s1 =	sadd.s32 s1, s30  }
0xba: {  	s0 =	sor.u32 s3, s0;
	s1 =	sshll.u32 s1, $0x11  }
0xbb: {  	s0 =	sor.u32 s1, s0  }
0xbc: {  	s0 =	sadd.s32 $0x8F2B, s0  }
0xbd: {  	[sflag:s0] =	ssyncadd.remote.s32 $0x1  }
0xbe: {  	_ =	sfence.sel $0xFFFF  }
0xbf: {  	[dreg:$0x0] =	wrdreg $0xFFFFFFFF;
	(pc) =	sbr.abs _section_cstart, $3  }
0xc0: {  	[dreg:$0x1] =	wrdreg $0xFFFFFFFF  }
0xc1: {  	_ =	task.clear_ibuf [dreg:s6], $0x2FFFF;
	_ =	strace $0x9FFFFFFF  }
0xc2: {  	(tm) =	ssettm $0x7FFFFFFF  }
0xc3: {  	_ =	shalt  }
tec
execute0_lowered:
.L_overlay_start_1:
0x0: {  	(tag) =	ssettag $0x1  }
0x1: {  	s0 =	rddreg [dreg:$0x0]  }
0x2: {  	s2 =	rddreg [dreg:$0x1]  }
0x3: {  	s1 =	srdreg.scid;
	s10 =	stileid.u32  }
0x4: {  	s3 =	simm.s32 $0x0;
	s28 =	simm.s32 $0x2;
	s29 =	simm.s32 $0x3  }
0x5: {  	s30 =	simm.s32 $0x4;
	s31 =	simm.s32 $0x5;
	s4 =	smul.u32 $0xC35, s10  }
0x6: {  	s1 =	sand.u32 $0x1, s1;
	[smem:$0x7FF] =	sst s3;
	s19 =	smul.u32 $0x30D40, s10  }
0x7: {  	s7 =	sadd.s32 $0x26A800, s0;
	s26 =	smul.u32 $0xC300, s10;
	s5 =	sshll.u32 s1, $0x4  }
0x8: {  	s6 =	smul.u32 $0xC350, s1;
	_ =	strace $0x8000004A;
	s16 =	ssub.s32 $0x2, s1  }
0x9: {  	s25 =	smul.u32 $0xC3000, s1;
	s1 =	simm.s32 $0x7;
	s5 =	sor.u32 s10, s5  }
0xa: {  	s17 =	sshrl.u32 s16, $0x1;
	s24 =	sshrl.u32 s19, $0x2;
	s8 =	smul.u32 $0xC30, s5  }
0xb: {  	s19 =	simm.s32 $0xB;
	s4 =	sadd.s32 s4, s6;
	s9 =	smul.u32 $0x61800, s5  }
0xc: {  	s5 =	smul.u32 $0xC300, s5;
	s11 =	sadd.s32 s24, s2;
	s24 =	simm.s32 $0xA890  }
0xd: {  	s4 =	sshll.u32 s4, $0x1;
	s13 =	sadd.s32 $0x2710, s11;
	s14 =	sadd.s32 $0x4E20, s11  }
0xe: {  	s15 =	sadd.s32 $0x7530, s11;
	s8 =	sadd.s32 s8, s0;
	s0 =	sadd.s32 s4, s0  }
0xf: {  	s4 =	ssub.s32 s16, s17;
	s18 =	sshrl.u32 s9, $0x3;
	s5 =	sadd.s32 s7, s5  }
0x10: {  	s16 =	sadd.s32 $0x9C40, s11;
	s8 =	sadd.s32 $0x51400, s8;
	s6 =	sadd.s32 s7, s18  }
0x11: {  	[dreg:$0x4] =	wrdreg s5;
	s0 =	sadd.s32 $0x69A00, s0;
	s12 =	smax.u32 s4, $0x1  }
0x12: {  	s18 =	simm.s32 $0x8;
	s4 =	simm.s32 $0x9;
	[dreg:$0x3] =	wrdreg s8  }
0x13: {  	s5 =	simm.s32 $0xA;
	s20 =	sadd.s32 $0x100, s6;
	[dreg:$0x9] =	wrdreg s0  }
0x14: {  	s21 =	sadd.s32 $0x200, s6;
	s22 =	sadd.s32 $0x300, s6;
	[dreg:$0x5] =	wrdreg s20  }
.Ltmp0:
0x15: {  	s23 =	sadd.s32 $0x400, s6;
	[dreg:$0x6] =	wrdreg s21;
	(pc) =	sbr.rel .LBB2_1-.Ltmp0, $4  }
0x16: {  	s0 =	sadd.s32 s25, s7;
	s25 =	simm.s32 $0x1;
	[dreg:$0x7] =	wrdreg s22  }
0x17: {  	s6 =	simm.s32 $0x0;
	[dreg:$0x8] =	wrdreg s23;
	s17 =	sadd.s32 s26, s0  }
0x18: {  	s20 =	simm.s32 $0x8890;
	s21 =	simm.s32 $0x9090;
	s22 =	simm.s32 $0x9890  }
0x19: {  	v0 =	vimm.f32 $0.0e+00;
	s23 =	simm.s32 $0xA090;
	s26 =	simm.s32 $0x80;
	s0 =	simm.s32 $0x6  }
.LBB2_6:
0x1a: {  	_ =	swait.ge [sflag:s1], $0x800  }
0x1b: {  	[sflag:s1] =	ssyncset.done $0x0  }
0x1c: {  	[sflag:s1] =	ssyncadd.s32 $0xFFFFF800  }
0x1d: {  	_ =	swait.ge [sflag:s18], $0x800  }
0x1e: {  	[sflag:s18] =	ssyncset.done $0x0  }
0x1f: {  	[sflag:s18] =	ssyncadd.s32 $0xFFFFF800  }
0x20: {  	_ =	swait.ge [sflag:s4], $0x800  }
0x21: {  	[sflag:s4] =	ssyncset.done $0x0  }
0x22: {  	[sflag:s4] =	ssyncadd.s32 $0xFFFFF800  }
0x23: {  	_ =	swait.ge [sflag:s5], $0x800  }
0x24: {  	s7 =	stileid.u32;
	[sflag:s5] =	ssyncset.done $0x0  }
0x25: {  	s8 =	sshrl.u32 s11, $0x3;
	s6 =	sadd.s32 $0x1, s6;
	[sflag:s5] =	ssyncadd.s32 $0xFFFFF800  }
0x26: {  	s7 =	sshll.u32 s7, $0x6;
	p0 =	sne.s32 s6, s12;
	[bflag:$0x0] =	sbarrier.arrive $0xFFFF  }
.Ltmp1:
0x27: {  	s7 =	sor.u32 $0x1C0B, s7;
	s9 =	rddreg [dreg:$0x9];
	(pc) =	sbr.rel @!p0 .LBB2_7-.Ltmp1, $4  }
0x28: {  	[hbm:s9], [sflag:s7] =	dma.local [spmem:s8], $0x186A  }
0x29: {  	_ =	swait.ge [sflag:s19], $0x186A  }
0x2a: {  	[sflag:s19] =	ssyncset.done $0x0  }
0x2b: {  	[sflag:s19] =	ssyncadd.s32 $0xFFFFE796  }
.LBB2_1:
0x2c: {  	s7 =	simm.s32 $0x40;
	s8 =	simm.s32 $0x0  }
.LBB2_2:
0x2d: {  	p0 =	sne.s32 s7, $0x9C00;
	[tilespmem:s8+$0x0] =	vst v0;
	s8 =	smov.u32 s7;
	s7 =	sadd.s32 $0x40, s7  }
.Ltmp2:
0x2e: {  	(pc) =	sbr.rel @p0 .LBB2_2-.Ltmp2, $2  }
0x2f: {  	_ =	sdelay $0x2  }
0x30: {  	s8 =	sshra.s32 s8, $0x2  }
0x31: {  	[tilespmem:s8+$0x0] =	vst v0;
	s7 =	simm.s32 $0x0;
	s10 =	rddreg [dreg:$0x3];
	s9 =	simm.s32 $0x2710  }
0x32: {  	[tilespmem:s9], [sflag:$0xB] =	stream.linear.gather [hbm4b:s10+s7], $0x6180, $0x38;
	[tilespmem:$0x173E0] =	vst v63  }
0x33: {  	_ =	swait.ge [sflag:s19], $0x6180  }
0x34: {  	[sflag:s19] =	ssyncset.done $0x0  }
0x35: {  	[sflag:s19] =	ssyncadd.s32 $0xFFFF9E80  }
0x36: {  	[spmem:s11] =	stream.linear.scatter [tilespmem:s7], [sflag:$0xB], $0x2710, $0x38;
	[tilespmem:$0x173E0] =	vst v63  }
0x37: {  	_ =	swait.ge [sflag:s19], $0x2710  }
0x38: {  	[sflag:s19] =	ssyncset.done $0x0  }
0x39: {  	[sflag:s19] =	ssyncadd.s32 $0xFFFFD8F0  }
0x3a: {  	[spmem:s13] =	stream.linear.scatter [tilespmem:s7], [sflag:$0xB], $0x2710, $0x38;
	[tilespmem:$0x173E0] =	vst v63  }
0x3b: {  	_ =	swait.ge [sflag:s19], $0x2710  }
0x3c: {  	[sflag:s19] =	ssyncset.done $0x0  }
0x3d: {  	[sflag:s19] =	ssyncadd.s32 $0xFFFFD8F0  }
0x3e: {  	[spmem:s14] =	stream.linear.scatter [tilespmem:s7], [sflag:$0xB], $0x2710, $0x38;
	[tilespmem:$0x173E0] =	vst v63  }
0x3f: {  	_ =	swait.ge [sflag:s19], $0x2710  }
0x40: {  	[sflag:s19] =	ssyncset.done $0x0  }
0x41: {  	[sflag:s19] =	ssyncadd.s32 $0xFFFFD8F0  }
0x42: {  	[spmem:s15] =	stream.linear.scatter [tilespmem:s7], [sflag:$0xB], $0x2710, $0x38;
	[tilespmem:$0x173E0] =	vst v63  }
0x43: {  	_ =	swait.ge [sflag:s19], $0x2710  }
0x44: {  	[sflag:s19] =	ssyncset.done $0x0  }
0x45: {  	[sflag:s19] =	ssyncadd.s32 $0xFFFFD8F0  }
0x46: {  	[spmem:s16] =	stream.linear.scatter [tilespmem:s7], [sflag:$0xB], $0x2710, $0x38;
	[tilespmem:$0x173E0] =	vst v63  }
0x47: {  	_ =	swait.ge [sflag:s19], $0x2710  }
0x48: {  	[sflag:s19] =	ssyncset.done $0x0  }
0x49: {  	[sflag:s19] =	ssyncadd.s32 $0xFFFFD8F0  }
0x4a: {  	[bflag:$0x0] =	sbarrier.arrive $0xFFFF  }
0x4b: {  	s10 =	rddreg [dreg:$0x4]  }
0x4c: {  	[tilespmem:s20], [sflag:$0x1] =	stream.linear.gather [hbm4b:s10+s7], $0x800, $0x38;
	[tilespmem:$0x173E0] =	vst v63  }
0x4d: {  	s9 =	rddreg [dreg:$0x5]  }
0x4e: {  	[tilespmem:s21], [sflag:$0x2] =	stream.linear.gather [hbm4b:s9+s7], $0x800, $0x38;
	[tilespmem:$0x173E0] =	vst v63  }
0x4f: {  	s10 =	rddreg [dreg:$0x6]  }
0x50: {  	[tilespmem:s22], [sflag:$0x3] =	stream.linear.gather [hbm4b:s10+s7], $0x800, $0x38;
	[tilespmem:$0x173E0] =	vst v63  }
0x51: {  	s9 =	rddreg [dreg:$0x7]  }
0x52: {  	[tilespmem:s23], [sflag:$0x4] =	stream.linear.gather [hbm4b:s9+s7], $0x800, $0x38;
	[tilespmem:$0x173E0] =	vst v63  }
0x53: {  	s8 =	simm.s32 $0x2910;
	s10 =	rddreg [dreg:$0x8]  }
0x54: {  	[tilespmem:s24], [sflag:$0x5] =	stream.linear.gather [hbm4b:s10+s7], $0x800, $0x38;
	[tilespmem:$0x173E0] =	vst v63  }
.LBB2_4:
0x55: {  	_ =	swait.ge [sflag:s25], $0x800  }
0x56: {  	[sflag:s25] =	ssyncset.done $0x0  }
0x57: {  	s9 =	sadd.s32 $0xFFFFFE00, s8;
	[sflag:s25] =	ssyncadd.s32 $0xFFFFF800  }
0x58: {  	[spmem:s2] =	stream.indirect.scatter.add.f32 [tilespmem:s20], [sflag:$0x6], $0x10, s9, s26, $0xb8;
	[tilespmem:$0x173E0] =	vst v63  }
0x59: {  	_ =	swait.ge [sflag:s28], $0x800  }
0x5a: {  	[sflag:s28] =	ssyncset.done $0x0  }
0x5b: {  	s10 =	sadd.s32 $0xFFFFFE80, s8;
	[sflag:s28] =	ssyncadd.s32 $0xFFFFF800  }
0x5c: {  	[spmem:s2] =	stream.indirect.scatter.add.f32 [tilespmem:s21], [sflag:$0x7], $0x10, s10, s26, $0xb8;
	[tilespmem:$0x173E0] =	vst v63  }
0x5d: {  	_ =	swait.ge [sflag:s29], $0x800  }
0x5e: {  	[sflag:s29] =	ssyncset.done $0x0  }
0x5f: {  	s10 =	sadd.s32 $0xFFFFFF00, s8;
	[sflag:s29] =	ssyncadd.s32 $0xFFFFF800  }
0x60: {  	[spmem:s2] =	stream.indirect.scatter.add.f32 [tilespmem:s22], [sflag:$0x8], $0x10, s10, s26, $0xb8;
	[tilespmem:$0x173E0] =	vst v63  }
0x61: {  	_ =	swait.ge [sflag:s30], $0x800  }
0x62: {  	[sflag:s30] =	ssyncset.done $0x0  }
0x63: {  	s10 =	sadd.s32 $0xFFFFFF80, s8;
	[sflag:s30] =	ssyncadd.s32 $0xFFFFF800  }
0x64: {  	[spmem:s2] =	stream.indirect.scatter.add.f32 [tilespmem:s23], [sflag:$0x9], $0x10, s10, s26, $0xb8;
	[tilespmem:$0x173E0] =	vst v63  }
0x65: {  	_ =	swait.ge [sflag:s31], $0x800  }
0x66: {  	p0 =	seq.s32 s7, $0xBE00;
	[sflag:s31] =	ssyncset.done $0x0  }
.Ltmp3:
0x67: {  	[sflag:s31] =	ssyncadd.s32 $0xFFFFF800;
	(pc) =	sbr.rel @p0 .LBB2_6-.Ltmp3, $4  }
0x68: {  	[spmem:s2] =	stream.indirect.scatter.add.f32 [tilespmem:s24], [sflag:$0xA], $0x10, s8, s26, $0xb8;
	[tilespmem:$0x173E0] =	vst v63  }
0x69: {  	_ =	swait.ge [sflag:s0], $0x800  }
0x6a: {  	[sflag:s0] =	ssyncset.done $0x0  }
0x6b: {  	[sflag:s0] =	ssyncadd.s32 $0xFFFFF800  }
0x6c: {  	s9 =	sadd.s32 s7, s17  }
0x6d: {  	s10 =	sadd.s32 $0x500, s9  }
0x6e: {  	[tilespmem:s20], [sflag:$0x1] =	stream.linear.gather [hbm4b:s10+s3], $0x800, $0x38;
	[tilespmem:$0x173E0] =	vst v63  }
0x6f: {  	_ =	swait.ge [sflag:s1], $0x800  }
0x70: {  	[sflag:s1] =	ssyncset.done $0x0  }
0x71: {  	s10 =	sadd.s32 $0x600, s9;
	[sflag:s1] =	ssyncadd.s32 $0xFFFFF800  }
0x72: {  	[tilespmem:s21], [sflag:$0x2] =	stream.linear.gather [hbm4b:s10+s3], $0x800, $0x38;
	[tilespmem:$0x173E0] =	vst v63  }
0x73: {  	_ =	swait.ge [sflag:s18], $0x800  }
0x74: {  	[sflag:s18] =	ssyncset.done $0x0  }
0x75: {  	s10 =	sadd.s32 $0x700, s9;
	[sflag:s18] =	ssyncadd.s32 $0xFFFFF800  }
0x76: {  	[tilespmem:s22], [sflag:$0x3] =	stream.linear.gather [hbm4b:s10+s3], $0x800, $0x38;
	[tilespmem:$0x173E0] =	vst v63  }
0x77: {  	_ =	swait.ge [sflag:s4], $0x800  }
0x78: {  	[sflag:s4] =	ssyncset.done $0x0  }
0x79: {  	s10 =	sadd.s32 $0x800, s9;
	[sflag:s4] =	ssyncadd.s32 $0xFFFFF800  }
0x7a: {  	[tilespmem:s23], [sflag:$0x4] =	stream.linear.gather [hbm4b:s10+s3], $0x800, $0x38;
	[tilespmem:$0x173E0] =	vst v63  }
.Ltmp4:
0x7b: {  	_ = 	snop;
	(pc) =	sbr.rel .LBB2_4-.Ltmp4, $4  }
0x7c: {  	_ =	swait.ge [sflag:s5], $0x800  }
0x7d: {  	s7 =	sadd.s32 $0x500, s7;
	[sflag:s5] =	ssyncset.done $0x0  }
0x7e: {  	s8 =	sadd.s32 $0x280, s8;
	s9 =	sadd.s32 $0x900, s9;
	[sflag:s5] =	ssyncadd.s32 $0xFFFFF800  }
0x7f: {  	[tilespmem:s24], [sflag:$0x5] =	stream.linear.gather [hbm4b:s9+s3], $0x800, $0x38;
	[tilespmem:$0x173E0] =	vst v63  }
.LBB2_7:
0x80: {  	_ =	sfence.sel $0x180000  }
0x81: {  	[bflag:$0x0] =	sbarrier.arrive $0xFFFF  }
0x82: {  	_ =	strace $0x9000004A  }
0x83: {  	s0 =	stileid.u32;
	[bflag:$0x2] =	sbarrier.arrive $0xFFFF  }
0x84: {  	p0 =	sne.s32 s0, $0x0;
	s0 =	rddreg [dreg:$0x2]  }
0x85: {  	s0 =	sadd.s32 @!p0 $0x100000, s0  }
0x86: {  	[sflag:s0] =	ssyncadd.tile.s32 @!p0 $0x1;
	_ =	shalt  }
.Lfunc_end2:
_tile_overlayer_lowered:
.L_overlay_start_2:
0x87: {  	(tag) =	ssettag $0x2  }
0x88: {  	s0 =	rddreg [dreg:$0x0];
	s2 =	stileid.u32  }
0x89: {  	s1 =	rddreg [dreg:$0x1];
	p0 =	sne.s32 s2, $0x0  }
0x8a: {  	s3 =	rddreg [dreg:$0x2];
	[bflag:$0x3] =	sbarrier.arrive $0xFFFF;
	s2 =	simm.s32 @!p0 $0x1C0B  }
0x8b: {  	[timem:s3], [sflag:s2] =	dma.local @!p0 [hbm:s0], s1  }
0x8c: {  	s0 =	simm.s32 @!p0 $0xB  }
0x8d: {  	_ =	swait.ge @!p0 [sflag:s0], s1  }
0x8e: {  	s1 =	ssub.s32 @!p0 $0x0, s1;
	[sflag:s0] =	ssyncset.done @!p0 $0x0  }
0x8f: {  	[sflag:s0] =	ssyncadd.s32 @!p0 s1  }
0x90: {  	[bflag:$0x3] =	sbarrier.arrive $0xFFFF  }
0x91: {  	_ =	shalt  }

// kernel: kernel.18.cloned.1.call-start
scs
__scs_entry_jumppad:
0x0: {  	(pc) =	sbr.rel $0x88, $3  }
0x1: {  	(tag) =	ssettag $0x0;
	lr =	simm.s32 $0x1  }
0x2: {  	[smem:$0x3F86] =	sst lr;
	_ =	strace $0xD0000000  }
0x3: {  	_ = 	snop  }
0x4: {  	_ = 	snop  }
0x5: {  	_ = 	snop  }
0x6: {  	_ = 	snop  }
0x7: {  	_ = 	snop  }
__scs_overlays_trampoline_lowered:
0x8: {  	[smem:$0x3F95] =	sst s0  }
0x9: {  	[smem:$0x3F96] =	sst s1  }
0xa: {  	[smem:$0x3F97] =	sst s2  }
0xb: {  	[smem:$0x3F98] =	sst s3  }
0xc: {  	[smem:$0x3F99] =	sst s4  }
0xd: {  	[smem:$0x3F9A] =	sst s5  }
0xe: {  	[smem:$0x3F9B] =	sst s6  }
0xf: {  	[smem:$0x3F9C] =	sst s7  }
0x10: {  	[smem:$0x3F9D] =	sst s8  }
0x11: {  	[smem:$0x3F9E] =	sst s9;
	s0 =	simm.s32 @!p0 $0x0  }
0x12: {  	s1 =	sld [smem:$0x3F84];
	s0 =	simm.s32 @p0 $0x1  }
0x13: {  	[smem:$0x3F9F] =	sst s0;
	s0 =	simm.s32 @!p1 $0x0  }
0x14: {  	s2 =	sld [smem:$0x3F83];
	s0 =	simm.s32 @p1 $0x1  }
0x15: {  	[smem:$0x3FA0] =	sst s0;
	s0 =	simm.s32 @!p2 $0x0  }
0x16: {  	s3 =	sld [smem:$0x3FDB];
	s0 =	simm.s32 @p2 $0x1  }
0x17: {  	s4 =	simm.s32 $0x1BF5;
	[smem:$0x3FA2] =	sst s0  }
0x18: {  	s0 =	sld [smem:$0x3F85];
	_ =	swait.ge [sflag:s4], $0x0  }
0x19: {  	s7 =	sld [smem:$0x3F86]  }
0x1a: {  	s8 =	sadd.s32 $0xFFFFE003, lr  }
0x1b: {  	s9 =	sadd.s32 $0xFFFFFEF7, lr;
	s5 =	simm.s32 $0xFFFFFFFF;
	p2 =	slt.u32 s8, $0xFFFFF086  }
0x1c: {  	p1 =	slt.u32 s9, $0xF7A;
	s5 =	simm.s32 @!p2 $0x0  }
0x1d: {  	s5 =	simm.s32 @p1 $0x1;
	p0 =	seq.s32 s7, s2  }
0x1e: {  	s7 =	smul.u32 @!p0 $0xF7A, s2;
	p2 =	seq.s32 @!p0 s5, $0x0  }
0x1f: {  	s9 =	smul.u32 $0xF7A, s1;
	s8 =	simm.s32 @!p0 $0x1BF5;
	p2 =	por !p2, p0  }
0x20: {  	[sflag:s8] =	ssyncset.s32 @!p0 $0xFFFFF086;
	s6 =	sadd.s32 @!p0 s3, s7;
	s7 =	simm.s32 @!p0 $0x108  }
0x21: {  	s3 =	sadd.s32 s3, s9;
	s6 =	sadd.s32 @!p0 $0x88, s6;
	s7 =	simm.s32 @p2 $0x1082  }
0x22: {  	[simem:s7], [sflag:s8] =	dma.local @!p0 [hbm:s6], $0xF7A  }
0x23: {  	s9 =	sor.u32 $0xD0000000, s2;
	s6 =	simm.s32 $0x108;
	_ =	swait.ge @!p0 [sflag:s8], $0x0  }
0x24: {  	s3 =	sadd.s32 $0x88, s3;
	s6 =	simm.s32 @!p1 $0x1082;
	[sflag:s4] =	ssyncset.s32 $0xFFFFF086  }
0x25: {  	[simem:s6], [sflag:s4] =	dma.local [hbm:s3], $0xF7A  }
0x26: {  	[smem:$0x3F86] =	sst s1;
	(tag) =	ssettag s2;
	_ =	strace s9  }
0x27: {  	s1 =	sld [smem:$0x3F96]  }
0x28: {  	s2 =	sld [smem:$0x3F97]  }
0x29: {  	s4 =	sld [smem:$0x3F99]  }
0x2a: {  	p0 =	seq.s32 s5, $0x0;
	s5 =	sld [smem:$0x3F9A]  }
0x2b: {  	s6 =	sld [smem:$0x3F9B]  }
0x2c: {  	s7 =	sld [smem:$0x3F9C]  }
0x2d: {  	s3 =	simm.s32 $0x108;
	s8 =	sld [smem:$0x3F9D]  }
0x2e: {  	s3 =	simm.s32 @!p0 $0x1082;
	s9 =	sld [smem:$0x3F9E]  }
0x2f: {  	lr =	sadd.s32 s0, s3;
	s0 =	sld [smem:$0x3F95]  }
0x30: {  	s3 =	sld [smem:$0x3F98]  }
0x31: {  	[smem:$0x3FA1] =	sst s10  }
0x32: {  	s10 =	sld [smem:$0x3F9F];
	_ =	sdelay $0x3  }
0x33: {  	p0 =	seq.s32 s10, $0x1;
	s10 =	sld [smem:$0x3FA1];
	_ =	sdelay $0x3  }
0x34: {  	[smem:$0x3FA1] =	sst s10  }
0x35: {  	s10 =	sld [smem:$0x3FA0];
	_ =	sdelay $0x3  }
0x36: {  	p1 =	seq.s32 s10, $0x1;
	s10 =	sld [smem:$0x3FA1];
	_ =	sdelay $0x3  }
0x37: {  	[smem:$0x3FA1] =	sst s10  }
0x38: {  	s10 =	sld [smem:$0x3FA2]  }
0x39: {  	_ = 	snop;
	(pc) =	sbr.ind lr, $3  }
0x3a: {  	_ = 	snop  }
0x3b: {  	_ = 	snop  }
0x3c: {  	p2 =	seq.s32 s10, $0x1;
	s10 =	sld [smem:$0x3FA1]  }
0x3d: {  	_ =	shalt  }
0x3e: {  	_ =	shalt  }
0x3f: {  	_ =	shalt  }
0x40: {  	_ =	shalt  }
0x41: {  	_ =	shalt  }
0x42: {  	_ =	shalt  }
0x43: {  	_ =	shalt  }
0x44: {  	_ =	shalt  }
0x45: {  	_ =	shalt  }
0x46: {  	_ =	shalt  }
0x47: {  	_ =	shalt  }
0x48: {  	_ =	shalt  }
0x49: {  	_ =	shalt  }
0x4a: {  	_ =	shalt  }
0x4b: {  	_ =	shalt  }
0x4c: {  	_ =	shalt  }
0x4d: {  	_ =	shalt  }
0x4e: {  	_ =	shalt  }
0x4f: {  	_ =	shalt  }
0x50: {  	_ =	shalt  }
0x51: {  	_ =	shalt  }
0x52: {  	_ =	shalt  }
0x53: {  	_ =	shalt  }
0x54: {  	_ =	shalt  }
0x55: {  	_ =	shalt  }
0x56: {  	_ =	shalt  }
0x57: {  	_ =	shalt  }
0x58: {  	_ =	shalt  }
0x59: {  	_ =	shalt  }
0x5a: {  	_ =	shalt  }
0x5b: {  	_ =	shalt  }
0x5c: {  	_ =	shalt  }
0x5d: {  	_ =	shalt  }
0x5e: {  	_ =	shalt  }
0x5f: {  	_ =	shalt  }
0x60: {  	_ =	shalt  }
0x61: {  	_ =	shalt  }
0x62: {  	_ =	shalt  }
0x63: {  	_ =	shalt  }
0x64: {  	_ =	shalt  }
0x65: {  	_ =	shalt  }
0x66: {  	_ =	shalt  }
0x67: {  	_ =	shalt  }
0x68: {  	_ =	shalt  }
0x69: {  	_ =	shalt  }
0x6a: {  	_ =	shalt  }
0x6b: {  	_ =	shalt  }
0x6c: {  	_ =	shalt  }
0x6d: {  	_ =	shalt  }
0x6e: {  	_ =	shalt  }
0x6f: {  	_ =	shalt  }
0x70: {  	_ =	shalt  }
0x71: {  	_ =	shalt  }
0x72: {  	_ =	shalt  }
0x73: {  	_ =	shalt  }
0x74: {  	_ =	shalt  }
0x75: {  	_ =	shalt  }
0x76: {  	_ =	shalt  }
0x77: {  	_ =	shalt  }
0x78: {  	_ =	shalt  }
0x79: {  	_ =	shalt  }
0x7a: {  	_ =	shalt  }
0x7b: {  	_ =	shalt  }
0x7c: {  	_ =	shalt  }
0x7d: {  	_ =	shalt  }
0x7e: {  	_ =	shalt  }
0x7f: {  	_ =	shalt  }
0x80: {  	_ =	shalt  }
0x81: {  	_ =	shalt  }
0x82: {  	_ =	shalt  }
0x83: {  	_ =	shalt  }
0x84: {  	_ =	shalt  }
0x85: {  	_ =	shalt  }
0x86: {  	_ =	shalt  }
0x87: {  	_ =	shalt  }
.Lfunc_end0:
.L_simem_size_0:
called_computation.6_lowered:
.L_overlay_start_0:
0x88: {  	s2 =	sld [smem:$0x3FD9]  }
0x89: {  	s3 =	sld [smem:$0x3FFE];
	_ =	sdelay $0x1  }
0x8a: {  	s1 =	srdreg.scid  }
0x8b: {  	s0 =	sand.u32 $0x1, s1  }
0x8c: {  	s16 =	sshll.u32 s0, $0xA;
	s2 =	sadd.s32 s3, s2  }
0x8d: {  	s2 =	sadd.s32 s2, s16  }
0x8e: {  	[smem:$0x3FAD] =	sst s2  }
0x8f: {  	_ = 	snop  }
0x90: {  	(tm) =	ssettm $0x1  }
0x91: {  	s17 =	sld [smem:$0x3FFB];
	_ =	sdelay $0x3  }
0x92: {  	_ =	strace s17  }
0x93: {  	s2 =	sld [smem:$0x3FFC];
	_ =	sdelay $0x3  }
0x94: {  	_ =	strace s2  }
0x95: {  	s2 =	sld [smem:$0x3FFD];
	_ =	sdelay $0x3  }
0x96: {  	_ =	strace s2  }
0x97: {  	_ =	strace $0x8FFFFFFF  }
0x98: {  	s18 =	sld [smem:$0x3FDB];
	_ =	sdelay $0x1  }
0x99: {  	s19 =	simm.s32 $_scs_section_size  }
0x9a: {  	s4 =	simm.s32 $_size__tile_overlayer_lowered;
	s5 =	simm.s32 $_tile_overlayer_lowered  }
0x9b: {  	s22 =	simm.s32 $0x1BFF;
	s21 =	sshll.u32 s5, $0x1;
	s2 =	sadd.s32 s19, s18  }
0x9c: {  	s6 =	simm.s32 $0x0;
	s20 =	sshll.u32 s4, $0x1;
	s4 =	sadd.s32 s21, s2  }
0x9d: {  	[timem:s6], [sflag:s22] =	dma.local [hbm:s4], s20  }
0x9e: {  	_ =	swait.ge [sflag:s22], s20  }
0x9f: {  	s3 =	ssub.s32 $0x0, s20;
	[sflag:s22] =	ssyncset.done $0x0  }
0xa0: {  	[sflag:s22] =	ssyncadd.s32 s3;
	_ =	sdelay $0x1  }
0xa1: {  	s23 =	simm.s32 $0x1B8B  }
0xa2: {  	_ =	swait.ge [sflag:s23], $0x1  }
0xa3: {  	[sflag:s23] =	ssyncset.done $0x0  }
0xa4: {  	s25 =	simm.s32 $0x1B8E;
	s24 =	sld [smem:$0x3FFE];
	[sflag:s23] =	ssyncadd.s32 $0xFFFFFFFF  }
0xa5: {  	s26 =	simm.s32 $execute0_lowered;
	[smem:$0x3FD2] =	sst s25  }
0xa6: {  	s4 =	sshll.u32 s26, $0x1;
	_ =	strace $0x8000004C;
	[dreg:$0x1] =	wrdreg $0xFFFFFFFF  }
0xa7: {  	s28 =	simm.s32 $_size_execute0_lowered;
	s2 =	sadd.s32 s2, s4;
	[dreg:$0x0] =	wrdreg $0x0  }
0xa8: {  	s4 =	sshll.u32 s28, $0x1;
	[dreg:$0x2] =	wrdreg s2  }
0xa9: {  	[dreg:$0x3] =	wrdreg s4  }
0xaa: {  	[dreg:$0x4] =	wrdreg $0xC0  }
0xab: {  	_ =	task [dreg:s6], $0x5FFFF  }
0xac: {  	[dreg:$0x1] =	wrdreg $0xFFFFFFFF  }
0xad: {  	[dreg:$0x0] =	wrdreg $0x60  }
0xae: {  	[dreg:$0x2] =	wrdreg s24  }
0xaf: {  	[dreg:$0x3] =	wrdreg $0x9  }
0xb0: {  	_ =	task.clear_ibuf [dreg:s6], $0x4FFFF;
	_ =	strace $0x9000004C  }
0xb1: {  	s29 =	simm.s32 $0x9;
	_ =	strace $0x8000004E  }
0xb2: {  	_ =	swait.ge [sflag:s29], $0x1  }
0xb3: {  	[sflag:s29] =	ssyncadd.s32 $0xFFFFFFFF  }
0xb4: {  	_ =	strace $0x9000004E  }
0xb5: {  	_ =	sfence  }
0xb6: {  	s30 =	sld [smem:$0x0];
	_ =	sdelay $0x2  }
0xb7: {  	s31 =	sshll.u32 s1, $0xD;
	s1 =	sshrl.u32 s1, $0x2  }
0xb8: {  	s3 =	sand.u32 $0x4000, s31;
	s1 =	sadd.s32 s1, s30  }
0xb9: {  	s0 =	sor.u32 s3, s0;
	s1 =	sshll.u32 s1, $0x11  }
0xba: {  	s0 =	sor.u32 s1, s0  }
0xbb: {  	s0 =	sadd.s32 $0x8F2B, s0  }
0xbc: {  	[sflag:s0] =	ssyncadd.remote.s32 $0x1  }
0xbd: {  	_ =	sfence.sel $0xFFFF  }
0xbe: {  	[dreg:$0x0] =	wrdreg $0xFFFFFFFF;
	(pc) =	sbr.abs _section_cstart, $3  }
0xbf: {  	[dreg:$0x1] =	wrdreg $0xFFFFFFFF  }
0xc0: {  	_ =	task.clear_ibuf [dreg:s6], $0x2FFFF;
	_ =	strace $0x9FFFFFFF  }
0xc1: {  	(tm) =	ssettm $0x7FFFFFFF  }
tec
execute0_lowered:
.L_overlay_start_1:
0x0: {  	(tag) =	ssettag $0x1  }
0x1: {  	s0 =	srdreg.scid  }
0x2: {  	s6 =	stileid.u32;
	s4 =	rddreg [dreg:$0x0]  }
0x3: {  	s2 =	simm.s32 $0x0;
	s12 =	simm.s32 $0x80;
	s28 =	simm.s32 $0x8180  }
0x4: {  	s30 =	simm.s32 $0xEB00;
	s15 =	simm.s32 $0xF300;
	s17 =	simm.s32 $0xFB00  }
0x5: {  	s19 =	simm.s32 $0x10300;
	s29 =	simm.s32 $0xF;
	s11 =	simm.s32 $0x11  }
0x6: {  	s8 =	simm.s32 $0x8;
	s9 =	simm.s32 $0x12;
	s10 =	simm.s32 $0x9  }
0x7: {  	s13 =	simm.s32 $0x13;
	s14 =	simm.s32 $0xA;
	s16 =	simm.s32 $0x14  }
0x8: {  	s20 =	simm.s32 $0x0;
	s31 =	simm.s32 $0x10300;
	s0 =	sand.u32 $0x1, s0  }
0x9: {  	s22 =	simm.s32 $0xFB00;
	[smem:$0x7FF] =	sst s2;
	s1 =	sshll.u32 s0, $0x4  }
0xa: {  	s5 =	smul.u32 $0xC3000, s0;
	s0 =	ssub.s32 $0x2, s0;
	s1 =	sor.u32 s6, s1  }
0xb: {  	s3 =	sadd.s32 $0x8000, s4;
	s23 =	sshrl.u32 s0, $0x1;
	s1 =	smul.u32 $0xC30, s1  }
0xc: {  	s7 =	smul.u32 $0xC300, s6;
	_ =	strace $0x8000004D;
	s0 =	ssub.s32 s0, s23  }
0xd: {  	s6 =	simm.s32 $0x7;
	s0 =	smax.u32 s0, $0x1;
	s1 =	sadd.s32 s1, s4  }
0xe: {  	s4 =	sadd.s32 s5, s4;
	[dreg:$0x4] =	wrdreg s0;
	s24 =	sadd.s32 $0x38E00, s1  }
.Ltmp0:
0xf: {  	s1 =	sadd.s32 $0x51400, s1;
	[dreg:$0x2] =	wrdreg s24;
	(pc) =	sbr.rel .LBB2_1-.Ltmp0, $4  }
0x10: {  	s23 =	simm.s32 $0x6980;
	s25 =	sadd.s32 $0x12D000, s4;
	[dreg:$0x3] =	wrdreg s1  }
0x11: {  	s0 =	simm.s32 $0x7980;
	s26 =	sadd.s32 $0x1025800, s4;
	[dreg:$0x5] =	wrdreg s25  }
0x12: {  	s5 =	simm.s32 $0x10;
	s4 =	simm.s32 $0x6;
	[dreg:$0x6] =	wrdreg s26  }
0x13: {  	s25 =	simm.s32 $0x6180;
	s1 =	simm.s32 $0x7180;
	s26 =	simm.s32 $0x5  }
.LBB2_4:
0x14: {  	_ =	swait.ge [sflag:s5], $0x800  }
0x15: {  	[sflag:s5] =	ssyncset.done $0x0  }
0x16: {  	[sflag:s5] =	ssyncadd.s32 $0xFFFFF800  }
0x17: {  	_ =	swait.ge [sflag:s6], $0x800  }
0x18: {  	[sflag:s6] =	ssyncset.done $0x0  }
0x19: {  	[sflag:s6] =	ssyncadd.s32 $0xFFFFF800  }
0x1a: {  	_ =	swait.ge [sflag:s11], $0x800  }
0x1b: {  	[sflag:s11] =	ssyncset.done $0x0  }
0x1c: {  	[sflag:s11] =	ssyncadd.s32 $0xFFFFF800  }
0x1d: {  	_ =	swait.ge [sflag:s8], $0x800  }
0x1e: {  	[sflag:s8] =	ssyncset.done $0x0  }
0x1f: {  	[sflag:s8] =	ssyncadd.s32 $0xFFFFF800  }
0x20: {  	_ =	swait.ge [sflag:s9], $0x800  }
0x21: {  	[sflag:s9] =	ssyncset.done $0x0  }
0x22: {  	[sflag:s9] =	ssyncadd.s32 $0xFFFFF800  }
0x23: {  	_ =	swait.ge [sflag:s10], $0x800  }
0x24: {  	[sflag:s10] =	ssyncset.done $0x0  }
0x25: {  	[sflag:s10] =	ssyncadd.s32 $0xFFFFF800  }
0x26: {  	_ =	swait.ge [sflag:s13], $0x800  }
0x27: {  	[sflag:s13] =	ssyncset.done $0x0  }
0x28: {  	[sflag:s13] =	ssyncadd.s32 $0xFFFFF800  }
0x29: {  	_ =	swait.ge [sflag:s14], $0x800  }
0x2a: {  	[sflag:s14] =	ssyncset.done $0x0  }
0x2b: {  	[sflag:s14] =	ssyncadd.s32 $0xFFFFF800  }
0x2c: {  	_ =	swait.ge [sflag:s16], $0x800  }
0x2d: {  	s20 =	rddreg [dreg:$0x7]  }
0x2e: {  	s18 =	rddreg [dreg:$0x4];
	s20 =	sadd.s32 $0x1, s20  }
0x2f: {  	p0 =	sne.s32 s20, s18  }
.Ltmp1:
0x30: {  	_ = 	snop;
	(pc) =	sbr.rel @!p0 .LBB2_5-.Ltmp1, $4  }
0x31: {  	s25 =	simm.s32 $0x6180  }
0x32: {  	s23 =	simm.s32 $0x6980;
	s1 =	simm.s32 $0x7180;
	s0 =	simm.s32 $0x7980  }
0x33: {  	s30 =	simm.s32 $0xEB00;
	s15 =	simm.s32 $0xF300;
	[sflag:s16] =	ssyncset.done $0x0  }
0x34: {  	s17 =	simm.s32 $0xFB00;
	s19 =	simm.s32 $0x10300;
	[sflag:s16] =	ssyncadd.s32 $0xFFFFF800  }
.LBB2_1:
0x35: {  	[dreg:$0x7] =	wrdreg s20  }
0x36: {  	s18 =	rddreg [dreg:$0x2];
	s20 =	simm.s32 $0x15  }
0x37: {  	[tilespmem:s2], [sflag:$0x15] =	stream.linear.gather [hbm4b:s18+s2], $0x6180, $0x38;
	[tilespmem:$0x11300] =	vst v63  }
0x38: {  	_ =	swait.ge [sflag:s20], $0x6180  }
0x39: {  	[sflag:s20] =	ssyncset.done $0x0  }
0x3a: {  	s21 =	simm.s32 $0x8980;
	s24 =	rddreg [dreg:$0x3];
	[sflag:s20] =	ssyncadd.s32 $0xFFFF9E80  }
0x3b: {  	[tilespmem:s21], [sflag:$0x15] =	stream.linear.gather [hbm4b:s24+s2], $0x6180, $0x38;
	[tilespmem:$0x11300] =	vst v63  }
0x3c: {  	_ =	swait.ge [sflag:s20], $0x6180  }
0x3d: {  	[sflag:s20] =	ssyncset.done $0x0  }
0x3e: {  	[sflag:s20] =	ssyncadd.s32 $0xFFFF9E80  }
0x3f: {  	[tilespmem:s25], [sflag:$0x1] =	stream.indirect.gather [hbm4b:s3+s12], $0x10, s2, s12, $0xb8;
	[tilespmem:$0x11300] =	vst v63  }
0x40: {  	_ = 	snop  }
0x41: {  	[tilespmem:s23], [sflag:$0x2] =	stream.indirect.gather [hbm4b:s3+s12], $0x10, s12, s12, $0xb8;
	[tilespmem:$0x11300] =	vst v63  }
0x42: {  	s24 =	simm.s32 $0x100  }
0x43: {  	[tilespmem:s1], [sflag:$0x3] =	stream.indirect.gather [hbm4b:s3+s12], $0x10, s24, s12, $0xb8;
	[tilespmem:$0x11300] =	vst v63  }
0x44: {  	s18 =	simm.s32 $0x180  }
0x45: {  	[tilespmem:s0], [sflag:$0x4] =	stream.indirect.gather [hbm4b:s3+s12], $0x10, s18, s12, $0xb8;
	[tilespmem:$0x11300] =	vst v63  }
0x46: {  	s20 =	simm.s32 $0x200  }
0x47: {  	[tilespmem:s28], [sflag:$0x5] =	stream.indirect.gather [hbm4b:s3+s12], $0x10, s20, s12, $0xb8;
	[tilespmem:$0x11300] =	vst v63  }
0x48: {  	_ = 	snop  }
0x49: {  	[tilespmem:s30], [sflag:$0xB] =	stream.indirect.gather [hbm4b:s3+s12], $0x10, s21, s12, $0xb8;
	[tilespmem:$0x11300] =	vst v63  }
0x4a: {  	s23 =	simm.s32 $0x8A80;
	s21 =	simm.s32 $0x8A00  }
0x4b: {  	[tilespmem:s15], [sflag:$0xC] =	stream.indirect.gather [hbm4b:s3+s12], $0x10, s21, s12, $0xb8;
	[tilespmem:$0x11300] =	vst v63  }
0x4c: {  	s24 =	simm.s32 $0x8B00;
	s18 =	rddreg [dreg:$0x6];
	s0 =	simm.s32 $0x7980  }
0x4d: {  	[tilespmem:s17], [sflag:$0xD] =	stream.indirect.gather [hbm4b:s3+s12], $0x10, s23, s12, $0xb8;
	[tilespmem:$0x11300] =	vst v63  }
0x4e: {  	s28 =	simm.s32 $0x8B80;
	s20 =	rddreg [dreg:$0x5];
	s21 =	simm.s32 $0x0  }
0x4f: {  	[tilespmem:s19], [sflag:$0xE] =	stream.indirect.gather [hbm4b:s3+s12], $0x10, s24, s12, $0xb8;
	[tilespmem:$0x11300] =	vst v63  }
0x50: {  	s15 =	simm.s32 $0x8180;
	s24 =	simm.s32 $0x10B00;
	s19 =	simm.s32 $0xF300  }
0x51: {  	[tilespmem:s24], [sflag:$0xF] =	stream.indirect.gather [hbm4b:s3+s12], $0x10, s28, s12, $0xb8;
	[tilespmem:$0x11300] =	vst v63  }
.LBB2_2:
0x52: {  	s17 =	simm.s32 $0x1  }
0x53: {  	_ =	swait.ge [sflag:s17], $0x800  }
0x54: {  	[sflag:s17] =	ssyncset.done $0x0  }
0x55: {  	s23 =	sadd.s32 s18, s7;
	[sflag:s17] =	ssyncadd.s32 $0xFFFFF800  }
0x56: {  	[hbm4b:s23+s2] =	stream.linear.scatter [tilespmem:s25], [sflag:$0x6], $0x800, $0x38;
	[tilespmem:$0x11300] =	vst v63  }
0x57: {  	s25 =	simm.s32 $0xB  }
0x58: {  	_ =	swait.ge [sflag:s25], $0x800  }
0x59: {  	[sflag:s25] =	ssyncset.done $0x0  }
0x5a: {  	s1 =	simm.s32 $0x2;
	[sflag:s25] =	ssyncadd.s32 $0xFFFFF800;
	s25 =	sadd.s32 s20, s7  }
0x5b: {  	[hbm4b:s25+s2] =	stream.linear.scatter [tilespmem:s30], [sflag:$0x10], $0x800, $0x38;
	[tilespmem:$0x11300] =	vst v63  }
0x5c: {  	_ =	swait.ge [sflag:s1], $0x800  }
0x5d: {  	[sflag:s1] =	ssyncset.done $0x0  }
0x5e: {  	s28 =	sadd.s32 $0x100, s23;
	[sflag:s1] =	ssyncadd.s32 $0xFFFFF800;
	s1 =	simm.s32 $0x6980  }
0x5f: {  	[hbm4b:s28+s2] =	stream.linear.scatter [tilespmem:s1], [sflag:$0x7], $0x800, $0x38;
	[tilespmem:$0x11300] =	vst v63  }
0x60: {  	s28 =	simm.s32 $0xC  }
0x61: {  	_ =	swait.ge [sflag:s28], $0x800  }
0x62: {  	[sflag:s28] =	ssyncset.done $0x0  }
0x63: {  	[sflag:s28] =	ssyncadd.s32 $0xFFFFF800;
	s28 =	sadd.s32 $0x100, s25  }
0x64: {  	[hbm4b:s28+s2] =	stream.linear.scatter [tilespmem:s19], [sflag:$0x11], $0x800, $0x38;
	[tilespmem:$0x11300] =	vst v63  }
0x65: {  	s28 =	simm.s32 $0x3  }
0x66: {  	_ =	swait.ge [sflag:s28], $0x800  }
0x67: {  	[sflag:s28] =	ssyncset.done $0x0  }
0x68: {  	s1 =	simm.s32 $0x7180;
	[sflag:s28] =	ssyncadd.s32 $0xFFFFF800;
	s28 =	sadd.s32 $0x200, s23  }
0x69: {  	[hbm4b:s28+s2] =	stream.linear.scatter [tilespmem:s1], [sflag:$0x8], $0x800, $0x38;
	[tilespmem:$0x11300] =	vst v63  }
0x6a: {  	s28 =	simm.s32 $0xD  }
0x6b: {  	_ =	swait.ge [sflag:s28], $0x800  }
0x6c: {  	[sflag:s28] =	ssyncset.done $0x0  }
0x6d: {  	[sflag:s28] =	ssyncadd.s32 $0xFFFFF800;
	s28 =	sadd.s32 $0x200, s25  }
0x6e: {  	[hbm4b:s28+s2] =	stream.linear.scatter [tilespmem:s22], [sflag:$0x12], $0x800, $0x38;
	[tilespmem:$0x11300] =	vst v63  }
0x6f: {  	s28 =	simm.s32 $0x4  }
0x70: {  	_ =	swait.ge [sflag:s28], $0x800  }
0x71: {  	[sflag:s28] =	ssyncset.done $0x0  }
0x72: {  	[sflag:s28] =	ssyncadd.s32 $0xFFFFF800;
	s28 =	sadd.s32 $0x300, s23  }
0x73: {  	[hbm4b:s28+s2] =	stream.linear.scatter [tilespmem:s0], [sflag:$0x9], $0x800, $0x38;
	[tilespmem:$0x11300] =	vst v63  }
0x74: {  	s28 =	simm.s32 $0xE  }
0x75: {  	_ =	swait.ge [sflag:s28], $0x800  }
0x76: {  	[sflag:s28] =	ssyncset.done $0x0  }
0x77: {  	[sflag:s28] =	ssyncadd.s32 $0xFFFFF800;
	s28 =	sadd.s32 $0x300, s25  }
0x78: {  	[hbm4b:s28+s2] =	stream.linear.scatter [tilespmem:s31], [sflag:$0x13], $0x800, $0x38;
	[tilespmem:$0x11300] =	vst v63  }
0x79: {  	_ =	swait.ge [sflag:s26], $0x800  }
0x7a: {  	[sflag:s26] =	ssyncset.done $0x0  }
0x7b: {  	s23 =	sadd.s32 $0x400, s23;
	[sflag:s26] =	ssyncadd.s32 $0xFFFFF800  }
0x7c: {  	[hbm4b:s23+s2] =	stream.linear.scatter [tilespmem:s15], [sflag:$0xA], $0x800, $0x38;
	[tilespmem:$0x11300] =	vst v63  }
0x7d: {  	_ =	swait.ge [sflag:s29], $0x800  }
0x7e: {  	p0 =	seq.s32 s21, $0x17C00;
	[sflag:s29] =	ssyncset.done $0x0  }
.Ltmp2:
0x7f: {  	s25 =	sadd.s32 $0x400, s25;
	[sflag:s29] =	ssyncadd.s32 $0xFFFFF800;
	(pc) =	sbr.rel @p0 .LBB2_4-.Ltmp2, $4  }
0x80: {  	[hbm4b:s25+s2] =	stream.linear.scatter [tilespmem:s24], [sflag:$0x14], $0x800, $0x38;
	[tilespmem:$0x11300] =	vst v63  }
0x81: {  	_ =	swait.ge [sflag:s4], $0x800  }
0x82: {  	s17 =	simm.s32 $0xEB00;
	s30 =	simm.s32 $0x6180;
	[sflag:s4] =	ssyncset.done $0x0  }
0x83: {  	s28 =	simm.s32 $0x8180;
	s15 =	simm.s32 $0x10B00;
	[sflag:s4] =	ssyncadd.s32 $0xFFFFF800  }
0x84: {  	s23 =	sshra.s32 s21, $0x2  }
0x85: {  	s25 =	sadd.s32 $0x280, s23  }
0x86: {  	[tilespmem:s30], [sflag:$0x1] =	stream.indirect.gather [hbm4b:s3+s12], $0x10, s25, s12, $0xb8;
	[tilespmem:$0x11300] =	vst v63  }
0x87: {  	_ =	swait.ge [sflag:s5], $0x800  }
0x88: {  	[sflag:s5] =	ssyncset.done $0x0  }
0x89: {  	s1 =	sadd.s32 $0x8C00, s23;
	[sflag:s5] =	ssyncadd.s32 $0xFFFFF800  }
0x8a: {  	[tilespmem:s17], [sflag:$0xB] =	stream.indirect.gather [hbm4b:s3+s12], $0x10, s1, s12, $0xb8;
	[tilespmem:$0x11300] =	vst v63  }
0x8b: {  	_ =	swait.ge [sflag:s6], $0x800  }
0x8c: {  	[sflag:s6] =	ssyncset.done $0x0  }
0x8d: {  	s17 =	sadd.s32 $0x300, s23;
	s1 =	simm.s32 $0x6980;
	[sflag:s6] =	ssyncadd.s32 $0xFFFFF800  }
0x8e: {  	[tilespmem:s1], [sflag:$0x2] =	stream.indirect.gather [hbm4b:s3+s12], $0x10, s17, s12, $0xb8;
	[tilespmem:$0x11300] =	vst v63  }
0x8f: {  	_ =	swait.ge [sflag:s11], $0x800  }
0x90: {  	[sflag:s11] =	ssyncset.done $0x0  }
0x91: {  	s24 =	sadd.s32 $0x8C80, s23;
	[sflag:s11] =	ssyncadd.s32 $0xFFFFF800  }
0x92: {  	[tilespmem:s19], [sflag:$0xC] =	stream.indirect.gather [hbm4b:s3+s12], $0x10, s24, s12, $0xb8;
	[tilespmem:$0x11300] =	vst v63  }
0x93: {  	_ =	swait.ge [sflag:s8], $0x800  }
0x94: {  	[sflag:s8] =	ssyncset.done $0x0  }
0x95: {  	s1 =	sadd.s32 $0x380, s23;
	s17 =	simm.s32 $0x7180;
	[sflag:s8] =	ssyncadd.s32 $0xFFFFF800  }
0x96: {  	[tilespmem:s17], [sflag:$0x3] =	stream.indirect.gather [hbm4b:s3+s12], $0x10, s1, s12, $0xb8;
	[tilespmem:$0x11300] =	vst v63  }
0x97: {  	_ =	swait.ge [sflag:s9], $0x800  }
0x98: {  	[sflag:s9] =	ssyncset.done $0x0  }
0x99: {  	s24 =	sadd.s32 $0x8D00, s23;
	[sflag:s9] =	ssyncadd.s32 $0xFFFFF800  }
0x9a: {  	[tilespmem:s22], [sflag:$0xD] =	stream.indirect.gather [hbm4b:s3+s12], $0x10, s24, s12, $0xb8;
	[tilespmem:$0x11300] =	vst v63  }
0x9b: {  	_ =	swait.ge [sflag:s10], $0x800  }
0x9c: {  	[sflag:s10] =	ssyncset.done $0x0  }
0x9d: {  	s1 =	sadd.s32 $0x400, s23;
	[sflag:s10] =	ssyncadd.s32 $0xFFFFF800  }
0x9e: {  	[tilespmem:s0], [sflag:$0x4] =	stream.indirect.gather [hbm4b:s3+s12], $0x10, s1, s12, $0xb8;
	[tilespmem:$0x11300] =	vst v63  }
0x9f: {  	_ =	swait.ge [sflag:s13], $0x800  }
0xa0: {  	[sflag:s13] =	ssyncset.done $0x0  }
0xa1: {  	s17 =	sadd.s32 $0x8D80, s23;
	[sflag:s13] =	ssyncadd.s32 $0xFFFFF800  }
0xa2: {  	[tilespmem:s31], [sflag:$0xE] =	stream.indirect.gather [hbm4b:s3+s12], $0x10, s17, s12, $0xb8;
	[tilespmem:$0x11300] =	vst v63  }
0xa3: {  	_ =	swait.ge [sflag:s14], $0x800  }
0xa4: {  	[sflag:s14] =	ssyncset.done $0x0  }
0xa5: {  	s24 =	sadd.s32 $0x480, s23;
	[sflag:s14] =	ssyncadd.s32 $0xFFFFF800  }
0xa6: {  	[tilespmem:s28], [sflag:$0x5] =	stream.indirect.gather [hbm4b:s3+s12], $0x10, s24, s12, $0xb8;
	[tilespmem:$0x11300] =	vst v63  }
.Ltmp3:
0xa7: {  	s21 =	sadd.s32 $0xA00, s21;
	_ =	swait.ge [sflag:s16], $0x800;
	(pc) =	sbr.rel .LBB2_2-.Ltmp3, $4  }
0xa8: {  	s20 =	sadd.s32 $0x500, s20;
	s18 =	sadd.s32 $0x500, s18;
	[sflag:s16] =	ssyncset.done $0x0  }
0xa9: {  	s25 =	simm.s32 $0x6180;
	s23 =	sadd.s32 $0x8E00, s23;
	[sflag:s16] =	ssyncadd.s32 $0xFFFFF800  }
0xaa: {  	[tilespmem:s15], [sflag:$0xF] =	stream.indirect.gather [hbm4b:s3+s12], $0x10, s23, s12, $0xb8;
	[tilespmem:$0x11300] =	vst v63  }
0xab: {  	s30 =	simm.s32 $0xEB00;
	s24 =	simm.s32 $0x10B00;
	s15 =	simm.s32 $0x8180  }
.LBB2_5:
0xac: {  	_ =	sfence.sel $0x180000  }
0xad: {  	[bflag:$0x0] =	sbarrier.arrive $0xFFFF  }
0xae: {  	_ =	strace $0x9000004D  }
0xaf: {  	s0 =	stileid.u32;
	[bflag:$0x2] =	sbarrier.arrive $0xFFFF  }
0xb0: {  	p0 =	sne.s32 s0, $0x0;
	s0 =	rddreg [dreg:$0x1]  }
0xb1: {  	s0 =	sadd.s32 @!p0 $0x100000, s0  }
0xb2: {  	[sflag:s0] =	ssyncadd.tile.s32 @!p0 $0x1;
	_ =	shalt  }
.Lfunc_end2:
_tile_overlayer_lowered:
.L_overlay_start_2:
0xb3: {  	(tag) =	ssettag $0x2  }
0xb4: {  	s0 =	rddreg [dreg:$0x0];
	s2 =	stileid.u32  }
0xb5: {  	s1 =	rddreg [dreg:$0x1];
	p0 =	sne.s32 s2, $0x0  }
0xb6: {  	s3 =	rddreg [dreg:$0x2];
	[bflag:$0x3] =	sbarrier.arrive $0xFFFF;
	s2 =	simm.s32 @!p0 $0x1C15  }
0xb7: {  	[timem:s3], [sflag:s2] =	dma.local @!p0 [hbm:s0], s1  }
0xb8: {  	s0 =	simm.s32 @!p0 $0x15  }
0xb9: {  	_ =	swait.ge @!p0 [sflag:s0], s1  }
0xba: {  	s1 =	ssub.s32 @!p0 $0x0, s1;
	[sflag:s0] =	ssyncset.done @!p0 $0x0  }
0xbb: {  	[sflag:s0] =	ssyncadd.s32 @!p0 s1  }
0xbc: {  	[bflag:$0x3] =	sbarrier.arrive $0xFFFF  }
0xbd: {  	_ =	shalt  }

// kernel: kernel.21.cloned.1.call-start
scs
__scs_entry_jumppad:
0x0: {  	(pc) =	sbr.rel $0x88, $3  }
0x1: {  	(tag) =	ssettag $0x0;
	lr =	simm.s32 $0x1  }
0x2: {  	[smem:$0x3F86] =	sst lr;
	_ =	strace $0xD0000000  }
0x3: {  	_ = 	snop  }
0x4: {  	_ = 	snop  }
0x5: {  	_ = 	snop  }
0x6: {  	_ = 	snop  }
0x7: {  	_ = 	snop  }
__scs_overlays_trampoline_lowered:
0x8: {  	[smem:$0x3F95] =	sst s0  }
0x9: {  	[smem:$0x3F96] =	sst s1  }
0xa: {  	[smem:$0x3F97] =	sst s2  }
0xb: {  	[smem:$0x3F98] =	sst s3  }
0xc: {  	[smem:$0x3F99] =	sst s4  }
0xd: {  	[smem:$0x3F9A] =	sst s5  }
0xe: {  	[smem:$0x3F9B] =	sst s6  }
0xf: {  	[smem:$0x3F9C] =	sst s7  }
0x10: {  	[smem:$0x3F9D] =	sst s8  }
0x11: {  	[smem:$0x3F9E] =	sst s9;
	s0 =	simm.s32 @!p0 $0x0  }
0x12: {  	s1 =	sld [smem:$0x3F84];
	s0 =	simm.s32 @p0 $0x1  }
0x13: {  	[smem:$0x3F9F] =	sst s0;
	s0 =	simm.s32 @!p1 $0x0  }
0x14: {  	s2 =	sld [smem:$0x3F83];
	s0 =	simm.s32 @p1 $0x1  }
0x15: {  	[smem:$0x3FA0] =	sst s0;
	s0 =	simm.s32 @!p2 $0x0  }
0x16: {  	s3 =	sld [smem:$0x3FDB];
	s0 =	simm.s32 @p2 $0x1  }
0x17: {  	s4 =	simm.s32 $0x1BF5;
	[smem:$0x3FA2] =	sst s0  }
0x18: {  	s0 =	sld [smem:$0x3F85];
	_ =	swait.ge [sflag:s4], $0x0  }
0x19: {  	s7 =	sld [smem:$0x3F86]  }
0x1a: {  	s8 =	sadd.s32 $0xFFFFE003, lr  }
0x1b: {  	s9 =	sadd.s32 $0xFFFFFEF7, lr;
	s5 =	simm.s32 $0xFFFFFFFF;
	p2 =	slt.u32 s8, $0xFFFFF086  }
0x1c: {  	p1 =	slt.u32 s9, $0xF7A;
	s5 =	simm.s32 @!p2 $0x0  }
0x1d: {  	s5 =	simm.s32 @p1 $0x1;
	p0 =	seq.s32 s7, s2  }
0x1e: {  	s7 =	smul.u32 @!p0 $0xF7A, s2;
	p2 =	seq.s32 @!p0 s5, $0x0  }
0x1f: {  	s9 =	smul.u32 $0xF7A, s1;
	s8 =	simm.s32 @!p0 $0x1BF5;
	p2 =	por !p2, p0  }
0x20: {  	[sflag:s8] =	ssyncset.s32 @!p0 $0xFFFFF086;
	s6 =	sadd.s32 @!p0 s3, s7;
	s7 =	simm.s32 @!p0 $0x108  }
0x21: {  	s3 =	sadd.s32 s3, s9;
	s6 =	sadd.s32 @!p0 $0x88, s6;
	s7 =	simm.s32 @p2 $0x1082  }
0x22: {  	[simem:s7], [sflag:s8] =	dma.local @!p0 [hbm:s6], $0xF7A  }
0x23: {  	s9 =	sor.u32 $0xD0000000, s2;
	s6 =	simm.s32 $0x108;
	_ =	swait.ge @!p0 [sflag:s8], $0x0  }
0x24: {  	s3 =	sadd.s32 $0x88, s3;
	s6 =	simm.s32 @!p1 $0x1082;
	[sflag:s4] =	ssyncset.s32 $0xFFFFF086  }
0x25: {  	[simem:s6], [sflag:s4] =	dma.local [hbm:s3], $0xF7A  }
0x26: {  	[smem:$0x3F86] =	sst s1;
	(tag) =	ssettag s2;
	_ =	strace s9  }
0x27: {  	s1 =	sld [smem:$0x3F96]  }
0x28: {  	s2 =	sld [smem:$0x3F97]  }
0x29: {  	s4 =	sld [smem:$0x3F99]  }
0x2a: {  	p0 =	seq.s32 s5, $0x0;
	s5 =	sld [smem:$0x3F9A]  }
0x2b: {  	s6 =	sld [smem:$0x3F9B]  }
0x2c: {  	s7 =	sld [smem:$0x3F9C]  }
0x2d: {  	s3 =	simm.s32 $0x108;
	s8 =	sld [smem:$0x3F9D]  }
0x2e: {  	s3 =	simm.s32 @!p0 $0x1082;
	s9 =	sld [smem:$0x3F9E]  }
0x2f: {  	lr =	sadd.s32 s0, s3;
	s0 =	sld [smem:$0x3F95]  }
0x30: {  	s3 =	sld [smem:$0x3F98]  }
0x31: {  	[smem:$0x3FA1] =	sst s10  }
0x32: {  	s10 =	sld [smem:$0x3F9F];
	_ =	sdelay $0x3  }
0x33: {  	p0 =	seq.s32 s10, $0x1;
	s10 =	sld [smem:$0x3FA1];
	_ =	sdelay $0x3  }
0x34: {  	[smem:$0x3FA1] =	sst s10  }
0x35: {  	s10 =	sld [smem:$0x3FA0];
	_ =	sdelay $0x3  }
0x36: {  	p1 =	seq.s32 s10, $0x1;
	s10 =	sld [smem:$0x3FA1];
	_ =	sdelay $0x3  }
0x37: {  	[smem:$0x3FA1] =	sst s10  }
0x38: {  	s10 =	sld [smem:$0x3FA2]  }
0x39: {  	_ = 	snop;
	(pc) =	sbr.ind lr, $3  }
0x3a: {  	_ = 	snop  }
0x3b: {  	_ = 	snop  }
0x3c: {  	p2 =	seq.s32 s10, $0x1;
	s10 =	sld [smem:$0x3FA1]  }
0x3d: {  	_ =	shalt  }
0x3e: {  	_ =	shalt  }
0x3f: {  	_ =	shalt  }
0x40: {  	_ =	shalt  }
0x41: {  	_ =	shalt  }
0x42: {  	_ =	shalt  }
0x43: {  	_ =	shalt  }
0x44: {  	_ =	shalt  }
0x45: {  	_ =	shalt  }
0x46: {  	_ =	shalt  }
0x47: {  	_ =	shalt  }
0x48: {  	_ =	shalt  }
0x49: {  	_ =	shalt  }
0x4a: {  	_ =	shalt  }
0x4b: {  	_ =	shalt  }
0x4c: {  	_ =	shalt  }
0x4d: {  	_ =	shalt  }
0x4e: {  	_ =	shalt  }
0x4f: {  	_ =	shalt  }
0x50: {  	_ =	shalt  }
0x51: {  	_ =	shalt  }
0x52: {  	_ =	shalt  }
0x53: {  	_ =	shalt  }
0x54: {  	_ =	shalt  }
0x55: {  	_ =	shalt  }
0x56: {  	_ =	shalt  }
0x57: {  	_ =	shalt  }
0x58: {  	_ =	shalt  }
0x59: {  	_ =	shalt  }
0x5a: {  	_ =	shalt  }
0x5b: {  	_ =	shalt  }
0x5c: {  	_ =	shalt  }
0x5d: {  	_ =	shalt  }
0x5e: {  	_ =	shalt  }
0x5f: {  	_ =	shalt  }
0x60: {  	_ =	shalt  }
0x61: {  	_ =	shalt  }
0x62: {  	_ =	shalt  }
0x63: {  	_ =	shalt  }
0x64: {  	_ =	shalt  }
0x65: {  	_ =	shalt  }
0x66: {  	_ =	shalt  }
0x67: {  	_ =	shalt  }
0x68: {  	_ =	shalt  }
0x69: {  	_ =	shalt  }
0x6a: {  	_ =	shalt  }
0x6b: {  	_ =	shalt  }
0x6c: {  	_ =	shalt  }
0x6d: {  	_ =	shalt  }
0x6e: {  	_ =	shalt  }
0x6f: {  	_ =	shalt  }
0x70: {  	_ =	shalt  }
0x71: {  	_ =	shalt  }
0x72: {  	_ =	shalt  }
0x73: {  	_ =	shalt  }
0x74: {  	_ =	shalt  }
0x75: {  	_ =	shalt  }
0x76: {  	_ =	shalt  }
0x77: {  	_ =	shalt  }
0x78: {  	_ =	shalt  }
0x79: {  	_ =	shalt  }
0x7a: {  	_ =	shalt  }
0x7b: {  	_ =	shalt  }
0x7c: {  	_ =	shalt  }
0x7d: {  	_ =	shalt  }
0x7e: {  	_ =	shalt  }
0x7f: {  	_ =	shalt  }
0x80: {  	_ =	shalt  }
0x81: {  	_ =	shalt  }
0x82: {  	_ =	shalt  }
0x83: {  	_ =	shalt  }
0x84: {  	_ =	shalt  }
0x85: {  	_ =	shalt  }
0x86: {  	_ =	shalt  }
0x87: {  	_ =	shalt  }
.Lfunc_end0:
.L_simem_size_0:
called_computation.7_lowered:
.L_overlay_start_0:
0x88: {  	s2 =	sld [smem:$0x3FD9]  }
0x89: {  	s3 =	sld [smem:$0x3FFE];
	_ =	sdelay $0x1  }
0x8a: {  	s1 =	srdreg.scid  }
0x8b: {  	s0 =	sand.u32 $0x1, s1  }
0x8c: {  	s16 =	sshll.u32 s0, $0xA;
	s2 =	sadd.s32 s3, s2  }
0x8d: {  	s2 =	sadd.s32 s2, s16  }
0x8e: {  	[smem:$0x3FAD] =	sst s2  }
0x8f: {  	_ = 	snop  }
0x90: {  	(tm) =	ssettm $0x1  }
0x91: {  	s17 =	sld [smem:$0x3FFB];
	_ =	sdelay $0x3  }
0x92: {  	_ =	strace s17  }
0x93: {  	s2 =	sld [smem:$0x3FFC];
	_ =	sdelay $0x3  }
0x94: {  	_ =	strace s2  }
0x95: {  	s2 =	sld [smem:$0x3FFD];
	_ =	sdelay $0x3  }
0x96: {  	_ =	strace s2  }
0x97: {  	_ =	strace $0x8FFFFFFF  }
0x98: {  	s18 =	sld [smem:$0x3FDB];
	_ =	sdelay $0x1  }
0x99: {  	s19 =	simm.s32 $_scs_section_size  }
0x9a: {  	s4 =	simm.s32 $_size__tile_overlayer_lowered;
	s5 =	simm.s32 $_tile_overlayer_lowered  }
0x9b: {  	s22 =	simm.s32 $0x1BFF;
	s21 =	sshll.u32 s5, $0x1;
	s2 =	sadd.s32 s19, s18  }
0x9c: {  	s6 =	simm.s32 $0x0;
	s20 =	sshll.u32 s4, $0x1;
	s4 =	sadd.s32 s21, s2  }
0x9d: {  	[timem:s6], [sflag:s22] =	dma.local [hbm:s4], s20  }
0x9e: {  	_ =	swait.ge [sflag:s22], s20  }
0x9f: {  	s3 =	ssub.s32 $0x0, s20;
	[sflag:s22] =	ssyncset.done $0x0  }
0xa0: {  	[sflag:s22] =	ssyncadd.s32 s3;
	_ =	sdelay $0x1  }
0xa1: {  	s23 =	simm.s32 $0x1B8B  }
0xa2: {  	_ =	swait.ge [sflag:s23], $0x1  }
0xa3: {  	[sflag:s23] =	ssyncset.done $0x0  }
0xa4: {  	s25 =	simm.s32 $0x1B8E;
	s24 =	sld [smem:$0x3FFE];
	[sflag:s23] =	ssyncadd.s32 $0xFFFFFFFF  }
0xa5: {  	s26 =	simm.s32 $execute0_lowered;
	[smem:$0x3FD2] =	sst s25  }
0xa6: {  	s4 =	sshll.u32 s26, $0x1;
	_ =	strace $0x8000004F;
	[dreg:$0x1] =	wrdreg $0xFFFFFFFF  }
0xa7: {  	s28 =	simm.s32 $_size_execute0_lowered;
	s2 =	sadd.s32 s2, s4;
	[dreg:$0x0] =	wrdreg $0x0  }
0xa8: {  	s4 =	sshll.u32 s28, $0x1;
	[dreg:$0x2] =	wrdreg s2  }
0xa9: {  	[dreg:$0x3] =	wrdreg s4  }
0xaa: {  	[dreg:$0x4] =	wrdreg $0xC0  }
0xab: {  	_ =	task [dreg:s6], $0x5FFFF  }
0xac: {  	[dreg:$0x1] =	wrdreg $0xFFFFFFFF  }
0xad: {  	[dreg:$0x0] =	wrdreg $0x60  }
0xae: {  	[dreg:$0x2] =	wrdreg s24  }
0xaf: {  	[dreg:$0x3] =	wrdreg $0xB0900  }
0xb0: {  	[dreg:$0x4] =	wrdreg $0xB  }
0xb1: {  	_ =	task.clear_ibuf [dreg:s6], $0x5FFFF;
	_ =	strace $0x9000004F  }
0xb2: {  	s29 =	simm.s32 $0xB;
	_ =	strace $0x80000051  }
0xb3: {  	_ =	swait.ge [sflag:s29], $0x1  }
0xb4: {  	[sflag:s29] =	ssyncadd.s32 $0xFFFFFFFF  }
0xb5: {  	_ =	strace $0x90000051  }
0xb6: {  	_ =	sfence  }
0xb7: {  	s30 =	sld [smem:$0x0];
	_ =	sdelay $0x2  }
0xb8: {  	s31 =	sshll.u32 s1, $0xD;
	s1 =	sshrl.u32 s1, $0x2  }
0xb9: {  	s3 =	sand.u32 $0x4000, s31;
	s1 =	sadd.s32 s1, s30  }
0xba: {  	s0 =	sor.u32 s3, s0;
	s1 =	sshll.u32 s1, $0x11  }
0xbb: {  	s0 =	sor.u32 s1, s0  }
0xbc: {  	s0 =	sadd.s32 $0x8F2B, s0  }
0xbd: {  	[sflag:s0] =	ssyncadd.remote.s32 $0x1  }
0xbe: {  	_ =	sfence.sel $0xFFFF  }
0xbf: {  	[dreg:$0x0] =	wrdreg $0xFFFFFFFF;
	(pc) =	sbr.abs _section_cstart, $3  }
0xc0: {  	[dreg:$0x1] =	wrdreg $0xFFFFFFFF  }
0xc1: {  	_ =	task.clear_ibuf [dreg:s6], $0x2FFFF;
	_ =	strace $0x9FFFFFFF  }
0xc2: {  	(tm) =	ssettm $0x7FFFFFFF  }
0xc3: {  	_ =	shalt  }
tec
execute0_lowered:
.L_overlay_start_1:
0x0: {  	(tag) =	ssettag $0x1  }
0x1: {  	s0 =	rddreg [dreg:$0x0]  }
0x2: {  	s2 =	rddreg [dreg:$0x1]  }
0x3: {  	s1 =	srdreg.scid;
	s10 =	stileid.u32  }
0x4: {  	s3 =	simm.s32 $0x0;
	s28 =	simm.s32 $0x2;
	s29 =	simm.s32 $0x3  }
0x5: {  	s30 =	simm.s32 $0x4;
	s31 =	simm.s32 $0x5;
	s4 =	smul.u32 $0xC35, s10  }
0x6: {  	s1 =	sand.u32 $0x1, s1;
	[smem:$0x7FF] =	sst s3;
	s19 =	smul.u32 $0x30D40, s10  }
0x7: {  	s7 =	sadd.s32 $0x12D000, s0;
	s26 =	smul.u32 $0xC300, s10;
	s5 =	sshll.u32 s1, $0x4  }
0x8: {  	s6 =	smul.u32 $0xC350, s1;
	_ =	strace $0x80000050;
	s16 =	ssub.s32 $0x2, s1  }
0x9: {  	s25 =	smul.u32 $0xC3000, s1;
	s1 =	simm.s32 $0x7;
	s5 =	sor.u32 s10, s5  }
0xa: {  	s17 =	sshrl.u32 s16, $0x1;
	s24 =	sshrl.u32 s19, $0x2;
	s8 =	smul.u32 $0xC30, s5  }
0xb: {  	s19 =	simm.s32 $0xB;
	s4 =	sadd.s32 s4, s6;
	s9 =	smul.u32 $0x61800, s5  }
0xc: {  	s5 =	smul.u32 $0xC300, s5;
	s11 =	sadd.s32 s24, s2;
	s24 =	simm.s32 $0xA890  }
0xd: {  	s4 =	sshll.u32 s4, $0x1;
	s13 =	sadd.s32 $0x2710, s11;
	s14 =	sadd.s32 $0x4E20, s11  }
0xe: {  	s15 =	sadd.s32 $0x7530, s11;
	s8 =	sadd.s32 s8, s0;
	s0 =	sadd.s32 s4, s0  }
0xf: {  	s4 =	ssub.s32 s16, s17;
	s18 =	sshrl.u32 s9, $0x3;
	s5 =	sadd.s32 s7, s5  }
0x10: {  	s16 =	sadd.s32 $0x9C40, s11;
	s8 =	sadd.s32 $0x51400, s8;
	s6 =	sadd.s32 s7, s18  }
0x11: {  	[dreg:$0x4] =	wrdreg s5;
	s0 =	sadd.s32 $0x8000, s0;
	s12 =	smax.u32 s4, $0x1  }
0x12: {  	s18 =	simm.s32 $0x8;
	s4 =	simm.s32 $0x9;
	[dreg:$0x3] =	wrdreg s8  }
0x13: {  	s5 =	simm.s32 $0xA;
	s20 =	sadd.s32 $0x100, s6;
	[dreg:$0x9] =	wrdreg s0  }
0x14: {  	s21 =	sadd.s32 $0x200, s6;
	s22 =	sadd.s32 $0x300, s6;
	[dreg:$0x5] =	wrdreg s20  }
.Ltmp0:
0x15: {  	s23 =	sadd.s32 $0x400, s6;
	[dreg:$0x6] =	wrdreg s21;
	(pc) =	sbr.rel .LBB2_1-.Ltmp0, $4  }
0x16: {  	s0 =	sadd.s32 s25, s7;
	s25 =	simm.s32 $0x1;
	[dreg:$0x7] =	wrdreg s22  }
0x17: {  	s6 =	simm.s32 $0x0;
	[dreg:$0x8] =	wrdreg s23;
	s17 =	sadd.s32 s26, s0  }
0x18: {  	s20 =	simm.s32 $0x8890;
	s21 =	simm.s32 $0x9090;
	s22 =	simm.s32 $0x9890  }
0x19: {  	v0 =	vimm.f32 $0.0e+00;
	s23 =	simm.s32 $0xA090;
	s26 =	simm.s32 $0x80;
	s0 =	simm.s32 $0x6  }
.LBB2_6:
0x1a: {  	_ =	swait.ge [sflag:s1], $0x800  }
0x1b: {  	[sflag:s1] =	ssyncset.done $0x0  }
0x1c: {  	[sflag:s1] =	ssyncadd.s32 $0xFFFFF800  }
0x1d: {  	_ =	swait.ge [sflag:s18], $0x800  }
0x1e: {  	[sflag:s18] =	ssyncset.done $0x0  }
0x1f: {  	[sflag:s18] =	ssyncadd.s32 $0xFFFFF800  }
0x20: {  	_ =	swait.ge [sflag:s4], $0x800  }
0x21: {  	[sflag:s4] =	ssyncset.done $0x0  }
0x22: {  	[sflag:s4] =	ssyncadd.s32 $0xFFFFF800  }
0x23: {  	_ =	swait.ge [sflag:s5], $0x800  }
0x24: {  	s7 =	stileid.u32;
	[sflag:s5] =	ssyncset.done $0x0  }
0x25: {  	s8 =	sshrl.u32 s11, $0x3;
	s6 =	sadd.s32 $0x1, s6;
	[sflag:s5] =	ssyncadd.s32 $0xFFFFF800  }
0x26: {  	s7 =	sshll.u32 s7, $0x6;
	p0 =	sne.s32 s6, s12;
	[bflag:$0x0] =	sbarrier.arrive $0xFFFF  }
.Ltmp1:
0x27: {  	s7 =	sor.u32 $0x1C0B, s7;
	s9 =	rddreg [dreg:$0x9];
	(pc) =	sbr.rel @!p0 .LBB2_7-.Ltmp1, $4  }
0x28: {  	[hbm:s9], [sflag:s7] =	dma.local [spmem:s8], $0x186A  }
0x29: {  	_ =	swait.ge [sflag:s19], $0x186A  }
0x2a: {  	[sflag:s19] =	ssyncset.done $0x0  }
0x2b: {  	[sflag:s19] =	ssyncadd.s32 $0xFFFFE796  }
.LBB2_1:
0x2c: {  	s7 =	simm.s32 $0x40;
	s8 =	simm.s32 $0x0  }
.LBB2_2:
0x2d: {  	p0 =	sne.s32 s7, $0x9C00;
	[tilespmem:s8+$0x0] =	vst v0;
	s8 =	smov.u32 s7;
	s7 =	sadd.s32 $0x40, s7  }
.Ltmp2:
0x2e: {  	(pc) =	sbr.rel @p0 .LBB2_2-.Ltmp2, $2  }
0x2f: {  	_ =	sdelay $0x2  }
0x30: {  	s8 =	sshra.s32 s8, $0x2  }
0x31: {  	[tilespmem:s8+$0x0] =	vst v0;
	s7 =	simm.s32 $0x0;
	s10 =	rddreg [dreg:$0x3];
	s9 =	simm.s32 $0x2710  }
0x32: {  	[tilespmem:s9], [sflag:$0xB] =	stream.linear.gather [hbm4b:s10+s7], $0x6180, $0x38;
	[tilespmem:$0x173E0] =	vst v63  }
0x33: {  	_ =	swait.ge [sflag:s19], $0x6180  }
0x34: {  	[sflag:s19] =	ssyncset.done $0x0  }
0x35: {  	[sflag:s19] =	ssyncadd.s32 $0xFFFF9E80  }
0x36: {  	[spmem:s11] =	stream.linear.scatter [tilespmem:s7], [sflag:$0xB], $0x2710, $0x38;
	[tilespmem:$0x173E0] =	vst v63  }
0x37: {  	_ =	swait.ge [sflag:s19], $0x2710  }
0x38: {  	[sflag:s19] =	ssyncset.done $0x0  }
0x39: {  	[sflag:s19] =	ssyncadd.s32 $0xFFFFD8F0  }
0x3a: {  	[spmem:s13] =	stream.linear.scatter [tilespmem:s7], [sflag:$0xB], $0x2710, $0x38;
	[tilespmem:$0x173E0] =	vst v63  }
0x3b: {  	_ =	swait.ge [sflag:s19], $0x2710  }
0x3c: {  	[sflag:s19] =	ssyncset.done $0x0  }
0x3d: {  	[sflag:s19] =	ssyncadd.s32 $0xFFFFD8F0  }
0x3e: {  	[spmem:s14] =	stream.linear.scatter [tilespmem:s7], [sflag:$0xB], $0x2710, $0x38;
	[tilespmem:$0x173E0] =	vst v63  }
0x3f: {  	_ =	swait.ge [sflag:s19], $0x2710  }
0x40: {  	[sflag:s19] =	ssyncset.done $0x0  }
0x41: {  	[sflag:s19] =	ssyncadd.s32 $0xFFFFD8F0  }
0x42: {  	[spmem:s15] =	stream.linear.scatter [tilespmem:s7], [sflag:$0xB], $0x2710, $0x38;
	[tilespmem:$0x173E0] =	vst v63  }
0x43: {  	_ =	swait.ge [sflag:s19], $0x2710  }
0x44: {  	[sflag:s19] =	ssyncset.done $0x0  }
0x45: {  	[sflag:s19] =	ssyncadd.s32 $0xFFFFD8F0  }
0x46: {  	[spmem:s16] =	stream.linear.scatter [tilespmem:s7], [sflag:$0xB], $0x2710, $0x38;
	[tilespmem:$0x173E0] =	vst v63  }
0x47: {  	_ =	swait.ge [sflag:s19], $0x2710  }
0x48: {  	[sflag:s19] =	ssyncset.done $0x0  }
0x49: {  	[sflag:s19] =	ssyncadd.s32 $0xFFFFD8F0  }
0x4a: {  	[bflag:$0x0] =	sbarrier.arrive $0xFFFF  }
0x4b: {  	s10 =	rddreg [dreg:$0x4]  }
0x4c: {  	[tilespmem:s20], [sflag:$0x1] =	stream.linear.gather [hbm4b:s10+s7], $0x800, $0x38;
	[tilespmem:$0x173E0] =	vst v63  }
0x4d: {  	s9 =	rddreg [dreg:$0x5]  }
0x4e: {  	[tilespmem:s21], [sflag:$0x2] =	stream.linear.gather [hbm4b:s9+s7], $0x800, $0x38;
	[tilespmem:$0x173E0] =	vst v63  }
0x4f: {  	s10 =	rddreg [dreg:$0x6]  }
0x50: {  	[tilespmem:s22], [sflag:$0x3] =	stream.linear.gather [hbm4b:s10+s7], $0x800, $0x38;
	[tilespmem:$0x173E0] =	vst v63  }
0x51: {  	s9 =	rddreg [dreg:$0x7]  }
0x52: {  	[tilespmem:s23], [sflag:$0x4] =	stream.linear.gather [hbm4b:s9+s7], $0x800, $0x38;
	[tilespmem:$0x173E0] =	vst v63  }
0x53: {  	s8 =	simm.s32 $0x2910;
	s10 =	rddreg [dreg:$0x8]  }
0x54: {  	[tilespmem:s24], [sflag:$0x5] =	stream.linear.gather [hbm4b:s10+s7], $0x800, $0x38;
	[tilespmem:$0x173E0] =	vst v63  }
.LBB2_4:
0x55: {  	_ =	swait.ge [sflag:s25], $0x800  }
0x56: {  	[sflag:s25] =	ssyncset.done $0x0  }
0x57: {  	s9 =	sadd.s32 $0xFFFFFE00, s8;
	[sflag:s25] =	ssyncadd.s32 $0xFFFFF800  }
0x58: {  	[spmem:s2] =	stream.indirect.scatter.add.f32 [tilespmem:s20], [sflag:$0x6], $0x10, s9, s26, $0xb8;
	[tilespmem:$0x173E0] =	vst v63  }
0x59: {  	_ =	swait.ge [sflag:s28], $0x800  }
0x5a: {  	[sflag:s28] =	ssyncset.done $0x0  }
0x5b: {  	s10 =	sadd.s32 $0xFFFFFE80, s8;
	[sflag:s28] =	ssyncadd.s32 $0xFFFFF800  }
0x5c: {  	[spmem:s2] =	stream.indirect.scatter.add.f32 [tilespmem:s21], [sflag:$0x7], $0x10, s10, s26, $0xb8;
	[tilespmem:$0x173E0] =	vst v63  }
0x5d: {  	_ =	swait.ge [sflag:s29], $0x800  }
0x5e: {  	[sflag:s29] =	ssyncset.done $0x0  }
0x5f: {  	s10 =	sadd.s32 $0xFFFFFF00, s8;
	[sflag:s29] =	ssyncadd.s32 $0xFFFFF800  }
0x60: {  	[spmem:s2] =	stream.indirect.scatter.add.f32 [tilespmem:s22], [sflag:$0x8], $0x10, s10, s26, $0xb8;
	[tilespmem:$0x173E0] =	vst v63  }
0x61: {  	_ =	swait.ge [sflag:s30], $0x800  }
0x62: {  	[sflag:s30] =	ssyncset.done $0x0  }
0x63: {  	s10 =	sadd.s32 $0xFFFFFF80, s8;
	[sflag:s30] =	ssyncadd.s32 $0xFFFFF800  }
0x64: {  	[spmem:s2] =	stream.indirect.scatter.add.f32 [tilespmem:s23], [sflag:$0x9], $0x10, s10, s26, $0xb8;
	[tilespmem:$0x173E0] =	vst v63  }
0x65: {  	_ =	swait.ge [sflag:s31], $0x800  }
0x66: {  	p0 =	seq.s32 s7, $0xBE00;
	[sflag:s31] =	ssyncset.done $0x0  }
.Ltmp3:
0x67: {  	[sflag:s31] =	ssyncadd.s32 $0xFFFFF800;
	(pc) =	sbr.rel @p0 .LBB2_6-.Ltmp3, $4  }
0x68: {  	[spmem:s2] =	stream.indirect.scatter.add.f32 [tilespmem:s24], [sflag:$0xA], $0x10, s8, s26, $0xb8;
	[tilespmem:$0x173E0] =	vst v63  }
0x69: {  	_ =	swait.ge [sflag:s0], $0x800  }
0x6a: {  	[sflag:s0] =	ssyncset.done $0x0  }
0x6b: {  	[sflag:s0] =	ssyncadd.s32 $0xFFFFF800  }
0x6c: {  	s9 =	sadd.s32 s7, s17  }
0x6d: {  	s10 =	sadd.s32 $0x500, s9  }
0x6e: {  	[tilespmem:s20], [sflag:$0x1] =	stream.linear.gather [hbm4b:s10+s3], $0x800, $0x38;
	[tilespmem:$0x173E0] =	vst v63  }
0x6f: {  	_ =	swait.ge [sflag:s1], $0x800  }
0x70: {  	[sflag:s1] =	ssyncset.done $0x0  }
0x71: {  	s10 =	sadd.s32 $0x600, s9;
	[sflag:s1] =	ssyncadd.s32 $0xFFFFF800  }
0x72: {  	[tilespmem:s21], [sflag:$0x2] =	stream.linear.gather [hbm4b:s10+s3], $0x800, $0x38;
	[tilespmem:$0x173E0] =	vst v63  }
0x73: {  	_ =	swait.ge [sflag:s18], $0x800  }
0x74: {  	[sflag:s18] =	ssyncset.done $0x0  }
0x75: {  	s10 =	sadd.s32 $0x700, s9;
	[sflag:s18] =	ssyncadd.s32 $0xFFFFF800  }
0x76: {  	[tilespmem:s22], [sflag:$0x3] =	stream.linear.gather [hbm4b:s10+s3], $0x800, $0x38;
	[tilespmem:$0x173E0] =	vst v63  }
0x77: {  	_ =	swait.ge [sflag:s4], $0x800  }
0x78: {  	[sflag:s4] =	ssyncset.done $0x0  }
0x79: {  	s10 =	sadd.s32 $0x800, s9;
	[sflag:s4] =	ssyncadd.s32 $0xFFFFF800  }
0x7a: {  	[tilespmem:s23], [sflag:$0x4] =	stream.linear.gather [hbm4b:s10+s3], $0x800, $0x38;
	[tilespmem:$0x173E0] =	vst v63  }
.Ltmp4:
0x7b: {  	_ = 	snop;
	(pc) =	sbr.rel .LBB2_4-.Ltmp4, $4  }
0x7c: {  	_ =	swait.ge [sflag:s5], $0x800  }
0x7d: {  	s7 =	sadd.s32 $0x500, s7;
	[sflag:s5] =	ssyncset.done $0x0  }
0x7e: {  	s8 =	sadd.s32 $0x280, s8;
	s9 =	sadd.s32 $0x900, s9;
	[sflag:s5] =	ssyncadd.s32 $0xFFFFF800  }
0x7f: {  	[tilespmem:s24], [sflag:$0x5] =	stream.linear.gather [hbm4b:s9+s3], $0x800, $0x38;
	[tilespmem:$0x173E0] =	vst v63  }
.LBB2_7:
0x80: {  	_ =	sfence.sel $0x180000  }
0x81: {  	[bflag:$0x0] =	sbarrier.arrive $0xFFFF  }
0x82: {  	_ =	strace $0x90000050  }
0x83: {  	s0 =	stileid.u32;
	[bflag:$0x2] =	sbarrier.arrive $0xFFFF  }
0x84: {  	p0 =	sne.s32 s0, $0x0;
	s0 =	rddreg [dreg:$0x2]  }
0x85: {  	s0 =	sadd.s32 @!p0 $0x100000, s0  }
0x86: {  	[sflag:s0] =	ssyncadd.tile.s32 @!p0 $0x1;
	_ =	shalt  }
.Lfunc_end2:
_tile_overlayer_lowered:
.L_overlay_start_2:
0x87: {  	(tag) =	ssettag $0x2  }
0x88: {  	s0 =	rddreg [dreg:$0x0];
	s2 =	stileid.u32  }
0x89: {  	s1 =	rddreg [dreg:$0x1];
	p0 =	sne.s32 s2, $0x0  }
0x8a: {  	s3 =	rddreg [dreg:$0x2];
	[bflag:$0x3] =	sbarrier.arrive $0xFFFF;
	s2 =	simm.s32 @!p0 $0x1C0B  }
0x8b: {  	[timem:s3], [sflag:s2] =	dma.local @!p0 [hbm:s0], s1  }
0x8c: {  	s0 =	simm.s32 @!p0 $0xB  }
0x8d: {  	_ =	swait.ge @!p0 [sflag:s0], s1  }
0x8e: {  	s1 =	ssub.s32 @!p0 $0x0, s1;
	[sflag:s0] =	ssyncset.done @!p0 $0x0  }
0x8f: {  	[sflag:s0] =	ssyncadd.s32 @!p0 s1  }
0x90: {  	[bflag:$0x3] =	sbarrier.arrive $0xFFFF  }
0x91: {  	_ =	shalt  }

</sc_bundles>
